<compile_context>
chip_gen: v7x
topology: tpu7x:2x2x1
jax: 0.10.2.dev20260603
libtpu: 0.0.44.dev20260713+nightly
codegen_flags: <defaults>
</compile_context>

<pallas_src>
import functools
import math

import jax
import jax.numpy as jnp
from jax import lax
from jax.experimental import pallas as pl
from jax.experimental.pallas import tpu as pltpu
from jax.experimental.pallas import tpu_sc as plsc

N = 10000
E = 320000
DX = 128
DE = 16
P1 = 64
P2 = 32
B = 64
EPS = 1e-5

NC = 2
NS = 16
NW = NC * NS
EW_T = E // NW
CK = 100
NCHUNK = EW_T // CK
FIRE = 10
ROUNDS = NCHUNK // FIRE
NPS = N // NS

ET = 1280
_SC_MESH = dict(core_axis_name="c", subcore_axis_name="s", num_cores=NC,
                num_subcores=NS)
_SC_PARAMS = pltpu.CompilerParams(use_tc_tiling_on_sc=False)


def _leaky(v):
    return jnp.where(v > 0, v, 0.01 * v)



def _lin0_body(x_ref, w_ref, b_ref, o_ref):
    o_ref[...] = _leaky(
        jnp.dot(x_ref[...], w_ref[...], preferred_element_type=jnp.float32)
        + b_ref[...])


def _msg_body(ea_ref, g_ref, w1_ref, b1_ref, w2_ref, b2m_ref, msg_ref):
    ew = _leaky(
        jnp.dot(ea_ref[...], w1_ref[...], preferred_element_type=jnp.float32)
        + b1_ref[...])
    c = jnp.dot(ew, w2_ref[...], preferred_element_type=jnp.float32)
    g = g_ref[...]
    red = jnp.sum(c.reshape(ET, P2, P2) * g[:, :, None], axis=1)
    msg_ref[...] = red + jnp.dot(g, b2m_ref[...],
                                 preferred_element_type=jnp.float32)


def _update_body(ap_ref, cnt_ref, out_ref, wroot_ref, wih_ref, whh_ref,
                 bc_ref, bih_ref, bhh_ref, new_ref):
    cnt = jnp.maximum(cnt_ref[0] + cnt_ref[1], 1.0)
    aggr = (ap_ref[0] + ap_ref[1]) / cnt
    o = out_ref[...]
    m = _leaky(
        jnp.dot(o, wroot_ref[...], preferred_element_type=jnp.float32)
        + aggr + bc_ref[...])
    gi = jnp.dot(m, wih_ref[...], preferred_element_type=jnp.float32) \
        + bih_ref[...]
    gh = jnp.dot(o, whh_ref[...], preferred_element_type=jnp.float32) \
        + bhh_ref[...]
    r = jax.nn.sigmoid(gi[:, :P2] + gh[:, :P2])
    z = jax.nn.sigmoid(gi[:, P2:2 * P2] + gh[:, P2:2 * P2])
    n = jnp.tanh(gi[:, 2 * P2:] + r * gh[:, 2 * P2:])
    new_ref[...] = (1.0 - z) * n + z * o


def _s2s_body(out_ref, batch_ref, lwih_ref, lwhh_ref, lbi_ref, lbh_ref,
              w1_ref, b1_ref, w2_ref, b2_ref, wf_ref, bf_ref, y_ref):
    o = out_ref[...]
    onehot = (batch_ref[...] ==
              lax.broadcasted_iota(jnp.int32, (N, B), 1)).astype(jnp.float32)
    q_star = jnp.zeros((B, 2 * P2), jnp.float32)
    hl = jnp.zeros((B, P2), jnp.float32)
    cl = jnp.zeros((B, P2), jnp.float32)
    for _ in range(3):
        gates = (jnp.dot(q_star, lwih_ref[...],
                         preferred_element_type=jnp.float32) + lbi_ref[...]
                 + jnp.dot(hl, lwhh_ref[...],
                           preferred_element_type=jnp.float32) + lbh_ref[...])
        i_ = jax.nn.sigmoid(gates[:, :P2])
        f_ = jax.nn.sigmoid(gates[:, P2:2 * P2])
        g_ = jnp.tanh(gates[:, 2 * P2:3 * P2])
        o_ = jax.nn.sigmoid(gates[:, 3 * P2:])
        cl = f_ * cl + i_ * g_
        hl = o_ * jnp.tanh(cl)
        q = hl
        qn = jnp.dot(onehot, q, preferred_element_type=jnp.float32)
        e = jnp.sum(o * qn, axis=1, keepdims=True)
        col = jnp.where(onehot > 0, e, -1e30)
        emax = jnp.max(col, axis=0, keepdims=True)
        emax_n = jnp.sum(onehot * emax, axis=1, keepdims=True)
        a = jnp.exp(e - emax_n)
        asum = jnp.sum(onehot * a, axis=0, keepdims=True)
        asum_n = jnp.sum(onehot * asum, axis=1, keepdims=True)
        a = a / asum_n
        rvec = lax.dot_general(onehot * a, o, (((0,), (0,)), ((), ())),
                               preferred_element_type=jnp.float32)
        q_star = jnp.concatenate([q, rvec], axis=1)
    y = _leaky(jnp.dot(q_star, w1_ref[...],
                       preferred_element_type=jnp.float32) + b1_ref[...])
    y = _leaky(jnp.dot(y, w2_ref[...],
                       preferred_element_type=jnp.float32) + b2_ref[...])
    y_ref[...] = jnp.dot(y, wf_ref[...],
                         preferred_element_type=jnp.float32) + bf_ref[...]



def _sc_gather_body(table_hbm, idx_hbm, out_hbm, idx_v, rows_v, sem):
    wid = lax.axis_index("s") * NC + lax.axis_index("c")
    pltpu.sync_copy(idx_hbm.at[wid], idx_v)
    base = wid * EW_T

    def round_body(r, carry):
        rbase = r * FIRE
        for b in range(FIRE):
            pltpu.async_copy(table_hbm.at[idx_v.at[rbase + b]],
                             rows_v.at[pl.ds(b * CK, CK)], sem)
        for b in range(FIRE):
            pltpu.make_async_copy(table_hbm.at[idx_v.at[rbase + b]],
                                  rows_v.at[pl.ds(b * CK, CK)], sem).wait()
        pltpu.sync_copy(rows_v,
                        out_hbm.at[pl.ds(base + rbase * CK, FIRE * CK)])
        return carry

    lax.fori_loop(0, ROUNDS, round_body, 0)


def _sc_scatter_body(rows_hbm, idx_hbm, zeros_hbm, out_hbm,
                     idx_v, rows_v, accum_sh, sem):
    c = lax.axis_index("c")
    s = lax.axis_index("s")
    wid = s * NC + c
    pltpu.sync_copy(idx_hbm.at[wid], idx_v)
    pltpu.sync_copy(zeros_hbm.at[pl.ds(s * NPS, NPS)],
                    accum_sh.at[pl.ds(s * NPS, NPS)])
    plsc.subcore_barrier()
    base = wid * EW_T

    def round_body(r, carry):
        rbase = r * FIRE
        pltpu.sync_copy(rows_hbm.at[pl.ds(base + rbase * CK, FIRE * CK)],
                        rows_v)
        for b in range(FIRE):
            pltpu.async_copy(rows_v.at[pl.ds(b * CK, CK)],
                             accum_sh.at[idx_v.at[rbase + b]], sem, add=True)
        for b in range(FIRE):
            pltpu.make_async_copy(rows_v.at[pl.ds(b * CK, CK)],
                                  accum_sh.at[idx_v.at[rbase + b]],
                                  sem).wait()
        return carry

    lax.fori_loop(0, ROUNDS, round_body, 0)
    plsc.subcore_barrier()
    pltpu.sync_copy(accum_sh.at[pl.ds(s * NPS, NPS)],
                    out_hbm.at[c, pl.ds(s * NPS, NPS)])


def _sc_ones_scatter_body(ones_hbm, idx_hbm, zeros_hbm, out_hbm,
                          idx_v, rows_v, accum_sh, sem):
    c = lax.axis_index("c")
    s = lax.axis_index("s")
    wid = s * NC + c
    pltpu.sync_copy(idx_hbm.at[wid], idx_v)
    pltpu.sync_copy(zeros_hbm.at[pl.ds(s * NPS, NPS)],
                    accum_sh.at[pl.ds(s * NPS, NPS)])
    pltpu.sync_copy(ones_hbm, rows_v)
    plsc.subcore_barrier()

    def round_body(r, carry):
        rbase = r * FIRE
        for b in range(FIRE):
            pltpu.async_copy(rows_v.at[pl.ds(b * CK, CK)],
                             accum_sh.at[idx_v.at[rbase + b]], sem, add=True)
        for b in range(FIRE):
            pltpu.make_async_copy(rows_v.at[pl.ds(b * CK, CK)],
                                  accum_sh.at[idx_v.at[rbase + b]],
                                  sem).wait()
        return carry

    lax.fori_loop(0, ROUNDS, round_body, 0)
    plsc.subcore_barrier()
    pltpu.sync_copy(accum_sh.at[pl.ds(s * NPS, NPS)],
                    out_hbm.at[c, pl.ds(s * NPS, NPS)])


def _make_sc_gather():
    return pl.kernel(
        _sc_gather_body,
        out_type=jax.ShapeDtypeStruct((E, P2), jnp.float32),
        mesh=plsc.VectorSubcoreMesh(**_SC_MESH),
        compiler_params=_SC_PARAMS,
        scratch_types=[
            pltpu.VMEM((NCHUNK, CK), jnp.int32),
            pltpu.VMEM((FIRE * CK, P2), jnp.float32),
            pltpu.SemaphoreType.DMA,
        ])


def _make_sc_scatter(body):
    return pl.kernel(
        body,
        out_type=jax.ShapeDtypeStruct((NC, N, P2), jnp.float32),
        mesh=plsc.VectorSubcoreMesh(**_SC_MESH),
        compiler_params=_SC_PARAMS,
        scratch_types=[
            pltpu.VMEM((NCHUNK, CK), jnp.int32),
            pltpu.VMEM((FIRE * CK, P2), jnp.float32),
            pltpu.VMEM_SHARED((N, P2), jnp.float32),
            pltpu.SemaphoreType.DMA,
        ])



def kernel(x, edge_index, edge_attr, batch, W0, g0, b0, We1, ge1, be1,
           We2, ge2, be2, Wroot, bconv, Wih, Whh, bih, bhh,
           lWih, lWhh, lbih, lbhh, W1, b1, W2, b2, Wf, bf):
    f32 = jnp.float32
    cbn = 1.0 / math.sqrt(1.0 + EPS)

    W0f = W0 * (cbn * g0)[None, :]
    W1f = We1 * (cbn * ge1)[None, :]
    W2f = We2 * (cbn * ge2)[None, :]
    B2m = be2.reshape(P2, P2)

    src_r = edge_index[0].reshape(NW, NCHUNK, CK).astype(jnp.int32)
    dst_r = edge_index[1].reshape(NW, NCHUNK, CK).astype(jnp.int32)
    zeros_n = jnp.zeros((N, P2), f32)
    ones_rows = jnp.ones((FIRE * CK, P2), f32)

    lin0 = pl.pallas_call(
        _lin0_body, out_shape=jax.ShapeDtypeStruct((N, P2), f32))
    out = lin0(x, W0f, b0.reshape(1, P2))

    cnt_parts = _make_sc_scatter(_sc_ones_scatter_body)(
        ones_rows, dst_r, zeros_n)

    msg_call = pl.pallas_call(
        _msg_body,
        grid=(E // ET,),
        in_specs=[
            pl.BlockSpec((ET, DE), lambda i: (i, 0)),
            pl.BlockSpec((ET, P2), lambda i: (i, 0)),
            pl.BlockSpec((DE, P1), lambda i: (0, 0)),
            pl.BlockSpec((1, P1), lambda i: (0, 0)),
            pl.BlockSpec((P1, P2 * P2), lambda i: (0, 0)),
            pl.BlockSpec((P2, P2), lambda i: (0, 0)),
        ],
        out_specs=pl.BlockSpec((ET, P2), lambda i: (i, 0)),
        out_shape=jax.ShapeDtypeStruct((E, P2), f32))

    update_call = pl.pallas_call(
        _update_body, out_shape=jax.ShapeDtypeStruct((N, P2), f32))

    gather = _make_sc_gather()
    scatter = _make_sc_scatter(_sc_scatter_body)

    for _ in range(3):
        g = gather(out, src_r)
        msg = msg_call(edge_attr, g, W1f, be1.reshape(1, P1), W2f, B2m)
        aggr_parts = scatter(msg, dst_r, zeros_n)
        out = update_call(aggr_parts, cnt_parts, out, Wroot, Wih, Whh,
                          bconv.reshape(1, P2), bih.reshape(1, 3 * P2),
                          bhh.reshape(1, 3 * P2))

    s2s_call = pl.pallas_call(
        _s2s_body, out_shape=jax.ShapeDtypeStruct((B, 1), f32))
    y = s2s_call(out, batch.reshape(N, 1).astype(jnp.int32),
                 lWih, lWhh, lbih.reshape(1, 4 * P2), lbhh.reshape(1, 4 * P2),
                 W1, b1.reshape(1, P2), W2, b2.reshape(1, P2 // 2),
                 Wf, bf.reshape(1, 1))
    return y.reshape(B)

# --- scband reference (transcript-rebuilt; emitter-appended) ---
"""Pipeline reference for scband-net-30992484008405 (READ-ONLY COPY).

The authoritative reference and input builder live on the scoring server;
editing this copy changes nothing except your own understanding.
"""

import jax, jax.numpy as jnp
import numpy as np

N = 10000
E = 320000
DX = 128
DE = 16
P1 = 64
P2 = 32
B = 64
EPS = 1e-5


def _leaky(x):
    return jax.nn.leaky_relu(x, 0.01)


def _bn(x, g, b):
    # eval-mode BatchNorm1d: running_mean=0, running_var=1
    return x / jnp.sqrt(1.0 + EPS) * g + b


def setup_inputs(seed: int = 0):
    key = jax.random.key(seed)
    ks = jax.random.split(key, 16)
    s = 0.1
    inp = {}
    inp['x'] = jax.random.normal(ks[0], (N, DX), dtype=jnp.float32)
    inp['edge_index'] = jax.random.randint(ks[1], (2, E), 0, N)
    inp['edge_attr'] = jax.random.normal(ks[2], (E, DE), dtype=jnp.float32)
    inp['batch'] = jnp.sort(jax.random.randint(ks[3], (N,), 0, B))
    inp['W0'] = jax.random.normal(ks[4], (DX, P2), dtype=jnp.float32) * s
    inp['g0'] = jnp.ones((P2,), jnp.float32)
    inp['b0'] = jnp.zeros((P2,), jnp.float32)
    inp['We1'] = jax.random.normal(ks[5], (DE, P1), dtype=jnp.float32) * s
    inp['ge1'] = jnp.ones((P1,), jnp.float32)
    inp['be1'] = jnp.zeros((P1,), jnp.float32)
    inp['We2'] = jax.random.normal(ks[6], (P1, P2 * P2), dtype=jnp.float32) * s
    inp['ge2'] = jnp.ones((P2 * P2,), jnp.float32)
    inp['be2'] = jnp.zeros((P2 * P2,), jnp.float32)
    inp['Wroot'] = jax.random.normal(ks[7], (P2, P2), dtype=jnp.float32) * s
    inp['bconv'] = jnp.zeros((P2,), jnp.float32)
    inp['Wih'] = jax.random.normal(ks[8], (P2, 3 * P2), dtype=jnp.float32) * s
    inp['Whh'] = jax.random.normal(ks[9], (P2, 3 * P2), dtype=jnp.float32) * s
    inp['bih'] = jnp.zeros((3 * P2,), jnp.float32)
    inp['bhh'] = jnp.zeros((3 * P2,), jnp.float32)
    inp['lWih'] = jax.random.normal(ks[10], (2 * P2, 4 * P2), dtype=jnp.float32) * s
    inp['lWhh'] = jax.random.normal(ks[11], (P2, 4 * P2), dtype=jnp.float32) * s
    inp['lbih'] = jnp.zeros((4 * P2,), jnp.float32)
    inp['lbhh'] = jnp.zeros((4 * P2,), jnp.float32)
    inp['W1'] = jax.random.normal(ks[12], (2 * P2, P2), dtype=jnp.float32) * s
    inp['b1'] = jnp.zeros((P2,), jnp.float32)
    inp['W2'] = jax.random.normal(ks[13], (P2, P2 // 2), dtype=jnp.float32) * s
    inp['b2'] = jnp.zeros((P2 // 2,), jnp.float32)
    inp['Wf'] = jax.random.normal(ks[14], (P2 // 2, 1), dtype=jnp.float32) * s
    inp['bf'] = jnp.zeros((1,), jnp.float32)
    return inp


def _forward(x, edge_attr, W0, g0, b0, We1, ge1, be1, We2, ge2, be2, Wroot, bconv,
             Wih, Whh, bih, bhh, lWih, lWhh, lbih, lbhh, W1, b1, W2, b2, Wf, bf,
             edge_index, batch):
    src = edge_index[0]
    dst = edge_index[1]
    # lin0 + BN + leaky
    out = _leaky(_bn(x @ W0, g0, b0))
    h = out
    # edge network: Linear -> BN -> LeakyReLU -> Linear -> BN  (fixed across the 3 iterations)
    ew = _leaky(_bn(edge_attr @ We1, ge1, be1))
    ew = _bn(ew @ We2, ge2, be2)
    W_e = ew.reshape(-1, P2, P2)
    ones = jnp.ones((edge_index.shape[1],), dtype=x.dtype)
    counts = jnp.maximum(jax.ops.segment_sum(ones, dst, num_segments=N), 1.0)
    for _ in range(3):
        # NNConv, aggr='mean': out_i = x_i @ Wroot + mean_j (x_j @ W_e) + bias
        msg = jnp.einsum('ei,eio->eo', out[src], W_e)
        aggr = jax.ops.segment_sum(msg, dst, num_segments=N) / counts[:, None]
        m = _leaky(out @ Wroot + aggr + bconv)
        # GRU (seq_len=1)
        gi = m @ Wih + bih
        gh = h @ Whh + bhh
        ir, iz, inn = jnp.split(gi, 3, axis=-1)
        hr, hz, hn = jnp.split(gh, 3, axis=-1)
        r = jax.nn.sigmoid(ir + hr)
        z = jax.nn.sigmoid(iz + hz)
        n = jnp.tanh(inn + r * hn)
        h = (1.0 - z) * n + z * h
        out = h
    # Set2Set, processing_steps=3
    q_star = jnp.zeros((B, 2 * P2), dtype=x.dtype)
    hl = jnp.zeros((B, P2), dtype=x.dtype)
    cl = jnp.zeros((B, P2), dtype=x.dtype)
    for _ in range(3):
        gates = q_star @ lWih + lbih + hl @ lWhh + lbhh
        gi_, gf_, gg_, go_ = jnp.split(gates, 4, axis=-1)
        i_ = jax.nn.sigmoid(gi_)
        f_ = jax.nn.sigmoid(gf_)
        g_ = jnp.tanh(gg_)
        o_ = jax.nn.sigmoid(go_)
        cl = f_ * cl + i_ * g_
        hl = o_ * jnp.tanh(cl)
        q = hl
        e = jnp.sum(out * q[batch], axis=-1)
        emax = jax.ops.segment_max(e, batch, num_segments=B)
        a = jnp.exp(e - emax[batch])
        asum = jax.ops.segment_sum(a, batch, num_segments=B)
        a = a / asum[batch]
        rvec = jax.ops.segment_sum(a[:, None] * out, batch, num_segments=B)
        q_star = jnp.concatenate([q, rvec], axis=-1)
    # head (dropout is identity in eval)
    y = _leaky(q_star @ W1 + b1)
    y = _leaky(y @ W2 + b2)
    y = (y @ Wf + bf).squeeze(-1)
    return y


def reference(x, edge_index, edge_attr, batch, W0, g0, b0, We1, ge1, be1, We2, ge2, be2,
              Wroot, bconv, Wih, Whh, bih, bhh, lWih, lWhh, lbih, lbhh,
              W1, b1, W2, b2, Wf, bf):
    return _forward(x, edge_attr, W0, g0, b0, We1, ge1, be1, We2, ge2, be2, Wroot, bconv,
                    Wih, Whh, bih, bhh, lWih, lWhh, lbih, lbhh, W1, b1, W2, b2, Wf, bf,
                    edge_index, batch)

if __name__ == "__main__":
    import jax
    _d = setup_inputs()
    print(jax.jit(kernel)(*tuple(_d.values())))

</pallas_src>

<mosaic_0001>
#map = affine_map<(d0, d1) -> (0, 0)>
#map1 = affine_map<(d0, d1) -> (0, 0, 0)>
module attributes {stable_mosaic.version = 14 : i64} {
  func.func @_sc_gather_body(%arg0: i32, %arg1: i32, %arg2: memref<10000x32xf32, #tpu.memory_space<hbm>>, %arg3: memref<32x100x100xi32, #tpu.memory_space<hbm>>, %arg4: memref<320000x32xf32, #tpu.memory_space<hbm>>, %arg5: memref<100x100xi32, #tpu.memory_space<vmem>>, %arg6: memref<1000x32xf32, #tpu.memory_space<vmem>>, %arg7: memref<!tpu.dma_semaphore, #tpu.memory_space<semaphore_mem>>) attributes {dimension_semantics = [#tpu.dimension_semantics<core_parallel>, #tpu.dimension_semantics<subcore_parallel>], iteration_bounds = array<i64: 2, 16>, scalar_prefetch = 0 : i64, scratch_operands = 3 : i64, tpu.core_type = #tpu.core_type<sc_vector_subcore>, window_params = [{transform_indices = #map}, {transform_indices = #map1}, {transform_indices = #map}]} {
    %mul3A = arith.constant 2 : i32
    %mul3A_0 = arith.muli %arg1, %mul3A : i32
    %add3A = arith.addi %mul3A_0, %arg0 : i32
    "tpu.region"() ({
      %run_scoped3A = tpu.sem_alloc : memref<!tpu.dma_semaphore, #tpu.memory_space<semaphore_mem>>
      %dma_start3A = arith.constant 0 : i32
      %dma_start3A_8 = arith.constant 0 : i32
      %dma_start3A_9 = tpu.memref_slice %arg3[%add3A, %dma_start3A, %dma_start3A_8] : memref<32x100x100xi32, #tpu.memory_space<hbm>> -> memref<1x100x100xi32, #tpu.memory_space<hbm>>
      %dma_start3A_10 = tpu.memref_squeeze %dma_start3A_9 : memref<1x100x100xi32, #tpu.memory_space<hbm>> -> memref<100x100xi32, #tpu.memory_space<hbm>>
      %dma_start3A_11 = arith.constant 0 : i32
      %dma_start3A_12 = arith.constant 0 : i32
      %dma_start3A_13 = tpu.memref_slice %arg3[%add3A, %dma_start3A_11, %dma_start3A_12] : memref<32x100x100xi32, #tpu.memory_space<hbm>> -> memref<1x100x100xi32, #tpu.memory_space<hbm>>
      %dma_start3A_14 = tpu.memref_squeeze %dma_start3A_13 : memref<1x100x100xi32, #tpu.memory_space<hbm>> -> memref<100x100xi32, #tpu.memory_space<hbm>>
      tpu.enqueue_dma source(%dma_start3A_14 : memref<100x100xi32, #tpu.memory_space<hbm>>) target(%arg5 : memref<100x100xi32, #tpu.memory_space<vmem>>) target_semaphore(%run_scoped3A : memref<!tpu.dma_semaphore, #tpu.memory_space<semaphore_mem>>)
      %dma_wait3A = arith.constant 0 : i32
      %dma_wait3A_15 = arith.constant 0 : i32
      %dma_wait3A_16 = tpu.memref_slice %arg3[%add3A, %dma_wait3A, %dma_wait3A_15] : memref<32x100x100xi32, #tpu.memory_space<hbm>> -> memref<1x100x100xi32, #tpu.memory_space<hbm>>
      %dma_wait3A_17 = tpu.memref_squeeze %dma_wait3A_16 : memref<1x100x100xi32, #tpu.memory_space<hbm>> -> memref<100x100xi32, #tpu.memory_space<hbm>>
      %dma_wait3A_18 = arith.constant 0 : i32
      %dma_wait3A_19 = arith.constant 0 : i32
      %dma_wait3A_20 = tpu.memref_slice %arg3[%add3A, %dma_wait3A_18, %dma_wait3A_19] : memref<32x100x100xi32, #tpu.memory_space<hbm>> -> memref<1x100x100xi32, #tpu.memory_space<hbm>>
      %dma_wait3A_21 = tpu.memref_squeeze %dma_wait3A_20 : memref<1x100x100xi32, #tpu.memory_space<hbm>> -> memref<100x100xi32, #tpu.memory_space<hbm>>
      tpu.wait_dma2 semaphore(%run_scoped3A : memref<!tpu.dma_semaphore, #tpu.memory_space<semaphore_mem>>) src(%dma_wait3A_21 : memref<100x100xi32, #tpu.memory_space<hbm>>) dst(%arg5 : memref<100x100xi32, #tpu.memory_space<vmem>>)
      tpu.yield
    }) : () -> ()
    %mul3A_1 = arith.constant 10000 : i32
    %mul3A_2 = arith.muli %add3A, %mul3A_1 : i32
    %scan3A = arith.constant 0 : i32
    %scan3A_3 = arith.constant 0 : i32
    %scan3A_4 = arith.constant 10 : i32
    %scan3A_5 = arith.addi %scan3A_3, %scan3A_4 : i32
    %scan3A_6 = arith.constant 1 : i32
    scf.for %scan3A_8 = %scan3A_3 to %scan3A_5 step %scan3A_6  : i32 {
      %mul3A_9 = arith.constant 10 : i32
      %mul3A_10 = arith.muli %scan3A_8, %mul3A_9 : i32
      %add3A_11 = arith.constant 0 : i32
      %add3A_12 = arith.addi %mul3A_10, %add3A_11 : i32
      %dma_start3A = arith.constant 0 : i32
      %dma_start3A_13 = arith.constant 0 : i32
      %dma_start3A_14 = tpu.memref_slice %arg6[%dma_start3A, %dma_start3A_13] : memref<1000x32xf32, #tpu.memory_space<vmem>> -> memref<100x32xf32, #tpu.memory_space<vmem>>
      %dma_start3A_15 = arith.constant 0 : i32
      %dma_start3A_16 = tpu.memref_slice %arg5[%add3A_12, %dma_start3A_15] : memref<100x100xi32, #tpu.memory_space<vmem>> -> memref<1x100xi32, #tpu.memory_space<vmem>>
      %dma_start3A_17 = tpu.memref_squeeze %dma_start3A_16 : memref<1x100xi32, #tpu.memory_space<vmem>> -> memref<100xi32, #tpu.memory_space<vmem>>
      %dma_start3A_18 = arith.constant 0 : i32
      %dma_start3A_19 = arith.constant 0 : i32
      %dma_start3A_20 = tpu.memref_slice %arg2[%dma_start3A_18, %dma_start3A_19] : memref<10000x32xf32, #tpu.memory_space<hbm>> -> memref<10000x32xf32, #tpu.memory_space<hbm>>
      tpu.enqueue_indirect_dma source(%dma_start3A_20 : memref<10000x32xf32, #tpu.memory_space<hbm>>) target(%dma_start3A_14 : memref<100x32xf32, #tpu.memory_space<vmem>>) offsets(%dma_start3A_17 : memref<100xi32, #tpu.memory_space<vmem>>) semaphore(%arg7 : memref<!tpu.dma_semaphore, #tpu.memory_space<semaphore_mem>>)
      %add3A_21 = arith.constant 1 : i32
      %add3A_22 = arith.addi %mul3A_10, %add3A_21 : i32
      %dma_start3A_23 = arith.constant 100 : i32
      %dma_start3A_24 = arith.constant 0 : i32
      %dma_start3A_25 = tpu.memref_slice %arg6[%dma_start3A_23, %dma_start3A_24] : memref<1000x32xf32, #tpu.memory_space<vmem>> -> memref<100x32xf32, #tpu.memory_space<vmem>>
      %dma_start3A_26 = arith.constant 0 : i32
      %dma_start3A_27 = tpu.memref_slice %arg5[%add3A_22, %dma_start3A_26] : memref<100x100xi32, #tpu.memory_space<vmem>> -> memref<1x100xi32, #tpu.memory_space<vmem>>
      %dma_start3A_28 = tpu.memref_squeeze %dma_start3A_27 : memref<1x100xi32, #tpu.memory_space<vmem>> -> memref<100xi32, #tpu.memory_space<vmem>>
      %dma_start3A_29 = arith.constant 0 : i32
      %dma_start3A_30 = arith.constant 0 : i32
      %dma_start3A_31 = tpu.memref_slice %arg2[%dma_start3A_29, %dma_start3A_30] : memref<10000x32xf32, #tpu.memory_space<hbm>> -> memref<10000x32xf32, #tpu.memory_space<hbm>>
      tpu.enqueue_indirect_dma source(%dma_start3A_31 : memref<10000x32xf32, #tpu.memory_space<hbm>>) target(%dma_start3A_25 : memref<100x32xf32, #tpu.memory_space<vmem>>) offsets(%dma_start3A_28 : memref<100xi32, #tpu.memory_space<vmem>>) semaphore(%arg7 : memref<!tpu.dma_semaphore, #tpu.memory_space<semaphore_mem>>)
      %add3A_32 = arith.constant 2 : i32
      %add3A_33 = arith.addi %mul3A_10, %add3A_32 : i32
      %dma_start3A_34 = arith.constant 200 : i32
      %dma_start3A_35 = arith.constant 0 : i32
      %dma_start3A_36 = tpu.memref_slice %arg6[%dma_start3A_34, %dma_start3A_35] : memref<1000x32xf32, #tpu.memory_space<vmem>> -> memref<100x32xf32, #tpu.memory_space<vmem>>
      %dma_start3A_37 = arith.constant 0 : i32
      %dma_start3A_38 = tpu.memref_slice %arg5[%add3A_33, %dma_start3A_37] : memref<100x100xi32, #tpu.memory_space<vmem>> -> memref<1x100xi32, #tpu.memory_space<vmem>>
      %dma_start3A_39 = tpu.memref_squeeze %dma_start3A_38 : memref<1x100xi32, #tpu.memory_space<vmem>> -> memref<100xi32, #tpu.memory_space<vmem>>
      %dma_start3A_40 = arith.constant 0 : i32
      %dma_start3A_41 = arith.constant 0 : i32
      %dma_start3A_42 = tpu.memref_slice %arg2[%dma_start3A_40, %dma_start3A_41] : memref<10000x32xf32, #tpu.memory_space<hbm>> -> memref<10000x32xf32, #tpu.memory_space<hbm>>
      tpu.enqueue_indirect_dma source(%dma_start3A_42 : memref<10000x32xf32, #tpu.memory_space<hbm>>) target(%dma_start3A_36 : memref<100x32xf32, #tpu.memory_space<vmem>>) offsets(%dma_start3A_39 : memref<100xi32, #tpu.memory_space<vmem>>) semaphore(%arg7 : memref<!tpu.dma_semaphore, #tpu.memory_space<semaphore_mem>>)
      %add3A_43 = arith.constant 3 : i32
      %add3A_44 = arith.addi %mul3A_10, %add3A_43 : i32
      %dma_start3A_45 = arith.constant 300 : i32
      %dma_start3A_46 = arith.constant 0 : i32
      %dma_start3A_47 = tpu.memref_slice %arg6[%dma_start3A_45, %dma_start3A_46] : memref<1000x32xf32, #tpu.memory_space<vmem>> -> memref<100x32xf32, #tpu.memory_space<vmem>>
      %dma_start3A_48 = arith.constant 0 : i32
      %dma_start3A_49 = tpu.memref_slice %arg5[%add3A_44, %dma_start3A_48] : memref<100x100xi32, #tpu.memory_space<vmem>> -> memref<1x100xi32, #tpu.memory_space<vmem>>
      %dma_start3A_50 = tpu.memref_squeeze %dma_start3A_49 : memref<1x100xi32, #tpu.memory_space<vmem>> -> memref<100xi32, #tpu.memory_space<vmem>>
      %dma_start3A_51 = arith.constant 0 : i32
      %dma_start3A_52 = arith.constant 0 : i32
      %dma_start3A_53 = tpu.memref_slice %arg2[%dma_start3A_51, %dma_start3A_52] : memref<10000x32xf32, #tpu.memory_space<hbm>> -> memref<10000x32xf32, #tpu.memory_space<hbm>>
      tpu.enqueue_indirect_dma source(%dma_start3A_53 : memref<10000x32xf32, #tpu.memory_space<hbm>>) target(%dma_start3A_47 : memref<100x32xf32, #tpu.memory_space<vmem>>) offsets(%dma_start3A_50 : memref<100xi32, #tpu.memory_space<vmem>>) semaphore(%arg7 : memref<!tpu.dma_semaphore, #tpu.memory_space<semaphore_mem>>)
      %add3A_54 = arith.constant 4 : i32
      %add3A_55 = arith.addi %mul3A_10, %add3A_54 : i32
      %dma_start3A_56 = arith.constant 400 : i32
      %dma_start3A_57 = arith.constant 0 : i32
      %dma_start3A_58 = tpu.memref_slice %arg6[%dma_start3A_56, %dma_start3A_57] : memref<1000x32xf32, #tpu.memory_space<vmem>> -> memref<100x32xf32, #tpu.memory_space<vmem>>
      %dma_start3A_59 = arith.constant 0 : i32
      %dma_start3A_60 = tpu.memref_slice %arg5[%add3A_55, %dma_start3A_59] : memref<100x100xi32, #tpu.memory_space<vmem>> -> memref<1x100xi32, #tpu.memory_space<vmem>>
      %dma_start3A_61 = tpu.memref_squeeze %dma_start3A_60 : memref<1x100xi32, #tpu.memory_space<vmem>> -> memref<100xi32, #tpu.memory_space<vmem>>
      %dma_start3A_62 = arith.constant 0 : i32
      %dma_start3A_63 = arith.constant 0 : i32
      %dma_start3A_64 = tpu.memref_slice %arg2[%dma_start3A_62, %dma_start3A_63] : memref<10000x32xf32, #tpu.memory_space<hbm>> -> memref<10000x32xf32, #tpu.memory_space<hbm>>
      tpu.enqueue_indirect_dma source(%dma_start3A_64 : memref<10000x32xf32, #tpu.memory_space<hbm>>) target(%dma_start3A_58 : memref<100x32xf32, #tpu.memory_space<vmem>>) offsets(%dma_start3A_61 : memref<100xi32, #tpu.memory_space<vmem>>) semaphore(%arg7 : memref<!tpu.dma_semaphore, #tpu.memory_space<semaphore_mem>>)
      %add3A_65 = arith.constant 5 : i32
      %add3A_66 = arith.addi %mul3A_10, %add3A_65 : i32
      %dma_start3A_67 = arith.constant 500 : i32
      %dma_start3A_68 = arith.constant 0 : i32
      %dma_start3A_69 = tpu.memref_slice %arg6[%dma_start3A_67, %dma_start3A_68] : memref<1000x32xf32, #tpu.memory_space<vmem>> -> memref<100x32xf32, #tpu.memory_space<vmem>>
      %dma_start3A_70 = arith.constant 0 : i32
      %dma_start3A_71 = tpu.memref_slice %arg5[%add3A_66, %dma_start3A_70] : memref<100x100xi32, #tpu.memory_space<vmem>> -> memref<1x100xi32, #tpu.memory_space<vmem>>
      %dma_start3A_72 = tpu.memref_squeeze %dma_start3A_71 : memref<1x100xi32, #tpu.memory_space<vmem>> -> memref<100xi32, #tpu.memory_space<vmem>>
      %dma_start3A_73 = arith.constant 0 : i32
      %dma_start3A_74 = arith.constant 0 : i32
      %dma_start3A_75 = tpu.memref_slice %arg2[%dma_start3A_73, %dma_start3A_74] : memref<10000x32xf32, #tpu.memory_space<hbm>> -> memref<10000x32xf32, #tpu.memory_space<hbm>>
      tpu.enqueue_indirect_dma source(%dma_start3A_75 : memref<10000x32xf32, #tpu.memory_space<hbm>>) target(%dma_start3A_69 : memref<100x32xf32, #tpu.memory_space<vmem>>) offsets(%dma_start3A_72 : memref<100xi32, #tpu.memory_space<vmem>>) semaphore(%arg7 : memref<!tpu.dma_semaphore, #tpu.memory_space<semaphore_mem>>)
      %add3A_76 = arith.constant 6 : i32
      %add3A_77 = arith.addi %mul3A_10, %add3A_76 : i32
      %dma_start3A_78 = arith.constant 600 : i32
      %dma_start3A_79 = arith.constant 0 : i32
      %dma_start3A_80 = tpu.memref_slice %arg6[%dma_start3A_78, %dma_start3A_79] : memref<1000x32xf32, #tpu.memory_space<vmem>> -> memref<100x32xf32, #tpu.memory_space<vmem>>
      %dma_start3A_81 = arith.constant 0 : i32
      %dma_start3A_82 = tpu.memref_slice %arg5[%add3A_77, %dma_start3A_81] : memref<100x100xi32, #tpu.memory_space<vmem>> -> memref<1x100xi32, #tpu.memory_space<vmem>>
      %dma_start3A_83 = tpu.memref_squeeze %dma_start3A_82 : memref<1x100xi32, #tpu.memory_space<vmem>> -> memref<100xi32, #tpu.memory_space<vmem>>
      %dma_start3A_84 = arith.constant 0 : i32
      %dma_start3A_85 = arith.constant 0 : i32
      %dma_start3A_86 = tpu.memref_slice %arg2[%dma_start3A_84, %dma_start3A_85] : memref<10000x32xf32, #tpu.memory_space<hbm>> -> memref<10000x32xf32, #tpu.memory_space<hbm>>
      tpu.enqueue_indirect_dma source(%dma_start3A_86 : memref<10000x32xf32, #tpu.memory_space<hbm>>) target(%dma_start3A_80 : memref<100x32xf32, #tpu.memory_space<vmem>>) offsets(%dma_start3A_83 : memref<100xi32, #tpu.memory_space<vmem>>) semaphore(%arg7 : memref<!tpu.dma_semaphore, #tpu.memory_space<semaphore_mem>>)
      %add3A_87 = arith.constant 7 : i32
      %add3A_88 = arith.addi %mul3A_10, %add3A_87 : i32
      %dma_start3A_89 = arith.constant 700 : i32
      %dma_start3A_90 = arith.constant 0 : i32
      %dma_start3A_91 = tpu.memref_slice %arg6[%dma_start3A_89, %dma_start3A_90] : memref<1000x32xf32, #tpu.memory_space<vmem>> -> memref<100x32xf32, #tpu.memory_space<vmem>>
      %dma_start3A_92 = arith.constant 0 : i32
      %dma_start3A_93 = tpu.memref_slice %arg5[%add3A_88, %dma_start3A_92] : memref<100x100xi32, #tpu.memory_space<vmem>> -> memref<1x100xi32, #tpu.memory_space<vmem>>
      %dma_start3A_94 = tpu.memref_squeeze %dma_start3A_93 : memref<1x100xi32, #tpu.memory_space<vmem>> -> memref<100xi32, #tpu.memory_space<vmem>>
      %dma_start3A_95 = arith.constant 0 : i32
      %dma_start3A_96 = arith.constant 0 : i32
      %dma_start3A_97 = tpu.memref_slice %arg2[%dma_start3A_95, %dma_start3A_96] : memref<10000x32xf32, #tpu.memory_space<hbm>> -> memref<10000x32xf32, #tpu.memory_space<hbm>>
      tpu.enqueue_indirect_dma source(%dma_start3A_97 : memref<10000x32xf32, #tpu.memory_space<hbm>>) target(%dma_start3A_91 : memref<100x32xf32, #tpu.memory_space<vmem>>) offsets(%dma_start3A_94 : memref<100xi32, #tpu.memory_space<vmem>>) semaphore(%arg7 : memref<!tpu.dma_semaphore, #tpu.memory_space<semaphore_mem>>)
      %add3A_98 = arith.constant 8 : i32
      %add3A_99 = arith.addi %mul3A_10, %add3A_98 : i32
      %dma_start3A_100 = arith.constant 800 : i32
      %dma_start3A_101 = arith.constant 0 : i32
      %dma_start3A_102 = tpu.memref_slice %arg6[%dma_start3A_100, %dma_start3A_101] : memref<1000x32xf32, #tpu.memory_space<vmem>> -> memref<100x32xf32, #tpu.memory_space<vmem>>
      %dma_start3A_103 = arith.constant 0 : i32
      %dma_start3A_104 = tpu.memref_slice %arg5[%add3A_99, %dma_start3A_103] : memref<100x100xi32, #tpu.memory_space<vmem>> -> memref<1x100xi32, #tpu.memory_space<vmem>>
      %dma_start3A_105 = tpu.memref_squeeze %dma_start3A_104 : memref<1x100xi32, #tpu.memory_space<vmem>> -> memref<100xi32, #tpu.memory_space<vmem>>
      %dma_start3A_106 = arith.constant 0 : i32
      %dma_start3A_107 = arith.constant 0 : i32
      %dma_start3A_108 = tpu.memref_slice %arg2[%dma_start3A_106, %dma_start3A_107] : memref<10000x32xf32, #tpu.memory_space<hbm>> -> memref<10000x32xf32, #tpu.memory_space<hbm>>
      tpu.enqueue_indirect_dma source(%dma_start3A_108 : memref<10000x32xf32, #tpu.memory_space<hbm>>) target(%dma_start3A_102 : memref<100x32xf32, #tpu.memory_space<vmem>>) offsets(%dma_start3A_105 : memref<100xi32, #tpu.memory_space<vmem>>) semaphore(%arg7 : memref<!tpu.dma_semaphore, #tpu.memory_space<semaphore_mem>>)
      %add3A_109 = arith.constant 9 : i32
      %add3A_110 = arith.addi %mul3A_10, %add3A_109 : i32
      %dma_start3A_111 = arith.constant 900 : i32
      %dma_start3A_112 = arith.constant 0 : i32
      %dma_start3A_113 = tpu.memref_slice %arg6[%dma_start3A_111, %dma_start3A_112] : memref<1000x32xf32, #tpu.memory_space<vmem>> -> memref<100x32xf32, #tpu.memory_space<vmem>>
      %dma_start3A_114 = arith.constant 0 : i32
      %dma_start3A_115 = tpu.memref_slice %arg5[%add3A_110, %dma_start3A_114] : memref<100x100xi32, #tpu.memory_space<vmem>> -> memref<1x100xi32, #tpu.memory_space<vmem>>
      %dma_start3A_116 = tpu.memref_squeeze %dma_start3A_115 : memref<1x100xi32, #tpu.memory_space<vmem>> -> memref<100xi32, #tpu.memory_space<vmem>>
      %dma_start3A_117 = arith.constant 0 : i32
      %dma_start3A_118 = arith.constant 0 : i32
      %dma_start3A_119 = tpu.memref_slice %arg2[%dma_start3A_117, %dma_start3A_118] : memref<10000x32xf32, #tpu.memory_space<hbm>> -> memref<10000x32xf32, #tpu.memory_space<hbm>>
      tpu.enqueue_indirect_dma source(%dma_start3A_119 : memref<10000x32xf32, #tpu.memory_space<hbm>>) target(%dma_start3A_113 : memref<100x32xf32, #tpu.memory_space<vmem>>) offsets(%dma_start3A_116 : memref<100xi32, #tpu.memory_space<vmem>>) semaphore(%arg7 : memref<!tpu.dma_semaphore, #tpu.memory_space<semaphore_mem>>)
      %add3A_120 = arith.constant 0 : i32
      %add3A_121 = arith.addi %mul3A_10, %add3A_120 : i32
      %dma_wait3A = arith.constant 0 : i32
      %dma_wait3A_122 = arith.constant 0 : i32
      %dma_wait3A_123 = tpu.memref_slice %arg6[%dma_wait3A, %dma_wait3A_122] : memref<1000x32xf32, #tpu.memory_space<vmem>> -> memref<100x32xf32, #tpu.memory_space<vmem>>
      %dma_wait3A_124 = arith.constant 0 : i32
      %dma_wait3A_125 = tpu.memref_slice %arg5[%add3A_121, %dma_wait3A_124] : memref<100x100xi32, #tpu.memory_space<vmem>> -> memref<1x100xi32, #tpu.memory_space<vmem>>
      %dma_wait3A_126 = tpu.memref_squeeze %dma_wait3A_125 : memref<1x100xi32, #tpu.memory_space<vmem>> -> memref<100xi32, #tpu.memory_space<vmem>>
      %dma_wait3A_127 = arith.constant 0 : i32
      %dma_wait3A_128 = arith.constant 0 : i32
      %dma_wait3A_129 = tpu.memref_slice %arg2[%dma_wait3A_127, %dma_wait3A_128] : memref<10000x32xf32, #tpu.memory_space<hbm>> -> memref<10000x32xf32, #tpu.memory_space<hbm>>
      tpu.wait_indirect_dma semaphore(%arg7 : memref<!tpu.dma_semaphore, #tpu.memory_space<semaphore_mem>>) src(%dma_wait3A_129 : memref<10000x32xf32, #tpu.memory_space<hbm>>) dst(%dma_wait3A_123 : memref<100x32xf32, #tpu.memory_space<vmem>>)
      %add3A_130 = arith.constant 1 : i32
      %add3A_131 = arith.addi %mul3A_10, %add3A_130 : i32
      %dma_wait3A_132 = arith.constant 100 : i32
      %dma_wait3A_133 = arith.constant 0 : i32
      %dma_wait3A_134 = tpu.memref_slice %arg6[%dma_wait3A_132, %dma_wait3A_133] : memref<1000x32xf32, #tpu.memory_space<vmem>> -> memref<100x32xf32, #tpu.memory_space<vmem>>
      %dma_wait3A_135 = arith.constant 0 : i32
      %dma_wait3A_136 = tpu.memref_slice %arg5[%add3A_131, %dma_wait3A_135] : memref<100x100xi32, #tpu.memory_space<vmem>> -> memref<1x100xi32, #tpu.memory_space<vmem>>
      %dma_wait3A_137 = tpu.memref_squeeze %dma_wait3A_136 : memref<1x100xi32, #tpu.memory_space<vmem>> -> memref<100xi32, #tpu.memory_space<vmem>>
      %dma_wait3A_138 = arith.constant 0 : i32
      %dma_wait3A_139 = arith.constant 0 : i32
      %dma_wait3A_140 = tpu.memref_slice %arg2[%dma_wait3A_138, %dma_wait3A_139] : memref<10000x32xf32, #tpu.memory_space<hbm>> -> memref<10000x32xf32, #tpu.memory_space<hbm>>
      tpu.wait_indirect_dma semaphore(%arg7 : memref<!tpu.dma_semaphore, #tpu.memory_space<semaphore_mem>>) src(%dma_wait3A_140 : memref<10000x32xf32, #tpu.memory_space<hbm>>) dst(%dma_wait3A_134 : memref<100x32xf32, #tpu.memory_space<vmem>>)
      %add3A_141 = arith.constant 2 : i32
      %add3A_142 = arith.addi %mul3A_10, %add3A_141 : i32
      %dma_wait3A_143 = arith.constant 200 : i32
      %dma_wait3A_144 = arith.constant 0 : i32
      %dma_wait3A_145 = tpu.memref_slice %arg6[%dma_wait3A_143, %dma_wait3A_144] : memref<1000x32xf32, #tpu.memory_space<vmem>> -> memref<100x32xf32, #tpu.memory_space<vmem>>
      %dma_wait3A_146 = arith.constant 0 : i32
      %dma_wait3A_147 = tpu.memref_slice %arg5[%add3A_142, %dma_wait3A_146] : memref<100x100xi32, #tpu.memory_space<vmem>> -> memref<1x100xi32, #tpu.memory_space<vmem>>
      %dma_wait3A_148 = tpu.memref_squeeze %dma_wait3A_147 : memref<1x100xi32, #tpu.memory_space<vmem>> -> memref<100xi32, #tpu.memory_space<vmem>>
      %dma_wait3A_149 = arith.constant 0 : i32
      %dma_wait3A_150 = arith.constant 0 : i32
      %dma_wait3A_151 = tpu.memref_slice %arg2[%dma_wait3A_149, %dma_wait3A_150] : memref<10000x32xf32, #tpu.memory_space<hbm>> -> memref<10000x32xf32, #tpu.memory_space<hbm>>
      tpu.wait_indirect_dma semaphore(%arg7 : memref<!tpu.dma_semaphore, #tpu.memory_space<semaphore_mem>>) src(%dma_wait3A_151 : memref<10000x32xf32, #tpu.memory_space<hbm>>) dst(%dma_wait3A_145 : memref<100x32xf32, #tpu.memory_space<vmem>>)
      %add3A_152 = arith.constant 3 : i32
      %add3A_153 = arith.addi %mul3A_10, %add3A_152 : i32
      %dma_wait3A_154 = arith.constant 300 : i32
      %dma_wait3A_155 = arith.constant 0 : i32
      %dma_wait3A_156 = tpu.memref_slice %arg6[%dma_wait3A_154, %dma_wait3A_155] : memref<1000x32xf32, #tpu.memory_space<vmem>> -> memref<100x32xf32, #tpu.memory_space<vmem>>
      %dma_wait3A_157 = arith.constant 0 : i32
      %dma_wait3A_158 = tpu.memref_slice %arg5[%add3A_153, %dma_wait3A_157] : memref<100x100xi32, #tpu.memory_space<vmem>> -> memref<1x100xi32, #tpu.memory_space<vmem>>
      %dma_wait3A_159 = tpu.memref_squeeze %dma_wait3A_158 : memref<1x100xi32, #tpu.memory_space<vmem>> -> memref<100xi32, #tpu.memory_space<vmem>>
      %dma_wait3A_160 = arith.constant 0 : i32
      %dma_wait3A_161 = arith.constant 0 : i32
      %dma_wait3A_162 = tpu.memref_slice %arg2[%dma_wait3A_160, %dma_wait3A_161] : memref<10000x32xf32, #tpu.memory_space<hbm>> -> memref<10000x32xf32, #tpu.memory_space<hbm>>
      tpu.wait_indirect_dma semaphore(%arg7 : memref<!tpu.dma_semaphore, #tpu.memory_space<semaphore_mem>>) src(%dma_wait3A_162 : memref<10000x32xf32, #tpu.memory_space<hbm>>) dst(%dma_wait3A_156 : memref<100x32xf32, #tpu.memory_space<vmem>>)
      %add3A_163 = arith.constant 4 : i32
      %add3A_164 = arith.addi %mul3A_10, %add3A_163 : i32
      %dma_wait3A_165 = arith.constant 400 : i32
      %dma_wait3A_166 = arith.constant 0 : i32
      %dma_wait3A_167 = tpu.memref_slice %arg6[%dma_wait3A_165, %dma_wait3A_166] : memref<1000x32xf32, #tpu.memory_space<vmem>> -> memref<100x32xf32, #tpu.memory_space<vmem>>
      %dma_wait3A_168 = arith.constant 0 : i32
      %dma_wait3A_169 = tpu.memref_slice %arg5[%add3A_164, %dma_wait3A_168] : memref<100x100xi32, #tpu.memory_space<vmem>> -> memref<1x100xi32, #tpu.memory_space<vmem>>
      %dma_wait3A_170 = tpu.memref_squeeze %dma_wait3A_169 : memref<1x100xi32, #tpu.memory_space<vmem>> -> memref<100xi32, #tpu.memory_space<vmem>>
      %dma_wait3A_171 = arith.constant 0 : i32
      %dma_wait3A_172 = arith.constant 0 : i32
      %dma_wait3A_173 = tpu.memref_slice %arg2[%dma_wait3A_171, %dma_wait3A_172] : memref<10000x32xf32, #tpu.memory_space<hbm>> -> memref<10000x32xf32, #tpu.memory_space<hbm>>
      tpu.wait_indirect_dma semaphore(%arg7 : memref<!tpu.dma_semaphore, #tpu.memory_space<semaphore_mem>>) src(%dma_wait3A_173 : memref<10000x32xf32, #tpu.memory_space<hbm>>) dst(%dma_wait3A_167 : memref<100x32xf32, #tpu.memory_space<vmem>>)
      %add3A_174 = arith.constant 5 : i32
      %add3A_175 = arith.addi %mul3A_10, %add3A_174 : i32
      %dma_wait3A_176 = arith.constant 500 : i32
      %dma_wait3A_177 = arith.constant 0 : i32
      %dma_wait3A_178 = tpu.memref_slice %arg6[%dma_wait3A_176, %dma_wait3A_177] : memref<1000x32xf32, #tpu.memory_space<vmem>> -> memref<100x32xf32, #tpu.memory_space<vmem>>
      %dma_wait3A_179 = arith.constant 0 : i32
      %dma_wait3A_180 = tpu.memref_slice %arg5[%add3A_175, %dma_wait3A_179] : memref<100x100xi32, #tpu.memory_space<vmem>> -> memref<1x100xi32, #tpu.memory_space<vmem>>
      %dma_wait3A_181 = tpu.memref_squeeze %dma_wait3A_180 : memref<1x100xi32, #tpu.memory_space<vmem>> -> memref<100xi32, #tpu.memory_space<vmem>>
      %dma_wait3A_182 = arith.constant 0 : i32
      %dma_wait3A_183 = arith.constant 0 : i32
      %dma_wait3A_184 = tpu.memref_slice %arg2[%dma_wait3A_182, %dma_wait3A_183] : memref<10000x32xf32, #tpu.memory_space<hbm>> -> memref<10000x32xf32, #tpu.memory_space<hbm>>
      tpu.wait_indirect_dma semaphore(%arg7 : memref<!tpu.dma_semaphore, #tpu.memory_space<semaphore_mem>>) src(%dma_wait3A_184 : memref<10000x32xf32, #tpu.memory_space<hbm>>) dst(%dma_wait3A_178 : memref<100x32xf32, #tpu.memory_space<vmem>>)
      %add3A_185 = arith.constant 6 : i32
      %add3A_186 = arith.addi %mul3A_10, %add3A_185 : i32
      %dma_wait3A_187 = arith.constant 600 : i32
      %dma_wait3A_188 = arith.constant 0 : i32
      %dma_wait3A_189 = tpu.memref_slice %arg6[%dma_wait3A_187, %dma_wait3A_188] : memref<1000x32xf32, #tpu.memory_space<vmem>> -> memref<100x32xf32, #tpu.memory_space<vmem>>
      %dma_wait3A_190 = arith.constant 0 : i32
      %dma_wait3A_191 = tpu.memref_slice %arg5[%add3A_186, %dma_wait3A_190] : memref<100x100xi32, #tpu.memory_space<vmem>> -> memref<1x100xi32, #tpu.memory_space<vmem>>
      %dma_wait3A_192 = tpu.memref_squeeze %dma_wait3A_191 : memref<1x100xi32, #tpu.memory_space<vmem>> -> memref<100xi32, #tpu.memory_space<vmem>>
      %dma_wait3A_193 = arith.constant 0 : i32
      %dma_wait3A_194 = arith.constant 0 : i32
      %dma_wait3A_195 = tpu.memref_slice %arg2[%dma_wait3A_193, %dma_wait3A_194] : memref<10000x32xf32, #tpu.memory_space<hbm>> -> memref<10000x32xf32, #tpu.memory_space<hbm>>
      tpu.wait_indirect_dma semaphore(%arg7 : memref<!tpu.dma_semaphore, #tpu.memory_space<semaphore_mem>>) src(%dma_wait3A_195 : memref<10000x32xf32, #tpu.memory_space<hbm>>) dst(%dma_wait3A_189 : memref<100x32xf32, #tpu.memory_space<vmem>>)
      %add3A_196 = arith.constant 7 : i32
      %add3A_197 = arith.addi %mul3A_10, %add3A_196 : i32
      %dma_wait3A_198 = arith.constant 700 : i32
      %dma_wait3A_199 = arith.constant 0 : i32
      %dma_wait3A_200 = tpu.memref_slice %arg6[%dma_wait3A_198, %dma_wait3A_199] : memref<1000x32xf32, #tpu.memory_space<vmem>> -> memref<100x32xf32, #tpu.memory_space<vmem>>
      %dma_wait3A_201 = arith.constant 0 : i32
      %dma_wait3A_202 = tpu.memref_slice %arg5[%add3A_197, %dma_wait3A_201] : memref<100x100xi32, #tpu.memory_space<vmem>> -> memref<1x100xi32, #tpu.memory_space<vmem>>
      %dma_wait3A_203 = tpu.memref_squeeze %dma_wait3A_202 : memref<1x100xi32, #tpu.memory_space<vmem>> -> memref<100xi32, #tpu.memory_space<vmem>>
      %dma_wait3A_204 = arith.constant 0 : i32
      %dma_wait3A_205 = arith.constant 0 : i32
      %dma_wait3A_206 = tpu.memref_slice %arg2[%dma_wait3A_204, %dma_wait3A_205] : memref<10000x32xf32, #tpu.memory_space<hbm>> -> memref<10000x32xf32, #tpu.memory_space<hbm>>
      tpu.wait_indirect_dma semaphore(%arg7 : memref<!tpu.dma_semaphore, #tpu.memory_space<semaphore_mem>>) src(%dma_wait3A_206 : memref<10000x32xf32, #tpu.memory_space<hbm>>) dst(%dma_wait3A_200 : memref<100x32xf32, #tpu.memory_space<vmem>>)
      %add3A_207 = arith.constant 8 : i32
      %add3A_208 = arith.addi %mul3A_10, %add3A_207 : i32
      %dma_wait3A_209 = arith.constant 800 : i32
      %dma_wait3A_210 = arith.constant 0 : i32
      %dma_wait3A_211 = tpu.memref_slice %arg6[%dma_wait3A_209, %dma_wait3A_210] : memref<1000x32xf32, #tpu.memory_space<vmem>> -> memref<100x32xf32, #tpu.memory_space<vmem>>
      %dma_wait3A_212 = arith.constant 0 : i32
      %dma_wait3A_213 = tpu.memref_slice %arg5[%add3A_208, %dma_wait3A_212] : memref<100x100xi32, #tpu.memory_space<vmem>> -> memref<1x100xi32, #tpu.memory_space<vmem>>
      %dma_wait3A_214 = tpu.memref_squeeze %dma_wait3A_213 : memref<1x100xi32, #tpu.memory_space<vmem>> -> memref<100xi32, #tpu.memory_space<vmem>>
      %dma_wait3A_215 = arith.constant 0 : i32
      %dma_wait3A_216 = arith.constant 0 : i32
      %dma_wait3A_217 = tpu.memref_slice %arg2[%dma_wait3A_215, %dma_wait3A_216] : memref<10000x32xf32, #tpu.memory_space<hbm>> -> memref<10000x32xf32, #tpu.memory_space<hbm>>
      tpu.wait_indirect_dma semaphore(%arg7 : memref<!tpu.dma_semaphore, #tpu.memory_space<semaphore_mem>>) src(%dma_wait3A_217 : memref<10000x32xf32, #tpu.memory_space<hbm>>) dst(%dma_wait3A_211 : memref<100x32xf32, #tpu.memory_space<vmem>>)
      %add3A_218 = arith.constant 9 : i32
      %add3A_219 = arith.addi %mul3A_10, %add3A_218 : i32
      %dma_wait3A_220 = arith.constant 900 : i32
      %dma_wait3A_221 = arith.constant 0 : i32
      %dma_wait3A_222 = tpu.memref_slice %arg6[%dma_wait3A_220, %dma_wait3A_221] : memref<1000x32xf32, #tpu.memory_space<vmem>> -> memref<100x32xf32, #tpu.memory_space<vmem>>
      %dma_wait3A_223 = arith.constant 0 : i32
      %dma_wait3A_224 = tpu.memref_slice %arg5[%add3A_219, %dma_wait3A_223] : memref<100x100xi32, #tpu.memory_space<vmem>> -> memref<1x100xi32, #tpu.memory_space<vmem>>
      %dma_wait3A_225 = tpu.memref_squeeze %dma_wait3A_224 : memref<1x100xi32, #tpu.memory_space<vmem>> -> memref<100xi32, #tpu.memory_space<vmem>>
      %dma_wait3A_226 = arith.constant 0 : i32
      %dma_wait3A_227 = arith.constant 0 : i32
      %dma_wait3A_228 = tpu.memref_slice %arg2[%dma_wait3A_226, %dma_wait3A_227] : memref<10000x32xf32, #tpu.memory_space<hbm>> -> memref<10000x32xf32, #tpu.memory_space<hbm>>
      tpu.wait_indirect_dma semaphore(%arg7 : memref<!tpu.dma_semaphore, #tpu.memory_space<semaphore_mem>>) src(%dma_wait3A_228 : memref<10000x32xf32, #tpu.memory_space<hbm>>) dst(%dma_wait3A_222 : memref<100x32xf32, #tpu.memory_space<vmem>>)
      %mul3A_229 = arith.constant 100 : i32
      %mul3A_230 = arith.muli %mul3A_10, %mul3A_229 : i32
      %add3A_231 = arith.addi %mul3A_2, %mul3A_230 : i32
      "tpu.region"() ({
        %run_scoped3A = tpu.sem_alloc : memref<!tpu.dma_semaphore, #tpu.memory_space<semaphore_mem>>
        %dma_start3A_232 = arith.constant 0 : i32
        %dma_start3A_233 = tpu.memref_slice %arg4[%add3A_231, %dma_start3A_232] : memref<320000x32xf32, #tpu.memory_space<hbm>> -> memref<1000x32xf32, #tpu.memory_space<hbm>>
        %dma_start3A_234 = arith.constant 0 : i32
        %dma_start3A_235 = tpu.memref_slice %arg4[%add3A_231, %dma_start3A_234] : memref<320000x32xf32, #tpu.memory_space<hbm>> -> memref<1000x32xf32, #tpu.memory_space<hbm>>
        tpu.enqueue_dma source(%arg6 : memref<1000x32xf32, #tpu.memory_space<vmem>>) target(%dma_start3A_235 : memref<1000x32xf32, #tpu.memory_space<hbm>>) target_semaphore(%run_scoped3A : memref<!tpu.dma_semaphore, #tpu.memory_space<semaphore_mem>>)
        %dma_wait3A_236 = arith.constant 0 : i32
        %dma_wait3A_237 = tpu.memref_slice %arg4[%add3A_231, %dma_wait3A_236] : memref<320000x32xf32, #tpu.memory_space<hbm>> -> memref<1000x32xf32, #tpu.memory_space<hbm>>
        %dma_wait3A_238 = arith.constant 0 : i32
        %dma_wait3A_239 = tpu.memref_slice %arg4[%add3A_231, %dma_wait3A_238] : memref<320000x32xf32, #tpu.memory_space<hbm>> -> memref<1000x32xf32, #tpu.memory_space<hbm>>
        tpu.wait_dma2 semaphore(%run_scoped3A : memref<!tpu.dma_semaphore, #tpu.memory_space<semaphore_mem>>) src(%arg6 : memref<1000x32xf32, #tpu.memory_space<vmem>>) dst(%dma_wait3A_239 : memref<1000x32xf32, #tpu.memory_space<hbm>>)
        tpu.yield
      }) : () -> ()
    }
    %scan3A_7 = arith.constant 10 : i32
    return
  }
}

#map = affine_map<(d0, d1) -> (0, 0)>
#map1 = affine_map<(d0, d1) -> (0, 0, 0)>
module attributes {stable_mosaic.version = 14 : i64} {
  func.func @_sc_ones_scatter_body(%arg0: i32, %arg1: i32, %arg2: memref<1000x32xf32, #tpu.memory_space<hbm>>, %arg3: memref<32x100x100xi32, #tpu.memory_space<hbm>>, %arg4: memref<10000x32xf32, #tpu.memory_space<hbm>>, %arg5: memref<2x10000x32xf32, #tpu.memory_space<hbm>>, %arg6: memref<100x100xi32, #tpu.memory_space<vmem>>, %arg7: memref<1000x32xf32, #tpu.memory_space<vmem>>, %arg8: memref<10000x32xf32, #tpu.memory_space<vmem_shared>>, %arg9: memref<!tpu.dma_semaphore, #tpu.memory_space<semaphore_mem>>) attributes {dimension_semantics = [#tpu.dimension_semantics<core_parallel>, #tpu.dimension_semantics<subcore_parallel>], iteration_bounds = array<i64: 2, 16>, scalar_prefetch = 0 : i64, scratch_operands = 4 : i64, tpu.core_type = #tpu.core_type<sc_vector_subcore>, window_params = [{transform_indices = #map}, {transform_indices = #map1}, {transform_indices = #map}, {transform_indices = #map1}]} {
    %mul3A = arith.constant 2 : i32
    %mul3A_0 = arith.muli %arg1, %mul3A : i32
    %add3A = arith.addi %mul3A_0, %arg0 : i32
    "tpu.region"() ({
      %run_scoped3A = tpu.sem_alloc : memref<!tpu.dma_semaphore, #tpu.memory_space<semaphore_mem>>
      %dma_start3A = arith.constant 0 : i32
      %dma_start3A_15 = arith.constant 0 : i32
      %dma_start3A_16 = tpu.memref_slice %arg3[%add3A, %dma_start3A, %dma_start3A_15] : memref<32x100x100xi32, #tpu.memory_space<hbm>> -> memref<1x100x100xi32, #tpu.memory_space<hbm>>
      %dma_start3A_17 = tpu.memref_squeeze %dma_start3A_16 : memref<1x100x100xi32, #tpu.memory_space<hbm>> -> memref<100x100xi32, #tpu.memory_space<hbm>>
      %dma_start3A_18 = arith.constant 0 : i32
      %dma_start3A_19 = arith.constant 0 : i32
      %dma_start3A_20 = tpu.memref_slice %arg3[%add3A, %dma_start3A_18, %dma_start3A_19] : memref<32x100x100xi32, #tpu.memory_space<hbm>> -> memref<1x100x100xi32, #tpu.memory_space<hbm>>
      %dma_start3A_21 = tpu.memref_squeeze %dma_start3A_20 : memref<1x100x100xi32, #tpu.memory_space<hbm>> -> memref<100x100xi32, #tpu.memory_space<hbm>>
      tpu.enqueue_dma source(%dma_start3A_21 : memref<100x100xi32, #tpu.memory_space<hbm>>) target(%arg6 : memref<100x100xi32, #tpu.memory_space<vmem>>) target_semaphore(%run_scoped3A : memref<!tpu.dma_semaphore, #tpu.memory_space<semaphore_mem>>)
      %dma_wait3A = arith.constant 0 : i32
      %dma_wait3A_22 = arith.constant 0 : i32
      %dma_wait3A_23 = tpu.memref_slice %arg3[%add3A, %dma_wait3A, %dma_wait3A_22] : memref<32x100x100xi32, #tpu.memory_space<hbm>> -> memref<1x100x100xi32, #tpu.memory_space<hbm>>
      %dma_wait3A_24 = tpu.memref_squeeze %dma_wait3A_23 : memref<1x100x100xi32, #tpu.memory_space<hbm>> -> memref<100x100xi32, #tpu.memory_space<hbm>>
      %dma_wait3A_25 = arith.constant 0 : i32
      %dma_wait3A_26 = arith.constant 0 : i32
      %dma_wait3A_27 = tpu.memref_slice %arg3[%add3A, %dma_wait3A_25, %dma_wait3A_26] : memref<32x100x100xi32, #tpu.memory_space<hbm>> -> memref<1x100x100xi32, #tpu.memory_space<hbm>>
      %dma_wait3A_28 = tpu.memref_squeeze %dma_wait3A_27 : memref<1x100x100xi32, #tpu.memory_space<hbm>> -> memref<100x100xi32, #tpu.memory_space<hbm>>
      tpu.wait_dma2 semaphore(%run_scoped3A : memref<!tpu.dma_semaphore, #tpu.memory_space<semaphore_mem>>) src(%dma_wait3A_28 : memref<100x100xi32, #tpu.memory_space<hbm>>) dst(%arg6 : memref<100x100xi32, #tpu.memory_space<vmem>>)
      tpu.yield
    }) : () -> ()
    %mul3A_1 = arith.constant 625 : i32
    %mul3A_2 = arith.muli %arg1, %mul3A_1 : i32
    %mul3A_3 = arith.constant 625 : i32
    %mul3A_4 = arith.muli %arg1, %mul3A_3 : i32
    "tpu.region"() ({
      %run_scoped3A = tpu.sem_alloc : memref<!tpu.dma_semaphore, #tpu.memory_space<semaphore_mem>>
      %dma_start3A = arith.constant 0 : i32
      %dma_start3A_15 = tpu.memref_slice %arg8[%mul3A_4, %dma_start3A] : memref<10000x32xf32, #tpu.memory_space<vmem_shared>> -> memref<625x32xf32, #tpu.memory_space<vmem_shared>>
      %dma_start3A_16 = arith.constant 0 : i32
      %dma_start3A_17 = tpu.memref_slice %arg4[%mul3A_2, %dma_start3A_16] : memref<10000x32xf32, #tpu.memory_space<hbm>> -> memref<625x32xf32, #tpu.memory_space<hbm>>
      tpu.enqueue_dma source(%dma_start3A_17 : memref<625x32xf32, #tpu.memory_space<hbm>>) target(%dma_start3A_15 : memref<625x32xf32, #tpu.memory_space<vmem_shared>>) target_semaphore(%run_scoped3A : memref<!tpu.dma_semaphore, #tpu.memory_space<semaphore_mem>>)
      %dma_wait3A = arith.constant 0 : i32
      %dma_wait3A_18 = tpu.memref_slice %arg8[%mul3A_4, %dma_wait3A] : memref<10000x32xf32, #tpu.memory_space<vmem_shared>> -> memref<625x32xf32, #tpu.memory_space<vmem_shared>>
      %dma_wait3A_19 = arith.constant 0 : i32
      %dma_wait3A_20 = tpu.memref_slice %arg4[%mul3A_2, %dma_wait3A_19] : memref<10000x32xf32, #tpu.memory_space<hbm>> -> memref<625x32xf32, #tpu.memory_space<hbm>>
      tpu.wait_dma2 semaphore(%run_scoped3A : memref<!tpu.dma_semaphore, #tpu.memory_space<semaphore_mem>>) src(%dma_wait3A_20 : memref<625x32xf32, #tpu.memory_space<hbm>>) dst(%dma_wait3A_18 : memref<625x32xf32, #tpu.memory_space<vmem_shared>>)
      tpu.yield
    }) : () -> ()
    "tpu.region"() ({
      %run_scoped3A = tpu.sem_alloc : memref<!tpu.dma_semaphore, #tpu.memory_space<semaphore_mem>>
      tpu.enqueue_dma source(%arg2 : memref<1000x32xf32, #tpu.memory_space<hbm>>) target(%arg7 : memref<1000x32xf32, #tpu.memory_space<vmem>>) target_semaphore(%run_scoped3A : memref<!tpu.dma_semaphore, #tpu.memory_space<semaphore_mem>>)
      tpu.wait_dma2 semaphore(%run_scoped3A : memref<!tpu.dma_semaphore, #tpu.memory_space<semaphore_mem>>) src(%arg2 : memref<1000x32xf32, #tpu.memory_space<hbm>>) dst(%arg7 : memref<1000x32xf32, #tpu.memory_space<vmem>>)
      tpu.yield
    }) : () -> ()
    %barrier3A = arith.constant 0 : index
    tpu.barrier barrier_id(%barrier3A)
    %scan3A = arith.constant 0 : i32
    %scan3A_5 = arith.constant 0 : i32
    %scan3A_6 = arith.constant 10 : i32
    %scan3A_7 = arith.addi %scan3A_5, %scan3A_6 : i32
    %scan3A_8 = arith.constant 1 : i32
    scf.for %scan3A_15 = %scan3A_5 to %scan3A_7 step %scan3A_8  : i32 {
      %mul3A_16 = arith.constant 10 : i32
      %mul3A_17 = arith.muli %scan3A_15, %mul3A_16 : i32
      %add3A_18 = arith.constant 0 : i32
      %add3A_19 = arith.addi %mul3A_17, %add3A_18 : i32
      %dma_start3A = arith.constant 0 : i32
      %dma_start3A_20 = arith.constant 0 : i32
      %dma_start3A_21 = tpu.memref_slice %arg7[%dma_start3A, %dma_start3A_20] : memref<1000x32xf32, #tpu.memory_space<vmem>> -> memref<100x32xf32, #tpu.memory_space<vmem>>
      %dma_start3A_22 = arith.constant 0 : i32
      %dma_start3A_23 = tpu.memref_slice %arg6[%add3A_19, %dma_start3A_22] : memref<100x100xi32, #tpu.memory_space<vmem>> -> memref<1x100xi32, #tpu.memory_space<vmem>>
      %dma_start3A_24 = tpu.memref_squeeze %dma_start3A_23 : memref<1x100xi32, #tpu.memory_space<vmem>> -> memref<100xi32, #tpu.memory_space<vmem>>
      %dma_start3A_25 = arith.constant 0 : i32
      %dma_start3A_26 = arith.constant 0 : i32
      %dma_start3A_27 = tpu.memref_slice %arg8[%dma_start3A_25, %dma_start3A_26] : memref<10000x32xf32, #tpu.memory_space<vmem_shared>> -> memref<10000x32xf32, #tpu.memory_space<vmem_shared>>
      tpu.enqueue_indirect_dma source(%dma_start3A_21 : memref<100x32xf32, #tpu.memory_space<vmem>>) target(%dma_start3A_27 : memref<10000x32xf32, #tpu.memory_space<vmem_shared>>) offsets(%dma_start3A_24 : memref<100xi32, #tpu.memory_space<vmem>>) semaphore(%arg9 : memref<!tpu.dma_semaphore, #tpu.memory_space<semaphore_mem>>) {add = true}
      %add3A_28 = arith.constant 1 : i32
      %add3A_29 = arith.addi %mul3A_17, %add3A_28 : i32
      %dma_start3A_30 = arith.constant 100 : i32
      %dma_start3A_31 = arith.constant 0 : i32
      %dma_start3A_32 = tpu.memref_slice %arg7[%dma_start3A_30, %dma_start3A_31] : memref<1000x32xf32, #tpu.memory_space<vmem>> -> memref<100x32xf32, #tpu.memory_space<vmem>>
      %dma_start3A_33 = arith.constant 0 : i32
      %dma_start3A_34 = tpu.memref_slice %arg6[%add3A_29, %dma_start3A_33] : memref<100x100xi32, #tpu.memory_space<vmem>> -> memref<1x100xi32, #tpu.memory_space<vmem>>
      %dma_start3A_35 = tpu.memref_squeeze %dma_start3A_34 : memref<1x100xi32, #tpu.memory_space<vmem>> -> memref<100xi32, #tpu.memory_space<vmem>>
      %dma_start3A_36 = arith.constant 0 : i32
      %dma_start3A_37 = arith.constant 0 : i32
      %dma_start3A_38 = tpu.memref_slice %arg8[%dma_start3A_36, %dma_start3A_37] : memref<10000x32xf32, #tpu.memory_space<vmem_shared>> -> memref<10000x32xf32, #tpu.memory_space<vmem_shared>>
      tpu.enqueue_indirect_dma source(%dma_start3A_32 : memref<100x32xf32, #tpu.memory_space<vmem>>) target(%dma_start3A_38 : memref<10000x32xf32, #tpu.memory_space<vmem_shared>>) offsets(%dma_start3A_35 : memref<100xi32, #tpu.memory_space<vmem>>) semaphore(%arg9 : memref<!tpu.dma_semaphore, #tpu.memory_space<semaphore_mem>>) {add = true}
      %add3A_39 = arith.constant 2 : i32
      %add3A_40 = arith.addi %mul3A_17, %add3A_39 : i32
      %dma_start3A_41 = arith.constant 200 : i32
      %dma_start3A_42 = arith.constant 0 : i32
      %dma_start3A_43 = tpu.memref_slice %arg7[%dma_start3A_41, %dma_start3A_42] : memref<1000x32xf32, #tpu.memory_space<vmem>> -> memref<100x32xf32, #tpu.memory_space<vmem>>
      %dma_start3A_44 = arith.constant 0 : i32
      %dma_start3A_45 = tpu.memref_slice %arg6[%add3A_40, %dma_start3A_44] : memref<100x100xi32, #tpu.memory_space<vmem>> -> memref<1x100xi32, #tpu.memory_space<vmem>>
      %dma_start3A_46 = tpu.memref_squeeze %dma_start3A_45 : memref<1x100xi32, #tpu.memory_space<vmem>> -> memref<100xi32, #tpu.memory_space<vmem>>
      %dma_start3A_47 = arith.constant 0 : i32
      %dma_start3A_48 = arith.constant 0 : i32
      %dma_start3A_49 = tpu.memref_slice %arg8[%dma_start3A_47, %dma_start3A_48] : memref<10000x32xf32, #tpu.memory_space<vmem_shared>> -> memref<10000x32xf32, #tpu.memory_space<vmem_shared>>
      tpu.enqueue_indirect_dma source(%dma_start3A_43 : memref<100x32xf32, #tpu.memory_space<vmem>>) target(%dma_start3A_49 : memref<10000x32xf32, #tpu.memory_space<vmem_shared>>) offsets(%dma_start3A_46 : memref<100xi32, #tpu.memory_space<vmem>>) semaphore(%arg9 : memref<!tpu.dma_semaphore, #tpu.memory_space<semaphore_mem>>) {add = true}
      %add3A_50 = arith.constant 3 : i32
      %add3A_51 = arith.addi %mul3A_17, %add3A_50 : i32
      %dma_start3A_52 = arith.constant 300 : i32
      %dma_start3A_53 = arith.constant 0 : i32
      %dma_start3A_54 = tpu.memref_slice %arg7[%dma_start3A_52, %dma_start3A_53] : memref<1000x32xf32, #tpu.memory_space<vmem>> -> memref<100x32xf32, #tpu.memory_space<vmem>>
      %dma_start3A_55 = arith.constant 0 : i32
      %dma_start3A_56 = tpu.memref_slice %arg6[%add3A_51, %dma_start3A_55] : memref<100x100xi32, #tpu.memory_space<vmem>> -> memref<1x100xi32, #tpu.memory_space<vmem>>
      %dma_start3A_57 = tpu.memref_squeeze %dma_start3A_56 : memref<1x100xi32, #tpu.memory_space<vmem>> -> memref<100xi32, #tpu.memory_space<vmem>>
      %dma_start3A_58 = arith.constant 0 : i32
      %dma_start3A_59 = arith.constant 0 : i32
      %dma_start3A_60 = tpu.memref_slice %arg8[%dma_start3A_58, %dma_start3A_59] : memref<10000x32xf32, #tpu.memory_space<vmem_shared>> -> memref<10000x32xf32, #tpu.memory_space<vmem_shared>>
      tpu.enqueue_indirect_dma source(%dma_start3A_54 : memref<100x32xf32, #tpu.memory_space<vmem>>) target(%dma_start3A_60 : memref<10000x32xf32, #tpu.memory_space<vmem_shared>>) offsets(%dma_start3A_57 : memref<100xi32, #tpu.memory_space<vmem>>) semaphore(%arg9 : memref<!tpu.dma_semaphore, #tpu.memory_space<semaphore_mem>>) {add = true}
      %add3A_61 = arith.constant 4 : i32
      %add3A_62 = arith.addi %mul3A_17, %add3A_61 : i32
      %dma_start3A_63 = arith.constant 400 : i32
      %dma_start3A_64 = arith.constant 0 : i32
      %dma_start3A_65 = tpu.memref_slice %arg7[%dma_start3A_63, %dma_start3A_64] : memref<1000x32xf32, #tpu.memory_space<vmem>> -> memref<100x32xf32, #tpu.memory_space<vmem>>
      %dma_start3A_66 = arith.constant 0 : i32
      %dma_start3A_67 = tpu.memref_slice %arg6[%add3A_62, %dma_start3A_66] : memref<100x100xi32, #tpu.memory_space<vmem>> -> memref<1x100xi32, #tpu.memory_space<vmem>>
      %dma_start3A_68 = tpu.memref_squeeze %dma_start3A_67 : memref<1x100xi32, #tpu.memory_space<vmem>> -> memref<100xi32, #tpu.memory_space<vmem>>
      %dma_start3A_69 = arith.constant 0 : i32
      %dma_start3A_70 = arith.constant 0 : i32
      %dma_start3A_71 = tpu.memref_slice %arg8[%dma_start3A_69, %dma_start3A_70] : memref<10000x32xf32, #tpu.memory_space<vmem_shared>> -> memref<10000x32xf32, #tpu.memory_space<vmem_shared>>
      tpu.enqueue_indirect_dma source(%dma_start3A_65 : memref<100x32xf32, #tpu.memory_space<vmem>>) target(%dma_start3A_71 : memref<10000x32xf32, #tpu.memory_space<vmem_shared>>) offsets(%dma_start3A_68 : memref<100xi32, #tpu.memory_space<vmem>>) semaphore(%arg9 : memref<!tpu.dma_semaphore, #tpu.memory_space<semaphore_mem>>) {add = true}
      %add3A_72 = arith.constant 5 : i32
      %add3A_73 = arith.addi %mul3A_17, %add3A_72 : i32
      %dma_start3A_74 = arith.constant 500 : i32
      %dma_start3A_75 = arith.constant 0 : i32
      %dma_start3A_76 = tpu.memref_slice %arg7[%dma_start3A_74, %dma_start3A_75] : memref<1000x32xf32, #tpu.memory_space<vmem>> -> memref<100x32xf32, #tpu.memory_space<vmem>>
      %dma_start3A_77 = arith.constant 0 : i32
      %dma_start3A_78 = tpu.memref_slice %arg6[%add3A_73, %dma_start3A_77] : memref<100x100xi32, #tpu.memory_space<vmem>> -> memref<1x100xi32, #tpu.memory_space<vmem>>
      %dma_start3A_79 = tpu.memref_squeeze %dma_start3A_78 : memref<1x100xi32, #tpu.memory_space<vmem>> -> memref<100xi32, #tpu.memory_space<vmem>>
      %dma_start3A_80 = arith.constant 0 : i32
      %dma_start3A_81 = arith.constant 0 : i32
      %dma_start3A_82 = tpu.memref_slice %arg8[%dma_start3A_80, %dma_start3A_81] : memref<10000x32xf32, #tpu.memory_space<vmem_shared>> -> memref<10000x32xf32, #tpu.memory_space<vmem_shared>>
      tpu.enqueue_indirect_dma source(%dma_start3A_76 : memref<100x32xf32, #tpu.memory_space<vmem>>) target(%dma_start3A_82 : memref<10000x32xf32, #tpu.memory_space<vmem_shared>>) offsets(%dma_start3A_79 : memref<100xi32, #tpu.memory_space<vmem>>) semaphore(%arg9 : memref<!tpu.dma_semaphore, #tpu.memory_space<semaphore_mem>>) {add = true}
      %add3A_83 = arith.constant 6 : i32
      %add3A_84 = arith.addi %mul3A_17, %add3A_83 : i32
      %dma_start3A_85 = arith.constant 600 : i32
      %dma_start3A_86 = arith.constant 0 : i32
      %dma_start3A_87 = tpu.memref_slice %arg7[%dma_start3A_85, %dma_start3A_86] : memref<1000x32xf32, #tpu.memory_space<vmem>> -> memref<100x32xf32, #tpu.memory_space<vmem>>
      %dma_start3A_88 = arith.constant 0 : i32
      %dma_start3A_89 = tpu.memref_slice %arg6[%add3A_84, %dma_start3A_88] : memref<100x100xi32, #tpu.memory_space<vmem>> -> memref<1x100xi32, #tpu.memory_space<vmem>>
      %dma_start3A_90 = tpu.memref_squeeze %dma_start3A_89 : memref<1x100xi32, #tpu.memory_space<vmem>> -> memref<100xi32, #tpu.memory_space<vmem>>
      %dma_start3A_91 = arith.constant 0 : i32
      %dma_start3A_92 = arith.constant 0 : i32
      %dma_start3A_93 = tpu.memref_slice %arg8[%dma_start3A_91, %dma_start3A_92] : memref<10000x32xf32, #tpu.memory_space<vmem_shared>> -> memref<10000x32xf32, #tpu.memory_space<vmem_shared>>
      tpu.enqueue_indirect_dma source(%dma_start3A_87 : memref<100x32xf32, #tpu.memory_space<vmem>>) target(%dma_start3A_93 : memref<10000x32xf32, #tpu.memory_space<vmem_shared>>) offsets(%dma_start3A_90 : memref<100xi32, #tpu.memory_space<vmem>>) semaphore(%arg9 : memref<!tpu.dma_semaphore, #tpu.memory_space<semaphore_mem>>) {add = true}
      %add3A_94 = arith.constant 7 : i32
      %add3A_95 = arith.addi %mul3A_17, %add3A_94 : i32
      %dma_start3A_96 = arith.constant 700 : i32
      %dma_start3A_97 = arith.constant 0 : i32
      %dma_start3A_98 = tpu.memref_slice %arg7[%dma_start3A_96, %dma_start3A_97] : memref<1000x32xf32, #tpu.memory_space<vmem>> -> memref<100x32xf32, #tpu.memory_space<vmem>>
      %dma_start3A_99 = arith.constant 0 : i32
      %dma_start3A_100 = tpu.memref_slice %arg6[%add3A_95, %dma_start3A_99] : memref<100x100xi32, #tpu.memory_space<vmem>> -> memref<1x100xi32, #tpu.memory_space<vmem>>
      %dma_start3A_101 = tpu.memref_squeeze %dma_start3A_100 : memref<1x100xi32, #tpu.memory_space<vmem>> -> memref<100xi32, #tpu.memory_space<vmem>>
      %dma_start3A_102 = arith.constant 0 : i32
      %dma_start3A_103 = arith.constant 0 : i32
      %dma_start3A_104 = tpu.memref_slice %arg8[%dma_start3A_102, %dma_start3A_103] : memref<10000x32xf32, #tpu.memory_space<vmem_shared>> -> memref<10000x32xf32, #tpu.memory_space<vmem_shared>>
      tpu.enqueue_indirect_dma source(%dma_start3A_98 : memref<100x32xf32, #tpu.memory_space<vmem>>) target(%dma_start3A_104 : memref<10000x32xf32, #tpu.memory_space<vmem_shared>>) offsets(%dma_start3A_101 : memref<100xi32, #tpu.memory_space<vmem>>) semaphore(%arg9 : memref<!tpu.dma_semaphore, #tpu.memory_space<semaphore_mem>>) {add = true}
      %add3A_105 = arith.constant 8 : i32
      %add3A_106 = arith.addi %mul3A_17, %add3A_105 : i32
      %dma_start3A_107 = arith.constant 800 : i32
      %dma_start3A_108 = arith.constant 0 : i32
      %dma_start3A_109 = tpu.memref_slice %arg7[%dma_start3A_107, %dma_start3A_108] : memref<1000x32xf32, #tpu.memory_space<vmem>> -> memref<100x32xf32, #tpu.memory_space<vmem>>
      %dma_start3A_110 = arith.constant 0 : i32
      %dma_start3A_111 = tpu.memref_slice %arg6[%add3A_106, %dma_start3A_110] : memref<100x100xi32, #tpu.memory_space<vmem>> -> memref<1x100xi32, #tpu.memory_space<vmem>>
      %dma_start3A_112 = tpu.memref_squeeze %dma_start3A_111 : memref<1x100xi32, #tpu.memory_space<vmem>> -> memref<100xi32, #tpu.memory_space<vmem>>
      %dma_start3A_113 = arith.constant 0 : i32
      %dma_start3A_114 = arith.constant 0 : i32
      %dma_start3A_115 = tpu.memref_slice %arg8[%dma_start3A_113, %dma_start3A_114] : memref<10000x32xf32, #tpu.memory_space<vmem_shared>> -> memref<10000x32xf32, #tpu.memory_space<vmem_shared>>
      tpu.enqueue_indirect_dma source(%dma_start3A_109 : memref<100x32xf32, #tpu.memory_space<vmem>>) target(%dma_start3A_115 : memref<10000x32xf32, #tpu.memory_space<vmem_shared>>) offsets(%dma_start3A_112 : memref<100xi32, #tpu.memory_space<vmem>>) semaphore(%arg9 : memref<!tpu.dma_semaphore, #tpu.memory_space<semaphore_mem>>) {add = true}
      %add3A_116 = arith.constant 9 : i32
      %add3A_117 = arith.addi %mul3A_17, %add3A_116 : i32
      %dma_start3A_118 = arith.constant 900 : i32
      %dma_start3A_119 = arith.constant 0 : i32
      %dma_start3A_120 = tpu.memref_slice %arg7[%dma_start3A_118, %dma_start3A_119] : memref<1000x32xf32, #tpu.memory_space<vmem>> -> memref<100x32xf32, #tpu.memory_space<vmem>>
      %dma_start3A_121 = arith.constant 0 : i32
      %dma_start3A_122 = tpu.memref_slice %arg6[%add3A_117, %dma_start3A_121] : memref<100x100xi32, #tpu.memory_space<vmem>> -> memref<1x100xi32, #tpu.memory_space<vmem>>
      %dma_start3A_123 = tpu.memref_squeeze %dma_start3A_122 : memref<1x100xi32, #tpu.memory_space<vmem>> -> memref<100xi32, #tpu.memory_space<vmem>>
      %dma_start3A_124 = arith.constant 0 : i32
      %dma_start3A_125 = arith.constant 0 : i32
      %dma_start3A_126 = tpu.memref_slice %arg8[%dma_start3A_124, %dma_start3A_125] : memref<10000x32xf32, #tpu.memory_space<vmem_shared>> -> memref<10000x32xf32, #tpu.memory_space<vmem_shared>>
      tpu.enqueue_indirect_dma source(%dma_start3A_120 : memref<100x32xf32, #tpu.memory_space<vmem>>) target(%dma_start3A_126 : memref<10000x32xf32, #tpu.memory_space<vmem_shared>>) offsets(%dma_start3A_123 : memref<100xi32, #tpu.memory_space<vmem>>) semaphore(%arg9 : memref<!tpu.dma_semaphore, #tpu.memory_space<semaphore_mem>>) {add = true}
      %add3A_127 = arith.constant 0 : i32
      %add3A_128 = arith.addi %mul3A_17, %add3A_127 : i32
      %dma_wait3A = arith.constant 0 : i32
      %dma_wait3A_129 = arith.constant 0 : i32
      %dma_wait3A_130 = tpu.memref_slice %arg7[%dma_wait3A, %dma_wait3A_129] : memref<1000x32xf32, #tpu.memory_space<vmem>> -> memref<100x32xf32, #tpu.memory_space<vmem>>
      %dma_wait3A_131 = arith.constant 0 : i32
      %dma_wait3A_132 = tpu.memref_slice %arg6[%add3A_128, %dma_wait3A_131] : memref<100x100xi32, #tpu.memory_space<vmem>> -> memref<1x100xi32, #tpu.memory_space<vmem>>
      %dma_wait3A_133 = tpu.memref_squeeze %dma_wait3A_132 : memref<1x100xi32, #tpu.memory_space<vmem>> -> memref<100xi32, #tpu.memory_space<vmem>>
      %dma_wait3A_134 = arith.constant 0 : i32
      %dma_wait3A_135 = arith.constant 0 : i32
      %dma_wait3A_136 = tpu.memref_slice %arg8[%dma_wait3A_134, %dma_wait3A_135] : memref<10000x32xf32, #tpu.memory_space<vmem_shared>> -> memref<10000x32xf32, #tpu.memory_space<vmem_shared>>
      tpu.wait_indirect_dma semaphore(%arg9 : memref<!tpu.dma_semaphore, #tpu.memory_space<semaphore_mem>>) src(%dma_wait3A_130 : memref<100x32xf32, #tpu.memory_space<vmem>>) dst(%dma_wait3A_136 : memref<10000x32xf32, #tpu.memory_space<vmem_shared>>)
      %add3A_137 = arith.constant 1 : i32
      %add3A_138 = arith.addi %mul3A_17, %add3A_137 : i32
      %dma_wait3A_139 = arith.constant 100 : i32
      %dma_wait3A_140 = arith.constant 0 : i32
      %dma_wait3A_141 = tpu.memref_slice %arg7[%dma_wait3A_139, %dma_wait3A_140] : memref<1000x32xf32, #tpu.memory_space<vmem>> -> memref<100x32xf32, #tpu.memory_space<vmem>>
      %dma_wait3A_142 = arith.constant 0 : i32
      %dma_wait3A_143 = tpu.memref_slice %arg6[%add3A_138, %dma_wait3A_142] : memref<100x100xi32, #tpu.memory_space<vmem>> -> memref<1x100xi32, #tpu.memory_space<vmem>>
      %dma_wait3A_144 = tpu.memref_squeeze %dma_wait3A_143 : memref<1x100xi32, #tpu.memory_space<vmem>> -> memref<100xi32, #tpu.memory_space<vmem>>
      %dma_wait3A_145 = arith.constant 0 : i32
      %dma_wait3A_146 = arith.constant 0 : i32
      %dma_wait3A_147 = tpu.memref_slice %arg8[%dma_wait3A_145, %dma_wait3A_146] : memref<10000x32xf32, #tpu.memory_space<vmem_shared>> -> memref<10000x32xf32, #tpu.memory_space<vmem_shared>>
      tpu.wait_indirect_dma semaphore(%arg9 : memref<!tpu.dma_semaphore, #tpu.memory_space<semaphore_mem>>) src(%dma_wait3A_141 : memref<100x32xf32, #tpu.memory_space<vmem>>) dst(%dma_wait3A_147 : memref<10000x32xf32, #tpu.memory_space<vmem_shared>>)
      %add3A_148 = arith.constant 2 : i32
      %add3A_149 = arith.addi %mul3A_17, %add3A_148 : i32
      %dma_wait3A_150 = arith.constant 200 : i32
      %dma_wait3A_151 = arith.constant 0 : i32
      %dma_wait3A_152 = tpu.memref_slice %arg7[%dma_wait3A_150, %dma_wait3A_151] : memref<1000x32xf32, #tpu.memory_space<vmem>> -> memref<100x32xf32, #tpu.memory_space<vmem>>
      %dma_wait3A_153 = arith.constant 0 : i32
      %dma_wait3A_154 = tpu.memref_slice %arg6[%add3A_149, %dma_wait3A_153] : memref<100x100xi32, #tpu.memory_space<vmem>> -> memref<1x100xi32, #tpu.memory_space<vmem>>
      %dma_wait3A_155 = tpu.memref_squeeze %dma_wait3A_154 : memref<1x100xi32, #tpu.memory_space<vmem>> -> memref<100xi32, #tpu.memory_space<vmem>>
      %dma_wait3A_156 = arith.constant 0 : i32
      %dma_wait3A_157 = arith.constant 0 : i32
      %dma_wait3A_158 = tpu.memref_slice %arg8[%dma_wait3A_156, %dma_wait3A_157] : memref<10000x32xf32, #tpu.memory_space<vmem_shared>> -> memref<10000x32xf32, #tpu.memory_space<vmem_shared>>
      tpu.wait_indirect_dma semaphore(%arg9 : memref<!tpu.dma_semaphore, #tpu.memory_space<semaphore_mem>>) src(%dma_wait3A_152 : memref<100x32xf32, #tpu.memory_space<vmem>>) dst(%dma_wait3A_158 : memref<10000x32xf32, #tpu.memory_space<vmem_shared>>)
      %add3A_159 = arith.constant 3 : i32
      %add3A_160 = arith.addi %mul3A_17, %add3A_159 : i32
      %dma_wait3A_161 = arith.constant 300 : i32
      %dma_wait3A_162 = arith.constant 0 : i32
      %dma_wait3A_163 = tpu.memref_slice %arg7[%dma_wait3A_161, %dma_wait3A_162] : memref<1000x32xf32, #tpu.memory_space<vmem>> -> memref<100x32xf32, #tpu.memory_space<vmem>>
      %dma_wait3A_164 = arith.constant 0 : i32
      %dma_wait3A_165 = tpu.memref_slice %arg6[%add3A_160, %dma_wait3A_164] : memref<100x100xi32, #tpu.memory_space<vmem>> -> memref<1x100xi32, #tpu.memory_space<vmem>>
      %dma_wait3A_166 = tpu.memref_squeeze %dma_wait3A_165 : memref<1x100xi32, #tpu.memory_space<vmem>> -> memref<100xi32, #tpu.memory_space<vmem>>
      %dma_wait3A_167 = arith.constant 0 : i32
      %dma_wait3A_168 = arith.constant 0 : i32
      %dma_wait3A_169 = tpu.memref_slice %arg8[%dma_wait3A_167, %dma_wait3A_168] : memref<10000x32xf32, #tpu.memory_space<vmem_shared>> -> memref<10000x32xf32, #tpu.memory_space<vmem_shared>>
      tpu.wait_indirect_dma semaphore(%arg9 : memref<!tpu.dma_semaphore, #tpu.memory_space<semaphore_mem>>) src(%dma_wait3A_163 : memref<100x32xf32, #tpu.memory_space<vmem>>) dst(%dma_wait3A_169 : memref<10000x32xf32, #tpu.memory_space<vmem_shared>>)
      %add3A_170 = arith.constant 4 : i32
      %add3A_171 = arith.addi %mul3A_17, %add3A_170 : i32
      %dma_wait3A_172 = arith.constant 400 : i32
      %dma_wait3A_173 = arith.constant 0 : i32
      %dma_wait3A_174 = tpu.memref_slice %arg7[%dma_wait3A_172, %dma_wait3A_173] : memref<1000x32xf32, #tpu.memory_space<vmem>> -> memref<100x32xf32, #tpu.memory_space<vmem>>
      %dma_wait3A_175 = arith.constant 0 : i32
      %dma_wait3A_176 = tpu.memref_slice %arg6[%add3A_171, %dma_wait3A_175] : memref<100x100xi32, #tpu.memory_space<vmem>> -> memref<1x100xi32, #tpu.memory_space<vmem>>
      %dma_wait3A_177 = tpu.memref_squeeze %dma_wait3A_176 : memref<1x100xi32, #tpu.memory_space<vmem>> -> memref<100xi32, #tpu.memory_space<vmem>>
      %dma_wait3A_178 = arith.constant 0 : i32
      %dma_wait3A_179 = arith.constant 0 : i32
      %dma_wait3A_180 = tpu.memref_slice %arg8[%dma_wait3A_178, %dma_wait3A_179] : memref<10000x32xf32, #tpu.memory_space<vmem_shared>> -> memref<10000x32xf32, #tpu.memory_space<vmem_shared>>
      tpu.wait_indirect_dma semaphore(%arg9 : memref<!tpu.dma_semaphore, #tpu.memory_space<semaphore_mem>>) src(%dma_wait3A_174 : memref<100x32xf32, #tpu.memory_space<vmem>>) dst(%dma_wait3A_180 : memref<10000x32xf32, #tpu.memory_space<vmem_shared>>)
      %add3A_181 = arith.constant 5 : i32
      %add3A_182 = arith.addi %mul3A_17, %add3A_181 : i32
      %dma_wait3A_183 = arith.constant 500 : i32
      %dma_wait3A_184 = arith.constant 0 : i32
      %dma_wait3A_185 = tpu.memref_slice %arg7[%dma_wait3A_183, %dma_wait3A_184] : memref<1000x32xf32, #tpu.memory_space<vmem>> -> memref<100x32xf32, #tpu.memory_space<vmem>>
      %dma_wait3A_186 = arith.constant 0 : i32
      %dma_wait3A_187 = tpu.memref_slice %arg6[%add3A_182, %dma_wait3A_186] : memref<100x100xi32, #tpu.memory_space<vmem>> -> memref<1x100xi32, #tpu.memory_space<vmem>>
      %dma_wait3A_188 = tpu.memref_squeeze %dma_wait3A_187 : memref<1x100xi32, #tpu.memory_space<vmem>> -> memref<100xi32, #tpu.memory_space<vmem>>
      %dma_wait3A_189 = arith.constant 0 : i32
      %dma_wait3A_190 = arith.constant 0 : i32
      %dma_wait3A_191 = tpu.memref_slice %arg8[%dma_wait3A_189, %dma_wait3A_190] : memref<10000x32xf32, #tpu.memory_space<vmem_shared>> -> memref<10000x32xf32, #tpu.memory_space<vmem_shared>>
      tpu.wait_indirect_dma semaphore(%arg9 : memref<!tpu.dma_semaphore, #tpu.memory_space<semaphore_mem>>) src(%dma_wait3A_185 : memref<100x32xf32, #tpu.memory_space<vmem>>) dst(%dma_wait3A_191 : memref<10000x32xf32, #tpu.memory_space<vmem_shared>>)
      %add3A_192 = arith.constant 6 : i32
      %add3A_193 = arith.addi %mul3A_17, %add3A_192 : i32
      %dma_wait3A_194 = arith.constant 600 : i32
      %dma_wait3A_195 = arith.constant 0 : i32
      %dma_wait3A_196 = tpu.memref_slice %arg7[%dma_wait3A_194, %dma_wait3A_195] : memref<1000x32xf32, #tpu.memory_space<vmem>> -> memref<100x32xf32, #tpu.memory_space<vmem>>
      %dma_wait3A_197 = arith.constant 0 : i32
      %dma_wait3A_198 = tpu.memref_slice %arg6[%add3A_193, %dma_wait3A_197] : memref<100x100xi32, #tpu.memory_space<vmem>> -> memref<1x100xi32, #tpu.memory_space<vmem>>
      %dma_wait3A_199 = tpu.memref_squeeze %dma_wait3A_198 : memref<1x100xi32, #tpu.memory_space<vmem>> -> memref<100xi32, #tpu.memory_space<vmem>>
      %dma_wait3A_200 = arith.constant 0 : i32
      %dma_wait3A_201 = arith.constant 0 : i32
      %dma_wait3A_202 = tpu.memref_slice %arg8[%dma_wait3A_200, %dma_wait3A_201] : memref<10000x32xf32, #tpu.memory_space<vmem_shared>> -> memref<10000x32xf32, #tpu.memory_space<vmem_shared>>
      tpu.wait_indirect_dma semaphore(%arg9 : memref<!tpu.dma_semaphore, #tpu.memory_space<semaphore_mem>>) src(%dma_wait3A_196 : memref<100x32xf32, #tpu.memory_space<vmem>>) dst(%dma_wait3A_202 : memref<10000x32xf32, #tpu.memory_space<vmem_shared>>)
      %add3A_203 = arith.constant 7 : i32
      %add3A_204 = arith.addi %mul3A_17, %add3A_203 : i32
      %dma_wait3A_205 = arith.constant 700 : i32
      %dma_wait3A_206 = arith.constant 0 : i32
      %dma_wait3A_207 = tpu.memref_slice %arg7[%dma_wait3A_205, %dma_wait3A_206] : memref<1000x32xf32, #tpu.memory_space<vmem>> -> memref<100x32xf32, #tpu.memory_space<vmem>>
      %dma_wait3A_208 = arith.constant 0 : i32
      %dma_wait3A_209 = tpu.memref_slice %arg6[%add3A_204, %dma_wait3A_208] : memref<100x100xi32, #tpu.memory_space<vmem>> -> memref<1x100xi32, #tpu.memory_space<vmem>>
      %dma_wait3A_210 = tpu.memref_squeeze %dma_wait3A_209 : memref<1x100xi32, #tpu.memory_space<vmem>> -> memref<100xi32, #tpu.memory_space<vmem>>
      %dma_wait3A_211 = arith.constant 0 : i32
      %dma_wait3A_212 = arith.constant 0 : i32
      %dma_wait3A_213 = tpu.memref_slice %arg8[%dma_wait3A_211, %dma_wait3A_212] : memref<10000x32xf32, #tpu.memory_space<vmem_shared>> -> memref<10000x32xf32, #tpu.memory_space<vmem_shared>>
      tpu.wait_indirect_dma semaphore(%arg9 : memref<!tpu.dma_semaphore, #tpu.memory_space<semaphore_mem>>) src(%dma_wait3A_207 : memref<100x32xf32, #tpu.memory_space<vmem>>) dst(%dma_wait3A_213 : memref<10000x32xf32, #tpu.memory_space<vmem_shared>>)
      %add3A_214 = arith.constant 8 : i32
      %add3A_215 = arith.addi %mul3A_17, %add3A_214 : i32
      %dma_wait3A_216 = arith.constant 800 : i32
      %dma_wait3A_217 = arith.constant 0 : i32
      %dma_wait3A_218 = tpu.memref_slice %arg7[%dma_wait3A_216, %dma_wait3A_217] : memref<1000x32xf32, #tpu.memory_space<vmem>> -> memref<100x32xf32, #tpu.memory_space<vmem>>
      %dma_wait3A_219 = arith.constant 0 : i32
      %dma_wait3A_220 = tpu.memref_slice %arg6[%add3A_215, %dma_wait3A_219] : memref<100x100xi32, #tpu.memory_space<vmem>> -> memref<1x100xi32, #tpu.memory_space<vmem>>
      %dma_wait3A_221 = tpu.memref_squeeze %dma_wait3A_220 : memref<1x100xi32, #tpu.memory_space<vmem>> -> memref<100xi32, #tpu.memory_space<vmem>>
      %dma_wait3A_222 = arith.constant 0 : i32
      %dma_wait3A_223 = arith.constant 0 : i32
      %dma_wait3A_224 = tpu.memref_slice %arg8[%dma_wait3A_222, %dma_wait3A_223] : memref<10000x32xf32, #tpu.memory_space<vmem_shared>> -> memref<10000x32xf32, #tpu.memory_space<vmem_shared>>
      tpu.wait_indirect_dma semaphore(%arg9 : memref<!tpu.dma_semaphore, #tpu.memory_space<semaphore_mem>>) src(%dma_wait3A_218 : memref<100x32xf32, #tpu.memory_space<vmem>>) dst(%dma_wait3A_224 : memref<10000x32xf32, #tpu.memory_space<vmem_shared>>)
      %add3A_225 = arith.constant 9 : i32
      %add3A_226 = arith.addi %mul3A_17, %add3A_225 : i32
      %dma_wait3A_227 = arith.constant 900 : i32
      %dma_wait3A_228 = arith.constant 0 : i32
      %dma_wait3A_229 = tpu.memref_slice %arg7[%dma_wait3A_227, %dma_wait3A_228] : memref<1000x32xf32, #tpu.memory_space<vmem>> -> memref<100x32xf32, #tpu.memory_space<vmem>>
      %dma_wait3A_230 = arith.constant 0 : i32
      %dma_wait3A_231 = tpu.memref_slice %arg6[%add3A_226, %dma_wait3A_230] : memref<100x100xi32, #tpu.memory_space<vmem>> -> memref<1x100xi32, #tpu.memory_space<vmem>>
      %dma_wait3A_232 = tpu.memref_squeeze %dma_wait3A_231 : memref<1x100xi32, #tpu.memory_space<vmem>> -> memref<100xi32, #tpu.memory_space<vmem>>
      %dma_wait3A_233 = arith.constant 0 : i32
      %dma_wait3A_234 = arith.constant 0 : i32
      %dma_wait3A_235 = tpu.memref_slice %arg8[%dma_wait3A_233, %dma_wait3A_234] : memref<10000x32xf32, #tpu.memory_space<vmem_shared>> -> memref<10000x32xf32, #tpu.memory_space<vmem_shared>>
      tpu.wait_indirect_dma semaphore(%arg9 : memref<!tpu.dma_semaphore, #tpu.memory_space<semaphore_mem>>) src(%dma_wait3A_229 : memref<100x32xf32, #tpu.memory_space<vmem>>) dst(%dma_wait3A_235 : memref<10000x32xf32, #tpu.memory_space<vmem_shared>>)
    }
    %scan3A_9 = arith.constant 10 : i32
    %barrier3A_10 = arith.constant 0 : index
    tpu.barrier barrier_id(%barrier3A_10)
    %mul3A_11 = arith.constant 625 : i32
    %mul3A_12 = arith.muli %arg1, %mul3A_11 : i32
    %mul3A_13 = arith.constant 625 : i32
    %mul3A_14 = arith.muli %arg1, %mul3A_13 : i32
    "tpu.region"() ({
      %run_scoped3A = tpu.sem_alloc : memref<!tpu.dma_semaphore, #tpu.memory_space<semaphore_mem>>
      %dma_start3A = arith.constant 0 : i32
      %dma_start3A_15 = tpu.memref_slice %arg5[%arg0, %mul3A_14, %dma_start3A] : memref<2x10000x32xf32, #tpu.memory_space<hbm>> -> memref<1x625x32xf32, #tpu.memory_space<hbm>>
      %dma_start3A_16 = tpu.memref_squeeze %dma_start3A_15 : memref<1x625x32xf32, #tpu.memory_space<hbm>> -> memref<625x32xf32, #tpu.memory_space<hbm>>
      %dma_start3A_17 = arith.constant 0 : i32
      %dma_start3A_18 = tpu.memref_slice %arg8[%mul3A_12, %dma_start3A_17] : memref<10000x32xf32, #tpu.memory_space<vmem_shared>> -> memref<625x32xf32, #tpu.memory_space<vmem_shared>>
      tpu.enqueue_dma source(%dma_start3A_18 : memref<625x32xf32, #tpu.memory_space<vmem_shared>>) target(%dma_start3A_16 : memref<625x32xf32, #tpu.memory_space<hbm>>) target_semaphore(%run_scoped3A : memref<!tpu.dma_semaphore, #tpu.memory_space<semaphore_mem>>)
      %dma_wait3A = arith.constant 0 : i32
      %dma_wait3A_19 = tpu.memref_slice %arg5[%arg0, %mul3A_14, %dma_wait3A] : memref<2x10000x32xf32, #tpu.memory_space<hbm>> -> memref<1x625x32xf32, #tpu.memory_space<hbm>>
      %dma_wait3A_20 = tpu.memref_squeeze %dma_wait3A_19 : memref<1x625x32xf32, #tpu.memory_space<hbm>> -> memref<625x32xf32, #tpu.memory_space<hbm>>
      %dma_wait3A_21 = arith.constant 0 : i32
      %dma_wait3A_22 = tpu.memref_slice %arg8[%mul3A_12, %dma_wait3A_21] : memref<10000x32xf32, #tpu.memory_space<vmem_shared>> -> memref<625x32xf32, #tpu.memory_space<vmem_shared>>
      tpu.wait_dma2 semaphore(%run_scoped3A : memref<!tpu.dma_semaphore, #tpu.memory_space<semaphore_mem>>) src(%dma_wait3A_22 : memref<625x32xf32, #tpu.memory_space<vmem_shared>>) dst(%dma_wait3A_20 : memref<625x32xf32, #tpu.memory_space<hbm>>)
      tpu.yield
    }) : () -> ()
    return
  }
}

#map = affine_map<(d0, d1) -> (0, 0)>
#map1 = affine_map<(d0, d1) -> (0, 0, 0)>
module attributes {stable_mosaic.version = 14 : i64} {
  func.func @_sc_gather_body(%arg0: i32, %arg1: i32, %arg2: memref<10000x32xf32, #tpu.memory_space<hbm>>, %arg3: memref<32x100x100xi32, #tpu.memory_space<hbm>>, %arg4: memref<320000x32xf32, #tpu.memory_space<hbm>>, %arg5: memref<100x100xi32, #tpu.memory_space<vmem>>, %arg6: memref<1000x32xf32, #tpu.memory_space<vmem>>, %arg7: memref<!tpu.dma_semaphore, #tpu.memory_space<semaphore_mem>>) attributes {dimension_semantics = [#tpu.dimension_semantics<core_parallel>, #tpu.dimension_semantics<subcore_parallel>], iteration_bounds = array<i64: 2, 16>, scalar_prefetch = 0 : i64, scratch_operands = 3 : i64, tpu.core_type = #tpu.core_type<sc_vector_subcore>, window_params = [{transform_indices = #map}, {transform_indices = #map1}, {transform_indices = #map}]} {
    %mul3A = arith.constant 2 : i32
    %mul3A_0 = arith.muli %arg1, %mul3A : i32
    %add3A = arith.addi %mul3A_0, %arg0 : i32
    "tpu.region"() ({
      %run_scoped3A = tpu.sem_alloc : memref<!tpu.dma_semaphore, #tpu.memory_space<semaphore_mem>>
      %dma_start3A = arith.constant 0 : i32
      %dma_start3A_8 = arith.constant 0 : i32
      %dma_start3A_9 = tpu.memref_slice %arg3[%add3A, %dma_start3A, %dma_start3A_8] : memref<32x100x100xi32, #tpu.memory_space<hbm>> -> memref<1x100x100xi32, #tpu.memory_space<hbm>>
      %dma_start3A_10 = tpu.memref_squeeze %dma_start3A_9 : memref<1x100x100xi32, #tpu.memory_space<hbm>> -> memref<100x100xi32, #tpu.memory_space<hbm>>
      %dma_start3A_11 = arith.constant 0 : i32
      %dma_start3A_12 = arith.constant 0 : i32
      %dma_start3A_13 = tpu.memref_slice %arg3[%add3A, %dma_start3A_11, %dma_start3A_12] : memref<32x100x100xi32, #tpu.memory_space<hbm>> -> memref<1x100x100xi32, #tpu.memory_space<hbm>>
      %dma_start3A_14 = tpu.memref_squeeze %dma_start3A_13 : memref<1x100x100xi32, #tpu.memory_space<hbm>> -> memref<100x100xi32, #tpu.memory_space<hbm>>
      tpu.enqueue_dma source(%dma_start3A_14 : memref<100x100xi32, #tpu.memory_space<hbm>>) target(%arg5 : memref<100x100xi32, #tpu.memory_space<vmem>>) target_semaphore(%run_scoped3A : memref<!tpu.dma_semaphore, #tpu.memory_space<semaphore_mem>>)
      %dma_wait3A = arith.constant 0 : i32
      %dma_wait3A_15 = arith.constant 0 : i32
      %dma_wait3A_16 = tpu.memref_slice %arg3[%add3A, %dma_wait3A, %dma_wait3A_15] : memref<32x100x100xi32, #tpu.memory_space<hbm>> -> memref<1x100x100xi32, #tpu.memory_space<hbm>>
      %dma_wait3A_17 = tpu.memref_squeeze %dma_wait3A_16 : memref<1x100x100xi32, #tpu.memory_space<hbm>> -> memref<100x100xi32, #tpu.memory_space<hbm>>
      %dma_wait3A_18 = arith.constant 0 : i32
      %dma_wait3A_19 = arith.constant 0 : i32
      %dma_wait3A_20 = tpu.memref_slice %arg3[%add3A, %dma_wait3A_18, %dma_wait3A_19] : memref<32x100x100xi32, #tpu.memory_space<hbm>> -> memref<1x100x100xi32, #tpu.memory_space<hbm>>
      %dma_wait3A_21 = tpu.memref_squeeze %dma_wait3A_20 : memref<1x100x100xi32, #tpu.memory_space<hbm>> -> memref<100x100xi32, #tpu.memory_space<hbm>>
      tpu.wait_dma2 semaphore(%run_scoped3A : memref<!tpu.dma_semaphore, #tpu.memory_space<semaphore_mem>>) src(%dma_wait3A_21 : memref<100x100xi32, #tpu.memory_space<hbm>>) dst(%arg5 : memref<100x100xi32, #tpu.memory_space<vmem>>)
      tpu.yield
    }) : () -> ()
    %mul3A_1 = arith.constant 10000 : i32
    %mul3A_2 = arith.muli %add3A, %mul3A_1 : i32
    %scan3A = arith.constant 0 : i32
    %scan3A_3 = arith.constant 0 : i32
    %scan3A_4 = arith.constant 10 : i32
    %scan3A_5 = arith.addi %scan3A_3, %scan3A_4 : i32
    %scan3A_6 = arith.constant 1 : i32
    scf.for %scan3A_8 = %scan3A_3 to %scan3A_5 step %scan3A_6  : i32 {
      %mul3A_9 = arith.constant 10 : i32
      %mul3A_10 = arith.muli %scan3A_8, %mul3A_9 : i32
      %add3A_11 = arith.constant 0 : i32
      %add3A_12 = arith.addi %mul3A_10, %add3A_11 : i32
      %dma_start3A = arith.constant 0 : i32
      %dma_start3A_13 = arith.constant 0 : i32
      %dma_start3A_14 = tpu.memref_slice %arg6[%dma_start3A, %dma_start3A_13] : memref<1000x32xf32, #tpu.memory_space<vmem>> -> memref<100x32xf32, #tpu.memory_space<vmem>>
      %dma_start3A_15 = arith.constant 0 : i32
      %dma_start3A_16 = tpu.memref_slice %arg5[%add3A_12, %dma_start3A_15] : memref<100x100xi32, #tpu.memory_space<vmem>> -> memref<1x100xi32, #tpu.memory_space<vmem>>
      %dma_start3A_17 = tpu.memref_squeeze %dma_start3A_16 : memref<1x100xi32, #tpu.memory_space<vmem>> -> memref<100xi32, #tpu.memory_space<vmem>>
      %dma_start3A_18 = arith.constant 0 : i32
      %dma_start3A_19 = arith.constant 0 : i32
      %dma_start3A_20 = tpu.memref_slice %arg2[%dma_start3A_18, %dma_start3A_19] : memref<10000x32xf32, #tpu.memory_space<hbm>> -> memref<10000x32xf32, #tpu.memory_space<hbm>>
      tpu.enqueue_indirect_dma source(%dma_start3A_20 : memref<10000x32xf32, #tpu.memory_space<hbm>>) target(%dma_start3A_14 : memref<100x32xf32, #tpu.memory_space<vmem>>) offsets(%dma_start3A_17 : memref<100xi32, #tpu.memory_space<vmem>>) semaphore(%arg7 : memref<!tpu.dma_semaphore, #tpu.memory_space<semaphore_mem>>)
      %add3A_21 = arith.constant 1 : i32
      %add3A_22 = arith.addi %mul3A_10, %add3A_21 : i32
      %dma_start3A_23 = arith.constant 100 : i32
      %dma_start3A_24 = arith.constant 0 : i32
      %dma_start3A_25 = tpu.memref_slice %arg6[%dma_start3A_23, %dma_start3A_24] : memref<1000x32xf32, #tpu.memory_space<vmem>> -> memref<100x32xf32, #tpu.memory_space<vmem>>
      %dma_start3A_26 = arith.constant 0 : i32
      %dma_start3A_27 = tpu.memref_slice %arg5[%add3A_22, %dma_start3A_26] : memref<100x100xi32, #tpu.memory_space<vmem>> -> memref<1x100xi32, #tpu.memory_space<vmem>>
      %dma_start3A_28 = tpu.memref_squeeze %dma_start3A_27 : memref<1x100xi32, #tpu.memory_space<vmem>> -> memref<100xi32, #tpu.memory_space<vmem>>
      %dma_start3A_29 = arith.constant 0 : i32
      %dma_start3A_30 = arith.constant 0 : i32
      %dma_start3A_31 = tpu.memref_slice %arg2[%dma_start3A_29, %dma_start3A_30] : memref<10000x32xf32, #tpu.memory_space<hbm>> -> memref<10000x32xf32, #tpu.memory_space<hbm>>
      tpu.enqueue_indirect_dma source(%dma_start3A_31 : memref<10000x32xf32, #tpu.memory_space<hbm>>) target(%dma_start3A_25 : memref<100x32xf32, #tpu.memory_space<vmem>>) offsets(%dma_start3A_28 : memref<100xi32, #tpu.memory_space<vmem>>) semaphore(%arg7 : memref<!tpu.dma_semaphore, #tpu.memory_space<semaphore_mem>>)
      %add3A_32 = arith.constant 2 : i32
      %add3A_33 = arith.addi %mul3A_10, %add3A_32 : i32
      %dma_start3A_34 = arith.constant 200 : i32
      %dma_start3A_35 = arith.constant 0 : i32
      %dma_start3A_36 = tpu.memref_slice %arg6[%dma_start3A_34, %dma_start3A_35] : memref<1000x32xf32, #tpu.memory_space<vmem>> -> memref<100x32xf32, #tpu.memory_space<vmem>>
      %dma_start3A_37 = arith.constant 0 : i32
      %dma_start3A_38 = tpu.memref_slice %arg5[%add3A_33, %dma_start3A_37] : memref<100x100xi32, #tpu.memory_space<vmem>> -> memref<1x100xi32, #tpu.memory_space<vmem>>
      %dma_start3A_39 = tpu.memref_squeeze %dma_start3A_38 : memref<1x100xi32, #tpu.memory_space<vmem>> -> memref<100xi32, #tpu.memory_space<vmem>>
      %dma_start3A_40 = arith.constant 0 : i32
      %dma_start3A_41 = arith.constant 0 : i32
      %dma_start3A_42 = tpu.memref_slice %arg2[%dma_start3A_40, %dma_start3A_41] : memref<10000x32xf32, #tpu.memory_space<hbm>> -> memref<10000x32xf32, #tpu.memory_space<hbm>>
      tpu.enqueue_indirect_dma source(%dma_start3A_42 : memref<10000x32xf32, #tpu.memory_space<hbm>>) target(%dma_start3A_36 : memref<100x32xf32, #tpu.memory_space<vmem>>) offsets(%dma_start3A_39 : memref<100xi32, #tpu.memory_space<vmem>>) semaphore(%arg7 : memref<!tpu.dma_semaphore, #tpu.memory_space<semaphore_mem>>)
      %add3A_43 = arith.constant 3 : i32
      %add3A_44 = arith.addi %mul3A_10, %add3A_43 : i32
      %dma_start3A_45 = arith.constant 300 : i32
      %dma_start3A_46 = arith.constant 0 : i32
      %dma_start3A_47 = tpu.memref_slice %arg6[%dma_start3A_45, %dma_start3A_46] : memref<1000x32xf32, #tpu.memory_space<vmem>> -> memref<100x32xf32, #tpu.memory_space<vmem>>
      %dma_start3A_48 = arith.constant 0 : i32
      %dma_start3A_49 = tpu.memref_slice %arg5[%add3A_44, %dma_start3A_48] : memref<100x100xi32, #tpu.memory_space<vmem>> -> memref<1x100xi32, #tpu.memory_space<vmem>>
      %dma_start3A_50 = tpu.memref_squeeze %dma_start3A_49 : memref<1x100xi32, #tpu.memory_space<vmem>> -> memref<100xi32, #tpu.memory_space<vmem>>
      %dma_start3A_51 = arith.constant 0 : i32
      %dma_start3A_52 = arith.constant 0 : i32
      %dma_start3A_53 = tpu.memref_slice %arg2[%dma_start3A_51, %dma_start3A_52] : memref<10000x32xf32, #tpu.memory_space<hbm>> -> memref<10000x32xf32, #tpu.memory_space<hbm>>
      tpu.enqueue_indirect_dma source(%dma_start3A_53 : memref<10000x32xf32, #tpu.memory_space<hbm>>) target(%dma_start3A_47 : memref<100x32xf32, #tpu.memory_space<vmem>>) offsets(%dma_start3A_50 : memref<100xi32, #tpu.memory_space<vmem>>) semaphore(%arg7 : memref<!tpu.dma_semaphore, #tpu.memory_space<semaphore_mem>>)
      %add3A_54 = arith.constant 4 : i32
      %add3A_55 = arith.addi %mul3A_10, %add3A_54 : i32
      %dma_start3A_56 = arith.constant 400 : i32
      %dma_start3A_57 = arith.constant 0 : i32
      %dma_start3A_58 = tpu.memref_slice %arg6[%dma_start3A_56, %dma_start3A_57] : memref<1000x32xf32, #tpu.memory_space<vmem>> -> memref<100x32xf32, #tpu.memory_space<vmem>>
      %dma_start3A_59 = arith.constant 0 : i32
      %dma_start3A_60 = tpu.memref_slice %arg5[%add3A_55, %dma_start3A_59] : memref<100x100xi32, #tpu.memory_space<vmem>> -> memref<1x100xi32, #tpu.memory_space<vmem>>
      %dma_start3A_61 = tpu.memref_squeeze %dma_start3A_60 : memref<1x100xi32, #tpu.memory_space<vmem>> -> memref<100xi32, #tpu.memory_space<vmem>>
      %dma_start3A_62 = arith.constant 0 : i32
      %dma_start3A_63 = arith.constant 0 : i32
      %dma_start3A_64 = tpu.memref_slice %arg2[%dma_start3A_62, %dma_start3A_63] : memref<10000x32xf32, #tpu.memory_space<hbm>> -> memref<10000x32xf32, #tpu.memory_space<hbm>>
      tpu.enqueue_indirect_dma source(%dma_start3A_64 : memref<10000x32xf32, #tpu.memory_space<hbm>>) target(%dma_start3A_58 : memref<100x32xf32, #tpu.memory_space<vmem>>) offsets(%dma_start3A_61 : memref<100xi32, #tpu.memory_space<vmem>>) semaphore(%arg7 : memref<!tpu.dma_semaphore, #tpu.memory_space<semaphore_mem>>)
      %add3A_65 = arith.constant 5 : i32
      %add3A_66 = arith.addi %mul3A_10, %add3A_65 : i32
      %dma_start3A_67 = arith.constant 500 : i32
      %dma_start3A_68 = arith.constant 0 : i32
      %dma_start3A_69 = tpu.memref_slice %arg6[%dma_start3A_67, %dma_start3A_68] : memref<1000x32xf32, #tpu.memory_space<vmem>> -> memref<100x32xf32, #tpu.memory_space<vmem>>
      %dma_start3A_70 = arith.constant 0 : i32
      %dma_start3A_71 = tpu.memref_slice %arg5[%add3A_66, %dma_start3A_70] : memref<100x100xi32, #tpu.memory_space<vmem>> -> memref<1x100xi32, #tpu.memory_space<vmem>>
      %dma_start3A_72 = tpu.memref_squeeze %dma_start3A_71 : memref<1x100xi32, #tpu.memory_space<vmem>> -> memref<100xi32, #tpu.memory_space<vmem>>
      %dma_start3A_73 = arith.constant 0 : i32
      %dma_start3A_74 = arith.constant 0 : i32
      %dma_start3A_75 = tpu.memref_slice %arg2[%dma_start3A_73, %dma_start3A_74] : memref<10000x32xf32, #tpu.memory_space<hbm>> -> memref<10000x32xf32, #tpu.memory_space<hbm>>
      tpu.enqueue_indirect_dma source(%dma_start3A_75 : memref<10000x32xf32, #tpu.memory_space<hbm>>) target(%dma_start3A_69 : memref<100x32xf32, #tpu.memory_space<vmem>>) offsets(%dma_start3A_72 : memref<100xi32, #tpu.memory_space<vmem>>) semaphore(%arg7 : memref<!tpu.dma_semaphore, #tpu.memory_space<semaphore_mem>>)
      %add3A_76 = arith.constant 6 : i32
      %add3A_77 = arith.addi %mul3A_10, %add3A_76 : i32
      %dma_start3A_78 = arith.constant 600 : i32
      %dma_start3A_79 = arith.constant 0 : i32
      %dma_start3A_80 = tpu.memref_slice %arg6[%dma_start3A_78, %dma_start3A_79] : memref<1000x32xf32, #tpu.memory_space<vmem>> -> memref<100x32xf32, #tpu.memory_space<vmem>>
      %dma_start3A_81 = arith.constant 0 : i32
      %dma_start3A_82 = tpu.memref_slice %arg5[%add3A_77, %dma_start3A_81] : memref<100x100xi32, #tpu.memory_space<vmem>> -> memref<1x100xi32, #tpu.memory_space<vmem>>
      %dma_start3A_83 = tpu.memref_squeeze %dma_start3A_82 : memref<1x100xi32, #tpu.memory_space<vmem>> -> memref<100xi32, #tpu.memory_space<vmem>>
      %dma_start3A_84 = arith.constant 0 : i32
      %dma_start3A_85 = arith.constant 0 : i32
      %dma_start3A_86 = tpu.memref_slice %arg2[%dma_start3A_84, %dma_start3A_85] : memref<10000x32xf32, #tpu.memory_space<hbm>> -> memref<10000x32xf32, #tpu.memory_space<hbm>>
      tpu.enqueue_indirect_dma source(%dma_start3A_86 : memref<10000x32xf32, #tpu.memory_space<hbm>>) target(%dma_start3A_80 : memref<100x32xf32, #tpu.memory_space<vmem>>) offsets(%dma_start3A_83 : memref<100xi32, #tpu.memory_space<vmem>>) semaphore(%arg7 : memref<!tpu.dma_semaphore, #tpu.memory_space<semaphore_mem>>)
      %add3A_87 = arith.constant 7 : i32
      %add3A_88 = arith.addi %mul3A_10, %add3A_87 : i32
      %dma_start3A_89 = arith.constant 700 : i32
      %dma_start3A_90 = arith.constant 0 : i32
      %dma_start3A_91 = tpu.memref_slice %arg6[%dma_start3A_89, %dma_start3A_90] : memref<1000x32xf32, #tpu.memory_space<vmem>> -> memref<100x32xf32, #tpu.memory_space<vmem>>
      %dma_start3A_92 = arith.constant 0 : i32
      %dma_start3A_93 = tpu.memref_slice %arg5[%add3A_88, %dma_start3A_92] : memref<100x100xi32, #tpu.memory_space<vmem>> -> memref<1x100xi32, #tpu.memory_space<vmem>>
      %dma_start3A_94 = tpu.memref_squeeze %dma_start3A_93 : memref<1x100xi32, #tpu.memory_space<vmem>> -> memref<100xi32, #tpu.memory_space<vmem>>
      %dma_start3A_95 = arith.constant 0 : i32
      %dma_start3A_96 = arith.constant 0 : i32
      %dma_start3A_97 = tpu.memref_slice %arg2[%dma_start3A_95, %dma_start3A_96] : memref<10000x32xf32, #tpu.memory_space<hbm>> -> memref<10000x32xf32, #tpu.memory_space<hbm>>
      tpu.enqueue_indirect_dma source(%dma_start3A_97 : memref<10000x32xf32, #tpu.memory_space<hbm>>) target(%dma_start3A_91 : memref<100x32xf32, #tpu.memory_space<vmem>>) offsets(%dma_start3A_94 : memref<100xi32, #tpu.memory_space<vmem>>) semaphore(%arg7 : memref<!tpu.dma_semaphore, #tpu.memory_space<semaphore_mem>>)
      %add3A_98 = arith.constant 8 : i32
      %add3A_99 = arith.addi %mul3A_10, %add3A_98 : i32
      %dma_start3A_100 = arith.constant 800 : i32
      %dma_start3A_101 = arith.constant 0 : i32
      %dma_start3A_102 = tpu.memref_slice %arg6[%dma_start3A_100, %dma_start3A_101] : memref<1000x32xf32, #tpu.memory_space<vmem>> -> memref<100x32xf32, #tpu.memory_space<vmem>>
      %dma_start3A_103 = arith.constant 0 : i32
      %dma_start3A_104 = tpu.memref_slice %arg5[%add3A_99, %dma_start3A_103] : memref<100x100xi32, #tpu.memory_space<vmem>> -> memref<1x100xi32, #tpu.memory_space<vmem>>
      %dma_start3A_105 = tpu.memref_squeeze %dma_start3A_104 : memref<1x100xi32, #tpu.memory_space<vmem>> -> memref<100xi32, #tpu.memory_space<vmem>>
      %dma_start3A_106 = arith.constant 0 : i32
      %dma_start3A_107 = arith.constant 0 : i32
      %dma_start3A_108 = tpu.memref_slice %arg2[%dma_start3A_106, %dma_start3A_107] : memref<10000x32xf32, #tpu.memory_space<hbm>> -> memref<10000x32xf32, #tpu.memory_space<hbm>>
      tpu.enqueue_indirect_dma source(%dma_start3A_108 : memref<10000x32xf32, #tpu.memory_space<hbm>>) target(%dma_start3A_102 : memref<100x32xf32, #tpu.memory_space<vmem>>) offsets(%dma_start3A_105 : memref<100xi32, #tpu.memory_space<vmem>>) semaphore(%arg7 : memref<!tpu.dma_semaphore, #tpu.memory_space<semaphore_mem>>)
      %add3A_109 = arith.constant 9 : i32
      %add3A_110 = arith.addi %mul3A_10, %add3A_109 : i32
      %dma_start3A_111 = arith.constant 900 : i32
      %dma_start3A_112 = arith.constant 0 : i32
      %dma_start3A_113 = tpu.memref_slice %arg6[%dma_start3A_111, %dma_start3A_112] : memref<1000x32xf32, #tpu.memory_space<vmem>> -> memref<100x32xf32, #tpu.memory_space<vmem>>
      %dma_start3A_114 = arith.constant 0 : i32
      %dma_start3A_115 = tpu.memref_slice %arg5[%add3A_110, %dma_start3A_114] : memref<100x100xi32, #tpu.memory_space<vmem>> -> memref<1x100xi32, #tpu.memory_space<vmem>>
      %dma_start3A_116 = tpu.memref_squeeze %dma_start3A_115 : memref<1x100xi32, #tpu.memory_space<vmem>> -> memref<100xi32, #tpu.memory_space<vmem>>
      %dma_start3A_117 = arith.constant 0 : i32
      %dma_start3A_118 = arith.constant 0 : i32
      %dma_start3A_119 = tpu.memref_slice %arg2[%dma_start3A_117, %dma_start3A_118] : memref<10000x32xf32, #tpu.memory_space<hbm>> -> memref<10000x32xf32, #tpu.memory_space<hbm>>
      tpu.enqueue_indirect_dma source(%dma_start3A_119 : memref<10000x32xf32, #tpu.memory_space<hbm>>) target(%dma_start3A_113 : memref<100x32xf32, #tpu.memory_space<vmem>>) offsets(%dma_start3A_116 : memref<100xi32, #tpu.memory_space<vmem>>) semaphore(%arg7 : memref<!tpu.dma_semaphore, #tpu.memory_space<semaphore_mem>>)
      %add3A_120 = arith.constant 0 : i32
      %add3A_121 = arith.addi %mul3A_10, %add3A_120 : i32
      %dma_wait3A = arith.constant 0 : i32
      %dma_wait3A_122 = arith.constant 0 : i32
      %dma_wait3A_123 = tpu.memref_slice %arg6[%dma_wait3A, %dma_wait3A_122] : memref<1000x32xf32, #tpu.memory_space<vmem>> -> memref<100x32xf32, #tpu.memory_space<vmem>>
      %dma_wait3A_124 = arith.constant 0 : i32
      %dma_wait3A_125 = tpu.memref_slice %arg5[%add3A_121, %dma_wait3A_124] : memref<100x100xi32, #tpu.memory_space<vmem>> -> memref<1x100xi32, #tpu.memory_space<vmem>>
      %dma_wait3A_126 = tpu.memref_squeeze %dma_wait3A_125 : memref<1x100xi32, #tpu.memory_space<vmem>> -> memref<100xi32, #tpu.memory_space<vmem>>
      %dma_wait3A_127 = arith.constant 0 : i32
      %dma_wait3A_128 = arith.constant 0 : i32
      %dma_wait3A_129 = tpu.memref_slice %arg2[%dma_wait3A_127, %dma_wait3A_128] : memref<10000x32xf32, #tpu.memory_space<hbm>> -> memref<10000x32xf32, #tpu.memory_space<hbm>>
      tpu.wait_indirect_dma semaphore(%arg7 : memref<!tpu.dma_semaphore, #tpu.memory_space<semaphore_mem>>) src(%dma_wait3A_129 : memref<10000x32xf32, #tpu.memory_space<hbm>>) dst(%dma_wait3A_123 : memref<100x32xf32, #tpu.memory_space<vmem>>)
      %add3A_130 = arith.constant 1 : i32
      %add3A_131 = arith.addi %mul3A_10, %add3A_130 : i32
      %dma_wait3A_132 = arith.constant 100 : i32
      %dma_wait3A_133 = arith.constant 0 : i32
      %dma_wait3A_134 = tpu.memref_slice %arg6[%dma_wait3A_132, %dma_wait3A_133] : memref<1000x32xf32, #tpu.memory_space<vmem>> -> memref<100x32xf32, #tpu.memory_space<vmem>>
      %dma_wait3A_135 = arith.constant 0 : i32
      %dma_wait3A_136 = tpu.memref_slice %arg5[%add3A_131, %dma_wait3A_135] : memref<100x100xi32, #tpu.memory_space<vmem>> -> memref<1x100xi32, #tpu.memory_space<vmem>>
      %dma_wait3A_137 = tpu.memref_squeeze %dma_wait3A_136 : memref<1x100xi32, #tpu.memory_space<vmem>> -> memref<100xi32, #tpu.memory_space<vmem>>
      %dma_wait3A_138 = arith.constant 0 : i32
      %dma_wait3A_139 = arith.constant 0 : i32
      %dma_wait3A_140 = tpu.memref_slice %arg2[%dma_wait3A_138, %dma_wait3A_139] : memref<10000x32xf32, #tpu.memory_space<hbm>> -> memref<10000x32xf32, #tpu.memory_space<hbm>>
      tpu.wait_indirect_dma semaphore(%arg7 : memref<!tpu.dma_semaphore, #tpu.memory_space<semaphore_mem>>) src(%dma_wait3A_140 : memref<10000x32xf32, #tpu.memory_space<hbm>>) dst(%dma_wait3A_134 : memref<100x32xf32, #tpu.memory_space<vmem>>)
      %add3A_141 = arith.constant 2 : i32
      %add3A_142 = arith.addi %mul3A_10, %add3A_141 : i32
      %dma_wait3A_143 = arith.constant 200 : i32
      %dma_wait3A_144 = arith.constant 0 : i32
      %dma_wait3A_145 = tpu.memref_slice %arg6[%dma_wait3A_143, %dma_wait3A_144] : memref<1000x32xf32, #tpu.memory_space<vmem>> -> memref<100x32xf32, #tpu.memory_space<vmem>>
      %dma_wait3A_146 = arith.constant 0 : i32
      %dma_wait3A_147 = tpu.memref_slice %arg5[%add3A_142, %dma_wait3A_146] : memref<100x100xi32, #tpu.memory_space<vmem>> -> memref<1x100xi32, #tpu.memory_space<vmem>>
      %dma_wait3A_148 = tpu.memref_squeeze %dma_wait3A_147 : memref<1x100xi32, #tpu.memory_space<vmem>> -> memref<100xi32, #tpu.memory_space<vmem>>
      %dma_wait3A_149 = arith.constant 0 : i32
      %dma_wait3A_150 = arith.constant 0 : i32
      %dma_wait3A_151 = tpu.memref_slice %arg2[%dma_wait3A_149, %dma_wait3A_150] : memref<10000x32xf32, #tpu.memory_space<hbm>> -> memref<10000x32xf32, #tpu.memory_space<hbm>>
      tpu.wait_indirect_dma semaphore(%arg7 : memref<!tpu.dma_semaphore, #tpu.memory_space<semaphore_mem>>) src(%dma_wait3A_151 : memref<10000x32xf32, #tpu.memory_space<hbm>>) dst(%dma_wait3A_145 : memref<100x32xf32, #tpu.memory_space<vmem>>)
      %add3A_152 = arith.constant 3 : i32
      %add3A_153 = arith.addi %mul3A_10, %add3A_152 : i32
      %dma_wait3A_154 = arith.constant 300 : i32
      %dma_wait3A_155 = arith.constant 0 : i32
      %dma_wait3A_156 = tpu.memref_slice %arg6[%dma_wait3A_154, %dma_wait3A_155] : memref<1000x32xf32, #tpu.memory_space<vmem>> -> memref<100x32xf32, #tpu.memory_space<vmem>>
      %dma_wait3A_157 = arith.constant 0 : i32
      %dma_wait3A_158 = tpu.memref_slice %arg5[%add3A_153, %dma_wait3A_157] : memref<100x100xi32, #tpu.memory_space<vmem>> -> memref<1x100xi32, #tpu.memory_space<vmem>>
      %dma_wait3A_159 = tpu.memref_squeeze %dma_wait3A_158 : memref<1x100xi32, #tpu.memory_space<vmem>> -> memref<100xi32, #tpu.memory_space<vmem>>
      %dma_wait3A_160 = arith.constant 0 : i32
      %dma_wait3A_161 = arith.constant 0 : i32
      %dma_wait3A_162 = tpu.memref_slice %arg2[%dma_wait3A_160, %dma_wait3A_161] : memref<10000x32xf32, #tpu.memory_space<hbm>> -> memref<10000x32xf32, #tpu.memory_space<hbm>>
      tpu.wait_indirect_dma semaphore(%arg7 : memref<!tpu.dma_semaphore, #tpu.memory_space<semaphore_mem>>) src(%dma_wait3A_162 : memref<10000x32xf32, #tpu.memory_space<hbm>>) dst(%dma_wait3A_156 : memref<100x32xf32, #tpu.memory_space<vmem>>)
      %add3A_163 = arith.constant 4 : i32
      %add3A_164 = arith.addi %mul3A_10, %add3A_163 : i32
      %dma_wait3A_165 = arith.constant 400 : i32
      %dma_wait3A_166 = arith.constant 0 : i32
      %dma_wait3A_167 = tpu.memref_slice %arg6[%dma_wait3A_165, %dma_wait3A_166] : memref<1000x32xf32, #tpu.memory_space<vmem>> -> memref<100x32xf32, #tpu.memory_space<vmem>>
      %dma_wait3A_168 = arith.constant 0 : i32
      %dma_wait3A_169 = tpu.memref_slice %arg5[%add3A_164, %dma_wait3A_168] : memref<100x100xi32, #tpu.memory_space<vmem>> -> memref<1x100xi32, #tpu.memory_space<vmem>>
      %dma_wait3A_170 = tpu.memref_squeeze %dma_wait3A_169 : memref<1x100xi32, #tpu.memory_space<vmem>> -> memref<100xi32, #tpu.memory_space<vmem>>
      %dma_wait3A_171 = arith.constant 0 : i32
      %dma_wait3A_172 = arith.constant 0 : i32
      %dma_wait3A_173 = tpu.memref_slice %arg2[%dma_wait3A_171, %dma_wait3A_172] : memref<10000x32xf32, #tpu.memory_space<hbm>> -> memref<10000x32xf32, #tpu.memory_space<hbm>>
      tpu.wait_indirect_dma semaphore(%arg7 : memref<!tpu.dma_semaphore, #tpu.memory_space<semaphore_mem>>) src(%dma_wait3A_173 : memref<10000x32xf32, #tpu.memory_space<hbm>>) dst(%dma_wait3A_167 : memref<100x32xf32, #tpu.memory_space<vmem>>)
      %add3A_174 = arith.constant 5 : i32
      %add3A_175 = arith.addi %mul3A_10, %add3A_174 : i32
      %dma_wait3A_176 = arith.constant 500 : i32
      %dma_wait3A_177 = arith.constant 0 : i32
      %dma_wait3A_178 = tpu.memref_slice %arg6[%dma_wait3A_176, %dma_wait3A_177] : memref<1000x32xf32, #tpu.memory_space<vmem>> -> memref<100x32xf32, #tpu.memory_space<vmem>>
      %dma_wait3A_179 = arith.constant 0 : i32
      %dma_wait3A_180 = tpu.memref_slice %arg5[%add3A_175, %dma_wait3A_179] : memref<100x100xi32, #tpu.memory_space<vmem>> -> memref<1x100xi32, #tpu.memory_space<vmem>>
      %dma_wait3A_181 = tpu.memref_squeeze %dma_wait3A_180 : memref<1x100xi32, #tpu.memory_space<vmem>> -> memref<100xi32, #tpu.memory_space<vmem>>
      %dma_wait3A_182 = arith.constant 0 : i32
      %dma_wait3A_183 = arith.constant 0 : i32
      %dma_wait3A_184 = tpu.memref_slice %arg2[%dma_wait3A_182, %dma_wait3A_183] : memref<10000x32xf32, #tpu.memory_space<hbm>> -> memref<10000x32xf32, #tpu.memory_space<hbm>>
      tpu.wait_indirect_dma semaphore(%arg7 : memref<!tpu.dma_semaphore, #tpu.memory_space<semaphore_mem>>) src(%dma_wait3A_184 : memref<10000x32xf32, #tpu.memory_space<hbm>>) dst(%dma_wait3A_178 : memref<100x32xf32, #tpu.memory_space<vmem>>)
      %add3A_185 = arith.constant 6 : i32
      %add3A_186 = arith.addi %mul3A_10, %add3A_185 : i32
      %dma_wait3A_187 = arith.constant 600 : i32
      %dma_wait3A_188 = arith.constant 0 : i32
      %dma_wait3A_189 = tpu.memref_slice %arg6[%dma_wait3A_187, %dma_wait3A_188] : memref<1000x32xf32, #tpu.memory_space<vmem>> -> memref<100x32xf32, #tpu.memory_space<vmem>>
      %dma_wait3A_190 = arith.constant 0 : i32
      %dma_wait3A_191 = tpu.memref_slice %arg5[%add3A_186, %dma_wait3A_190] : memref<100x100xi32, #tpu.memory_space<vmem>> -> memref<1x100xi32, #tpu.memory_space<vmem>>
      %dma_wait3A_192 = tpu.memref_squeeze %dma_wait3A_191 : memref<1x100xi32, #tpu.memory_space<vmem>> -> memref<100xi32, #tpu.memory_space<vmem>>
      %dma_wait3A_193 = arith.constant 0 : i32
      %dma_wait3A_194 = arith.constant 0 : i32
      %dma_wait3A_195 = tpu.memref_slice %arg2[%dma_wait3A_193, %dma_wait3A_194] : memref<10000x32xf32, #tpu.memory_space<hbm>> -> memref<10000x32xf32, #tpu.memory_space<hbm>>
      tpu.wait_indirect_dma semaphore(%arg7 : memref<!tpu.dma_semaphore, #tpu.memory_space<semaphore_mem>>) src(%dma_wait3A_195 : memref<10000x32xf32, #tpu.memory_space<hbm>>) dst(%dma_wait3A_189 : memref<100x32xf32, #tpu.memory_space<vmem>>)
      %add3A_196 = arith.constant 7 : i32
      %add3A_197 = arith.addi %mul3A_10, %add3A_196 : i32
      %dma_wait3A_198 = arith.constant 700 : i32
      %dma_wait3A_199 = arith.constant 0 : i32
      %dma_wait3A_200 = tpu.memref_slice %arg6[%dma_wait3A_198, %dma_wait3A_199] : memref<1000x32xf32, #tpu.memory_space<vmem>> -> memref<100x32xf32, #tpu.memory_space<vmem>>
      %dma_wait3A_201 = arith.constant 0 : i32
      %dma_wait3A_202 = tpu.memref_slice %arg5[%add3A_197, %dma_wait3A_201] : memref<100x100xi32, #tpu.memory_space<vmem>> -> memref<1x100xi32, #tpu.memory_space<vmem>>
      %dma_wait3A_203 = tpu.memref_squeeze %dma_wait3A_202 : memref<1x100xi32, #tpu.memory_space<vmem>> -> memref<100xi32, #tpu.memory_space<vmem>>
      %dma_wait3A_204 = arith.constant 0 : i32
      %dma_wait3A_205 = arith.constant 0 : i32
      %dma_wait3A_206 = tpu.memref_slice %arg2[%dma_wait3A_204, %dma_wait3A_205] : memref<10000x32xf32, #tpu.memory_space<hbm>> -> memref<10000x32xf32, #tpu.memory_space<hbm>>
      tpu.wait_indirect_dma semaphore(%arg7 : memref<!tpu.dma_semaphore, #tpu.memory_space<semaphore_mem>>) src(%dma_wait3A_206 : memref<10000x32xf32, #tpu.memory_space<hbm>>) dst(%dma_wait3A_200 : memref<100x32xf32, #tpu.memory_space<vmem>>)
      %add3A_207 = arith.constant 8 : i32
      %add3A_208 = arith.addi %mul3A_10, %add3A_207 : i32
      %dma_wait3A_209 = arith.constant 800 : i32
      %dma_wait3A_210 = arith.constant 0 : i32
      %dma_wait3A_211 = tpu.memref_slice %arg6[%dma_wait3A_209, %dma_wait3A_210] : memref<1000x32xf32, #tpu.memory_space<vmem>> -> memref<100x32xf32, #tpu.memory_space<vmem>>
      %dma_wait3A_212 = arith.constant 0 : i32
      %dma_wait3A_213 = tpu.memref_slice %arg5[%add3A_208, %dma_wait3A_212] : memref<100x100xi32, #tpu.memory_space<vmem>> -> memref<1x100xi32, #tpu.memory_space<vmem>>
      %dma_wait3A_214 = tpu.memref_squeeze %dma_wait3A_213 : memref<1x100xi32, #tpu.memory_space<vmem>> -> memref<100xi32, #tpu.memory_space<vmem>>
      %dma_wait3A_215 = arith.constant 0 : i32
      %dma_wait3A_216 = arith.constant 0 : i32
      %dma_wait3A_217 = tpu.memref_slice %arg2[%dma_wait3A_215, %dma_wait3A_216] : memref<10000x32xf32, #tpu.memory_space<hbm>> -> memref<10000x32xf32, #tpu.memory_space<hbm>>
      tpu.wait_indirect_dma semaphore(%arg7 : memref<!tpu.dma_semaphore, #tpu.memory_space<semaphore_mem>>) src(%dma_wait3A_217 : memref<10000x32xf32, #tpu.memory_space<hbm>>) dst(%dma_wait3A_211 : memref<100x32xf32, #tpu.memory_space<vmem>>)
      %add3A_218 = arith.constant 9 : i32
      %add3A_219 = arith.addi %mul3A_10, %add3A_218 : i32
      %dma_wait3A_220 = arith.constant 900 : i32
      %dma_wait3A_221 = arith.constant 0 : i32
      %dma_wait3A_222 = tpu.memref_slice %arg6[%dma_wait3A_220, %dma_wait3A_221] : memref<1000x32xf32, #tpu.memory_space<vmem>> -> memref<100x32xf32, #tpu.memory_space<vmem>>
      %dma_wait3A_223 = arith.constant 0 : i32
      %dma_wait3A_224 = tpu.memref_slice %arg5[%add3A_219, %dma_wait3A_223] : memref<100x100xi32, #tpu.memory_space<vmem>> -> memref<1x100xi32, #tpu.memory_space<vmem>>
      %dma_wait3A_225 = tpu.memref_squeeze %dma_wait3A_224 : memref<1x100xi32, #tpu.memory_space<vmem>> -> memref<100xi32, #tpu.memory_space<vmem>>
      %dma_wait3A_226 = arith.constant 0 : i32
      %dma_wait3A_227 = arith.constant 0 : i32
      %dma_wait3A_228 = tpu.memref_slice %arg2[%dma_wait3A_226, %dma_wait3A_227] : memref<10000x32xf32, #tpu.memory_space<hbm>> -> memref<10000x32xf32, #tpu.memory_space<hbm>>
      tpu.wait_indirect_dma semaphore(%arg7 : memref<!tpu.dma_semaphore, #tpu.memory_space<semaphore_mem>>) src(%dma_wait3A_228 : memref<10000x32xf32, #tpu.memory_space<hbm>>) dst(%dma_wait3A_222 : memref<100x32xf32, #tpu.memory_space<vmem>>)
      %mul3A_229 = arith.constant 100 : i32
      %mul3A_230 = arith.muli %mul3A_10, %mul3A_229 : i32
      %add3A_231 = arith.addi %mul3A_2, %mul3A_230 : i32
      "tpu.region"() ({
        %run_scoped3A = tpu.sem_alloc : memref<!tpu.dma_semaphore, #tpu.memory_space<semaphore_mem>>
        %dma_start3A_232 = arith.constant 0 : i32
        %dma_start3A_233 = tpu.memref_slice %arg4[%add3A_231, %dma_start3A_232] : memref<320000x32xf32, #tpu.memory_space<hbm>> -> memref<1000x32xf32, #tpu.memory_space<hbm>>
        %dma_start3A_234 = arith.constant 0 : i32
        %dma_start3A_235 = tpu.memref_slice %arg4[%add3A_231, %dma_start3A_234] : memref<320000x32xf32, #tpu.memory_space<hbm>> -> memref<1000x32xf32, #tpu.memory_space<hbm>>
        tpu.enqueue_dma source(%arg6 : memref<1000x32xf32, #tpu.memory_space<vmem>>) target(%dma_start3A_235 : memref<1000x32xf32, #tpu.memory_space<hbm>>) target_semaphore(%run_scoped3A : memref<!tpu.dma_semaphore, #tpu.memory_space<semaphore_mem>>)
        %dma_wait3A_236 = arith.constant 0 : i32
        %dma_wait3A_237 = tpu.memref_slice %arg4[%add3A_231, %dma_wait3A_236] : memref<320000x32xf32, #tpu.memory_space<hbm>> -> memref<1000x32xf32, #tpu.memory_space<hbm>>
        %dma_wait3A_238 = arith.constant 0 : i32
        %dma_wait3A_239 = tpu.memref_slice %arg4[%add3A_231, %dma_wait3A_238] : memref<320000x32xf32, #tpu.memory_space<hbm>> -> memref<1000x32xf32, #tpu.memory_space<hbm>>
        tpu.wait_dma2 semaphore(%run_scoped3A : memref<!tpu.dma_semaphore, #tpu.memory_space<semaphore_mem>>) src(%arg6 : memref<1000x32xf32, #tpu.memory_space<vmem>>) dst(%dma_wait3A_239 : memref<1000x32xf32, #tpu.memory_space<hbm>>)
        tpu.yield
      }) : () -> ()
    }
    %scan3A_7 = arith.constant 10 : i32
    return
  }
}

#map = affine_map<(d0, d1) -> (0, 0)>
#map1 = affine_map<(d0, d1) -> (0, 0, 0)>
module attributes {stable_mosaic.version = 14 : i64} {
  func.func @_sc_scatter_body(%arg0: i32, %arg1: i32, %arg2: memref<320000x32xf32, #tpu.memory_space<hbm>>, %arg3: memref<32x100x100xi32, #tpu.memory_space<hbm>>, %arg4: memref<10000x32xf32, #tpu.memory_space<hbm>>, %arg5: memref<2x10000x32xf32, #tpu.memory_space<hbm>>, %arg6: memref<100x100xi32, #tpu.memory_space<vmem>>, %arg7: memref<1000x32xf32, #tpu.memory_space<vmem>>, %arg8: memref<10000x32xf32, #tpu.memory_space<vmem_shared>>, %arg9: memref<!tpu.dma_semaphore, #tpu.memory_space<semaphore_mem>>) attributes {dimension_semantics = [#tpu.dimension_semantics<core_parallel>, #tpu.dimension_semantics<subcore_parallel>], iteration_bounds = array<i64: 2, 16>, scalar_prefetch = 0 : i64, scratch_operands = 4 : i64, tpu.core_type = #tpu.core_type<sc_vector_subcore>, window_params = [{transform_indices = #map}, {transform_indices = #map1}, {transform_indices = #map}, {transform_indices = #map1}]} {
    %mul3A = arith.constant 2 : i32
    %mul3A_0 = arith.muli %arg1, %mul3A : i32
    %add3A = arith.addi %mul3A_0, %arg0 : i32
    "tpu.region"() ({
      %run_scoped3A = tpu.sem_alloc : memref<!tpu.dma_semaphore, #tpu.memory_space<semaphore_mem>>
      %dma_start3A = arith.constant 0 : i32
      %dma_start3A_17 = arith.constant 0 : i32
      %dma_start3A_18 = tpu.memref_slice %arg3[%add3A, %dma_start3A, %dma_start3A_17] : memref<32x100x100xi32, #tpu.memory_space<hbm>> -> memref<1x100x100xi32, #tpu.memory_space<hbm>>
      %dma_start3A_19 = tpu.memref_squeeze %dma_start3A_18 : memref<1x100x100xi32, #tpu.memory_space<hbm>> -> memref<100x100xi32, #tpu.memory_space<hbm>>
      %dma_start3A_20 = arith.constant 0 : i32
      %dma_start3A_21 = arith.constant 0 : i32
      %dma_start3A_22 = tpu.memref_slice %arg3[%add3A, %dma_start3A_20, %dma_start3A_21] : memref<32x100x100xi32, #tpu.memory_space<hbm>> -> memref<1x100x100xi32, #tpu.memory_space<hbm>>
      %dma_start3A_23 = tpu.memref_squeeze %dma_start3A_22 : memref<1x100x100xi32, #tpu.memory_space<hbm>> -> memref<100x100xi32, #tpu.memory_space<hbm>>
      tpu.enqueue_dma source(%dma_start3A_23 : memref<100x100xi32, #tpu.memory_space<hbm>>) target(%arg6 : memref<100x100xi32, #tpu.memory_space<vmem>>) target_semaphore(%run_scoped3A : memref<!tpu.dma_semaphore, #tpu.memory_space<semaphore_mem>>)
      %dma_wait3A = arith.constant 0 : i32
      %dma_wait3A_24 = arith.constant 0 : i32
      %dma_wait3A_25 = tpu.memref_slice %arg3[%add3A, %dma_wait3A, %dma_wait3A_24] : memref<32x100x100xi32, #tpu.memory_space<hbm>> -> memref<1x100x100xi32, #tpu.memory_space<hbm>>
      %dma_wait3A_26 = tpu.memref_squeeze %dma_wait3A_25 : memref<1x100x100xi32, #tpu.memory_space<hbm>> -> memref<100x100xi32, #tpu.memory_space<hbm>>
      %dma_wait3A_27 = arith.constant 0 : i32
      %dma_wait3A_28 = arith.constant 0 : i32
      %dma_wait3A_29 = tpu.memref_slice %arg3[%add3A, %dma_wait3A_27, %dma_wait3A_28] : memref<32x100x100xi32, #tpu.memory_space<hbm>> -> memref<1x100x100xi32, #tpu.memory_space<hbm>>
      %dma_wait3A_30 = tpu.memref_squeeze %dma_wait3A_29 : memref<1x100x100xi32, #tpu.memory_space<hbm>> -> memref<100x100xi32, #tpu.memory_space<hbm>>
      tpu.wait_dma2 semaphore(%run_scoped3A : memref<!tpu.dma_semaphore, #tpu.memory_space<semaphore_mem>>) src(%dma_wait3A_30 : memref<100x100xi32, #tpu.memory_space<hbm>>) dst(%arg6 : memref<100x100xi32, #tpu.memory_space<vmem>>)
      tpu.yield
    }) : () -> ()
    %mul3A_1 = arith.constant 625 : i32
    %mul3A_2 = arith.muli %arg1, %mul3A_1 : i32
    %mul3A_3 = arith.constant 625 : i32
    %mul3A_4 = arith.muli %arg1, %mul3A_3 : i32
    "tpu.region"() ({
      %run_scoped3A = tpu.sem_alloc : memref<!tpu.dma_semaphore, #tpu.memory_space<semaphore_mem>>
      %dma_start3A = arith.constant 0 : i32
      %dma_start3A_17 = tpu.memref_slice %arg8[%mul3A_4, %dma_start3A] : memref<10000x32xf32, #tpu.memory_space<vmem_shared>> -> memref<625x32xf32, #tpu.memory_space<vmem_shared>>
      %dma_start3A_18 = arith.constant 0 : i32
      %dma_start3A_19 = tpu.memref_slice %arg4[%mul3A_2, %dma_start3A_18] : memref<10000x32xf32, #tpu.memory_space<hbm>> -> memref<625x32xf32, #tpu.memory_space<hbm>>
      tpu.enqueue_dma source(%dma_start3A_19 : memref<625x32xf32, #tpu.memory_space<hbm>>) target(%dma_start3A_17 : memref<625x32xf32, #tpu.memory_space<vmem_shared>>) target_semaphore(%run_scoped3A : memref<!tpu.dma_semaphore, #tpu.memory_space<semaphore_mem>>)
      %dma_wait3A = arith.constant 0 : i32
      %dma_wait3A_20 = tpu.memref_slice %arg8[%mul3A_4, %dma_wait3A] : memref<10000x32xf32, #tpu.memory_space<vmem_shared>> -> memref<625x32xf32, #tpu.memory_space<vmem_shared>>
      %dma_wait3A_21 = arith.constant 0 : i32
      %dma_wait3A_22 = tpu.memref_slice %arg4[%mul3A_2, %dma_wait3A_21] : memref<10000x32xf32, #tpu.memory_space<hbm>> -> memref<625x32xf32, #tpu.memory_space<hbm>>
      tpu.wait_dma2 semaphore(%run_scoped3A : memref<!tpu.dma_semaphore, #tpu.memory_space<semaphore_mem>>) src(%dma_wait3A_22 : memref<625x32xf32, #tpu.memory_space<hbm>>) dst(%dma_wait3A_20 : memref<625x32xf32, #tpu.memory_space<vmem_shared>>)
      tpu.yield
    }) : () -> ()
    %barrier3A = arith.constant 0 : index
    tpu.barrier barrier_id(%barrier3A)
    %mul3A_5 = arith.constant 10000 : i32
    %mul3A_6 = arith.muli %add3A, %mul3A_5 : i32
    %scan3A = arith.constant 0 : i32
    %scan3A_7 = arith.constant 0 : i32
    %scan3A_8 = arith.constant 10 : i32
    %scan3A_9 = arith.addi %scan3A_7, %scan3A_8 : i32
    %scan3A_10 = arith.constant 1 : i32
    scf.for %scan3A_17 = %scan3A_7 to %scan3A_9 step %scan3A_10  : i32 {
      %mul3A_18 = arith.constant 10 : i32
      %mul3A_19 = arith.muli %scan3A_17, %mul3A_18 : i32
      %mul3A_20 = arith.constant 100 : i32
      %mul3A_21 = arith.muli %mul3A_19, %mul3A_20 : i32
      %add3A_22 = arith.addi %mul3A_6, %mul3A_21 : i32
      "tpu.region"() ({
        %run_scoped3A = tpu.sem_alloc : memref<!tpu.dma_semaphore, #tpu.memory_space<semaphore_mem>>
        %dma_start3A_241 = arith.constant 0 : i32
        %dma_start3A_242 = tpu.memref_slice %arg2[%add3A_22, %dma_start3A_241] : memref<320000x32xf32, #tpu.memory_space<hbm>> -> memref<1000x32xf32, #tpu.memory_space<hbm>>
        %dma_start3A_243 = arith.constant 0 : i32
        %dma_start3A_244 = tpu.memref_slice %arg2[%add3A_22, %dma_start3A_243] : memref<320000x32xf32, #tpu.memory_space<hbm>> -> memref<1000x32xf32, #tpu.memory_space<hbm>>
        tpu.enqueue_dma source(%dma_start3A_244 : memref<1000x32xf32, #tpu.memory_space<hbm>>) target(%arg7 : memref<1000x32xf32, #tpu.memory_space<vmem>>) target_semaphore(%run_scoped3A : memref<!tpu.dma_semaphore, #tpu.memory_space<semaphore_mem>>)
        %dma_wait3A_245 = arith.constant 0 : i32
        %dma_wait3A_246 = tpu.memref_slice %arg2[%add3A_22, %dma_wait3A_245] : memref<320000x32xf32, #tpu.memory_space<hbm>> -> memref<1000x32xf32, #tpu.memory_space<hbm>>
        %dma_wait3A_247 = arith.constant 0 : i32
        %dma_wait3A_248 = tpu.memref_slice %arg2[%add3A_22, %dma_wait3A_247] : memref<320000x32xf32, #tpu.memory_space<hbm>> -> memref<1000x32xf32, #tpu.memory_space<hbm>>
        tpu.wait_dma2 semaphore(%run_scoped3A : memref<!tpu.dma_semaphore, #tpu.memory_space<semaphore_mem>>) src(%dma_wait3A_248 : memref<1000x32xf32, #tpu.memory_space<hbm>>) dst(%arg7 : memref<1000x32xf32, #tpu.memory_space<vmem>>)
        tpu.yield
      }) : () -> ()
      %add3A_23 = arith.constant 0 : i32
      %add3A_24 = arith.addi %mul3A_19, %add3A_23 : i32
      %dma_start3A = arith.constant 0 : i32
      %dma_start3A_25 = arith.constant 0 : i32
      %dma_start3A_26 = tpu.memref_slice %arg7[%dma_start3A, %dma_start3A_25] : memref<1000x32xf32, #tpu.memory_space<vmem>> -> memref<100x32xf32, #tpu.memory_space<vmem>>
      %dma_start3A_27 = arith.constant 0 : i32
      %dma_start3A_28 = tpu.memref_slice %arg6[%add3A_24, %dma_start3A_27] : memref<100x100xi32, #tpu.memory_space<vmem>> -> memref<1x100xi32, #tpu.memory_space<vmem>>
      %dma_start3A_29 = tpu.memref_squeeze %dma_start3A_28 : memref<1x100xi32, #tpu.memory_space<vmem>> -> memref<100xi32, #tpu.memory_space<vmem>>
      %dma_start3A_30 = arith.constant 0 : i32
      %dma_start3A_31 = arith.constant 0 : i32
      %dma_start3A_32 = tpu.memref_slice %arg8[%dma_start3A_30, %dma_start3A_31] : memref<10000x32xf32, #tpu.memory_space<vmem_shared>> -> memref<10000x32xf32, #tpu.memory_space<vmem_shared>>
      tpu.enqueue_indirect_dma source(%dma_start3A_26 : memref<100x32xf32, #tpu.memory_space<vmem>>) target(%dma_start3A_32 : memref<10000x32xf32, #tpu.memory_space<vmem_shared>>) offsets(%dma_start3A_29 : memref<100xi32, #tpu.memory_space<vmem>>) semaphore(%arg9 : memref<!tpu.dma_semaphore, #tpu.memory_space<semaphore_mem>>) {add = true}
      %add3A_33 = arith.constant 1 : i32
      %add3A_34 = arith.addi %mul3A_19, %add3A_33 : i32
      %dma_start3A_35 = arith.constant 100 : i32
      %dma_start3A_36 = arith.constant 0 : i32
      %dma_start3A_37 = tpu.memref_slice %arg7[%dma_start3A_35, %dma_start3A_36] : memref<1000x32xf32, #tpu.memory_space<vmem>> -> memref<100x32xf32, #tpu.memory_space<vmem>>
      %dma_start3A_38 = arith.constant 0 : i32
      %dma_start3A_39 = tpu.memref_slice %arg6[%add3A_34, %dma_start3A_38] : memref<100x100xi32, #tpu.memory_space<vmem>> -> memref<1x100xi32, #tpu.memory_space<vmem>>
      %dma_start3A_40 = tpu.memref_squeeze %dma_start3A_39 : memref<1x100xi32, #tpu.memory_space<vmem>> -> memref<100xi32, #tpu.memory_space<vmem>>
      %dma_start3A_41 = arith.constant 0 : i32
      %dma_start3A_42 = arith.constant 0 : i32
      %dma_start3A_43 = tpu.memref_slice %arg8[%dma_start3A_41, %dma_start3A_42] : memref<10000x32xf32, #tpu.memory_space<vmem_shared>> -> memref<10000x32xf32, #tpu.memory_space<vmem_shared>>
      tpu.enqueue_indirect_dma source(%dma_start3A_37 : memref<100x32xf32, #tpu.memory_space<vmem>>) target(%dma_start3A_43 : memref<10000x32xf32, #tpu.memory_space<vmem_shared>>) offsets(%dma_start3A_40 : memref<100xi32, #tpu.memory_space<vmem>>) semaphore(%arg9 : memref<!tpu.dma_semaphore, #tpu.memory_space<semaphore_mem>>) {add = true}
      %add3A_44 = arith.constant 2 : i32
      %add3A_45 = arith.addi %mul3A_19, %add3A_44 : i32
      %dma_start3A_46 = arith.constant 200 : i32
      %dma_start3A_47 = arith.constant 0 : i32
      %dma_start3A_48 = tpu.memref_slice %arg7[%dma_start3A_46, %dma_start3A_47] : memref<1000x32xf32, #tpu.memory_space<vmem>> -> memref<100x32xf32, #tpu.memory_space<vmem>>
      %dma_start3A_49 = arith.constant 0 : i32
      %dma_start3A_50 = tpu.memref_slice %arg6[%add3A_45, %dma_start3A_49] : memref<100x100xi32, #tpu.memory_space<vmem>> -> memref<1x100xi32, #tpu.memory_space<vmem>>
      %dma_start3A_51 = tpu.memref_squeeze %dma_start3A_50 : memref<1x100xi32, #tpu.memory_space<vmem>> -> memref<100xi32, #tpu.memory_space<vmem>>
      %dma_start3A_52 = arith.constant 0 : i32
      %dma_start3A_53 = arith.constant 0 : i32
      %dma_start3A_54 = tpu.memref_slice %arg8[%dma_start3A_52, %dma_start3A_53] : memref<10000x32xf32, #tpu.memory_space<vmem_shared>> -> memref<10000x32xf32, #tpu.memory_space<vmem_shared>>
      tpu.enqueue_indirect_dma source(%dma_start3A_48 : memref<100x32xf32, #tpu.memory_space<vmem>>) target(%dma_start3A_54 : memref<10000x32xf32, #tpu.memory_space<vmem_shared>>) offsets(%dma_start3A_51 : memref<100xi32, #tpu.memory_space<vmem>>) semaphore(%arg9 : memref<!tpu.dma_semaphore, #tpu.memory_space<semaphore_mem>>) {add = true}
      %add3A_55 = arith.constant 3 : i32
      %add3A_56 = arith.addi %mul3A_19, %add3A_55 : i32
      %dma_start3A_57 = arith.constant 300 : i32
      %dma_start3A_58 = arith.constant 0 : i32
      %dma_start3A_59 = tpu.memref_slice %arg7[%dma_start3A_57, %dma_start3A_58] : memref<1000x32xf32, #tpu.memory_space<vmem>> -> memref<100x32xf32, #tpu.memory_space<vmem>>
      %dma_start3A_60 = arith.constant 0 : i32
      %dma_start3A_61 = tpu.memref_slice %arg6[%add3A_56, %dma_start3A_60] : memref<100x100xi32, #tpu.memory_space<vmem>> -> memref<1x100xi32, #tpu.memory_space<vmem>>
      %dma_start3A_62 = tpu.memref_squeeze %dma_start3A_61 : memref<1x100xi32, #tpu.memory_space<vmem>> -> memref<100xi32, #tpu.memory_space<vmem>>
      %dma_start3A_63 = arith.constant 0 : i32
      %dma_start3A_64 = arith.constant 0 : i32
      %dma_start3A_65 = tpu.memref_slice %arg8[%dma_start3A_63, %dma_start3A_64] : memref<10000x32xf32, #tpu.memory_space<vmem_shared>> -> memref<10000x32xf32, #tpu.memory_space<vmem_shared>>
      tpu.enqueue_indirect_dma source(%dma_start3A_59 : memref<100x32xf32, #tpu.memory_space<vmem>>) target(%dma_start3A_65 : memref<10000x32xf32, #tpu.memory_space<vmem_shared>>) offsets(%dma_start3A_62 : memref<100xi32, #tpu.memory_space<vmem>>) semaphore(%arg9 : memref<!tpu.dma_semaphore, #tpu.memory_space<semaphore_mem>>) {add = true}
      %add3A_66 = arith.constant 4 : i32
      %add3A_67 = arith.addi %mul3A_19, %add3A_66 : i32
      %dma_start3A_68 = arith.constant 400 : i32
      %dma_start3A_69 = arith.constant 0 : i32
      %dma_start3A_70 = tpu.memref_slice %arg7[%dma_start3A_68, %dma_start3A_69] : memref<1000x32xf32, #tpu.memory_space<vmem>> -> memref<100x32xf32, #tpu.memory_space<vmem>>
      %dma_start3A_71 = arith.constant 0 : i32
      %dma_start3A_72 = tpu.memref_slice %arg6[%add3A_67, %dma_start3A_71] : memref<100x100xi32, #tpu.memory_space<vmem>> -> memref<1x100xi32, #tpu.memory_space<vmem>>
      %dma_start3A_73 = tpu.memref_squeeze %dma_start3A_72 : memref<1x100xi32, #tpu.memory_space<vmem>> -> memref<100xi32, #tpu.memory_space<vmem>>
      %dma_start3A_74 = arith.constant 0 : i32
      %dma_start3A_75 = arith.constant 0 : i32
      %dma_start3A_76 = tpu.memref_slice %arg8[%dma_start3A_74, %dma_start3A_75] : memref<10000x32xf32, #tpu.memory_space<vmem_shared>> -> memref<10000x32xf32, #tpu.memory_space<vmem_shared>>
      tpu.enqueue_indirect_dma source(%dma_start3A_70 : memref<100x32xf32, #tpu.memory_space<vmem>>) target(%dma_start3A_76 : memref<10000x32xf32, #tpu.memory_space<vmem_shared>>) offsets(%dma_start3A_73 : memref<100xi32, #tpu.memory_space<vmem>>) semaphore(%arg9 : memref<!tpu.dma_semaphore, #tpu.memory_space<semaphore_mem>>) {add = true}
      %add3A_77 = arith.constant 5 : i32
      %add3A_78 = arith.addi %mul3A_19, %add3A_77 : i32
      %dma_start3A_79 = arith.constant 500 : i32
      %dma_start3A_80 = arith.constant 0 : i32
      %dma_start3A_81 = tpu.memref_slice %arg7[%dma_start3A_79, %dma_start3A_80] : memref<1000x32xf32, #tpu.memory_space<vmem>> -> memref<100x32xf32, #tpu.memory_space<vmem>>
      %dma_start3A_82 = arith.constant 0 : i32
      %dma_start3A_83 = tpu.memref_slice %arg6[%add3A_78, %dma_start3A_82] : memref<100x100xi32, #tpu.memory_space<vmem>> -> memref<1x100xi32, #tpu.memory_space<vmem>>
      %dma_start3A_84 = tpu.memref_squeeze %dma_start3A_83 : memref<1x100xi32, #tpu.memory_space<vmem>> -> memref<100xi32, #tpu.memory_space<vmem>>
      %dma_start3A_85 = arith.constant 0 : i32
      %dma_start3A_86 = arith.constant 0 : i32
      %dma_start3A_87 = tpu.memref_slice %arg8[%dma_start3A_85, %dma_start3A_86] : memref<10000x32xf32, #tpu.memory_space<vmem_shared>> -> memref<10000x32xf32, #tpu.memory_space<vmem_shared>>
      tpu.enqueue_indirect_dma source(%dma_start3A_81 : memref<100x32xf32, #tpu.memory_space<vmem>>) target(%dma_start3A_87 : memref<10000x32xf32, #tpu.memory_space<vmem_shared>>) offsets(%dma_start3A_84 : memref<100xi32, #tpu.memory_space<vmem>>) semaphore(%arg9 : memref<!tpu.dma_semaphore, #tpu.memory_space<semaphore_mem>>) {add = true}
      %add3A_88 = arith.constant 6 : i32
      %add3A_89 = arith.addi %mul3A_19, %add3A_88 : i32
      %dma_start3A_90 = arith.constant 600 : i32
      %dma_start3A_91 = arith.constant 0 : i32
      %dma_start3A_92 = tpu.memref_slice %arg7[%dma_start3A_90, %dma_start3A_91] : memref<1000x32xf32, #tpu.memory_space<vmem>> -> memref<100x32xf32, #tpu.memory_space<vmem>>
      %dma_start3A_93 = arith.constant 0 : i32
      %dma_start3A_94 = tpu.memref_slice %arg6[%add3A_89, %dma_start3A_93] : memref<100x100xi32, #tpu.memory_space<vmem>> -> memref<1x100xi32, #tpu.memory_space<vmem>>
      %dma_start3A_95 = tpu.memref_squeeze %dma_start3A_94 : memref<1x100xi32, #tpu.memory_space<vmem>> -> memref<100xi32, #tpu.memory_space<vmem>>
      %dma_start3A_96 = arith.constant 0 : i32
      %dma_start3A_97 = arith.constant 0 : i32
      %dma_start3A_98 = tpu.memref_slice %arg8[%dma_start3A_96, %dma_start3A_97] : memref<10000x32xf32, #tpu.memory_space<vmem_shared>> -> memref<10000x32xf32, #tpu.memory_space<vmem_shared>>
      tpu.enqueue_indirect_dma source(%dma_start3A_92 : memref<100x32xf32, #tpu.memory_space<vmem>>) target(%dma_start3A_98 : memref<10000x32xf32, #tpu.memory_space<vmem_shared>>) offsets(%dma_start3A_95 : memref<100xi32, #tpu.memory_space<vmem>>) semaphore(%arg9 : memref<!tpu.dma_semaphore, #tpu.memory_space<semaphore_mem>>) {add = true}
      %add3A_99 = arith.constant 7 : i32
      %add3A_100 = arith.addi %mul3A_19, %add3A_99 : i32
      %dma_start3A_101 = arith.constant 700 : i32
      %dma_start3A_102 = arith.constant 0 : i32
      %dma_start3A_103 = tpu.memref_slice %arg7[%dma_start3A_101, %dma_start3A_102] : memref<1000x32xf32, #tpu.memory_space<vmem>> -> memref<100x32xf32, #tpu.memory_space<vmem>>
      %dma_start3A_104 = arith.constant 0 : i32
      %dma_start3A_105 = tpu.memref_slice %arg6[%add3A_100, %dma_start3A_104] : memref<100x100xi32, #tpu.memory_space<vmem>> -> memref<1x100xi32, #tpu.memory_space<vmem>>
      %dma_start3A_106 = tpu.memref_squeeze %dma_start3A_105 : memref<1x100xi32, #tpu.memory_space<vmem>> -> memref<100xi32, #tpu.memory_space<vmem>>
      %dma_start3A_107 = arith.constant 0 : i32
      %dma_start3A_108 = arith.constant 0 : i32
      %dma_start3A_109 = tpu.memref_slice %arg8[%dma_start3A_107, %dma_start3A_108] : memref<10000x32xf32, #tpu.memory_space<vmem_shared>> -> memref<10000x32xf32, #tpu.memory_space<vmem_shared>>
      tpu.enqueue_indirect_dma source(%dma_start3A_103 : memref<100x32xf32, #tpu.memory_space<vmem>>) target(%dma_start3A_109 : memref<10000x32xf32, #tpu.memory_space<vmem_shared>>) offsets(%dma_start3A_106 : memref<100xi32, #tpu.memory_space<vmem>>) semaphore(%arg9 : memref<!tpu.dma_semaphore, #tpu.memory_space<semaphore_mem>>) {add = true}
      %add3A_110 = arith.constant 8 : i32
      %add3A_111 = arith.addi %mul3A_19, %add3A_110 : i32
      %dma_start3A_112 = arith.constant 800 : i32
      %dma_start3A_113 = arith.constant 0 : i32
      %dma_start3A_114 = tpu.memref_slice %arg7[%dma_start3A_112, %dma_start3A_113] : memref<1000x32xf32, #tpu.memory_space<vmem>> -> memref<100x32xf32, #tpu.memory_space<vmem>>
      %dma_start3A_115 = arith.constant 0 : i32
      %dma_start3A_116 = tpu.memref_slice %arg6[%add3A_111, %dma_start3A_115] : memref<100x100xi32, #tpu.memory_space<vmem>> -> memref<1x100xi32, #tpu.memory_space<vmem>>
      %dma_start3A_117 = tpu.memref_squeeze %dma_start3A_116 : memref<1x100xi32, #tpu.memory_space<vmem>> -> memref<100xi32, #tpu.memory_space<vmem>>
      %dma_start3A_118 = arith.constant 0 : i32
      %dma_start3A_119 = arith.constant 0 : i32
      %dma_start3A_120 = tpu.memref_slice %arg8[%dma_start3A_118, %dma_start3A_119] : memref<10000x32xf32, #tpu.memory_space<vmem_shared>> -> memref<10000x32xf32, #tpu.memory_space<vmem_shared>>
      tpu.enqueue_indirect_dma source(%dma_start3A_114 : memref<100x32xf32, #tpu.memory_space<vmem>>) target(%dma_start3A_120 : memref<10000x32xf32, #tpu.memory_space<vmem_shared>>) offsets(%dma_start3A_117 : memref<100xi32, #tpu.memory_space<vmem>>) semaphore(%arg9 : memref<!tpu.dma_semaphore, #tpu.memory_space<semaphore_mem>>) {add = true}
      %add3A_121 = arith.constant 9 : i32
      %add3A_122 = arith.addi %mul3A_19, %add3A_121 : i32
      %dma_start3A_123 = arith.constant 900 : i32
      %dma_start3A_124 = arith.constant 0 : i32
      %dma_start3A_125 = tpu.memref_slice %arg7[%dma_start3A_123, %dma_start3A_124] : memref<1000x32xf32, #tpu.memory_space<vmem>> -> memref<100x32xf32, #tpu.memory_space<vmem>>
      %dma_start3A_126 = arith.constant 0 : i32
      %dma_start3A_127 = tpu.memref_slice %arg6[%add3A_122, %dma_start3A_126] : memref<100x100xi32, #tpu.memory_space<vmem>> -> memref<1x100xi32, #tpu.memory_space<vmem>>
      %dma_start3A_128 = tpu.memref_squeeze %dma_start3A_127 : memref<1x100xi32, #tpu.memory_space<vmem>> -> memref<100xi32, #tpu.memory_space<vmem>>
      %dma_start3A_129 = arith.constant 0 : i32
      %dma_start3A_130 = arith.constant 0 : i32
      %dma_start3A_131 = tpu.memref_slice %arg8[%dma_start3A_129, %dma_start3A_130] : memref<10000x32xf32, #tpu.memory_space<vmem_shared>> -> memref<10000x32xf32, #tpu.memory_space<vmem_shared>>
      tpu.enqueue_indirect_dma source(%dma_start3A_125 : memref<100x32xf32, #tpu.memory_space<vmem>>) target(%dma_start3A_131 : memref<10000x32xf32, #tpu.memory_space<vmem_shared>>) offsets(%dma_start3A_128 : memref<100xi32, #tpu.memory_space<vmem>>) semaphore(%arg9 : memref<!tpu.dma_semaphore, #tpu.memory_space<semaphore_mem>>) {add = true}
      %add3A_132 = arith.constant 0 : i32
      %add3A_133 = arith.addi %mul3A_19, %add3A_132 : i32
      %dma_wait3A = arith.constant 0 : i32
      %dma_wait3A_134 = arith.constant 0 : i32
      %dma_wait3A_135 = tpu.memref_slice %arg7[%dma_wait3A, %dma_wait3A_134] : memref<1000x32xf32, #tpu.memory_space<vmem>> -> memref<100x32xf32, #tpu.memory_space<vmem>>
      %dma_wait3A_136 = arith.constant 0 : i32
      %dma_wait3A_137 = tpu.memref_slice %arg6[%add3A_133, %dma_wait3A_136] : memref<100x100xi32, #tpu.memory_space<vmem>> -> memref<1x100xi32, #tpu.memory_space<vmem>>
      %dma_wait3A_138 = tpu.memref_squeeze %dma_wait3A_137 : memref<1x100xi32, #tpu.memory_space<vmem>> -> memref<100xi32, #tpu.memory_space<vmem>>
      %dma_wait3A_139 = arith.constant 0 : i32
      %dma_wait3A_140 = arith.constant 0 : i32
      %dma_wait3A_141 = tpu.memref_slice %arg8[%dma_wait3A_139, %dma_wait3A_140] : memref<10000x32xf32, #tpu.memory_space<vmem_shared>> -> memref<10000x32xf32, #tpu.memory_space<vmem_shared>>
      tpu.wait_indirect_dma semaphore(%arg9 : memref<!tpu.dma_semaphore, #tpu.memory_space<semaphore_mem>>) src(%dma_wait3A_135 : memref<100x32xf32, #tpu.memory_space<vmem>>) dst(%dma_wait3A_141 : memref<10000x32xf32, #tpu.memory_space<vmem_shared>>)
      %add3A_142 = arith.constant 1 : i32
      %add3A_143 = arith.addi %mul3A_19, %add3A_142 : i32
      %dma_wait3A_144 = arith.constant 100 : i32
      %dma_wait3A_145 = arith.constant 0 : i32
      %dma_wait3A_146 = tpu.memref_slice %arg7[%dma_wait3A_144, %dma_wait3A_145] : memref<1000x32xf32, #tpu.memory_space<vmem>> -> memref<100x32xf32, #tpu.memory_space<vmem>>
      %dma_wait3A_147 = arith.constant 0 : i32
      %dma_wait3A_148 = tpu.memref_slice %arg6[%add3A_143, %dma_wait3A_147] : memref<100x100xi32, #tpu.memory_space<vmem>> -> memref<1x100xi32, #tpu.memory_space<vmem>>
      %dma_wait3A_149 = tpu.memref_squeeze %dma_wait3A_148 : memref<1x100xi32, #tpu.memory_space<vmem>> -> memref<100xi32, #tpu.memory_space<vmem>>
      %dma_wait3A_150 = arith.constant 0 : i32
      %dma_wait3A_151 = arith.constant 0 : i32
      %dma_wait3A_152 = tpu.memref_slice %arg8[%dma_wait3A_150, %dma_wait3A_151] : memref<10000x32xf32, #tpu.memory_space<vmem_shared>> -> memref<10000x32xf32, #tpu.memory_space<vmem_shared>>
      tpu.wait_indirect_dma semaphore(%arg9 : memref<!tpu.dma_semaphore, #tpu.memory_space<semaphore_mem>>) src(%dma_wait3A_146 : memref<100x32xf32, #tpu.memory_space<vmem>>) dst(%dma_wait3A_152 : memref<10000x32xf32, #tpu.memory_space<vmem_shared>>)
      %add3A_153 = arith.constant 2 : i32
      %add3A_154 = arith.addi %mul3A_19, %add3A_153 : i32
      %dma_wait3A_155 = arith.constant 200 : i32
      %dma_wait3A_156 = arith.constant 0 : i32
      %dma_wait3A_157 = tpu.memref_slice %arg7[%dma_wait3A_155, %dma_wait3A_156] : memref<1000x32xf32, #tpu.memory_space<vmem>> -> memref<100x32xf32, #tpu.memory_space<vmem>>
      %dma_wait3A_158 = arith.constant 0 : i32
      %dma_wait3A_159 = tpu.memref_slice %arg6[%add3A_154, %dma_wait3A_158] : memref<100x100xi32, #tpu.memory_space<vmem>> -> memref<1x100xi32, #tpu.memory_space<vmem>>
      %dma_wait3A_160 = tpu.memref_squeeze %dma_wait3A_159 : memref<1x100xi32, #tpu.memory_space<vmem>> -> memref<100xi32, #tpu.memory_space<vmem>>
      %dma_wait3A_161 = arith.constant 0 : i32
      %dma_wait3A_162 = arith.constant 0 : i32
      %dma_wait3A_163 = tpu.memref_slice %arg8[%dma_wait3A_161, %dma_wait3A_162] : memref<10000x32xf32, #tpu.memory_space<vmem_shared>> -> memref<10000x32xf32, #tpu.memory_space<vmem_shared>>
      tpu.wait_indirect_dma semaphore(%arg9 : memref<!tpu.dma_semaphore, #tpu.memory_space<semaphore_mem>>) src(%dma_wait3A_157 : memref<100x32xf32, #tpu.memory_space<vmem>>) dst(%dma_wait3A_163 : memref<10000x32xf32, #tpu.memory_space<vmem_shared>>)
      %add3A_164 = arith.constant 3 : i32
      %add3A_165 = arith.addi %mul3A_19, %add3A_164 : i32
      %dma_wait3A_166 = arith.constant 300 : i32
      %dma_wait3A_167 = arith.constant 0 : i32
      %dma_wait3A_168 = tpu.memref_slice %arg7[%dma_wait3A_166, %dma_wait3A_167] : memref<1000x32xf32, #tpu.memory_space<vmem>> -> memref<100x32xf32, #tpu.memory_space<vmem>>
      %dma_wait3A_169 = arith.constant 0 : i32
      %dma_wait3A_170 = tpu.memref_slice %arg6[%add3A_165, %dma_wait3A_169] : memref<100x100xi32, #tpu.memory_space<vmem>> -> memref<1x100xi32, #tpu.memory_space<vmem>>
      %dma_wait3A_171 = tpu.memref_squeeze %dma_wait3A_170 : memref<1x100xi32, #tpu.memory_space<vmem>> -> memref<100xi32, #tpu.memory_space<vmem>>
      %dma_wait3A_172 = arith.constant 0 : i32
      %dma_wait3A_173 = arith.constant 0 : i32
      %dma_wait3A_174 = tpu.memref_slice %arg8[%dma_wait3A_172, %dma_wait3A_173] : memref<10000x32xf32, #tpu.memory_space<vmem_shared>> -> memref<10000x32xf32, #tpu.memory_space<vmem_shared>>
      tpu.wait_indirect_dma semaphore(%arg9 : memref<!tpu.dma_semaphore, #tpu.memory_space<semaphore_mem>>) src(%dma_wait3A_168 : memref<100x32xf32, #tpu.memory_space<vmem>>) dst(%dma_wait3A_174 : memref<10000x32xf32, #tpu.memory_space<vmem_shared>>)
      %add3A_175 = arith.constant 4 : i32
      %add3A_176 = arith.addi %mul3A_19, %add3A_175 : i32
      %dma_wait3A_177 = arith.constant 400 : i32
      %dma_wait3A_178 = arith.constant 0 : i32
      %dma_wait3A_179 = tpu.memref_slice %arg7[%dma_wait3A_177, %dma_wait3A_178] : memref<1000x32xf32, #tpu.memory_space<vmem>> -> memref<100x32xf32, #tpu.memory_space<vmem>>
      %dma_wait3A_180 = arith.constant 0 : i32
      %dma_wait3A_181 = tpu.memref_slice %arg6[%add3A_176, %dma_wait3A_180] : memref<100x100xi32, #tpu.memory_space<vmem>> -> memref<1x100xi32, #tpu.memory_space<vmem>>
      %dma_wait3A_182 = tpu.memref_squeeze %dma_wait3A_181 : memref<1x100xi32, #tpu.memory_space<vmem>> -> memref<100xi32, #tpu.memory_space<vmem>>
      %dma_wait3A_183 = arith.constant 0 : i32
      %dma_wait3A_184 = arith.constant 0 : i32
      %dma_wait3A_185 = tpu.memref_slice %arg8[%dma_wait3A_183, %dma_wait3A_184] : memref<10000x32xf32, #tpu.memory_space<vmem_shared>> -> memref<10000x32xf32, #tpu.memory_space<vmem_shared>>
      tpu.wait_indirect_dma semaphore(%arg9 : memref<!tpu.dma_semaphore, #tpu.memory_space<semaphore_mem>>) src(%dma_wait3A_179 : memref<100x32xf32, #tpu.memory_space<vmem>>) dst(%dma_wait3A_185 : memref<10000x32xf32, #tpu.memory_space<vmem_shared>>)
      %add3A_186 = arith.constant 5 : i32
      %add3A_187 = arith.addi %mul3A_19, %add3A_186 : i32
      %dma_wait3A_188 = arith.constant 500 : i32
      %dma_wait3A_189 = arith.constant 0 : i32
      %dma_wait3A_190 = tpu.memref_slice %arg7[%dma_wait3A_188, %dma_wait3A_189] : memref<1000x32xf32, #tpu.memory_space<vmem>> -> memref<100x32xf32, #tpu.memory_space<vmem>>
      %dma_wait3A_191 = arith.constant 0 : i32
      %dma_wait3A_192 = tpu.memref_slice %arg6[%add3A_187, %dma_wait3A_191] : memref<100x100xi32, #tpu.memory_space<vmem>> -> memref<1x100xi32, #tpu.memory_space<vmem>>
      %dma_wait3A_193 = tpu.memref_squeeze %dma_wait3A_192 : memref<1x100xi32, #tpu.memory_space<vmem>> -> memref<100xi32, #tpu.memory_space<vmem>>
      %dma_wait3A_194 = arith.constant 0 : i32
      %dma_wait3A_195 = arith.constant 0 : i32
      %dma_wait3A_196 = tpu.memref_slice %arg8[%dma_wait3A_194, %dma_wait3A_195] : memref<10000x32xf32, #tpu.memory_space<vmem_shared>> -> memref<10000x32xf32, #tpu.memory_space<vmem_shared>>
      tpu.wait_indirect_dma semaphore(%arg9 : memref<!tpu.dma_semaphore, #tpu.memory_space<semaphore_mem>>) src(%dma_wait3A_190 : memref<100x32xf32, #tpu.memory_space<vmem>>) dst(%dma_wait3A_196 : memref<10000x32xf32, #tpu.memory_space<vmem_shared>>)
      %add3A_197 = arith.constant 6 : i32
      %add3A_198 = arith.addi %mul3A_19, %add3A_197 : i32
      %dma_wait3A_199 = arith.constant 600 : i32
      %dma_wait3A_200 = arith.constant 0 : i32
      %dma_wait3A_201 = tpu.memref_slice %arg7[%dma_wait3A_199, %dma_wait3A_200] : memref<1000x32xf32, #tpu.memory_space<vmem>> -> memref<100x32xf32, #tpu.memory_space<vmem>>
      %dma_wait3A_202 = arith.constant 0 : i32
      %dma_wait3A_203 = tpu.memref_slice %arg6[%add3A_198, %dma_wait3A_202] : memref<100x100xi32, #tpu.memory_space<vmem>> -> memref<1x100xi32, #tpu.memory_space<vmem>>
      %dma_wait3A_204 = tpu.memref_squeeze %dma_wait3A_203 : memref<1x100xi32, #tpu.memory_space<vmem>> -> memref<100xi32, #tpu.memory_space<vmem>>
      %dma_wait3A_205 = arith.constant 0 : i32
      %dma_wait3A_206 = arith.constant 0 : i32
      %dma_wait3A_207 = tpu.memref_slice %arg8[%dma_wait3A_205, %dma_wait3A_206] : memref<10000x32xf32, #tpu.memory_space<vmem_shared>> -> memref<10000x32xf32, #tpu.memory_space<vmem_shared>>
      tpu.wait_indirect_dma semaphore(%arg9 : memref<!tpu.dma_semaphore, #tpu.memory_space<semaphore_mem>>) src(%dma_wait3A_201 : memref<100x32xf32, #tpu.memory_space<vmem>>) dst(%dma_wait3A_207 : memref<10000x32xf32, #tpu.memory_space<vmem_shared>>)
      %add3A_208 = arith.constant 7 : i32
      %add3A_209 = arith.addi %mul3A_19, %add3A_208 : i32
      %dma_wait3A_210 = arith.constant 700 : i32
      %dma_wait3A_211 = arith.constant 0 : i32
      %dma_wait3A_212 = tpu.memref_slice %arg7[%dma_wait3A_210, %dma_wait3A_211] : memref<1000x32xf32, #tpu.memory_space<vmem>> -> memref<100x32xf32, #tpu.memory_space<vmem>>
      %dma_wait3A_213 = arith.constant 0 : i32
      %dma_wait3A_214 = tpu.memref_slice %arg6[%add3A_209, %dma_wait3A_213] : memref<100x100xi32, #tpu.memory_space<vmem>> -> memref<1x100xi32, #tpu.memory_space<vmem>>
      %dma_wait3A_215 = tpu.memref_squeeze %dma_wait3A_214 : memref<1x100xi32, #tpu.memory_space<vmem>> -> memref<100xi32, #tpu.memory_space<vmem>>
      %dma_wait3A_216 = arith.constant 0 : i32
      %dma_wait3A_217 = arith.constant 0 : i32
      %dma_wait3A_218 = tpu.memref_slice %arg8[%dma_wait3A_216, %dma_wait3A_217] : memref<10000x32xf32, #tpu.memory_space<vmem_shared>> -> memref<10000x32xf32, #tpu.memory_space<vmem_shared>>
      tpu.wait_indirect_dma semaphore(%arg9 : memref<!tpu.dma_semaphore, #tpu.memory_space<semaphore_mem>>) src(%dma_wait3A_212 : memref<100x32xf32, #tpu.memory_space<vmem>>) dst(%dma_wait3A_218 : memref<10000x32xf32, #tpu.memory_space<vmem_shared>>)
      %add3A_219 = arith.constant 8 : i32
      %add3A_220 = arith.addi %mul3A_19, %add3A_219 : i32
      %dma_wait3A_221 = arith.constant 800 : i32
      %dma_wait3A_222 = arith.constant 0 : i32
      %dma_wait3A_223 = tpu.memref_slice %arg7[%dma_wait3A_221, %dma_wait3A_222] : memref<1000x32xf32, #tpu.memory_space<vmem>> -> memref<100x32xf32, #tpu.memory_space<vmem>>
      %dma_wait3A_224 = arith.constant 0 : i32
      %dma_wait3A_225 = tpu.memref_slice %arg6[%add3A_220, %dma_wait3A_224] : memref<100x100xi32, #tpu.memory_space<vmem>> -> memref<1x100xi32, #tpu.memory_space<vmem>>
      %dma_wait3A_226 = tpu.memref_squeeze %dma_wait3A_225 : memref<1x100xi32, #tpu.memory_space<vmem>> -> memref<100xi32, #tpu.memory_space<vmem>>
      %dma_wait3A_227 = arith.constant 0 : i32
      %dma_wait3A_228 = arith.constant 0 : i32
      %dma_wait3A_229 = tpu.memref_slice %arg8[%dma_wait3A_227, %dma_wait3A_228] : memref<10000x32xf32, #tpu.memory_space<vmem_shared>> -> memref<10000x32xf32, #tpu.memory_space<vmem_shared>>
      tpu.wait_indirect_dma semaphore(%arg9 : memref<!tpu.dma_semaphore, #tpu.memory_space<semaphore_mem>>) src(%dma_wait3A_223 : memref<100x32xf32, #tpu.memory_space<vmem>>) dst(%dma_wait3A_229 : memref<10000x32xf32, #tpu.memory_space<vmem_shared>>)
      %add3A_230 = arith.constant 9 : i32
      %add3A_231 = arith.addi %mul3A_19, %add3A_230 : i32
      %dma_wait3A_232 = arith.constant 900 : i32
      %dma_wait3A_233 = arith.constant 0 : i32
      %dma_wait3A_234 = tpu.memref_slice %arg7[%dma_wait3A_232, %dma_wait3A_233] : memref<1000x32xf32, #tpu.memory_space<vmem>> -> memref<100x32xf32, #tpu.memory_space<vmem>>
      %dma_wait3A_235 = arith.constant 0 : i32
      %dma_wait3A_236 = tpu.memref_slice %arg6[%add3A_231, %dma_wait3A_235] : memref<100x100xi32, #tpu.memory_space<vmem>> -> memref<1x100xi32, #tpu.memory_space<vmem>>
      %dma_wait3A_237 = tpu.memref_squeeze %dma_wait3A_236 : memref<1x100xi32, #tpu.memory_space<vmem>> -> memref<100xi32, #tpu.memory_space<vmem>>
      %dma_wait3A_238 = arith.constant 0 : i32
      %dma_wait3A_239 = arith.constant 0 : i32
      %dma_wait3A_240 = tpu.memref_slice %arg8[%dma_wait3A_238, %dma_wait3A_239] : memref<10000x32xf32, #tpu.memory_space<vmem_shared>> -> memref<10000x32xf32, #tpu.memory_space<vmem_shared>>
      tpu.wait_indirect_dma semaphore(%arg9 : memref<!tpu.dma_semaphore, #tpu.memory_space<semaphore_mem>>) src(%dma_wait3A_234 : memref<100x32xf32, #tpu.memory_space<vmem>>) dst(%dma_wait3A_240 : memref<10000x32xf32, #tpu.memory_space<vmem_shared>>)
    }
    %scan3A_11 = arith.constant 10 : i32
    %barrier3A_12 = arith.constant 0 : index
    tpu.barrier barrier_id(%barrier3A_12)
    %mul3A_13 = arith.constant 625 : i32
    %mul3A_14 = arith.muli %arg1, %mul3A_13 : i32
    %mul3A_15 = arith.constant 625 : i32
    %mul3A_16 = arith.muli %arg1, %mul3A_15 : i32
    "tpu.region"() ({
      %run_scoped3A = tpu.sem_alloc : memref<!tpu.dma_semaphore, #tpu.memory_space<semaphore_mem>>
      %dma_start3A = arith.constant 0 : i32
      %dma_start3A_17 = tpu.memref_slice %arg5[%arg0, %mul3A_16, %dma_start3A] : memref<2x10000x32xf32, #tpu.memory_space<hbm>> -> memref<1x625x32xf32, #tpu.memory_space<hbm>>
      %dma_start3A_18 = tpu.memref_squeeze %dma_start3A_17 : memref<1x625x32xf32, #tpu.memory_space<hbm>> -> memref<625x32xf32, #tpu.memory_space<hbm>>
      %dma_start3A_19 = arith.constant 0 : i32
      %dma_start3A_20 = tpu.memref_slice %arg8[%mul3A_14, %dma_start3A_19] : memref<10000x32xf32, #tpu.memory_space<vmem_shared>> -> memref<625x32xf32, #tpu.memory_space<vmem_shared>>
      tpu.enqueue_dma source(%dma_start3A_20 : memref<625x32xf32, #tpu.memory_space<vmem_shared>>) target(%dma_start3A_18 : memref<625x32xf32, #tpu.memory_space<hbm>>) target_semaphore(%run_scoped3A : memref<!tpu.dma_semaphore, #tpu.memory_space<semaphore_mem>>)
      %dma_wait3A = arith.constant 0 : i32
      %dma_wait3A_21 = tpu.memref_slice %arg5[%arg0, %mul3A_16, %dma_wait3A] : memref<2x10000x32xf32, #tpu.memory_space<hbm>> -> memref<1x625x32xf32, #tpu.memory_space<hbm>>
      %dma_wait3A_22 = tpu.memref_squeeze %dma_wait3A_21 : memref<1x625x32xf32, #tpu.memory_space<hbm>> -> memref<625x32xf32, #tpu.memory_space<hbm>>
      %dma_wait3A_23 = arith.constant 0 : i32
      %dma_wait3A_24 = tpu.memref_slice %arg8[%mul3A_14, %dma_wait3A_23] : memref<10000x32xf32, #tpu.memory_space<vmem_shared>> -> memref<625x32xf32, #tpu.memory_space<vmem_shared>>
      tpu.wait_dma2 semaphore(%run_scoped3A : memref<!tpu.dma_semaphore, #tpu.memory_space<semaphore_mem>>) src(%dma_wait3A_24 : memref<625x32xf32, #tpu.memory_space<vmem_shared>>) dst(%dma_wait3A_22 : memref<625x32xf32, #tpu.memory_space<hbm>>)
      tpu.yield
    }) : () -> ()
    return
  }
}

#map = affine_map<(d0, d1) -> (0, 0)>
#map1 = affine_map<(d0, d1) -> (0, 0, 0)>
module attributes {stable_mosaic.version = 14 : i64} {
  func.func @_sc_gather_body(%arg0: i32, %arg1: i32, %arg2: memref<10000x32xf32, #tpu.memory_space<hbm>>, %arg3: memref<32x100x100xi32, #tpu.memory_space<hbm>>, %arg4: memref<320000x32xf32, #tpu.memory_space<hbm>>, %arg5: memref<100x100xi32, #tpu.memory_space<vmem>>, %arg6: memref<1000x32xf32, #tpu.memory_space<vmem>>, %arg7: memref<!tpu.dma_semaphore, #tpu.memory_space<semaphore_mem>>) attributes {dimension_semantics = [#tpu.dimension_semantics<core_parallel>, #tpu.dimension_semantics<subcore_parallel>], iteration_bounds = array<i64: 2, 16>, scalar_prefetch = 0 : i64, scratch_operands = 3 : i64, tpu.core_type = #tpu.core_type<sc_vector_subcore>, window_params = [{transform_indices = #map}, {transform_indices = #map1}, {transform_indices = #map}]} {
    %mul3A = arith.constant 2 : i32
    %mul3A_0 = arith.muli %arg1, %mul3A : i32
    %add3A = arith.addi %mul3A_0, %arg0 : i32
    "tpu.region"() ({
      %run_scoped3A = tpu.sem_alloc : memref<!tpu.dma_semaphore, #tpu.memory_space<semaphore_mem>>
      %dma_start3A = arith.constant 0 : i32
      %dma_start3A_8 = arith.constant 0 : i32
      %dma_start3A_9 = tpu.memref_slice %arg3[%add3A, %dma_start3A, %dma_start3A_8] : memref<32x100x100xi32, #tpu.memory_space<hbm>> -> memref<1x100x100xi32, #tpu.memory_space<hbm>>
      %dma_start3A_10 = tpu.memref_squeeze %dma_start3A_9 : memref<1x100x100xi32, #tpu.memory_space<hbm>> -> memref<100x100xi32, #tpu.memory_space<hbm>>
      %dma_start3A_11 = arith.constant 0 : i32
      %dma_start3A_12 = arith.constant 0 : i32
      %dma_start3A_13 = tpu.memref_slice %arg3[%add3A, %dma_start3A_11, %dma_start3A_12] : memref<32x100x100xi32, #tpu.memory_space<hbm>> -> memref<1x100x100xi32, #tpu.memory_space<hbm>>
      %dma_start3A_14 = tpu.memref_squeeze %dma_start3A_13 : memref<1x100x100xi32, #tpu.memory_space<hbm>> -> memref<100x100xi32, #tpu.memory_space<hbm>>
      tpu.enqueue_dma source(%dma_start3A_14 : memref<100x100xi32, #tpu.memory_space<hbm>>) target(%arg5 : memref<100x100xi32, #tpu.memory_space<vmem>>) target_semaphore(%run_scoped3A : memref<!tpu.dma_semaphore, #tpu.memory_space<semaphore_mem>>)
      %dma_wait3A = arith.constant 0 : i32
      %dma_wait3A_15 = arith.constant 0 : i32
      %dma_wait3A_16 = tpu.memref_slice %arg3[%add3A, %dma_wait3A, %dma_wait3A_15] : memref<32x100x100xi32, #tpu.memory_space<hbm>> -> memref<1x100x100xi32, #tpu.memory_space<hbm>>
      %dma_wait3A_17 = tpu.memref_squeeze %dma_wait3A_16 : memref<1x100x100xi32, #tpu.memory_space<hbm>> -> memref<100x100xi32, #tpu.memory_space<hbm>>
      %dma_wait3A_18 = arith.constant 0 : i32
      %dma_wait3A_19 = arith.constant 0 : i32
      %dma_wait3A_20 = tpu.memref_slice %arg3[%add3A, %dma_wait3A_18, %dma_wait3A_19] : memref<32x100x100xi32, #tpu.memory_space<hbm>> -> memref<1x100x100xi32, #tpu.memory_space<hbm>>
      %dma_wait3A_21 = tpu.memref_squeeze %dma_wait3A_20 : memref<1x100x100xi32, #tpu.memory_space<hbm>> -> memref<100x100xi32, #tpu.memory_space<hbm>>
      tpu.wait_dma2 semaphore(%run_scoped3A : memref<!tpu.dma_semaphore, #tpu.memory_space<semaphore_mem>>) src(%dma_wait3A_21 : memref<100x100xi32, #tpu.memory_space<hbm>>) dst(%arg5 : memref<100x100xi32, #tpu.memory_space<vmem>>)
      tpu.yield
    }) : () -> ()
    %mul3A_1 = arith.constant 10000 : i32
    %mul3A_2 = arith.muli %add3A, %mul3A_1 : i32
    %scan3A = arith.constant 0 : i32
    %scan3A_3 = arith.constant 0 : i32
    %scan3A_4 = arith.constant 10 : i32
    %scan3A_5 = arith.addi %scan3A_3, %scan3A_4 : i32
    %scan3A_6 = arith.constant 1 : i32
    scf.for %scan3A_8 = %scan3A_3 to %scan3A_5 step %scan3A_6  : i32 {
      %mul3A_9 = arith.constant 10 : i32
      %mul3A_10 = arith.muli %scan3A_8, %mul3A_9 : i32
      %add3A_11 = arith.constant 0 : i32
      %add3A_12 = arith.addi %mul3A_10, %add3A_11 : i32
      %dma_start3A = arith.constant 0 : i32
      %dma_start3A_13 = arith.constant 0 : i32
      %dma_start3A_14 = tpu.memref_slice %arg6[%dma_start3A, %dma_start3A_13] : memref<1000x32xf32, #tpu.memory_space<vmem>> -> memref<100x32xf32, #tpu.memory_space<vmem>>
      %dma_start3A_15 = arith.constant 0 : i32
      %dma_start3A_16 = tpu.memref_slice %arg5[%add3A_12, %dma_start3A_15] : memref<100x100xi32, #tpu.memory_space<vmem>> -> memref<1x100xi32, #tpu.memory_space<vmem>>
      %dma_start3A_17 = tpu.memref_squeeze %dma_start3A_16 : memref<1x100xi32, #tpu.memory_space<vmem>> -> memref<100xi32, #tpu.memory_space<vmem>>
      %dma_start3A_18 = arith.constant 0 : i32
      %dma_start3A_19 = arith.constant 0 : i32
      %dma_start3A_20 = tpu.memref_slice %arg2[%dma_start3A_18, %dma_start3A_19] : memref<10000x32xf32, #tpu.memory_space<hbm>> -> memref<10000x32xf32, #tpu.memory_space<hbm>>
      tpu.enqueue_indirect_dma source(%dma_start3A_20 : memref<10000x32xf32, #tpu.memory_space<hbm>>) target(%dma_start3A_14 : memref<100x32xf32, #tpu.memory_space<vmem>>) offsets(%dma_start3A_17 : memref<100xi32, #tpu.memory_space<vmem>>) semaphore(%arg7 : memref<!tpu.dma_semaphore, #tpu.memory_space<semaphore_mem>>)
      %add3A_21 = arith.constant 1 : i32
      %add3A_22 = arith.addi %mul3A_10, %add3A_21 : i32
      %dma_start3A_23 = arith.constant 100 : i32
      %dma_start3A_24 = arith.constant 0 : i32
      %dma_start3A_25 = tpu.memref_slice %arg6[%dma_start3A_23, %dma_start3A_24] : memref<1000x32xf32, #tpu.memory_space<vmem>> -> memref<100x32xf32, #tpu.memory_space<vmem>>
      %dma_start3A_26 = arith.constant 0 : i32
      %dma_start3A_27 = tpu.memref_slice %arg5[%add3A_22, %dma_start3A_26] : memref<100x100xi32, #tpu.memory_space<vmem>> -> memref<1x100xi32, #tpu.memory_space<vmem>>
      %dma_start3A_28 = tpu.memref_squeeze %dma_start3A_27 : memref<1x100xi32, #tpu.memory_space<vmem>> -> memref<100xi32, #tpu.memory_space<vmem>>
      %dma_start3A_29 = arith.constant 0 : i32
      %dma_start3A_30 = arith.constant 0 : i32
      %dma_start3A_31 = tpu.memref_slice %arg2[%dma_start3A_29, %dma_start3A_30] : memref<10000x32xf32, #tpu.memory_space<hbm>> -> memref<10000x32xf32, #tpu.memory_space<hbm>>
      tpu.enqueue_indirect_dma source(%dma_start3A_31 : memref<10000x32xf32, #tpu.memory_space<hbm>>) target(%dma_start3A_25 : memref<100x32xf32, #tpu.memory_space<vmem>>) offsets(%dma_start3A_28 : memref<100xi32, #tpu.memory_space<vmem>>) semaphore(%arg7 : memref<!tpu.dma_semaphore, #tpu.memory_space<semaphore_mem>>)
      %add3A_32 = arith.constant 2 : i32
      %add3A_33 = arith.addi %mul3A_10, %add3A_32 : i32
      %dma_start3A_34 = arith.constant 200 : i32
      %dma_start3A_35 = arith.constant 0 : i32
      %dma_start3A_36 = tpu.memref_slice %arg6[%dma_start3A_34, %dma_start3A_35] : memref<1000x32xf32, #tpu.memory_space<vmem>> -> memref<100x32xf32, #tpu.memory_space<vmem>>
      %dma_start3A_37 = arith.constant 0 : i32
      %dma_start3A_38 = tpu.memref_slice %arg5[%add3A_33, %dma_start3A_37] : memref<100x100xi32, #tpu.memory_space<vmem>> -> memref<1x100xi32, #tpu.memory_space<vmem>>
      %dma_start3A_39 = tpu.memref_squeeze %dma_start3A_38 : memref<1x100xi32, #tpu.memory_space<vmem>> -> memref<100xi32, #tpu.memory_space<vmem>>
      %dma_start3A_40 = arith.constant 0 : i32
      %dma_start3A_41 = arith.constant 0 : i32
      %dma_start3A_42 = tpu.memref_slice %arg2[%dma_start3A_40, %dma_start3A_41] : memref<10000x32xf32, #tpu.memory_space<hbm>> -> memref<10000x32xf32, #tpu.memory_space<hbm>>
      tpu.enqueue_indirect_dma source(%dma_start3A_42 : memref<10000x32xf32, #tpu.memory_space<hbm>>) target(%dma_start3A_36 : memref<100x32xf32, #tpu.memory_space<vmem>>) offsets(%dma_start3A_39 : memref<100xi32, #tpu.memory_space<vmem>>) semaphore(%arg7 : memref<!tpu.dma_semaphore, #tpu.memory_space<semaphore_mem>>)
      %add3A_43 = arith.constant 3 : i32
      %add3A_44 = arith.addi %mul3A_10, %add3A_43 : i32
      %dma_start3A_45 = arith.constant 300 : i32
      %dma_start3A_46 = arith.constant 0 : i32
      %dma_start3A_47 = tpu.memref_slice %arg6[%dma_start3A_45, %dma_start3A_46] : memref<1000x32xf32, #tpu.memory_space<vmem>> -> memref<100x32xf32, #tpu.memory_space<vmem>>
      %dma_start3A_48 = arith.constant 0 : i32
      %dma_start3A_49 = tpu.memref_slice %arg5[%add3A_44, %dma_start3A_48] : memref<100x100xi32, #tpu.memory_space<vmem>> -> memref<1x100xi32, #tpu.memory_space<vmem>>
      %dma_start3A_50 = tpu.memref_squeeze %dma_start3A_49 : memref<1x100xi32, #tpu.memory_space<vmem>> -> memref<100xi32, #tpu.memory_space<vmem>>
      %dma_start3A_51 = arith.constant 0 : i32
      %dma_start3A_52 = arith.constant 0 : i32
      %dma_start3A_53 = tpu.memref_slice %arg2[%dma_start3A_51, %dma_start3A_52] : memref<10000x32xf32, #tpu.memory_space<hbm>> -> memref<10000x32xf32, #tpu.memory_space<hbm>>
      tpu.enqueue_indirect_dma source(%dma_start3A_53 : memref<10000x32xf32, #tpu.memory_space<hbm>>) target(%dma_start3A_47 : memref<100x32xf32, #tpu.memory_space<vmem>>) offsets(%dma_start3A_50 : memref<100xi32, #tpu.memory_space<vmem>>) semaphore(%arg7 : memref<!tpu.dma_semaphore, #tpu.memory_space<semaphore_mem>>)
      %add3A_54 = arith.constant 4 : i32
      %add3A_55 = arith.addi %mul3A_10, %add3A_54 : i32
      %dma_start3A_56 = arith.constant 400 : i32
      %dma_start3A_57 = arith.constant 0 : i32
      %dma_start3A_58 = tpu.memref_slice %arg6[%dma_start3A_56, %dma_start3A_57] : memref<1000x32xf32, #tpu.memory_space<vmem>> -> memref<100x32xf32, #tpu.memory_space<vmem>>
      %dma_start3A_59 = arith.constant 0 : i32
      %dma_start3A_60 = tpu.memref_slice %arg5[%add3A_55, %dma_start3A_59] : memref<100x100xi32, #tpu.memory_space<vmem>> -> memref<1x100xi32, #tpu.memory_space<vmem>>
      %dma_start3A_61 = tpu.memref_squeeze %dma_start3A_60 : memref<1x100xi32, #tpu.memory_space<vmem>> -> memref<100xi32, #tpu.memory_space<vmem>>
      %dma_start3A_62 = arith.constant 0 : i32
      %dma_start3A_63 = arith.constant 0 : i32
      %dma_start3A_64 = tpu.memref_slice %arg2[%dma_start3A_62, %dma_start3A_63] : memref<10000x32xf32, #tpu.memory_space<hbm>> -> memref<10000x32xf32, #tpu.memory_space<hbm>>
      tpu.enqueue_indirect_dma source(%dma_start3A_64 : memref<10000x32xf32, #tpu.memory_space<hbm>>) target(%dma_start3A_58 : memref<100x32xf32, #tpu.memory_space<vmem>>) offsets(%dma_start3A_61 : memref<100xi32, #tpu.memory_space<vmem>>) semaphore(%arg7 : memref<!tpu.dma_semaphore, #tpu.memory_space<semaphore_mem>>)
      %add3A_65 = arith.constant 5 : i32
      %add3A_66 = arith.addi %mul3A_10, %add3A_65 : i32
      %dma_start3A_67 = arith.constant 500 : i32
      %dma_start3A_68 = arith.constant 0 : i32
      %dma_start3A_69 = tpu.memref_slice %arg6[%dma_start3A_67, %dma_start3A_68] : memref<1000x32xf32, #tpu.memory_space<vmem>> -> memref<100x32xf32, #tpu.memory_space<vmem>>
      %dma_start3A_70 = arith.constant 0 : i32
      %dma_start3A_71 = tpu.memref_slice %arg5[%add3A_66, %dma_start3A_70] : memref<100x100xi32, #tpu.memory_space<vmem>> -> memref<1x100xi32, #tpu.memory_space<vmem>>
      %dma_start3A_72 = tpu.memref_squeeze %dma_start3A_71 : memref<1x100xi32, #tpu.memory_space<vmem>> -> memref<100xi32, #tpu.memory_space<vmem>>
      %dma_start3A_73 = arith.constant 0 : i32
      %dma_start3A_74 = arith.constant 0 : i32
      %dma_start3A_75 = tpu.memref_slice %arg2[%dma_start3A_73, %dma_start3A_74] : memref<10000x32xf32, #tpu.memory_space<hbm>> -> memref<10000x32xf32, #tpu.memory_space<hbm>>
      tpu.enqueue_indirect_dma source(%dma_start3A_75 : memref<10000x32xf32, #tpu.memory_space<hbm>>) target(%dma_start3A_69 : memref<100x32xf32, #tpu.memory_space<vmem>>) offsets(%dma_start3A_72 : memref<100xi32, #tpu.memory_space<vmem>>) semaphore(%arg7 : memref<!tpu.dma_semaphore, #tpu.memory_space<semaphore_mem>>)
      %add3A_76 = arith.constant 6 : i32
      %add3A_77 = arith.addi %mul3A_10, %add3A_76 : i32
      %dma_start3A_78 = arith.constant 600 : i32
      %dma_start3A_79 = arith.constant 0 : i32
      %dma_start3A_80 = tpu.memref_slice %arg6[%dma_start3A_78, %dma_start3A_79] : memref<1000x32xf32, #tpu.memory_space<vmem>> -> memref<100x32xf32, #tpu.memory_space<vmem>>
      %dma_start3A_81 = arith.constant 0 : i32
      %dma_start3A_82 = tpu.memref_slice %arg5[%add3A_77, %dma_start3A_81] : memref<100x100xi32, #tpu.memory_space<vmem>> -> memref<1x100xi32, #tpu.memory_space<vmem>>
      %dma_start3A_83 = tpu.memref_squeeze %dma_start3A_82 : memref<1x100xi32, #tpu.memory_space<vmem>> -> memref<100xi32, #tpu.memory_space<vmem>>
      %dma_start3A_84 = arith.constant 0 : i32
      %dma_start3A_85 = arith.constant 0 : i32
      %dma_start3A_86 = tpu.memref_slice %arg2[%dma_start3A_84, %dma_start3A_85] : memref<10000x32xf32, #tpu.memory_space<hbm>> -> memref<10000x32xf32, #tpu.memory_space<hbm>>
      tpu.enqueue_indirect_dma source(%dma_start3A_86 : memref<10000x32xf32, #tpu.memory_space<hbm>>) target(%dma_start3A_80 : memref<100x32xf32, #tpu.memory_space<vmem>>) offsets(%dma_start3A_83 : memref<100xi32, #tpu.memory_space<vmem>>) semaphore(%arg7 : memref<!tpu.dma_semaphore, #tpu.memory_space<semaphore_mem>>)
      %add3A_87 = arith.constant 7 : i32
      %add3A_88 = arith.addi %mul3A_10, %add3A_87 : i32
      %dma_start3A_89 = arith.constant 700 : i32
      %dma_start3A_90 = arith.constant 0 : i32
      %dma_start3A_91 = tpu.memref_slice %arg6[%dma_start3A_89, %dma_start3A_90] : memref<1000x32xf32, #tpu.memory_space<vmem>> -> memref<100x32xf32, #tpu.memory_space<vmem>>
      %dma_start3A_92 = arith.constant 0 : i32
      %dma_start3A_93 = tpu.memref_slice %arg5[%add3A_88, %dma_start3A_92] : memref<100x100xi32, #tpu.memory_space<vmem>> -> memref<1x100xi32, #tpu.memory_space<vmem>>
      %dma_start3A_94 = tpu.memref_squeeze %dma_start3A_93 : memref<1x100xi32, #tpu.memory_space<vmem>> -> memref<100xi32, #tpu.memory_space<vmem>>
      %dma_start3A_95 = arith.constant 0 : i32
      %dma_start3A_96 = arith.constant 0 : i32
      %dma_start3A_97 = tpu.memref_slice %arg2[%dma_start3A_95, %dma_start3A_96] : memref<10000x32xf32, #tpu.memory_space<hbm>> -> memref<10000x32xf32, #tpu.memory_space<hbm>>
      tpu.enqueue_indirect_dma source(%dma_start3A_97 : memref<10000x32xf32, #tpu.memory_space<hbm>>) target(%dma_start3A_91 : memref<100x32xf32, #tpu.memory_space<vmem>>) offsets(%dma_start3A_94 : memref<100xi32, #tpu.memory_space<vmem>>) semaphore(%arg7 : memref<!tpu.dma_semaphore, #tpu.memory_space<semaphore_mem>>)
      %add3A_98 = arith.constant 8 : i32
      %add3A_99 = arith.addi %mul3A_10, %add3A_98 : i32
      %dma_start3A_100 = arith.constant 800 : i32
      %dma_start3A_101 = arith.constant 0 : i32
      %dma_start3A_102 = tpu.memref_slice %arg6[%dma_start3A_100, %dma_start3A_101] : memref<1000x32xf32, #tpu.memory_space<vmem>> -> memref<100x32xf32, #tpu.memory_space<vmem>>
      %dma_start3A_103 = arith.constant 0 : i32
      %dma_start3A_104 = tpu.memref_slice %arg5[%add3A_99, %dma_start3A_103] : memref<100x100xi32, #tpu.memory_space<vmem>> -> memref<1x100xi32, #tpu.memory_space<vmem>>
      %dma_start3A_105 = tpu.memref_squeeze %dma_start3A_104 : memref<1x100xi32, #tpu.memory_space<vmem>> -> memref<100xi32, #tpu.memory_space<vmem>>
      %dma_start3A_106 = arith.constant 0 : i32
      %dma_start3A_107 = arith.constant 0 : i32
      %dma_start3A_108 = tpu.memref_slice %arg2[%dma_start3A_106, %dma_start3A_107] : memref<10000x32xf32, #tpu.memory_space<hbm>> -> memref<10000x32xf32, #tpu.memory_space<hbm>>
      tpu.enqueue_indirect_dma source(%dma_start3A_108 : memref<10000x32xf32, #tpu.memory_space<hbm>>) target(%dma_start3A_102 : memref<100x32xf32, #tpu.memory_space<vmem>>) offsets(%dma_start3A_105 : memref<100xi32, #tpu.memory_space<vmem>>) semaphore(%arg7 : memref<!tpu.dma_semaphore, #tpu.memory_space<semaphore_mem>>)
      %add3A_109 = arith.constant 9 : i32
      %add3A_110 = arith.addi %mul3A_10, %add3A_109 : i32
      %dma_start3A_111 = arith.constant 900 : i32
      %dma_start3A_112 = arith.constant 0 : i32
      %dma_start3A_113 = tpu.memref_slice %arg6[%dma_start3A_111, %dma_start3A_112] : memref<1000x32xf32, #tpu.memory_space<vmem>> -> memref<100x32xf32, #tpu.memory_space<vmem>>
      %dma_start3A_114 = arith.constant 0 : i32
      %dma_start3A_115 = tpu.memref_slice %arg5[%add3A_110, %dma_start3A_114] : memref<100x100xi32, #tpu.memory_space<vmem>> -> memref<1x100xi32, #tpu.memory_space<vmem>>
      %dma_start3A_116 = tpu.memref_squeeze %dma_start3A_115 : memref<1x100xi32, #tpu.memory_space<vmem>> -> memref<100xi32, #tpu.memory_space<vmem>>
      %dma_start3A_117 = arith.constant 0 : i32
      %dma_start3A_118 = arith.constant 0 : i32
      %dma_start3A_119 = tpu.memref_slice %arg2[%dma_start3A_117, %dma_start3A_118] : memref<10000x32xf32, #tpu.memory_space<hbm>> -> memref<10000x32xf32, #tpu.memory_space<hbm>>
      tpu.enqueue_indirect_dma source(%dma_start3A_119 : memref<10000x32xf32, #tpu.memory_space<hbm>>) target(%dma_start3A_113 : memref<100x32xf32, #tpu.memory_space<vmem>>) offsets(%dma_start3A_116 : memref<100xi32, #tpu.memory_space<vmem>>) semaphore(%arg7 : memref<!tpu.dma_semaphore, #tpu.memory_space<semaphore_mem>>)
      %add3A_120 = arith.constant 0 : i32
      %add3A_121 = arith.addi %mul3A_10, %add3A_120 : i32
      %dma_wait3A = arith.constant 0 : i32
      %dma_wait3A_122 = arith.constant 0 : i32
      %dma_wait3A_123 = tpu.memref_slice %arg6[%dma_wait3A, %dma_wait3A_122] : memref<1000x32xf32, #tpu.memory_space<vmem>> -> memref<100x32xf32, #tpu.memory_space<vmem>>
      %dma_wait3A_124 = arith.constant 0 : i32
      %dma_wait3A_125 = tpu.memref_slice %arg5[%add3A_121, %dma_wait3A_124] : memref<100x100xi32, #tpu.memory_space<vmem>> -> memref<1x100xi32, #tpu.memory_space<vmem>>
      %dma_wait3A_126 = tpu.memref_squeeze %dma_wait3A_125 : memref<1x100xi32, #tpu.memory_space<vmem>> -> memref<100xi32, #tpu.memory_space<vmem>>
      %dma_wait3A_127 = arith.constant 0 : i32
      %dma_wait3A_128 = arith.constant 0 : i32
      %dma_wait3A_129 = tpu.memref_slice %arg2[%dma_wait3A_127, %dma_wait3A_128] : memref<10000x32xf32, #tpu.memory_space<hbm>> -> memref<10000x32xf32, #tpu.memory_space<hbm>>
      tpu.wait_indirect_dma semaphore(%arg7 : memref<!tpu.dma_semaphore, #tpu.memory_space<semaphore_mem>>) src(%dma_wait3A_129 : memref<10000x32xf32, #tpu.memory_space<hbm>>) dst(%dma_wait3A_123 : memref<100x32xf32, #tpu.memory_space<vmem>>)
      %add3A_130 = arith.constant 1 : i32
      %add3A_131 = arith.addi %mul3A_10, %add3A_130 : i32
      %dma_wait3A_132 = arith.constant 100 : i32
      %dma_wait3A_133 = arith.constant 0 : i32
      %dma_wait3A_134 = tpu.memref_slice %arg6[%dma_wait3A_132, %dma_wait3A_133] : memref<1000x32xf32, #tpu.memory_space<vmem>> -> memref<100x32xf32, #tpu.memory_space<vmem>>
      %dma_wait3A_135 = arith.constant 0 : i32
      %dma_wait3A_136 = tpu.memref_slice %arg5[%add3A_131, %dma_wait3A_135] : memref<100x100xi32, #tpu.memory_space<vmem>> -> memref<1x100xi32, #tpu.memory_space<vmem>>
      %dma_wait3A_137 = tpu.memref_squeeze %dma_wait3A_136 : memref<1x100xi32, #tpu.memory_space<vmem>> -> memref<100xi32, #tpu.memory_space<vmem>>
      %dma_wait3A_138 = arith.constant 0 : i32
      %dma_wait3A_139 = arith.constant 0 : i32
      %dma_wait3A_140 = tpu.memref_slice %arg2[%dma_wait3A_138, %dma_wait3A_139] : memref<10000x32xf32, #tpu.memory_space<hbm>> -> memref<10000x32xf32, #tpu.memory_space<hbm>>
      tpu.wait_indirect_dma semaphore(%arg7 : memref<!tpu.dma_semaphore, #tpu.memory_space<semaphore_mem>>) src(%dma_wait3A_140 : memref<10000x32xf32, #tpu.memory_space<hbm>>) dst(%dma_wait3A_134 : memref<100x32xf32, #tpu.memory_space<vmem>>)
      %add3A_141 = arith.constant 2 : i32
      %add3A_142 = arith.addi %mul3A_10, %add3A_141 : i32
      %dma_wait3A_143 = arith.constant 200 : i32
      %dma_wait3A_144 = arith.constant 0 : i32
      %dma_wait3A_145 = tpu.memref_slice %arg6[%dma_wait3A_143, %dma_wait3A_144] : memref<1000x32xf32, #tpu.memory_space<vmem>> -> memref<100x32xf32, #tpu.memory_space<vmem>>
      %dma_wait3A_146 = arith.constant 0 : i32
      %dma_wait3A_147 = tpu.memref_slice %arg5[%add3A_142, %dma_wait3A_146] : memref<100x100xi32, #tpu.memory_space<vmem>> -> memref<1x100xi32, #tpu.memory_space<vmem>>
      %dma_wait3A_148 = tpu.memref_squeeze %dma_wait3A_147 : memref<1x100xi32, #tpu.memory_space<vmem>> -> memref<100xi32, #tpu.memory_space<vmem>>
      %dma_wait3A_149 = arith.constant 0 : i32
      %dma_wait3A_150 = arith.constant 0 : i32
      %dma_wait3A_151 = tpu.memref_slice %arg2[%dma_wait3A_149, %dma_wait3A_150] : memref<10000x32xf32, #tpu.memory_space<hbm>> -> memref<10000x32xf32, #tpu.memory_space<hbm>>
      tpu.wait_indirect_dma semaphore(%arg7 : memref<!tpu.dma_semaphore, #tpu.memory_space<semaphore_mem>>) src(%dma_wait3A_151 : memref<10000x32xf32, #tpu.memory_space<hbm>>) dst(%dma_wait3A_145 : memref<100x32xf32, #tpu.memory_space<vmem>>)
      %add3A_152 = arith.constant 3 : i32
      %add3A_153 = arith.addi %mul3A_10, %add3A_152 : i32
      %dma_wait3A_154 = arith.constant 300 : i32
      %dma_wait3A_155 = arith.constant 0 : i32
      %dma_wait3A_156 = tpu.memref_slice %arg6[%dma_wait3A_154, %dma_wait3A_155] : memref<1000x32xf32, #tpu.memory_space<vmem>> -> memref<100x32xf32, #tpu.memory_space<vmem>>
      %dma_wait3A_157 = arith.constant 0 : i32
      %dma_wait3A_158 = tpu.memref_slice %arg5[%add3A_153, %dma_wait3A_157] : memref<100x100xi32, #tpu.memory_space<vmem>> -> memref<1x100xi32, #tpu.memory_space<vmem>>
      %dma_wait3A_159 = tpu.memref_squeeze %dma_wait3A_158 : memref<1x100xi32, #tpu.memory_space<vmem>> -> memref<100xi32, #tpu.memory_space<vmem>>
      %dma_wait3A_160 = arith.constant 0 : i32
      %dma_wait3A_161 = arith.constant 0 : i32
      %dma_wait3A_162 = tpu.memref_slice %arg2[%dma_wait3A_160, %dma_wait3A_161] : memref<10000x32xf32, #tpu.memory_space<hbm>> -> memref<10000x32xf32, #tpu.memory_space<hbm>>
      tpu.wait_indirect_dma semaphore(%arg7 : memref<!tpu.dma_semaphore, #tpu.memory_space<semaphore_mem>>) src(%dma_wait3A_162 : memref<10000x32xf32, #tpu.memory_space<hbm>>) dst(%dma_wait3A_156 : memref<100x32xf32, #tpu.memory_space<vmem>>)
      %add3A_163 = arith.constant 4 : i32
      %add3A_164 = arith.addi %mul3A_10, %add3A_163 : i32
      %dma_wait3A_165 = arith.constant 400 : i32
      %dma_wait3A_166 = arith.constant 0 : i32
      %dma_wait3A_167 = tpu.memref_slice %arg6[%dma_wait3A_165, %dma_wait3A_166] : memref<1000x32xf32, #tpu.memory_space<vmem>> -> memref<100x32xf32, #tpu.memory_space<vmem>>
      %dma_wait3A_168 = arith.constant 0 : i32
      %dma_wait3A_169 = tpu.memref_slice %arg5[%add3A_164, %dma_wait3A_168] : memref<100x100xi32, #tpu.memory_space<vmem>> -> memref<1x100xi32, #tpu.memory_space<vmem>>
      %dma_wait3A_170 = tpu.memref_squeeze %dma_wait3A_169 : memref<1x100xi32, #tpu.memory_space<vmem>> -> memref<100xi32, #tpu.memory_space<vmem>>
      %dma_wait3A_171 = arith.constant 0 : i32
      %dma_wait3A_172 = arith.constant 0 : i32
      %dma_wait3A_173 = tpu.memref_slice %arg2[%dma_wait3A_171, %dma_wait3A_172] : memref<10000x32xf32, #tpu.memory_space<hbm>> -> memref<10000x32xf32, #tpu.memory_space<hbm>>
      tpu.wait_indirect_dma semaphore(%arg7 : memref<!tpu.dma_semaphore, #tpu.memory_space<semaphore_mem>>) src(%dma_wait3A_173 : memref<10000x32xf32, #tpu.memory_space<hbm>>) dst(%dma_wait3A_167 : memref<100x32xf32, #tpu.memory_space<vmem>>)
      %add3A_174 = arith.constant 5 : i32
      %add3A_175 = arith.addi %mul3A_10, %add3A_174 : i32
      %dma_wait3A_176 = arith.constant 500 : i32
      %dma_wait3A_177 = arith.constant 0 : i32
      %dma_wait3A_178 = tpu.memref_slice %arg6[%dma_wait3A_176, %dma_wait3A_177] : memref<1000x32xf32, #tpu.memory_space<vmem>> -> memref<100x32xf32, #tpu.memory_space<vmem>>
      %dma_wait3A_179 = arith.constant 0 : i32
      %dma_wait3A_180 = tpu.memref_slice %arg5[%add3A_175, %dma_wait3A_179] : memref<100x100xi32, #tpu.memory_space<vmem>> -> memref<1x100xi32, #tpu.memory_space<vmem>>
      %dma_wait3A_181 = tpu.memref_squeeze %dma_wait3A_180 : memref<1x100xi32, #tpu.memory_space<vmem>> -> memref<100xi32, #tpu.memory_space<vmem>>
      %dma_wait3A_182 = arith.constant 0 : i32
      %dma_wait3A_183 = arith.constant 0 : i32
      %dma_wait3A_184 = tpu.memref_slice %arg2[%dma_wait3A_182, %dma_wait3A_183] : memref<10000x32xf32, #tpu.memory_space<hbm>> -> memref<10000x32xf32, #tpu.memory_space<hbm>>
      tpu.wait_indirect_dma semaphore(%arg7 : memref<!tpu.dma_semaphore, #tpu.memory_space<semaphore_mem>>) src(%dma_wait3A_184 : memref<10000x32xf32, #tpu.memory_space<hbm>>) dst(%dma_wait3A_178 : memref<100x32xf32, #tpu.memory_space<vmem>>)
      %add3A_185 = arith.constant 6 : i32
      %add3A_186 = arith.addi %mul3A_10, %add3A_185 : i32
      %dma_wait3A_187 = arith.constant 600 : i32
      %dma_wait3A_188 = arith.constant 0 : i32
      %dma_wait3A_189 = tpu.memref_slice %arg6[%dma_wait3A_187, %dma_wait3A_188] : memref<1000x32xf32, #tpu.memory_space<vmem>> -> memref<100x32xf32, #tpu.memory_space<vmem>>
      %dma_wait3A_190 = arith.constant 0 : i32
      %dma_wait3A_191 = tpu.memref_slice %arg5[%add3A_186, %dma_wait3A_190] : memref<100x100xi32, #tpu.memory_space<vmem>> -> memref<1x100xi32, #tpu.memory_space<vmem>>
      %dma_wait3A_192 = tpu.memref_squeeze %dma_wait3A_191 : memref<1x100xi32, #tpu.memory_space<vmem>> -> memref<100xi32, #tpu.memory_space<vmem>>
      %dma_wait3A_193 = arith.constant 0 : i32
      %dma_wait3A_194 = arith.constant 0 : i32
      %dma_wait3A_195 = tpu.memref_slice %arg2[%dma_wait3A_193, %dma_wait3A_194] : memref<10000x32xf32, #tpu.memory_space<hbm>> -> memref<10000x32xf32, #tpu.memory_space<hbm>>
      tpu.wait_indirect_dma semaphore(%arg7 : memref<!tpu.dma_semaphore, #tpu.memory_space<semaphore_mem>>) src(%dma_wait3A_195 : memref<10000x32xf32, #tpu.memory_space<hbm>>) dst(%dma_wait3A_189 : memref<100x32xf32, #tpu.memory_space<vmem>>)
      %add3A_196 = arith.constant 7 : i32
      %add3A_197 = arith.addi %mul3A_10, %add3A_196 : i32
      %dma_wait3A_198 = arith.constant 700 : i32
      %dma_wait3A_199 = arith.constant 0 : i32
      %dma_wait3A_200 = tpu.memref_slice %arg6[%dma_wait3A_198, %dma_wait3A_199] : memref<1000x32xf32, #tpu.memory_space<vmem>> -> memref<100x32xf32, #tpu.memory_space<vmem>>
      %dma_wait3A_201 = arith.constant 0 : i32
      %dma_wait3A_202 = tpu.memref_slice %arg5[%add3A_197, %dma_wait3A_201] : memref<100x100xi32, #tpu.memory_space<vmem>> -> memref<1x100xi32, #tpu.memory_space<vmem>>
      %dma_wait3A_203 = tpu.memref_squeeze %dma_wait3A_202 : memref<1x100xi32, #tpu.memory_space<vmem>> -> memref<100xi32, #tpu.memory_space<vmem>>
      %dma_wait3A_204 = arith.constant 0 : i32
      %dma_wait3A_205 = arith.constant 0 : i32
      %dma_wait3A_206 = tpu.memref_slice %arg2[%dma_wait3A_204, %dma_wait3A_205] : memref<10000x32xf32, #tpu.memory_space<hbm>> -> memref<10000x32xf32, #tpu.memory_space<hbm>>
      tpu.wait_indirect_dma semaphore(%arg7 : memref<!tpu.dma_semaphore, #tpu.memory_space<semaphore_mem>>) src(%dma_wait3A_206 : memref<10000x32xf32, #tpu.memory_space<hbm>>) dst(%dma_wait3A_200 : memref<100x32xf32, #tpu.memory_space<vmem>>)
      %add3A_207 = arith.constant 8 : i32
      %add3A_208 = arith.addi %mul3A_10, %add3A_207 : i32
      %dma_wait3A_209 = arith.constant 800 : i32
      %dma_wait3A_210 = arith.constant 0 : i32
      %dma_wait3A_211 = tpu.memref_slice %arg6[%dma_wait3A_209, %dma_wait3A_210] : memref<1000x32xf32, #tpu.memory_space<vmem>> -> memref<100x32xf32, #tpu.memory_space<vmem>>
      %dma_wait3A_212 = arith.constant 0 : i32
      %dma_wait3A_213 = tpu.memref_slice %arg5[%add3A_208, %dma_wait3A_212] : memref<100x100xi32, #tpu.memory_space<vmem>> -> memref<1x100xi32, #tpu.memory_space<vmem>>
      %dma_wait3A_214 = tpu.memref_squeeze %dma_wait3A_213 : memref<1x100xi32, #tpu.memory_space<vmem>> -> memref<100xi32, #tpu.memory_space<vmem>>
      %dma_wait3A_215 = arith.constant 0 : i32
      %dma_wait3A_216 = arith.constant 0 : i32
      %dma_wait3A_217 = tpu.memref_slice %arg2[%dma_wait3A_215, %dma_wait3A_216] : memref<10000x32xf32, #tpu.memory_space<hbm>> -> memref<10000x32xf32, #tpu.memory_space<hbm>>
      tpu.wait_indirect_dma semaphore(%arg7 : memref<!tpu.dma_semaphore, #tpu.memory_space<semaphore_mem>>) src(%dma_wait3A_217 : memref<10000x32xf32, #tpu.memory_space<hbm>>) dst(%dma_wait3A_211 : memref<100x32xf32, #tpu.memory_space<vmem>>)
      %add3A_218 = arith.constant 9 : i32
      %add3A_219 = arith.addi %mul3A_10, %add3A_218 : i32
      %dma_wait3A_220 = arith.constant 900 : i32
      %dma_wait3A_221 = arith.constant 0 : i32
      %dma_wait3A_222 = tpu.memref_slice %arg6[%dma_wait3A_220, %dma_wait3A_221] : memref<1000x32xf32, #tpu.memory_space<vmem>> -> memref<100x32xf32, #tpu.memory_space<vmem>>
      %dma_wait3A_223 = arith.constant 0 : i32
      %dma_wait3A_224 = tpu.memref_slice %arg5[%add3A_219, %dma_wait3A_223] : memref<100x100xi32, #tpu.memory_space<vmem>> -> memref<1x100xi32, #tpu.memory_space<vmem>>
      %dma_wait3A_225 = tpu.memref_squeeze %dma_wait3A_224 : memref<1x100xi32, #tpu.memory_space<vmem>> -> memref<100xi32, #tpu.memory_space<vmem>>
      %dma_wait3A_226 = arith.constant 0 : i32
      %dma_wait3A_227 = arith.constant 0 : i32
      %dma_wait3A_228 = tpu.memref_slice %arg2[%dma_wait3A_226, %dma_wait3A_227] : memref<10000x32xf32, #tpu.memory_space<hbm>> -> memref<10000x32xf32, #tpu.memory_space<hbm>>
      tpu.wait_indirect_dma semaphore(%arg7 : memref<!tpu.dma_semaphore, #tpu.memory_space<semaphore_mem>>) src(%dma_wait3A_228 : memref<10000x32xf32, #tpu.memory_space<hbm>>) dst(%dma_wait3A_222 : memref<100x32xf32, #tpu.memory_space<vmem>>)
      %mul3A_229 = arith.constant 100 : i32
      %mul3A_230 = arith.muli %mul3A_10, %mul3A_229 : i32
      %add3A_231 = arith.addi %mul3A_2, %mul3A_230 : i32
      "tpu.region"() ({
        %run_scoped3A = tpu.sem_alloc : memref<!tpu.dma_semaphore, #tpu.memory_space<semaphore_mem>>
        %dma_start3A_232 = arith.constant 0 : i32
        %dma_start3A_233 = tpu.memref_slice %arg4[%add3A_231, %dma_start3A_232] : memref<320000x32xf32, #tpu.memory_space<hbm>> -> memref<1000x32xf32, #tpu.memory_space<hbm>>
        %dma_start3A_234 = arith.constant 0 : i32
        %dma_start3A_235 = tpu.memref_slice %arg4[%add3A_231, %dma_start3A_234] : memref<320000x32xf32, #tpu.memory_space<hbm>> -> memref<1000x32xf32, #tpu.memory_space<hbm>>
        tpu.enqueue_dma source(%arg6 : memref<1000x32xf32, #tpu.memory_space<vmem>>) target(%dma_start3A_235 : memref<1000x32xf32, #tpu.memory_space<hbm>>) target_semaphore(%run_scoped3A : memref<!tpu.dma_semaphore, #tpu.memory_space<semaphore_mem>>)
        %dma_wait3A_236 = arith.constant 0 : i32
        %dma_wait3A_237 = tpu.memref_slice %arg4[%add3A_231, %dma_wait3A_236] : memref<320000x32xf32, #tpu.memory_space<hbm>> -> memref<1000x32xf32, #tpu.memory_space<hbm>>
        %dma_wait3A_238 = arith.constant 0 : i32
        %dma_wait3A_239 = tpu.memref_slice %arg4[%add3A_231, %dma_wait3A_238] : memref<320000x32xf32, #tpu.memory_space<hbm>> -> memref<1000x32xf32, #tpu.memory_space<hbm>>
        tpu.wait_dma2 semaphore(%run_scoped3A : memref<!tpu.dma_semaphore, #tpu.memory_space<semaphore_mem>>) src(%arg6 : memref<1000x32xf32, #tpu.memory_space<vmem>>) dst(%dma_wait3A_239 : memref<1000x32xf32, #tpu.memory_space<hbm>>)
        tpu.yield
      }) : () -> ()
    }
    %scan3A_7 = arith.constant 10 : i32
    return
  }
}

#map = affine_map<(d0, d1) -> (0, 0)>
#map1 = affine_map<(d0, d1) -> (0, 0, 0)>
module attributes {stable_mosaic.version = 14 : i64} {
  func.func @_sc_scatter_body(%arg0: i32, %arg1: i32, %arg2: memref<320000x32xf32, #tpu.memory_space<hbm>>, %arg3: memref<32x100x100xi32, #tpu.memory_space<hbm>>, %arg4: memref<10000x32xf32, #tpu.memory_space<hbm>>, %arg5: memref<2x10000x32xf32, #tpu.memory_space<hbm>>, %arg6: memref<100x100xi32, #tpu.memory_space<vmem>>, %arg7: memref<1000x32xf32, #tpu.memory_space<vmem>>, %arg8: memref<10000x32xf32, #tpu.memory_space<vmem_shared>>, %arg9: memref<!tpu.dma_semaphore, #tpu.memory_space<semaphore_mem>>) attributes {dimension_semantics = [#tpu.dimension_semantics<core_parallel>, #tpu.dimension_semantics<subcore_parallel>], iteration_bounds = array<i64: 2, 16>, scalar_prefetch = 0 : i64, scratch_operands = 4 : i64, tpu.core_type = #tpu.core_type<sc_vector_subcore>, window_params = [{transform_indices = #map}, {transform_indices = #map1}, {transform_indices = #map}, {transform_indices = #map1}]} {
    %mul3A = arith.constant 2 : i32
    %mul3A_0 = arith.muli %arg1, %mul3A : i32
    %add3A = arith.addi %mul3A_0, %arg0 : i32
    "tpu.region"() ({
      %run_scoped3A = tpu.sem_alloc : memref<!tpu.dma_semaphore, #tpu.memory_space<semaphore_mem>>
      %dma_start3A = arith.constant 0 : i32
      %dma_start3A_17 = arith.constant 0 : i32
      %dma_start3A_18 = tpu.memref_slice %arg3[%add3A, %dma_start3A, %dma_start3A_17] : memref<32x100x100xi32, #tpu.memory_space<hbm>> -> memref<1x100x100xi32, #tpu.memory_space<hbm>>
      %dma_start3A_19 = tpu.memref_squeeze %dma_start3A_18 : memref<1x100x100xi32, #tpu.memory_space<hbm>> -> memref<100x100xi32, #tpu.memory_space<hbm>>
      %dma_start3A_20 = arith.constant 0 : i32
      %dma_start3A_21 = arith.constant 0 : i32
      %dma_start3A_22 = tpu.memref_slice %arg3[%add3A, %dma_start3A_20, %dma_start3A_21] : memref<32x100x100xi32, #tpu.memory_space<hbm>> -> memref<1x100x100xi32, #tpu.memory_space<hbm>>
      %dma_start3A_23 = tpu.memref_squeeze %dma_start3A_22 : memref<1x100x100xi32, #tpu.memory_space<hbm>> -> memref<100x100xi32, #tpu.memory_space<hbm>>
      tpu.enqueue_dma source(%dma_start3A_23 : memref<100x100xi32, #tpu.memory_space<hbm>>) target(%arg6 : memref<100x100xi32, #tpu.memory_space<vmem>>) target_semaphore(%run_scoped3A : memref<!tpu.dma_semaphore, #tpu.memory_space<semaphore_mem>>)
      %dma_wait3A = arith.constant 0 : i32
      %dma_wait3A_24 = arith.constant 0 : i32
      %dma_wait3A_25 = tpu.memref_slice %arg3[%add3A, %dma_wait3A, %dma_wait3A_24] : memref<32x100x100xi32, #tpu.memory_space<hbm>> -> memref<1x100x100xi32, #tpu.memory_space<hbm>>
      %dma_wait3A_26 = tpu.memref_squeeze %dma_wait3A_25 : memref<1x100x100xi32, #tpu.memory_space<hbm>> -> memref<100x100xi32, #tpu.memory_space<hbm>>
      %dma_wait3A_27 = arith.constant 0 : i32
      %dma_wait3A_28 = arith.constant 0 : i32
      %dma_wait3A_29 = tpu.memref_slice %arg3[%add3A, %dma_wait3A_27, %dma_wait3A_28] : memref<32x100x100xi32, #tpu.memory_space<hbm>> -> memref<1x100x100xi32, #tpu.memory_space<hbm>>
      %dma_wait3A_30 = tpu.memref_squeeze %dma_wait3A_29 : memref<1x100x100xi32, #tpu.memory_space<hbm>> -> memref<100x100xi32, #tpu.memory_space<hbm>>
      tpu.wait_dma2 semaphore(%run_scoped3A : memref<!tpu.dma_semaphore, #tpu.memory_space<semaphore_mem>>) src(%dma_wait3A_30 : memref<100x100xi32, #tpu.memory_space<hbm>>) dst(%arg6 : memref<100x100xi32, #tpu.memory_space<vmem>>)
      tpu.yield
    }) : () -> ()
    %mul3A_1 = arith.constant 625 : i32
    %mul3A_2 = arith.muli %arg1, %mul3A_1 : i32
    %mul3A_3 = arith.constant 625 : i32
    %mul3A_4 = arith.muli %arg1, %mul3A_3 : i32
    "tpu.region"() ({
      %run_scoped3A = tpu.sem_alloc : memref<!tpu.dma_semaphore, #tpu.memory_space<semaphore_mem>>
      %dma_start3A = arith.constant 0 : i32
      %dma_start3A_17 = tpu.memref_slice %arg8[%mul3A_4, %dma_start3A] : memref<10000x32xf32, #tpu.memory_space<vmem_shared>> -> memref<625x32xf32, #tpu.memory_space<vmem_shared>>
      %dma_start3A_18 = arith.constant 0 : i32
      %dma_start3A_19 = tpu.memref_slice %arg4[%mul3A_2, %dma_start3A_18] : memref<10000x32xf32, #tpu.memory_space<hbm>> -> memref<625x32xf32, #tpu.memory_space<hbm>>
      tpu.enqueue_dma source(%dma_start3A_19 : memref<625x32xf32, #tpu.memory_space<hbm>>) target(%dma_start3A_17 : memref<625x32xf32, #tpu.memory_space<vmem_shared>>) target_semaphore(%run_scoped3A : memref<!tpu.dma_semaphore, #tpu.memory_space<semaphore_mem>>)
      %dma_wait3A = arith.constant 0 : i32
      %dma_wait3A_20 = tpu.memref_slice %arg8[%mul3A_4, %dma_wait3A] : memref<10000x32xf32, #tpu.memory_space<vmem_shared>> -> memref<625x32xf32, #tpu.memory_space<vmem_shared>>
      %dma_wait3A_21 = arith.constant 0 : i32
      %dma_wait3A_22 = tpu.memref_slice %arg4[%mul3A_2, %dma_wait3A_21] : memref<10000x32xf32, #tpu.memory_space<hbm>> -> memref<625x32xf32, #tpu.memory_space<hbm>>
      tpu.wait_dma2 semaphore(%run_scoped3A : memref<!tpu.dma_semaphore, #tpu.memory_space<semaphore_mem>>) src(%dma_wait3A_22 : memref<625x32xf32, #tpu.memory_space<hbm>>) dst(%dma_wait3A_20 : memref<625x32xf32, #tpu.memory_space<vmem_shared>>)
      tpu.yield
    }) : () -> ()
    %barrier3A = arith.constant 0 : index
    tpu.barrier barrier_id(%barrier3A)
    %mul3A_5 = arith.constant 10000 : i32
    %mul3A_6 = arith.muli %add3A, %mul3A_5 : i32
    %scan3A = arith.constant 0 : i32
    %scan3A_7 = arith.constant 0 : i32
    %scan3A_8 = arith.constant 10 : i32
    %scan3A_9 = arith.addi %scan3A_7, %scan3A_8 : i32
    %scan3A_10 = arith.constant 1 : i32
    scf.for %scan3A_17 = %scan3A_7 to %scan3A_9 step %scan3A_10  : i32 {
      %mul3A_18 = arith.constant 10 : i32
      %mul3A_19 = arith.muli %scan3A_17, %mul3A_18 : i32
      %mul3A_20 = arith.constant 100 : i32
      %mul3A_21 = arith.muli %mul3A_19, %mul3A_20 : i32
      %add3A_22 = arith.addi %mul3A_6, %mul3A_21 : i32
      "tpu.region"() ({
        %run_scoped3A = tpu.sem_alloc : memref<!tpu.dma_semaphore, #tpu.memory_space<semaphore_mem>>
        %dma_start3A_241 = arith.constant 0 : i32
        %dma_start3A_242 = tpu.memref_slice %arg2[%add3A_22, %dma_start3A_241] : memref<320000x32xf32, #tpu.memory_space<hbm>> -> memref<1000x32xf32, #tpu.memory_space<hbm>>
        %dma_start3A_243 = arith.constant 0 : i32
        %dma_start3A_244 = tpu.memref_slice %arg2[%add3A_22, %dma_start3A_243] : memref<320000x32xf32, #tpu.memory_space<hbm>> -> memref<1000x32xf32, #tpu.memory_space<hbm>>
        tpu.enqueue_dma source(%dma_start3A_244 : memref<1000x32xf32, #tpu.memory_space<hbm>>) target(%arg7 : memref<1000x32xf32, #tpu.memory_space<vmem>>) target_semaphore(%run_scoped3A : memref<!tpu.dma_semaphore, #tpu.memory_space<semaphore_mem>>)
        %dma_wait3A_245 = arith.constant 0 : i32
        %dma_wait3A_246 = tpu.memref_slice %arg2[%add3A_22, %dma_wait3A_245] : memref<320000x32xf32, #tpu.memory_space<hbm>> -> memref<1000x32xf32, #tpu.memory_space<hbm>>
        %dma_wait3A_247 = arith.constant 0 : i32
        %dma_wait3A_248 = tpu.memref_slice %arg2[%add3A_22, %dma_wait3A_247] : memref<320000x32xf32, #tpu.memory_space<hbm>> -> memref<1000x32xf32, #tpu.memory_space<hbm>>
        tpu.wait_dma2 semaphore(%run_scoped3A : memref<!tpu.dma_semaphore, #tpu.memory_space<semaphore_mem>>) src(%dma_wait3A_248 : memref<1000x32xf32, #tpu.memory_space<hbm>>) dst(%arg7 : memref<1000x32xf32, #tpu.memory_space<vmem>>)
        tpu.yield
      }) : () -> ()
      %add3A_23 = arith.constant 0 : i32
      %add3A_24 = arith.addi %mul3A_19, %add3A_23 : i32
      %dma_start3A = arith.constant 0 : i32
      %dma_start3A_25 = arith.constant 0 : i32
      %dma_start3A_26 = tpu.memref_slice %arg7[%dma_start3A, %dma_start3A_25] : memref<1000x32xf32, #tpu.memory_space<vmem>> -> memref<100x32xf32, #tpu.memory_space<vmem>>
      %dma_start3A_27 = arith.constant 0 : i32
      %dma_start3A_28 = tpu.memref_slice %arg6[%add3A_24, %dma_start3A_27] : memref<100x100xi32, #tpu.memory_space<vmem>> -> memref<1x100xi32, #tpu.memory_space<vmem>>
      %dma_start3A_29 = tpu.memref_squeeze %dma_start3A_28 : memref<1x100xi32, #tpu.memory_space<vmem>> -> memref<100xi32, #tpu.memory_space<vmem>>
      %dma_start3A_30 = arith.constant 0 : i32
      %dma_start3A_31 = arith.constant 0 : i32
      %dma_start3A_32 = tpu.memref_slice %arg8[%dma_start3A_30, %dma_start3A_31] : memref<10000x32xf32, #tpu.memory_space<vmem_shared>> -> memref<10000x32xf32, #tpu.memory_space<vmem_shared>>
      tpu.enqueue_indirect_dma source(%dma_start3A_26 : memref<100x32xf32, #tpu.memory_space<vmem>>) target(%dma_start3A_32 : memref<10000x32xf32, #tpu.memory_space<vmem_shared>>) offsets(%dma_start3A_29 : memref<100xi32, #tpu.memory_space<vmem>>) semaphore(%arg9 : memref<!tpu.dma_semaphore, #tpu.memory_space<semaphore_mem>>) {add = true}
      %add3A_33 = arith.constant 1 : i32
      %add3A_34 = arith.addi %mul3A_19, %add3A_33 : i32
      %dma_start3A_35 = arith.constant 100 : i32
      %dma_start3A_36 = arith.constant 0 : i32
      %dma_start3A_37 = tpu.memref_slice %arg7[%dma_start3A_35, %dma_start3A_36] : memref<1000x32xf32, #tpu.memory_space<vmem>> -> memref<100x32xf32, #tpu.memory_space<vmem>>
      %dma_start3A_38 = arith.constant 0 : i32
      %dma_start3A_39 = tpu.memref_slice %arg6[%add3A_34, %dma_start3A_38] : memref<100x100xi32, #tpu.memory_space<vmem>> -> memref<1x100xi32, #tpu.memory_space<vmem>>
      %dma_start3A_40 = tpu.memref_squeeze %dma_start3A_39 : memref<1x100xi32, #tpu.memory_space<vmem>> -> memref<100xi32, #tpu.memory_space<vmem>>
      %dma_start3A_41 = arith.constant 0 : i32
      %dma_start3A_42 = arith.constant 0 : i32
      %dma_start3A_43 = tpu.memref_slice %arg8[%dma_start3A_41, %dma_start3A_42] : memref<10000x32xf32, #tpu.memory_space<vmem_shared>> -> memref<10000x32xf32, #tpu.memory_space<vmem_shared>>
      tpu.enqueue_indirect_dma source(%dma_start3A_37 : memref<100x32xf32, #tpu.memory_space<vmem>>) target(%dma_start3A_43 : memref<10000x32xf32, #tpu.memory_space<vmem_shared>>) offsets(%dma_start3A_40 : memref<100xi32, #tpu.memory_space<vmem>>) semaphore(%arg9 : memref<!tpu.dma_semaphore, #tpu.memory_space<semaphore_mem>>) {add = true}
      %add3A_44 = arith.constant 2 : i32
      %add3A_45 = arith.addi %mul3A_19, %add3A_44 : i32
      %dma_start3A_46 = arith.constant 200 : i32
      %dma_start3A_47 = arith.constant 0 : i32
      %dma_start3A_48 = tpu.memref_slice %arg7[%dma_start3A_46, %dma_start3A_47] : memref<1000x32xf32, #tpu.memory_space<vmem>> -> memref<100x32xf32, #tpu.memory_space<vmem>>
      %dma_start3A_49 = arith.constant 0 : i32
      %dma_start3A_50 = tpu.memref_slice %arg6[%add3A_45, %dma_start3A_49] : memref<100x100xi32, #tpu.memory_space<vmem>> -> memref<1x100xi32, #tpu.memory_space<vmem>>
      %dma_start3A_51 = tpu.memref_squeeze %dma_start3A_50 : memref<1x100xi32, #tpu.memory_space<vmem>> -> memref<100xi32, #tpu.memory_space<vmem>>
      %dma_start3A_52 = arith.constant 0 : i32
      %dma_start3A_53 = arith.constant 0 : i32
      %dma_start3A_54 = tpu.memref_slice %arg8[%dma_start3A_52, %dma_start3A_53] : memref<10000x32xf32, #tpu.memory_space<vmem_shared>> -> memref<10000x32xf32, #tpu.memory_space<vmem_shared>>
      tpu.enqueue_indirect_dma source(%dma_start3A_48 : memref<100x32xf32, #tpu.memory_space<vmem>>) target(%dma_start3A_54 : memref<10000x32xf32, #tpu.memory_space<vmem_shared>>) offsets(%dma_start3A_51 : memref<100xi32, #tpu.memory_space<vmem>>) semaphore(%arg9 : memref<!tpu.dma_semaphore, #tpu.memory_space<semaphore_mem>>) {add = true}
      %add3A_55 = arith.constant 3 : i32
      %add3A_56 = arith.addi %mul3A_19, %add3A_55 : i32
      %dma_start3A_57 = arith.constant 300 : i32
      %dma_start3A_58 = arith.constant 0 : i32
      %dma_start3A_59 = tpu.memref_slice %arg7[%dma_start3A_57, %dma_start3A_58] : memref<1000x32xf32, #tpu.memory_space<vmem>> -> memref<100x32xf32, #tpu.memory_space<vmem>>
      %dma_start3A_60 = arith.constant 0 : i32
      %dma_start3A_61 = tpu.memref_slice %arg6[%add3A_56, %dma_start3A_60] : memref<100x100xi32, #tpu.memory_space<vmem>> -> memref<1x100xi32, #tpu.memory_space<vmem>>
      %dma_start3A_62 = tpu.memref_squeeze %dma_start3A_61 : memref<1x100xi32, #tpu.memory_space<vmem>> -> memref<100xi32, #tpu.memory_space<vmem>>
      %dma_start3A_63 = arith.constant 0 : i32
      %dma_start3A_64 = arith.constant 0 : i32
      %dma_start3A_65 = tpu.memref_slice %arg8[%dma_start3A_63, %dma_start3A_64] : memref<10000x32xf32, #tpu.memory_space<vmem_shared>> -> memref<10000x32xf32, #tpu.memory_space<vmem_shared>>
      tpu.enqueue_indirect_dma source(%dma_start3A_59 : memref<100x32xf32, #tpu.memory_space<vmem>>) target(%dma_start3A_65 : memref<10000x32xf32, #tpu.memory_space<vmem_shared>>) offsets(%dma_start3A_62 : memref<100xi32, #tpu.memory_space<vmem>>) semaphore(%arg9 : memref<!tpu.dma_semaphore, #tpu.memory_space<semaphore_mem>>) {add = true}
      %add3A_66 = arith.constant 4 : i32
      %add3A_67 = arith.addi %mul3A_19, %add3A_66 : i32
      %dma_start3A_68 = arith.constant 400 : i32
      %dma_start3A_69 = arith.constant 0 : i32
      %dma_start3A_70 = tpu.memref_slice %arg7[%dma_start3A_68, %dma_start3A_69] : memref<1000x32xf32, #tpu.memory_space<vmem>> -> memref<100x32xf32, #tpu.memory_space<vmem>>
      %dma_start3A_71 = arith.constant 0 : i32
      %dma_start3A_72 = tpu.memref_slice %arg6[%add3A_67, %dma_start3A_71] : memref<100x100xi32, #tpu.memory_space<vmem>> -> memref<1x100xi32, #tpu.memory_space<vmem>>
      %dma_start3A_73 = tpu.memref_squeeze %dma_start3A_72 : memref<1x100xi32, #tpu.memory_space<vmem>> -> memref<100xi32, #tpu.memory_space<vmem>>
      %dma_start3A_74 = arith.constant 0 : i32
      %dma_start3A_75 = arith.constant 0 : i32
      %dma_start3A_76 = tpu.memref_slice %arg8[%dma_start3A_74, %dma_start3A_75] : memref<10000x32xf32, #tpu.memory_space<vmem_shared>> -> memref<10000x32xf32, #tpu.memory_space<vmem_shared>>
      tpu.enqueue_indirect_dma source(%dma_start3A_70 : memref<100x32xf32, #tpu.memory_space<vmem>>) target(%dma_start3A_76 : memref<10000x32xf32, #tpu.memory_space<vmem_shared>>) offsets(%dma_start3A_73 : memref<100xi32, #tpu.memory_space<vmem>>) semaphore(%arg9 : memref<!tpu.dma_semaphore, #tpu.memory_space<semaphore_mem>>) {add = true}
      %add3A_77 = arith.constant 5 : i32
      %add3A_78 = arith.addi %mul3A_19, %add3A_77 : i32
      %dma_start3A_79 = arith.constant 500 : i32
      %dma_start3A_80 = arith.constant 0 : i32
      %dma_start3A_81 = tpu.memref_slice %arg7[%dma_start3A_79, %dma_start3A_80] : memref<1000x32xf32, #tpu.memory_space<vmem>> -> memref<100x32xf32, #tpu.memory_space<vmem>>
      %dma_start3A_82 = arith.constant 0 : i32
      %dma_start3A_83 = tpu.memref_slice %arg6[%add3A_78, %dma_start3A_82] : memref<100x100xi32, #tpu.memory_space<vmem>> -> memref<1x100xi32, #tpu.memory_space<vmem>>
      %dma_start3A_84 = tpu.memref_squeeze %dma_start3A_83 : memref<1x100xi32, #tpu.memory_space<vmem>> -> memref<100xi32, #tpu.memory_space<vmem>>
      %dma_start3A_85 = arith.constant 0 : i32
      %dma_start3A_86 = arith.constant 0 : i32
      %dma_start3A_87 = tpu.memref_slice %arg8[%dma_start3A_85, %dma_start3A_86] : memref<10000x32xf32, #tpu.memory_space<vmem_shared>> -> memref<10000x32xf32, #tpu.memory_space<vmem_shared>>
      tpu.enqueue_indirect_dma source(%dma_start3A_81 : memref<100x32xf32, #tpu.memory_space<vmem>>) target(%dma_start3A_87 : memref<10000x32xf32, #tpu.memory_space<vmem_shared>>) offsets(%dma_start3A_84 : memref<100xi32, #tpu.memory_space<vmem>>) semaphore(%arg9 : memref<!tpu.dma_semaphore, #tpu.memory_space<semaphore_mem>>) {add = true}
      %add3A_88 = arith.constant 6 : i32
      %add3A_89 = arith.addi %mul3A_19, %add3A_88 : i32
      %dma_start3A_90 = arith.constant 600 : i32
      %dma_start3A_91 = arith.constant 0 : i32
      %dma_start3A_92 = tpu.memref_slice %arg7[%dma_start3A_90, %dma_start3A_91] : memref<1000x32xf32, #tpu.memory_space<vmem>> -> memref<100x32xf32, #tpu.memory_space<vmem>>
      %dma_start3A_93 = arith.constant 0 : i32
      %dma_start3A_94 = tpu.memref_slice %arg6[%add3A_89, %dma_start3A_93] : memref<100x100xi32, #tpu.memory_space<vmem>> -> memref<1x100xi32, #tpu.memory_space<vmem>>
      %dma_start3A_95 = tpu.memref_squeeze %dma_start3A_94 : memref<1x100xi32, #tpu.memory_space<vmem>> -> memref<100xi32, #tpu.memory_space<vmem>>
      %dma_start3A_96 = arith.constant 0 : i32
      %dma_start3A_97 = arith.constant 0 : i32
      %dma_start3A_98 = tpu.memref_slice %arg8[%dma_start3A_96, %dma_start3A_97] : memref<10000x32xf32, #tpu.memory_space<vmem_shared>> -> memref<10000x32xf32, #tpu.memory_space<vmem_shared>>
      tpu.enqueue_indirect_dma source(%dma_start3A_92 : memref<100x32xf32, #tpu.memory_space<vmem>>) target(%dma_start3A_98 : memref<10000x32xf32, #tpu.memory_space<vmem_shared>>) offsets(%dma_start3A_95 : memref<100xi32, #tpu.memory_space<vmem>>) semaphore(%arg9 : memref<!tpu.dma_semaphore, #tpu.memory_space<semaphore_mem>>) {add = true}
      %add3A_99 = arith.constant 7 : i32
      %add3A_100 = arith.addi %mul3A_19, %add3A_99 : i32
      %dma_start3A_101 = arith.constant 700 : i32
      %dma_start3A_102 = arith.constant 0 : i32
      %dma_start3A_103 = tpu.memref_slice %arg7[%dma_start3A_101, %dma_start3A_102] : memref<1000x32xf32, #tpu.memory_space<vmem>> -> memref<100x32xf32, #tpu.memory_space<vmem>>
      %dma_start3A_104 = arith.constant 0 : i32
      %dma_start3A_105 = tpu.memref_slice %arg6[%add3A_100, %dma_start3A_104] : memref<100x100xi32, #tpu.memory_space<vmem>> -> memref<1x100xi32, #tpu.memory_space<vmem>>
      %dma_start3A_106 = tpu.memref_squeeze %dma_start3A_105 : memref<1x100xi32, #tpu.memory_space<vmem>> -> memref<100xi32, #tpu.memory_space<vmem>>
      %dma_start3A_107 = arith.constant 0 : i32
      %dma_start3A_108 = arith.constant 0 : i32
      %dma_start3A_109 = tpu.memref_slice %arg8[%dma_start3A_107, %dma_start3A_108] : memref<10000x32xf32, #tpu.memory_space<vmem_shared>> -> memref<10000x32xf32, #tpu.memory_space<vmem_shared>>
      tpu.enqueue_indirect_dma source(%dma_start3A_103 : memref<100x32xf32, #tpu.memory_space<vmem>>) target(%dma_start3A_109 : memref<10000x32xf32, #tpu.memory_space<vmem_shared>>) offsets(%dma_start3A_106 : memref<100xi32, #tpu.memory_space<vmem>>) semaphore(%arg9 : memref<!tpu.dma_semaphore, #tpu.memory_space<semaphore_mem>>) {add = true}
      %add3A_110 = arith.constant 8 : i32
      %add3A_111 = arith.addi %mul3A_19, %add3A_110 : i32
      %dma_start3A_112 = arith.constant 800 : i32
      %dma_start3A_113 = arith.constant 0 : i32
      %dma_start3A_114 = tpu.memref_slice %arg7[%dma_start3A_112, %dma_start3A_113] : memref<1000x32xf32, #tpu.memory_space<vmem>> -> memref<100x32xf32, #tpu.memory_space<vmem>>
      %dma_start3A_115 = arith.constant 0 : i32
      %dma_start3A_116 = tpu.memref_slice %arg6[%add3A_111, %dma_start3A_115] : memref<100x100xi32, #tpu.memory_space<vmem>> -> memref<1x100xi32, #tpu.memory_space<vmem>>
      %dma_start3A_117 = tpu.memref_squeeze %dma_start3A_116 : memref<1x100xi32, #tpu.memory_space<vmem>> -> memref<100xi32, #tpu.memory_space<vmem>>
      %dma_start3A_118 = arith.constant 0 : i32
      %dma_start3A_119 = arith.constant 0 : i32
      %dma_start3A_120 = tpu.memref_slice %arg8[%dma_start3A_118, %dma_start3A_119] : memref<10000x32xf32, #tpu.memory_space<vmem_shared>> -> memref<10000x32xf32, #tpu.memory_space<vmem_shared>>
      tpu.enqueue_indirect_dma source(%dma_start3A_114 : memref<100x32xf32, #tpu.memory_space<vmem>>) target(%dma_start3A_120 : memref<10000x32xf32, #tpu.memory_space<vmem_shared>>) offsets(%dma_start3A_117 : memref<100xi32, #tpu.memory_space<vmem>>) semaphore(%arg9 : memref<!tpu.dma_semaphore, #tpu.memory_space<semaphore_mem>>) {add = true}
      %add3A_121 = arith.constant 9 : i32
      %add3A_122 = arith.addi %mul3A_19, %add3A_121 : i32
      %dma_start3A_123 = arith.constant 900 : i32
      %dma_start3A_124 = arith.constant 0 : i32
      %dma_start3A_125 = tpu.memref_slice %arg7[%dma_start3A_123, %dma_start3A_124] : memref<1000x32xf32, #tpu.memory_space<vmem>> -> memref<100x32xf32, #tpu.memory_space<vmem>>
      %dma_start3A_126 = arith.constant 0 : i32
      %dma_start3A_127 = tpu.memref_slice %arg6[%add3A_122, %dma_start3A_126] : memref<100x100xi32, #tpu.memory_space<vmem>> -> memref<1x100xi32, #tpu.memory_space<vmem>>
      %dma_start3A_128 = tpu.memref_squeeze %dma_start3A_127 : memref<1x100xi32, #tpu.memory_space<vmem>> -> memref<100xi32, #tpu.memory_space<vmem>>
      %dma_start3A_129 = arith.constant 0 : i32
      %dma_start3A_130 = arith.constant 0 : i32
      %dma_start3A_131 = tpu.memref_slice %arg8[%dma_start3A_129, %dma_start3A_130] : memref<10000x32xf32, #tpu.memory_space<vmem_shared>> -> memref<10000x32xf32, #tpu.memory_space<vmem_shared>>
      tpu.enqueue_indirect_dma source(%dma_start3A_125 : memref<100x32xf32, #tpu.memory_space<vmem>>) target(%dma_start3A_131 : memref<10000x32xf32, #tpu.memory_space<vmem_shared>>) offsets(%dma_start3A_128 : memref<100xi32, #tpu.memory_space<vmem>>) semaphore(%arg9 : memref<!tpu.dma_semaphore, #tpu.memory_space<semaphore_mem>>) {add = true}
      %add3A_132 = arith.constant 0 : i32
      %add3A_133 = arith.addi %mul3A_19, %add3A_132 : i32
      %dma_wait3A = arith.constant 0 : i32
      %dma_wait3A_134 = arith.constant 0 : i32
      %dma_wait3A_135 = tpu.memref_slice %arg7[%dma_wait3A, %dma_wait3A_134] : memref<1000x32xf32, #tpu.memory_space<vmem>> -> memref<100x32xf32, #tpu.memory_space<vmem>>
      %dma_wait3A_136 = arith.constant 0 : i32
      %dma_wait3A_137 = tpu.memref_slice %arg6[%add3A_133, %dma_wait3A_136] : memref<100x100xi32, #tpu.memory_space<vmem>> -> memref<1x100xi32, #tpu.memory_space<vmem>>
      %dma_wait3A_138 = tpu.memref_squeeze %dma_wait3A_137 : memref<1x100xi32, #tpu.memory_space<vmem>> -> memref<100xi32, #tpu.memory_space<vmem>>
      %dma_wait3A_139 = arith.constant 0 : i32
      %dma_wait3A_140 = arith.constant 0 : i32
      %dma_wait3A_141 = tpu.memref_slice %arg8[%dma_wait3A_139, %dma_wait3A_140] : memref<10000x32xf32, #tpu.memory_space<vmem_shared>> -> memref<10000x32xf32, #tpu.memory_space<vmem_shared>>
      tpu.wait_indirect_dma semaphore(%arg9 : memref<!tpu.dma_semaphore, #tpu.memory_space<semaphore_mem>>) src(%dma_wait3A_135 : memref<100x32xf32, #tpu.memory_space<vmem>>) dst(%dma_wait3A_141 : memref<10000x32xf32, #tpu.memory_space<vmem_shared>>)
      %add3A_142 = arith.constant 1 : i32
      %add3A_143 = arith.addi %mul3A_19, %add3A_142 : i32
      %dma_wait3A_144 = arith.constant 100 : i32
      %dma_wait3A_145 = arith.constant 0 : i32
      %dma_wait3A_146 = tpu.memref_slice %arg7[%dma_wait3A_144, %dma_wait3A_145] : memref<1000x32xf32, #tpu.memory_space<vmem>> -> memref<100x32xf32, #tpu.memory_space<vmem>>
      %dma_wait3A_147 = arith.constant 0 : i32
      %dma_wait3A_148 = tpu.memref_slice %arg6[%add3A_143, %dma_wait3A_147] : memref<100x100xi32, #tpu.memory_space<vmem>> -> memref<1x100xi32, #tpu.memory_space<vmem>>
      %dma_wait3A_149 = tpu.memref_squeeze %dma_wait3A_148 : memref<1x100xi32, #tpu.memory_space<vmem>> -> memref<100xi32, #tpu.memory_space<vmem>>
      %dma_wait3A_150 = arith.constant 0 : i32
      %dma_wait3A_151 = arith.constant 0 : i32
      %dma_wait3A_152 = tpu.memref_slice %arg8[%dma_wait3A_150, %dma_wait3A_151] : memref<10000x32xf32, #tpu.memory_space<vmem_shared>> -> memref<10000x32xf32, #tpu.memory_space<vmem_shared>>
      tpu.wait_indirect_dma semaphore(%arg9 : memref<!tpu.dma_semaphore, #tpu.memory_space<semaphore_mem>>) src(%dma_wait3A_146 : memref<100x32xf32, #tpu.memory_space<vmem>>) dst(%dma_wait3A_152 : memref<10000x32xf32, #tpu.memory_space<vmem_shared>>)
      %add3A_153 = arith.constant 2 : i32
      %add3A_154 = arith.addi %mul3A_19, %add3A_153 : i32
      %dma_wait3A_155 = arith.constant 200 : i32
      %dma_wait3A_156 = arith.constant 0 : i32
      %dma_wait3A_157 = tpu.memref_slice %arg7[%dma_wait3A_155, %dma_wait3A_156] : memref<1000x32xf32, #tpu.memory_space<vmem>> -> memref<100x32xf32, #tpu.memory_space<vmem>>
      %dma_wait3A_158 = arith.constant 0 : i32
      %dma_wait3A_159 = tpu.memref_slice %arg6[%add3A_154, %dma_wait3A_158] : memref<100x100xi32, #tpu.memory_space<vmem>> -> memref<1x100xi32, #tpu.memory_space<vmem>>
      %dma_wait3A_160 = tpu.memref_squeeze %dma_wait3A_159 : memref<1x100xi32, #tpu.memory_space<vmem>> -> memref<100xi32, #tpu.memory_space<vmem>>
      %dma_wait3A_161 = arith.constant 0 : i32
      %dma_wait3A_162 = arith.constant 0 : i32
      %dma_wait3A_163 = tpu.memref_slice %arg8[%dma_wait3A_161, %dma_wait3A_162] : memref<10000x32xf32, #tpu.memory_space<vmem_shared>> -> memref<10000x32xf32, #tpu.memory_space<vmem_shared>>
      tpu.wait_indirect_dma semaphore(%arg9 : memref<!tpu.dma_semaphore, #tpu.memory_space<semaphore_mem>>) src(%dma_wait3A_157 : memref<100x32xf32, #tpu.memory_space<vmem>>) dst(%dma_wait3A_163 : memref<10000x32xf32, #tpu.memory_space<vmem_shared>>)
      %add3A_164 = arith.constant 3 : i32
      %add3A_165 = arith.addi %mul3A_19, %add3A_164 : i32
      %dma_wait3A_166 = arith.constant 300 : i32
      %dma_wait3A_167 = arith.constant 0 : i32
      %dma_wait3A_168 = tpu.memref_slice %arg7[%dma_wait3A_166, %dma_wait3A_167] : memref<1000x32xf32, #tpu.memory_space<vmem>> -> memref<100x32xf32, #tpu.memory_space<vmem>>
      %dma_wait3A_169 = arith.constant 0 : i32
      %dma_wait3A_170 = tpu.memref_slice %arg6[%add3A_165, %dma_wait3A_169] : memref<100x100xi32, #tpu.memory_space<vmem>> -> memref<1x100xi32, #tpu.memory_space<vmem>>
      %dma_wait3A_171 = tpu.memref_squeeze %dma_wait3A_170 : memref<1x100xi32, #tpu.memory_space<vmem>> -> memref<100xi32, #tpu.memory_space<vmem>>
      %dma_wait3A_172 = arith.constant 0 : i32
      %dma_wait3A_173 = arith.constant 0 : i32
      %dma_wait3A_174 = tpu.memref_slice %arg8[%dma_wait3A_172, %dma_wait3A_173] : memref<10000x32xf32, #tpu.memory_space<vmem_shared>> -> memref<10000x32xf32, #tpu.memory_space<vmem_shared>>
      tpu.wait_indirect_dma semaphore(%arg9 : memref<!tpu.dma_semaphore, #tpu.memory_space<semaphore_mem>>) src(%dma_wait3A_168 : memref<100x32xf32, #tpu.memory_space<vmem>>) dst(%dma_wait3A_174 : memref<10000x32xf32, #tpu.memory_space<vmem_shared>>)
      %add3A_175 = arith.constant 4 : i32
      %add3A_176 = arith.addi %mul3A_19, %add3A_175 : i32
      %dma_wait3A_177 = arith.constant 400 : i32
      %dma_wait3A_178 = arith.constant 0 : i32
      %dma_wait3A_179 = tpu.memref_slice %arg7[%dma_wait3A_177, %dma_wait3A_178] : memref<1000x32xf32, #tpu.memory_space<vmem>> -> memref<100x32xf32, #tpu.memory_space<vmem>>
      %dma_wait3A_180 = arith.constant 0 : i32
      %dma_wait3A_181 = tpu.memref_slice %arg6[%add3A_176, %dma_wait3A_180] : memref<100x100xi32, #tpu.memory_space<vmem>> -> memref<1x100xi32, #tpu.memory_space<vmem>>
      %dma_wait3A_182 = tpu.memref_squeeze %dma_wait3A_181 : memref<1x100xi32, #tpu.memory_space<vmem>> -> memref<100xi32, #tpu.memory_space<vmem>>
      %dma_wait3A_183 = arith.constant 0 : i32
      %dma_wait3A_184 = arith.constant 0 : i32
      %dma_wait3A_185 = tpu.memref_slice %arg8[%dma_wait3A_183, %dma_wait3A_184] : memref<10000x32xf32, #tpu.memory_space<vmem_shared>> -> memref<10000x32xf32, #tpu.memory_space<vmem_shared>>
      tpu.wait_indirect_dma semaphore(%arg9 : memref<!tpu.dma_semaphore, #tpu.memory_space<semaphore_mem>>) src(%dma_wait3A_179 : memref<100x32xf32, #tpu.memory_space<vmem>>) dst(%dma_wait3A_185 : memref<10000x32xf32, #tpu.memory_space<vmem_shared>>)
      %add3A_186 = arith.constant 5 : i32
      %add3A_187 = arith.addi %mul3A_19, %add3A_186 : i32
      %dma_wait3A_188 = arith.constant 500 : i32
      %dma_wait3A_189 = arith.constant 0 : i32
      %dma_wait3A_190 = tpu.memref_slice %arg7[%dma_wait3A_188, %dma_wait3A_189] : memref<1000x32xf32, #tpu.memory_space<vmem>> -> memref<100x32xf32, #tpu.memory_space<vmem>>
      %dma_wait3A_191 = arith.constant 0 : i32
      %dma_wait3A_192 = tpu.memref_slice %arg6[%add3A_187, %dma_wait3A_191] : memref<100x100xi32, #tpu.memory_space<vmem>> -> memref<1x100xi32, #tpu.memory_space<vmem>>
      %dma_wait3A_193 = tpu.memref_squeeze %dma_wait3A_192 : memref<1x100xi32, #tpu.memory_space<vmem>> -> memref<100xi32, #tpu.memory_space<vmem>>
      %dma_wait3A_194 = arith.constant 0 : i32
      %dma_wait3A_195 = arith.constant 0 : i32
      %dma_wait3A_196 = tpu.memref_slice %arg8[%dma_wait3A_194, %dma_wait3A_195] : memref<10000x32xf32, #tpu.memory_space<vmem_shared>> -> memref<10000x32xf32, #tpu.memory_space<vmem_shared>>
      tpu.wait_indirect_dma semaphore(%arg9 : memref<!tpu.dma_semaphore, #tpu.memory_space<semaphore_mem>>) src(%dma_wait3A_190 : memref<100x32xf32, #tpu.memory_space<vmem>>) dst(%dma_wait3A_196 : memref<10000x32xf32, #tpu.memory_space<vmem_shared>>)
      %add3A_197 = arith.constant 6 : i32
      %add3A_198 = arith.addi %mul3A_19, %add3A_197 : i32
      %dma_wait3A_199 = arith.constant 600 : i32
      %dma_wait3A_200 = arith.constant 0 : i32
      %dma_wait3A_201 = tpu.memref_slice %arg7[%dma_wait3A_199, %dma_wait3A_200] : memref<1000x32xf32, #tpu.memory_space<vmem>> -> memref<100x32xf32, #tpu.memory_space<vmem>>
      %dma_wait3A_202 = arith.constant 0 : i32
      %dma_wait3A_203 = tpu.memref_slice %arg6[%add3A_198, %dma_wait3A_202] : memref<100x100xi32, #tpu.memory_space<vmem>> -> memref<1x100xi32, #tpu.memory_space<vmem>>
      %dma_wait3A_204 = tpu.memref_squeeze %dma_wait3A_203 : memref<1x100xi32, #tpu.memory_space<vmem>> -> memref<100xi32, #tpu.memory_space<vmem>>
      %dma_wait3A_205 = arith.constant 0 : i32
      %dma_wait3A_206 = arith.constant 0 : i32
      %dma_wait3A_207 = tpu.memref_slice %arg8[%dma_wait3A_205, %dma_wait3A_206] : memref<10000x32xf32, #tpu.memory_space<vmem_shared>> -> memref<10000x32xf32, #tpu.memory_space<vmem_shared>>
      tpu.wait_indirect_dma semaphore(%arg9 : memref<!tpu.dma_semaphore, #tpu.memory_space<semaphore_mem>>) src(%dma_wait3A_201 : memref<100x32xf32, #tpu.memory_space<vmem>>) dst(%dma_wait3A_207 : memref<10000x32xf32, #tpu.memory_space<vmem_shared>>)
      %add3A_208 = arith.constant 7 : i32
      %add3A_209 = arith.addi %mul3A_19, %add3A_208 : i32
      %dma_wait3A_210 = arith.constant 700 : i32
      %dma_wait3A_211 = arith.constant 0 : i32
      %dma_wait3A_212 = tpu.memref_slice %arg7[%dma_wait3A_210, %dma_wait3A_211] : memref<1000x32xf32, #tpu.memory_space<vmem>> -> memref<100x32xf32, #tpu.memory_space<vmem>>
      %dma_wait3A_213 = arith.constant 0 : i32
      %dma_wait3A_214 = tpu.memref_slice %arg6[%add3A_209, %dma_wait3A_213] : memref<100x100xi32, #tpu.memory_space<vmem>> -> memref<1x100xi32, #tpu.memory_space<vmem>>
      %dma_wait3A_215 = tpu.memref_squeeze %dma_wait3A_214 : memref<1x100xi32, #tpu.memory_space<vmem>> -> memref<100xi32, #tpu.memory_space<vmem>>
      %dma_wait3A_216 = arith.constant 0 : i32
      %dma_wait3A_217 = arith.constant 0 : i32
      %dma_wait3A_218 = tpu.memref_slice %arg8[%dma_wait3A_216, %dma_wait3A_217] : memref<10000x32xf32, #tpu.memory_space<vmem_shared>> -> memref<10000x32xf32, #tpu.memory_space<vmem_shared>>
      tpu.wait_indirect_dma semaphore(%arg9 : memref<!tpu.dma_semaphore, #tpu.memory_space<semaphore_mem>>) src(%dma_wait3A_212 : memref<100x32xf32, #tpu.memory_space<vmem>>) dst(%dma_wait3A_218 : memref<10000x32xf32, #tpu.memory_space<vmem_shared>>)
      %add3A_219 = arith.constant 8 : i32
      %add3A_220 = arith.addi %mul3A_19, %add3A_219 : i32
      %dma_wait3A_221 = arith.constant 800 : i32
      %dma_wait3A_222 = arith.constant 0 : i32
      %dma_wait3A_223 = tpu.memref_slice %arg7[%dma_wait3A_221, %dma_wait3A_222] : memref<1000x32xf32, #tpu.memory_space<vmem>> -> memref<100x32xf32, #tpu.memory_space<vmem>>
      %dma_wait3A_224 = arith.constant 0 : i32
      %dma_wait3A_225 = tpu.memref_slice %arg6[%add3A_220, %dma_wait3A_224] : memref<100x100xi32, #tpu.memory_space<vmem>> -> memref<1x100xi32, #tpu.memory_space<vmem>>
      %dma_wait3A_226 = tpu.memref_squeeze %dma_wait3A_225 : memref<1x100xi32, #tpu.memory_space<vmem>> -> memref<100xi32, #tpu.memory_space<vmem>>
      %dma_wait3A_227 = arith.constant 0 : i32
      %dma_wait3A_228 = arith.constant 0 : i32
      %dma_wait3A_229 = tpu.memref_slice %arg8[%dma_wait3A_227, %dma_wait3A_228] : memref<10000x32xf32, #tpu.memory_space<vmem_shared>> -> memref<10000x32xf32, #tpu.memory_space<vmem_shared>>
      tpu.wait_indirect_dma semaphore(%arg9 : memref<!tpu.dma_semaphore, #tpu.memory_space<semaphore_mem>>) src(%dma_wait3A_223 : memref<100x32xf32, #tpu.memory_space<vmem>>) dst(%dma_wait3A_229 : memref<10000x32xf32, #tpu.memory_space<vmem_shared>>)
      %add3A_230 = arith.constant 9 : i32
      %add3A_231 = arith.addi %mul3A_19, %add3A_230 : i32
      %dma_wait3A_232 = arith.constant 900 : i32
      %dma_wait3A_233 = arith.constant 0 : i32
      %dma_wait3A_234 = tpu.memref_slice %arg7[%dma_wait3A_232, %dma_wait3A_233] : memref<1000x32xf32, #tpu.memory_space<vmem>> -> memref<100x32xf32, #tpu.memory_space<vmem>>
      %dma_wait3A_235 = arith.constant 0 : i32
      %dma_wait3A_236 = tpu.memref_slice %arg6[%add3A_231, %dma_wait3A_235] : memref<100x100xi32, #tpu.memory_space<vmem>> -> memref<1x100xi32, #tpu.memory_space<vmem>>
      %dma_wait3A_237 = tpu.memref_squeeze %dma_wait3A_236 : memref<1x100xi32, #tpu.memory_space<vmem>> -> memref<100xi32, #tpu.memory_space<vmem>>
      %dma_wait3A_238 = arith.constant 0 : i32
      %dma_wait3A_239 = arith.constant 0 : i32
      %dma_wait3A_240 = tpu.memref_slice %arg8[%dma_wait3A_238, %dma_wait3A_239] : memref<10000x32xf32, #tpu.memory_space<vmem_shared>> -> memref<10000x32xf32, #tpu.memory_space<vmem_shared>>
      tpu.wait_indirect_dma semaphore(%arg9 : memref<!tpu.dma_semaphore, #tpu.memory_space<semaphore_mem>>) src(%dma_wait3A_234 : memref<100x32xf32, #tpu.memory_space<vmem>>) dst(%dma_wait3A_240 : memref<10000x32xf32, #tpu.memory_space<vmem_shared>>)
    }
    %scan3A_11 = arith.constant 10 : i32
    %barrier3A_12 = arith.constant 0 : index
    tpu.barrier barrier_id(%barrier3A_12)
    %mul3A_13 = arith.constant 625 : i32
    %mul3A_14 = arith.muli %arg1, %mul3A_13 : i32
    %mul3A_15 = arith.constant 625 : i32
    %mul3A_16 = arith.muli %arg1, %mul3A_15 : i32
    "tpu.region"() ({
      %run_scoped3A = tpu.sem_alloc : memref<!tpu.dma_semaphore, #tpu.memory_space<semaphore_mem>>
      %dma_start3A = arith.constant 0 : i32
      %dma_start3A_17 = tpu.memref_slice %arg5[%arg0, %mul3A_16, %dma_start3A] : memref<2x10000x32xf32, #tpu.memory_space<hbm>> -> memref<1x625x32xf32, #tpu.memory_space<hbm>>
      %dma_start3A_18 = tpu.memref_squeeze %dma_start3A_17 : memref<1x625x32xf32, #tpu.memory_space<hbm>> -> memref<625x32xf32, #tpu.memory_space<hbm>>
      %dma_start3A_19 = arith.constant 0 : i32
      %dma_start3A_20 = tpu.memref_slice %arg8[%mul3A_14, %dma_start3A_19] : memref<10000x32xf32, #tpu.memory_space<vmem_shared>> -> memref<625x32xf32, #tpu.memory_space<vmem_shared>>
      tpu.enqueue_dma source(%dma_start3A_20 : memref<625x32xf32, #tpu.memory_space<vmem_shared>>) target(%dma_start3A_18 : memref<625x32xf32, #tpu.memory_space<hbm>>) target_semaphore(%run_scoped3A : memref<!tpu.dma_semaphore, #tpu.memory_space<semaphore_mem>>)
      %dma_wait3A = arith.constant 0 : i32
      %dma_wait3A_21 = tpu.memref_slice %arg5[%arg0, %mul3A_16, %dma_wait3A] : memref<2x10000x32xf32, #tpu.memory_space<hbm>> -> memref<1x625x32xf32, #tpu.memory_space<hbm>>
      %dma_wait3A_22 = tpu.memref_squeeze %dma_wait3A_21 : memref<1x625x32xf32, #tpu.memory_space<hbm>> -> memref<625x32xf32, #tpu.memory_space<hbm>>
      %dma_wait3A_23 = arith.constant 0 : i32
      %dma_wait3A_24 = tpu.memref_slice %arg8[%mul3A_14, %dma_wait3A_23] : memref<10000x32xf32, #tpu.memory_space<vmem_shared>> -> memref<625x32xf32, #tpu.memory_space<vmem_shared>>
      tpu.wait_dma2 semaphore(%run_scoped3A : memref<!tpu.dma_semaphore, #tpu.memory_space<semaphore_mem>>) src(%dma_wait3A_24 : memref<625x32xf32, #tpu.memory_space<vmem_shared>>) dst(%dma_wait3A_22 : memref<625x32xf32, #tpu.memory_space<hbm>>)
      tpu.yield
    }) : () -> ()
    return
  }
}

#map = affine_map<(d0, d1) -> (0, 0)>
#map1 = affine_map<(d0, d1) -> (0, 0, 0)>
module attributes {stable_mosaic.version = 14 : i64} {
  func.func @_sc_scatter_body(%arg0: i32, %arg1: i32, %arg2: memref<320000x32xf32, #tpu.memory_space<hbm>>, %arg3: memref<32x100x100xi32, #tpu.memory_space<hbm>>, %arg4: memref<10000x32xf32, #tpu.memory_space<hbm>>, %arg5: memref<2x10000x32xf32, #tpu.memory_space<hbm>>, %arg6: memref<100x100xi32, #tpu.memory_space<vmem>>, %arg7: memref<1000x32xf32, #tpu.memory_space<vmem>>, %arg8: memref<10000x32xf32, #tpu.memory_space<vmem_shared>>, %arg9: memref<!tpu.dma_semaphore, #tpu.memory_space<semaphore_mem>>) attributes {dimension_semantics = [#tpu.dimension_semantics<core_parallel>, #tpu.dimension_semantics<subcore_parallel>], iteration_bounds = array<i64: 2, 16>, scalar_prefetch = 0 : i64, scratch_operands = 4 : i64, tpu.core_type = #tpu.core_type<sc_vector_subcore>, window_params = [{transform_indices = #map}, {transform_indices = #map1}, {transform_indices = #map}, {transform_indices = #map1}]} {
    %mul3A = arith.constant 2 : i32
    %mul3A_0 = arith.muli %arg1, %mul3A : i32
    %add3A = arith.addi %mul3A_0, %arg0 : i32
    "tpu.region"() ({
      %run_scoped3A = tpu.sem_alloc : memref<!tpu.dma_semaphore, #tpu.memory_space<semaphore_mem>>
      %dma_start3A = arith.constant 0 : i32
      %dma_start3A_17 = arith.constant 0 : i32
      %dma_start3A_18 = tpu.memref_slice %arg3[%add3A, %dma_start3A, %dma_start3A_17] : memref<32x100x100xi32, #tpu.memory_space<hbm>> -> memref<1x100x100xi32, #tpu.memory_space<hbm>>
      %dma_start3A_19 = tpu.memref_squeeze %dma_start3A_18 : memref<1x100x100xi32, #tpu.memory_space<hbm>> -> memref<100x100xi32, #tpu.memory_space<hbm>>
      %dma_start3A_20 = arith.constant 0 : i32
      %dma_start3A_21 = arith.constant 0 : i32
      %dma_start3A_22 = tpu.memref_slice %arg3[%add3A, %dma_start3A_20, %dma_start3A_21] : memref<32x100x100xi32, #tpu.memory_space<hbm>> -> memref<1x100x100xi32, #tpu.memory_space<hbm>>
      %dma_start3A_23 = tpu.memref_squeeze %dma_start3A_22 : memref<1x100x100xi32, #tpu.memory_space<hbm>> -> memref<100x100xi32, #tpu.memory_space<hbm>>
      tpu.enqueue_dma source(%dma_start3A_23 : memref<100x100xi32, #tpu.memory_space<hbm>>) target(%arg6 : memref<100x100xi32, #tpu.memory_space<vmem>>) target_semaphore(%run_scoped3A : memref<!tpu.dma_semaphore, #tpu.memory_space<semaphore_mem>>)
      %dma_wait3A = arith.constant 0 : i32
      %dma_wait3A_24 = arith.constant 0 : i32
      %dma_wait3A_25 = tpu.memref_slice %arg3[%add3A, %dma_wait3A, %dma_wait3A_24] : memref<32x100x100xi32, #tpu.memory_space<hbm>> -> memref<1x100x100xi32, #tpu.memory_space<hbm>>
      %dma_wait3A_26 = tpu.memref_squeeze %dma_wait3A_25 : memref<1x100x100xi32, #tpu.memory_space<hbm>> -> memref<100x100xi32, #tpu.memory_space<hbm>>
      %dma_wait3A_27 = arith.constant 0 : i32
      %dma_wait3A_28 = arith.constant 0 : i32
      %dma_wait3A_29 = tpu.memref_slice %arg3[%add3A, %dma_wait3A_27, %dma_wait3A_28] : memref<32x100x100xi32, #tpu.memory_space<hbm>> -> memref<1x100x100xi32, #tpu.memory_space<hbm>>
      %dma_wait3A_30 = tpu.memref_squeeze %dma_wait3A_29 : memref<1x100x100xi32, #tpu.memory_space<hbm>> -> memref<100x100xi32, #tpu.memory_space<hbm>>
      tpu.wait_dma2 semaphore(%run_scoped3A : memref<!tpu.dma_semaphore, #tpu.memory_space<semaphore_mem>>) src(%dma_wait3A_30 : memref<100x100xi32, #tpu.memory_space<hbm>>) dst(%arg6 : memref<100x100xi32, #tpu.memory_space<vmem>>)
      tpu.yield
    }) : () -> ()
    %mul3A_1 = arith.constant 625 : i32
    %mul3A_2 = arith.muli %arg1, %mul3A_1 : i32
    %mul3A_3 = arith.constant 625 : i32
    %mul3A_4 = arith.muli %arg1, %mul3A_3 : i32
    "tpu.region"() ({
      %run_scoped3A = tpu.sem_alloc : memref<!tpu.dma_semaphore, #tpu.memory_space<semaphore_mem>>
      %dma_start3A = arith.constant 0 : i32
      %dma_start3A_17 = tpu.memref_slice %arg8[%mul3A_4, %dma_start3A] : memref<10000x32xf32, #tpu.memory_space<vmem_shared>> -> memref<625x32xf32, #tpu.memory_space<vmem_shared>>
      %dma_start3A_18 = arith.constant 0 : i32
      %dma_start3A_19 = tpu.memref_slice %arg4[%mul3A_2, %dma_start3A_18] : memref<10000x32xf32, #tpu.memory_space<hbm>> -> memref<625x32xf32, #tpu.memory_space<hbm>>
      tpu.enqueue_dma source(%dma_start3A_19 : memref<625x32xf32, #tpu.memory_space<hbm>>) target(%dma_start3A_17 : memref<625x32xf32, #tpu.memory_space<vmem_shared>>) target_semaphore(%run_scoped3A : memref<!tpu.dma_semaphore, #tpu.memory_space<semaphore_mem>>)
      %dma_wait3A = arith.constant 0 : i32
      %dma_wait3A_20 = tpu.memref_slice %arg8[%mul3A_4, %dma_wait3A] : memref<10000x32xf32, #tpu.memory_space<vmem_shared>> -> memref<625x32xf32, #tpu.memory_space<vmem_shared>>
      %dma_wait3A_21 = arith.constant 0 : i32
      %dma_wait3A_22 = tpu.memref_slice %arg4[%mul3A_2, %dma_wait3A_21] : memref<10000x32xf32, #tpu.memory_space<hbm>> -> memref<625x32xf32, #tpu.memory_space<hbm>>
      tpu.wait_dma2 semaphore(%run_scoped3A : memref<!tpu.dma_semaphore, #tpu.memory_space<semaphore_mem>>) src(%dma_wait3A_22 : memref<625x32xf32, #tpu.memory_space<hbm>>) dst(%dma_wait3A_20 : memref<625x32xf32, #tpu.memory_space<vmem_shared>>)
      tpu.yield
    }) : () -> ()
    %barrier3A = arith.constant 0 : index
    tpu.barrier barrier_id(%barrier3A)
    %mul3A_5 = arith.constant 10000 : i32
    %mul3A_6 = arith.muli %add3A, %mul3A_5 : i32
    %scan3A = arith.constant 0 : i32
    %scan3A_7 = arith.constant 0 : i32
    %scan3A_8 = arith.constant 10 : i32
    %scan3A_9 = arith.addi %scan3A_7, %scan3A_8 : i32
    %scan3A_10 = arith.constant 1 : i32
    scf.for %scan3A_17 = %scan3A_7 to %scan3A_9 step %scan3A_10  : i32 {
      %mul3A_18 = arith.constant 10 : i32
      %mul3A_19 = arith.muli %scan3A_17, %mul3A_18 : i32
      %mul3A_20 = arith.constant 100 : i32
      %mul3A_21 = arith.muli %mul3A_19, %mul3A_20 : i32
      %add3A_22 = arith.addi %mul3A_6, %mul3A_21 : i32
      "tpu.region"() ({
        %run_scoped3A = tpu.sem_alloc : memref<!tpu.dma_semaphore, #tpu.memory_space<semaphore_mem>>
        %dma_start3A_241 = arith.constant 0 : i32
        %dma_start3A_242 = tpu.memref_slice %arg2[%add3A_22, %dma_start3A_241] : memref<320000x32xf32, #tpu.memory_space<hbm>> -> memref<1000x32xf32, #tpu.memory_space<hbm>>
        %dma_start3A_243 = arith.constant 0 : i32
        %dma_start3A_244 = tpu.memref_slice %arg2[%add3A_22, %dma_start3A_243] : memref<320000x32xf32, #tpu.memory_space<hbm>> -> memref<1000x32xf32, #tpu.memory_space<hbm>>
        tpu.enqueue_dma source(%dma_start3A_244 : memref<1000x32xf32, #tpu.memory_space<hbm>>) target(%arg7 : memref<1000x32xf32, #tpu.memory_space<vmem>>) target_semaphore(%run_scoped3A : memref<!tpu.dma_semaphore, #tpu.memory_space<semaphore_mem>>)
        %dma_wait3A_245 = arith.constant 0 : i32
        %dma_wait3A_246 = tpu.memref_slice %arg2[%add3A_22, %dma_wait3A_245] : memref<320000x32xf32, #tpu.memory_space<hbm>> -> memref<1000x32xf32, #tpu.memory_space<hbm>>
        %dma_wait3A_247 = arith.constant 0 : i32
        %dma_wait3A_248 = tpu.memref_slice %arg2[%add3A_22, %dma_wait3A_247] : memref<320000x32xf32, #tpu.memory_space<hbm>> -> memref<1000x32xf32, #tpu.memory_space<hbm>>
        tpu.wait_dma2 semaphore(%run_scoped3A : memref<!tpu.dma_semaphore, #tpu.memory_space<semaphore_mem>>) src(%dma_wait3A_248 : memref<1000x32xf32, #tpu.memory_space<hbm>>) dst(%arg7 : memref<1000x32xf32, #tpu.memory_space<vmem>>)
        tpu.yield
      }) : () -> ()
      %add3A_23 = arith.constant 0 : i32
      %add3A_24 = arith.addi %mul3A_19, %add3A_23 : i32
      %dma_start3A = arith.constant 0 : i32
      %dma_start3A_25 = arith.constant 0 : i32
      %dma_start3A_26 = tpu.memref_slice %arg7[%dma_start3A, %dma_start3A_25] : memref<1000x32xf32, #tpu.memory_space<vmem>> -> memref<100x32xf32, #tpu.memory_space<vmem>>
      %dma_start3A_27 = arith.constant 0 : i32
      %dma_start3A_28 = tpu.memref_slice %arg6[%add3A_24, %dma_start3A_27] : memref<100x100xi32, #tpu.memory_space<vmem>> -> memref<1x100xi32, #tpu.memory_space<vmem>>
      %dma_start3A_29 = tpu.memref_squeeze %dma_start3A_28 : memref<1x100xi32, #tpu.memory_space<vmem>> -> memref<100xi32, #tpu.memory_space<vmem>>
      %dma_start3A_30 = arith.constant 0 : i32
      %dma_start3A_31 = arith.constant 0 : i32
      %dma_start3A_32 = tpu.memref_slice %arg8[%dma_start3A_30, %dma_start3A_31] : memref<10000x32xf32, #tpu.memory_space<vmem_shared>> -> memref<10000x32xf32, #tpu.memory_space<vmem_shared>>
      tpu.enqueue_indirect_dma source(%dma_start3A_26 : memref<100x32xf32, #tpu.memory_space<vmem>>) target(%dma_start3A_32 : memref<10000x32xf32, #tpu.memory_space<vmem_shared>>) offsets(%dma_start3A_29 : memref<100xi32, #tpu.memory_space<vmem>>) semaphore(%arg9 : memref<!tpu.dma_semaphore, #tpu.memory_space<semaphore_mem>>) {add = true}
      %add3A_33 = arith.constant 1 : i32
      %add3A_34 = arith.addi %mul3A_19, %add3A_33 : i32
      %dma_start3A_35 = arith.constant 100 : i32
      %dma_start3A_36 = arith.constant 0 : i32
      %dma_start3A_37 = tpu.memref_slice %arg7[%dma_start3A_35, %dma_start3A_36] : memref<1000x32xf32, #tpu.memory_space<vmem>> -> memref<100x32xf32, #tpu.memory_space<vmem>>
      %dma_start3A_38 = arith.constant 0 : i32
      %dma_start3A_39 = tpu.memref_slice %arg6[%add3A_34, %dma_start3A_38] : memref<100x100xi32, #tpu.memory_space<vmem>> -> memref<1x100xi32, #tpu.memory_space<vmem>>
      %dma_start3A_40 = tpu.memref_squeeze %dma_start3A_39 : memref<1x100xi32, #tpu.memory_space<vmem>> -> memref<100xi32, #tpu.memory_space<vmem>>
      %dma_start3A_41 = arith.constant 0 : i32
      %dma_start3A_42 = arith.constant 0 : i32
      %dma_start3A_43 = tpu.memref_slice %arg8[%dma_start3A_41, %dma_start3A_42] : memref<10000x32xf32, #tpu.memory_space<vmem_shared>> -> memref<10000x32xf32, #tpu.memory_space<vmem_shared>>
      tpu.enqueue_indirect_dma source(%dma_start3A_37 : memref<100x32xf32, #tpu.memory_space<vmem>>) target(%dma_start3A_43 : memref<10000x32xf32, #tpu.memory_space<vmem_shared>>) offsets(%dma_start3A_40 : memref<100xi32, #tpu.memory_space<vmem>>) semaphore(%arg9 : memref<!tpu.dma_semaphore, #tpu.memory_space<semaphore_mem>>) {add = true}
      %add3A_44 = arith.constant 2 : i32
      %add3A_45 = arith.addi %mul3A_19, %add3A_44 : i32
      %dma_start3A_46 = arith.constant 200 : i32
      %dma_start3A_47 = arith.constant 0 : i32
      %dma_start3A_48 = tpu.memref_slice %arg7[%dma_start3A_46, %dma_start3A_47] : memref<1000x32xf32, #tpu.memory_space<vmem>> -> memref<100x32xf32, #tpu.memory_space<vmem>>
      %dma_start3A_49 = arith.constant 0 : i32
      %dma_start3A_50 = tpu.memref_slice %arg6[%add3A_45, %dma_start3A_49] : memref<100x100xi32, #tpu.memory_space<vmem>> -> memref<1x100xi32, #tpu.memory_space<vmem>>
      %dma_start3A_51 = tpu.memref_squeeze %dma_start3A_50 : memref<1x100xi32, #tpu.memory_space<vmem>> -> memref<100xi32, #tpu.memory_space<vmem>>
      %dma_start3A_52 = arith.constant 0 : i32
      %dma_start3A_53 = arith.constant 0 : i32
      %dma_start3A_54 = tpu.memref_slice %arg8[%dma_start3A_52, %dma_start3A_53] : memref<10000x32xf32, #tpu.memory_space<vmem_shared>> -> memref<10000x32xf32, #tpu.memory_space<vmem_shared>>
      tpu.enqueue_indirect_dma source(%dma_start3A_48 : memref<100x32xf32, #tpu.memory_space<vmem>>) target(%dma_start3A_54 : memref<10000x32xf32, #tpu.memory_space<vmem_shared>>) offsets(%dma_start3A_51 : memref<100xi32, #tpu.memory_space<vmem>>) semaphore(%arg9 : memref<!tpu.dma_semaphore, #tpu.memory_space<semaphore_mem>>) {add = true}
      %add3A_55 = arith.constant 3 : i32
      %add3A_56 = arith.addi %mul3A_19, %add3A_55 : i32
      %dma_start3A_57 = arith.constant 300 : i32
      %dma_start3A_58 = arith.constant 0 : i32
      %dma_start3A_59 = tpu.memref_slice %arg7[%dma_start3A_57, %dma_start3A_58] : memref<1000x32xf32, #tpu.memory_space<vmem>> -> memref<100x32xf32, #tpu.memory_space<vmem>>
      %dma_start3A_60 = arith.constant 0 : i32
      %dma_start3A_61 = tpu.memref_slice %arg6[%add3A_56, %dma_start3A_60] : memref<100x100xi32, #tpu.memory_space<vmem>> -> memref<1x100xi32, #tpu.memory_space<vmem>>
      %dma_start3A_62 = tpu.memref_squeeze %dma_start3A_61 : memref<1x100xi32, #tpu.memory_space<vmem>> -> memref<100xi32, #tpu.memory_space<vmem>>
      %dma_start3A_63 = arith.constant 0 : i32
      %dma_start3A_64 = arith.constant 0 : i32
      %dma_start3A_65 = tpu.memref_slice %arg8[%dma_start3A_63, %dma_start3A_64] : memref<10000x32xf32, #tpu.memory_space<vmem_shared>> -> memref<10000x32xf32, #tpu.memory_space<vmem_shared>>
      tpu.enqueue_indirect_dma source(%dma_start3A_59 : memref<100x32xf32, #tpu.memory_space<vmem>>) target(%dma_start3A_65 : memref<10000x32xf32, #tpu.memory_space<vmem_shared>>) offsets(%dma_start3A_62 : memref<100xi32, #tpu.memory_space<vmem>>) semaphore(%arg9 : memref<!tpu.dma_semaphore, #tpu.memory_space<semaphore_mem>>) {add = true}
      %add3A_66 = arith.constant 4 : i32
      %add3A_67 = arith.addi %mul3A_19, %add3A_66 : i32
      %dma_start3A_68 = arith.constant 400 : i32
      %dma_start3A_69 = arith.constant 0 : i32
      %dma_start3A_70 = tpu.memref_slice %arg7[%dma_start3A_68, %dma_start3A_69] : memref<1000x32xf32, #tpu.memory_space<vmem>> -> memref<100x32xf32, #tpu.memory_space<vmem>>
      %dma_start3A_71 = arith.constant 0 : i32
      %dma_start3A_72 = tpu.memref_slice %arg6[%add3A_67, %dma_start3A_71] : memref<100x100xi32, #tpu.memory_space<vmem>> -> memref<1x100xi32, #tpu.memory_space<vmem>>
      %dma_start3A_73 = tpu.memref_squeeze %dma_start3A_72 : memref<1x100xi32, #tpu.memory_space<vmem>> -> memref<100xi32, #tpu.memory_space<vmem>>
      %dma_start3A_74 = arith.constant 0 : i32
      %dma_start3A_75 = arith.constant 0 : i32
      %dma_start3A_76 = tpu.memref_slice %arg8[%dma_start3A_74, %dma_start3A_75] : memref<10000x32xf32, #tpu.memory_space<vmem_shared>> -> memref<10000x32xf32, #tpu.memory_space<vmem_shared>>
      tpu.enqueue_indirect_dma source(%dma_start3A_70 : memref<100x32xf32, #tpu.memory_space<vmem>>) target(%dma_start3A_76 : memref<10000x32xf32, #tpu.memory_space<vmem_shared>>) offsets(%dma_start3A_73 : memref<100xi32, #tpu.memory_space<vmem>>) semaphore(%arg9 : memref<!tpu.dma_semaphore, #tpu.memory_space<semaphore_mem>>) {add = true}
      %add3A_77 = arith.constant 5 : i32
      %add3A_78 = arith.addi %mul3A_19, %add3A_77 : i32
      %dma_start3A_79 = arith.constant 500 : i32
      %dma_start3A_80 = arith.constant 0 : i32
      %dma_start3A_81 = tpu.memref_slice %arg7[%dma_start3A_79, %dma_start3A_80] : memref<1000x32xf32, #tpu.memory_space<vmem>> -> memref<100x32xf32, #tpu.memory_space<vmem>>
      %dma_start3A_82 = arith.constant 0 : i32
      %dma_start3A_83 = tpu.memref_slice %arg6[%add3A_78, %dma_start3A_82] : memref<100x100xi32, #tpu.memory_space<vmem>> -> memref<1x100xi32, #tpu.memory_space<vmem>>
      %dma_start3A_84 = tpu.memref_squeeze %dma_start3A_83 : memref<1x100xi32, #tpu.memory_space<vmem>> -> memref<100xi32, #tpu.memory_space<vmem>>
      %dma_start3A_85 = arith.constant 0 : i32
      %dma_start3A_86 = arith.constant 0 : i32
      %dma_start3A_87 = tpu.memref_slice %arg8[%dma_start3A_85, %dma_start3A_86] : memref<10000x32xf32, #tpu.memory_space<vmem_shared>> -> memref<10000x32xf32, #tpu.memory_space<vmem_shared>>
      tpu.enqueue_indirect_dma source(%dma_start3A_81 : memref<100x32xf32, #tpu.memory_space<vmem>>) target(%dma_start3A_87 : memref<10000x32xf32, #tpu.memory_space<vmem_shared>>) offsets(%dma_start3A_84 : memref<100xi32, #tpu.memory_space<vmem>>) semaphore(%arg9 : memref<!tpu.dma_semaphore, #tpu.memory_space<semaphore_mem>>) {add = true}
      %add3A_88 = arith.constant 6 : i32
      %add3A_89 = arith.addi %mul3A_19, %add3A_88 : i32
      %dma_start3A_90 = arith.constant 600 : i32
      %dma_start3A_91 = arith.constant 0 : i32
      %dma_start3A_92 = tpu.memref_slice %arg7[%dma_start3A_90, %dma_start3A_91] : memref<1000x32xf32, #tpu.memory_space<vmem>> -> memref<100x32xf32, #tpu.memory_space<vmem>>
      %dma_start3A_93 = arith.constant 0 : i32
      %dma_start3A_94 = tpu.memref_slice %arg6[%add3A_89, %dma_start3A_93] : memref<100x100xi32, #tpu.memory_space<vmem>> -> memref<1x100xi32, #tpu.memory_space<vmem>>
      %dma_start3A_95 = tpu.memref_squeeze %dma_start3A_94 : memref<1x100xi32, #tpu.memory_space<vmem>> -> memref<100xi32, #tpu.memory_space<vmem>>
      %dma_start3A_96 = arith.constant 0 : i32
      %dma_start3A_97 = arith.constant 0 : i32
      %dma_start3A_98 = tpu.memref_slice %arg8[%dma_start3A_96, %dma_start3A_97] : memref<10000x32xf32, #tpu.memory_space<vmem_shared>> -> memref<10000x32xf32, #tpu.memory_space<vmem_shared>>
      tpu.enqueue_indirect_dma source(%dma_start3A_92 : memref<100x32xf32, #tpu.memory_space<vmem>>) target(%dma_start3A_98 : memref<10000x32xf32, #tpu.memory_space<vmem_shared>>) offsets(%dma_start3A_95 : memref<100xi32, #tpu.memory_space<vmem>>) semaphore(%arg9 : memref<!tpu.dma_semaphore, #tpu.memory_space<semaphore_mem>>) {add = true}
      %add3A_99 = arith.constant 7 : i32
      %add3A_100 = arith.addi %mul3A_19, %add3A_99 : i32
      %dma_start3A_101 = arith.constant 700 : i32
      %dma_start3A_102 = arith.constant 0 : i32
      %dma_start3A_103 = tpu.memref_slice %arg7[%dma_start3A_101, %dma_start3A_102] : memref<1000x32xf32, #tpu.memory_space<vmem>> -> memref<100x32xf32, #tpu.memory_space<vmem>>
      %dma_start3A_104 = arith.constant 0 : i32
      %dma_start3A_105 = tpu.memref_slice %arg6[%add3A_100, %dma_start3A_104] : memref<100x100xi32, #tpu.memory_space<vmem>> -> memref<1x100xi32, #tpu.memory_space<vmem>>
      %dma_start3A_106 = tpu.memref_squeeze %dma_start3A_105 : memref<1x100xi32, #tpu.memory_space<vmem>> -> memref<100xi32, #tpu.memory_space<vmem>>
      %dma_start3A_107 = arith.constant 0 : i32
      %dma_start3A_108 = arith.constant 0 : i32
      %dma_start3A_109 = tpu.memref_slice %arg8[%dma_start3A_107, %dma_start3A_108] : memref<10000x32xf32, #tpu.memory_space<vmem_shared>> -> memref<10000x32xf32, #tpu.memory_space<vmem_shared>>
      tpu.enqueue_indirect_dma source(%dma_start3A_103 : memref<100x32xf32, #tpu.memory_space<vmem>>) target(%dma_start3A_109 : memref<10000x32xf32, #tpu.memory_space<vmem_shared>>) offsets(%dma_start3A_106 : memref<100xi32, #tpu.memory_space<vmem>>) semaphore(%arg9 : memref<!tpu.dma_semaphore, #tpu.memory_space<semaphore_mem>>) {add = true}
      %add3A_110 = arith.constant 8 : i32
      %add3A_111 = arith.addi %mul3A_19, %add3A_110 : i32
      %dma_start3A_112 = arith.constant 800 : i32
      %dma_start3A_113 = arith.constant 0 : i32
      %dma_start3A_114 = tpu.memref_slice %arg7[%dma_start3A_112, %dma_start3A_113] : memref<1000x32xf32, #tpu.memory_space<vmem>> -> memref<100x32xf32, #tpu.memory_space<vmem>>
      %dma_start3A_115 = arith.constant 0 : i32
      %dma_start3A_116 = tpu.memref_slice %arg6[%add3A_111, %dma_start3A_115] : memref<100x100xi32, #tpu.memory_space<vmem>> -> memref<1x100xi32, #tpu.memory_space<vmem>>
      %dma_start3A_117 = tpu.memref_squeeze %dma_start3A_116 : memref<1x100xi32, #tpu.memory_space<vmem>> -> memref<100xi32, #tpu.memory_space<vmem>>
      %dma_start3A_118 = arith.constant 0 : i32
      %dma_start3A_119 = arith.constant 0 : i32
      %dma_start3A_120 = tpu.memref_slice %arg8[%dma_start3A_118, %dma_start3A_119] : memref<10000x32xf32, #tpu.memory_space<vmem_shared>> -> memref<10000x32xf32, #tpu.memory_space<vmem_shared>>
      tpu.enqueue_indirect_dma source(%dma_start3A_114 : memref<100x32xf32, #tpu.memory_space<vmem>>) target(%dma_start3A_120 : memref<10000x32xf32, #tpu.memory_space<vmem_shared>>) offsets(%dma_start3A_117 : memref<100xi32, #tpu.memory_space<vmem>>) semaphore(%arg9 : memref<!tpu.dma_semaphore, #tpu.memory_space<semaphore_mem>>) {add = true}
      %add3A_121 = arith.constant 9 : i32
      %add3A_122 = arith.addi %mul3A_19, %add3A_121 : i32
      %dma_start3A_123 = arith.constant 900 : i32
      %dma_start3A_124 = arith.constant 0 : i32
      %dma_start3A_125 = tpu.memref_slice %arg7[%dma_start3A_123, %dma_start3A_124] : memref<1000x32xf32, #tpu.memory_space<vmem>> -> memref<100x32xf32, #tpu.memory_space<vmem>>
      %dma_start3A_126 = arith.constant 0 : i32
      %dma_start3A_127 = tpu.memref_slice %arg6[%add3A_122, %dma_start3A_126] : memref<100x100xi32, #tpu.memory_space<vmem>> -> memref<1x100xi32, #tpu.memory_space<vmem>>
      %dma_start3A_128 = tpu.memref_squeeze %dma_start3A_127 : memref<1x100xi32, #tpu.memory_space<vmem>> -> memref<100xi32, #tpu.memory_space<vmem>>
      %dma_start3A_129 = arith.constant 0 : i32
      %dma_start3A_130 = arith.constant 0 : i32
      %dma_start3A_131 = tpu.memref_slice %arg8[%dma_start3A_129, %dma_start3A_130] : memref<10000x32xf32, #tpu.memory_space<vmem_shared>> -> memref<10000x32xf32, #tpu.memory_space<vmem_shared>>
      tpu.enqueue_indirect_dma source(%dma_start3A_125 : memref<100x32xf32, #tpu.memory_space<vmem>>) target(%dma_start3A_131 : memref<10000x32xf32, #tpu.memory_space<vmem_shared>>) offsets(%dma_start3A_128 : memref<100xi32, #tpu.memory_space<vmem>>) semaphore(%arg9 : memref<!tpu.dma_semaphore, #tpu.memory_space<semaphore_mem>>) {add = true}
      %add3A_132 = arith.constant 0 : i32
      %add3A_133 = arith.addi %mul3A_19, %add3A_132 : i32
      %dma_wait3A = arith.constant 0 : i32
      %dma_wait3A_134 = arith.constant 0 : i32
      %dma_wait3A_135 = tpu.memref_slice %arg7[%dma_wait3A, %dma_wait3A_134] : memref<1000x32xf32, #tpu.memory_space<vmem>> -> memref<100x32xf32, #tpu.memory_space<vmem>>
      %dma_wait3A_136 = arith.constant 0 : i32
      %dma_wait3A_137 = tpu.memref_slice %arg6[%add3A_133, %dma_wait3A_136] : memref<100x100xi32, #tpu.memory_space<vmem>> -> memref<1x100xi32, #tpu.memory_space<vmem>>
      %dma_wait3A_138 = tpu.memref_squeeze %dma_wait3A_137 : memref<1x100xi32, #tpu.memory_space<vmem>> -> memref<100xi32, #tpu.memory_space<vmem>>
      %dma_wait3A_139 = arith.constant 0 : i32
      %dma_wait3A_140 = arith.constant 0 : i32
      %dma_wait3A_141 = tpu.memref_slice %arg8[%dma_wait3A_139, %dma_wait3A_140] : memref<10000x32xf32, #tpu.memory_space<vmem_shared>> -> memref<10000x32xf32, #tpu.memory_space<vmem_shared>>
      tpu.wait_indirect_dma semaphore(%arg9 : memref<!tpu.dma_semaphore, #tpu.memory_space<semaphore_mem>>) src(%dma_wait3A_135 : memref<100x32xf32, #tpu.memory_space<vmem>>) dst(%dma_wait3A_141 : memref<10000x32xf32, #tpu.memory_space<vmem_shared>>)
      %add3A_142 = arith.constant 1 : i32
      %add3A_143 = arith.addi %mul3A_19, %add3A_142 : i32
      %dma_wait3A_144 = arith.constant 100 : i32
      %dma_wait3A_145 = arith.constant 0 : i32
      %dma_wait3A_146 = tpu.memref_slice %arg7[%dma_wait3A_144, %dma_wait3A_145] : memref<1000x32xf32, #tpu.memory_space<vmem>> -> memref<100x32xf32, #tpu.memory_space<vmem>>
      %dma_wait3A_147 = arith.constant 0 : i32
      %dma_wait3A_148 = tpu.memref_slice %arg6[%add3A_143, %dma_wait3A_147] : memref<100x100xi32, #tpu.memory_space<vmem>> -> memref<1x100xi32, #tpu.memory_space<vmem>>
      %dma_wait3A_149 = tpu.memref_squeeze %dma_wait3A_148 : memref<1x100xi32, #tpu.memory_space<vmem>> -> memref<100xi32, #tpu.memory_space<vmem>>
      %dma_wait3A_150 = arith.constant 0 : i32
      %dma_wait3A_151 = arith.constant 0 : i32
      %dma_wait3A_152 = tpu.memref_slice %arg8[%dma_wait3A_150, %dma_wait3A_151] : memref<10000x32xf32, #tpu.memory_space<vmem_shared>> -> memref<10000x32xf32, #tpu.memory_space<vmem_shared>>
      tpu.wait_indirect_dma semaphore(%arg9 : memref<!tpu.dma_semaphore, #tpu.memory_space<semaphore_mem>>) src(%dma_wait3A_146 : memref<100x32xf32, #tpu.memory_space<vmem>>) dst(%dma_wait3A_152 : memref<10000x32xf32, #tpu.memory_space<vmem_shared>>)
      %add3A_153 = arith.constant 2 : i32
      %add3A_154 = arith.addi %mul3A_19, %add3A_153 : i32
      %dma_wait3A_155 = arith.constant 200 : i32
      %dma_wait3A_156 = arith.constant 0 : i32
      %dma_wait3A_157 = tpu.memref_slice %arg7[%dma_wait3A_155, %dma_wait3A_156] : memref<1000x32xf32, #tpu.memory_space<vmem>> -> memref<100x32xf32, #tpu.memory_space<vmem>>
      %dma_wait3A_158 = arith.constant 0 : i32
      %dma_wait3A_159 = tpu.memref_slice %arg6[%add3A_154, %dma_wait3A_158] : memref<100x100xi32, #tpu.memory_space<vmem>> -> memref<1x100xi32, #tpu.memory_space<vmem>>
      %dma_wait3A_160 = tpu.memref_squeeze %dma_wait3A_159 : memref<1x100xi32, #tpu.memory_space<vmem>> -> memref<100xi32, #tpu.memory_space<vmem>>
      %dma_wait3A_161 = arith.constant 0 : i32
      %dma_wait3A_162 = arith.constant 0 : i32
      %dma_wait3A_163 = tpu.memref_slice %arg8[%dma_wait3A_161, %dma_wait3A_162] : memref<10000x32xf32, #tpu.memory_space<vmem_shared>> -> memref<10000x32xf32, #tpu.memory_space<vmem_shared>>
      tpu.wait_indirect_dma semaphore(%arg9 : memref<!tpu.dma_semaphore, #tpu.memory_space<semaphore_mem>>) src(%dma_wait3A_157 : memref<100x32xf32, #tpu.memory_space<vmem>>) dst(%dma_wait3A_163 : memref<10000x32xf32, #tpu.memory_space<vmem_shared>>)
      %add3A_164 = arith.constant 3 : i32
      %add3A_165 = arith.addi %mul3A_19, %add3A_164 : i32
      %dma_wait3A_166 = arith.constant 300 : i32
      %dma_wait3A_167 = arith.constant 0 : i32
      %dma_wait3A_168 = tpu.memref_slice %arg7[%dma_wait3A_166, %dma_wait3A_167] : memref<1000x32xf32, #tpu.memory_space<vmem>> -> memref<100x32xf32, #tpu.memory_space<vmem>>
      %dma_wait3A_169 = arith.constant 0 : i32
      %dma_wait3A_170 = tpu.memref_slice %arg6[%add3A_165, %dma_wait3A_169] : memref<100x100xi32, #tpu.memory_space<vmem>> -> memref<1x100xi32, #tpu.memory_space<vmem>>
      %dma_wait3A_171 = tpu.memref_squeeze %dma_wait3A_170 : memref<1x100xi32, #tpu.memory_space<vmem>> -> memref<100xi32, #tpu.memory_space<vmem>>
      %dma_wait3A_172 = arith.constant 0 : i32
      %dma_wait3A_173 = arith.constant 0 : i32
      %dma_wait3A_174 = tpu.memref_slice %arg8[%dma_wait3A_172, %dma_wait3A_173] : memref<10000x32xf32, #tpu.memory_space<vmem_shared>> -> memref<10000x32xf32, #tpu.memory_space<vmem_shared>>
      tpu.wait_indirect_dma semaphore(%arg9 : memref<!tpu.dma_semaphore, #tpu.memory_space<semaphore_mem>>) src(%dma_wait3A_168 : memref<100x32xf32, #tpu.memory_space<vmem>>) dst(%dma_wait3A_174 : memref<10000x32xf32, #tpu.memory_space<vmem_shared>>)
      %add3A_175 = arith.constant 4 : i32
      %add3A_176 = arith.addi %mul3A_19, %add3A_175 : i32
      %dma_wait3A_177 = arith.constant 400 : i32
      %dma_wait3A_178 = arith.constant 0 : i32
      %dma_wait3A_179 = tpu.memref_slice %arg7[%dma_wait3A_177, %dma_wait3A_178] : memref<1000x32xf32, #tpu.memory_space<vmem>> -> memref<100x32xf32, #tpu.memory_space<vmem>>
      %dma_wait3A_180 = arith.constant 0 : i32
      %dma_wait3A_181 = tpu.memref_slice %arg6[%add3A_176, %dma_wait3A_180] : memref<100x100xi32, #tpu.memory_space<vmem>> -> memref<1x100xi32, #tpu.memory_space<vmem>>
      %dma_wait3A_182 = tpu.memref_squeeze %dma_wait3A_181 : memref<1x100xi32, #tpu.memory_space<vmem>> -> memref<100xi32, #tpu.memory_space<vmem>>
      %dma_wait3A_183 = arith.constant 0 : i32
      %dma_wait3A_184 = arith.constant 0 : i32
      %dma_wait3A_185 = tpu.memref_slice %arg8[%dma_wait3A_183, %dma_wait3A_184] : memref<10000x32xf32, #tpu.memory_space<vmem_shared>> -> memref<10000x32xf32, #tpu.memory_space<vmem_shared>>
      tpu.wait_indirect_dma semaphore(%arg9 : memref<!tpu.dma_semaphore, #tpu.memory_space<semaphore_mem>>) src(%dma_wait3A_179 : memref<100x32xf32, #tpu.memory_space<vmem>>) dst(%dma_wait3A_185 : memref<10000x32xf32, #tpu.memory_space<vmem_shared>>)
      %add3A_186 = arith.constant 5 : i32
      %add3A_187 = arith.addi %mul3A_19, %add3A_186 : i32
      %dma_wait3A_188 = arith.constant 500 : i32
      %dma_wait3A_189 = arith.constant 0 : i32
      %dma_wait3A_190 = tpu.memref_slice %arg7[%dma_wait3A_188, %dma_wait3A_189] : memref<1000x32xf32, #tpu.memory_space<vmem>> -> memref<100x32xf32, #tpu.memory_space<vmem>>
      %dma_wait3A_191 = arith.constant 0 : i32
      %dma_wait3A_192 = tpu.memref_slice %arg6[%add3A_187, %dma_wait3A_191] : memref<100x100xi32, #tpu.memory_space<vmem>> -> memref<1x100xi32, #tpu.memory_space<vmem>>
      %dma_wait3A_193 = tpu.memref_squeeze %dma_wait3A_192 : memref<1x100xi32, #tpu.memory_space<vmem>> -> memref<100xi32, #tpu.memory_space<vmem>>
      %dma_wait3A_194 = arith.constant 0 : i32
      %dma_wait3A_195 = arith.constant 0 : i32
      %dma_wait3A_196 = tpu.memref_slice %arg8[%dma_wait3A_194, %dma_wait3A_195] : memref<10000x32xf32, #tpu.memory_space<vmem_shared>> -> memref<10000x32xf32, #tpu.memory_space<vmem_shared>>
      tpu.wait_indirect_dma semaphore(%arg9 : memref<!tpu.dma_semaphore, #tpu.memory_space<semaphore_mem>>) src(%dma_wait3A_190 : memref<100x32xf32, #tpu.memory_space<vmem>>) dst(%dma_wait3A_196 : memref<10000x32xf32, #tpu.memory_space<vmem_shared>>)
      %add3A_197 = arith.constant 6 : i32
      %add3A_198 = arith.addi %mul3A_19, %add3A_197 : i32
      %dma_wait3A_199 = arith.constant 600 : i32
      %dma_wait3A_200 = arith.constant 0 : i32
      %dma_wait3A_201 = tpu.memref_slice %arg7[%dma_wait3A_199, %dma_wait3A_200] : memref<1000x32xf32, #tpu.memory_space<vmem>> -> memref<100x32xf32, #tpu.memory_space<vmem>>
      %dma_wait3A_202 = arith.constant 0 : i32
      %dma_wait3A_203 = tpu.memref_slice %arg6[%add3A_198, %dma_wait3A_202] : memref<100x100xi32, #tpu.memory_space<vmem>> -> memref<1x100xi32, #tpu.memory_space<vmem>>
      %dma_wait3A_204 = tpu.memref_squeeze %dma_wait3A_203 : memref<1x100xi32, #tpu.memory_space<vmem>> -> memref<100xi32, #tpu.memory_space<vmem>>
      %dma_wait3A_205 = arith.constant 0 : i32
      %dma_wait3A_206 = arith.constant 0 : i32
      %dma_wait3A_207 = tpu.memref_slice %arg8[%dma_wait3A_205, %dma_wait3A_206] : memref<10000x32xf32, #tpu.memory_space<vmem_shared>> -> memref<10000x32xf32, #tpu.memory_space<vmem_shared>>
      tpu.wait_indirect_dma semaphore(%arg9 : memref<!tpu.dma_semaphore, #tpu.memory_space<semaphore_mem>>) src(%dma_wait3A_201 : memref<100x32xf32, #tpu.memory_space<vmem>>) dst(%dma_wait3A_207 : memref<10000x32xf32, #tpu.memory_space<vmem_shared>>)
      %add3A_208 = arith.constant 7 : i32
      %add3A_209 = arith.addi %mul3A_19, %add3A_208 : i32
      %dma_wait3A_210 = arith.constant 700 : i32
      %dma_wait3A_211 = arith.constant 0 : i32
      %dma_wait3A_212 = tpu.memref_slice %arg7[%dma_wait3A_210, %dma_wait3A_211] : memref<1000x32xf32, #tpu.memory_space<vmem>> -> memref<100x32xf32, #tpu.memory_space<vmem>>
      %dma_wait3A_213 = arith.constant 0 : i32
      %dma_wait3A_214 = tpu.memref_slice %arg6[%add3A_209, %dma_wait3A_213] : memref<100x100xi32, #tpu.memory_space<vmem>> -> memref<1x100xi32, #tpu.memory_space<vmem>>
      %dma_wait3A_215 = tpu.memref_squeeze %dma_wait3A_214 : memref<1x100xi32, #tpu.memory_space<vmem>> -> memref<100xi32, #tpu.memory_space<vmem>>
      %dma_wait3A_216 = arith.constant 0 : i32
      %dma_wait3A_217 = arith.constant 0 : i32
      %dma_wait3A_218 = tpu.memref_slice %arg8[%dma_wait3A_216, %dma_wait3A_217] : memref<10000x32xf32, #tpu.memory_space<vmem_shared>> -> memref<10000x32xf32, #tpu.memory_space<vmem_shared>>
      tpu.wait_indirect_dma semaphore(%arg9 : memref<!tpu.dma_semaphore, #tpu.memory_space<semaphore_mem>>) src(%dma_wait3A_212 : memref<100x32xf32, #tpu.memory_space<vmem>>) dst(%dma_wait3A_218 : memref<10000x32xf32, #tpu.memory_space<vmem_shared>>)
      %add3A_219 = arith.constant 8 : i32
      %add3A_220 = arith.addi %mul3A_19, %add3A_219 : i32
      %dma_wait3A_221 = arith.constant 800 : i32
      %dma_wait3A_222 = arith.constant 0 : i32
      %dma_wait3A_223 = tpu.memref_slice %arg7[%dma_wait3A_221, %dma_wait3A_222] : memref<1000x32xf32, #tpu.memory_space<vmem>> -> memref<100x32xf32, #tpu.memory_space<vmem>>
      %dma_wait3A_224 = arith.constant 0 : i32
      %dma_wait3A_225 = tpu.memref_slice %arg6[%add3A_220, %dma_wait3A_224] : memref<100x100xi32, #tpu.memory_space<vmem>> -> memref<1x100xi32, #tpu.memory_space<vmem>>
      %dma_wait3A_226 = tpu.memref_squeeze %dma_wait3A_225 : memref<1x100xi32, #tpu.memory_space<vmem>> -> memref<100xi32, #tpu.memory_space<vmem>>
      %dma_wait3A_227 = arith.constant 0 : i32
      %dma_wait3A_228 = arith.constant 0 : i32
      %dma_wait3A_229 = tpu.memref_slice %arg8[%dma_wait3A_227, %dma_wait3A_228] : memref<10000x32xf32, #tpu.memory_space<vmem_shared>> -> memref<10000x32xf32, #tpu.memory_space<vmem_shared>>
      tpu.wait_indirect_dma semaphore(%arg9 : memref<!tpu.dma_semaphore, #tpu.memory_space<semaphore_mem>>) src(%dma_wait3A_223 : memref<100x32xf32, #tpu.memory_space<vmem>>) dst(%dma_wait3A_229 : memref<10000x32xf32, #tpu.memory_space<vmem_shared>>)
      %add3A_230 = arith.constant 9 : i32
      %add3A_231 = arith.addi %mul3A_19, %add3A_230 : i32
      %dma_wait3A_232 = arith.constant 900 : i32
      %dma_wait3A_233 = arith.constant 0 : i32
      %dma_wait3A_234 = tpu.memref_slice %arg7[%dma_wait3A_232, %dma_wait3A_233] : memref<1000x32xf32, #tpu.memory_space<vmem>> -> memref<100x32xf32, #tpu.memory_space<vmem>>
      %dma_wait3A_235 = arith.constant 0 : i32
      %dma_wait3A_236 = tpu.memref_slice %arg6[%add3A_231, %dma_wait3A_235] : memref<100x100xi32, #tpu.memory_space<vmem>> -> memref<1x100xi32, #tpu.memory_space<vmem>>
      %dma_wait3A_237 = tpu.memref_squeeze %dma_wait3A_236 : memref<1x100xi32, #tpu.memory_space<vmem>> -> memref<100xi32, #tpu.memory_space<vmem>>
      %dma_wait3A_238 = arith.constant 0 : i32
      %dma_wait3A_239 = arith.constant 0 : i32
      %dma_wait3A_240 = tpu.memref_slice %arg8[%dma_wait3A_238, %dma_wait3A_239] : memref<10000x32xf32, #tpu.memory_space<vmem_shared>> -> memref<10000x32xf32, #tpu.memory_space<vmem_shared>>
      tpu.wait_indirect_dma semaphore(%arg9 : memref<!tpu.dma_semaphore, #tpu.memory_space<semaphore_mem>>) src(%dma_wait3A_234 : memref<100x32xf32, #tpu.memory_space<vmem>>) dst(%dma_wait3A_240 : memref<10000x32xf32, #tpu.memory_space<vmem_shared>>)
    }
    %scan3A_11 = arith.constant 10 : i32
    %barrier3A_12 = arith.constant 0 : index
    tpu.barrier barrier_id(%barrier3A_12)
    %mul3A_13 = arith.constant 625 : i32
    %mul3A_14 = arith.muli %arg1, %mul3A_13 : i32
    %mul3A_15 = arith.constant 625 : i32
    %mul3A_16 = arith.muli %arg1, %mul3A_15 : i32
    "tpu.region"() ({
      %run_scoped3A = tpu.sem_alloc : memref<!tpu.dma_semaphore, #tpu.memory_space<semaphore_mem>>
      %dma_start3A = arith.constant 0 : i32
      %dma_start3A_17 = tpu.memref_slice %arg5[%arg0, %mul3A_16, %dma_start3A] : memref<2x10000x32xf32, #tpu.memory_space<hbm>> -> memref<1x625x32xf32, #tpu.memory_space<hbm>>
      %dma_start3A_18 = tpu.memref_squeeze %dma_start3A_17 : memref<1x625x32xf32, #tpu.memory_space<hbm>> -> memref<625x32xf32, #tpu.memory_space<hbm>>
      %dma_start3A_19 = arith.constant 0 : i32
      %dma_start3A_20 = tpu.memref_slice %arg8[%mul3A_14, %dma_start3A_19] : memref<10000x32xf32, #tpu.memory_space<vmem_shared>> -> memref<625x32xf32, #tpu.memory_space<vmem_shared>>
      tpu.enqueue_dma source(%dma_start3A_20 : memref<625x32xf32, #tpu.memory_space<vmem_shared>>) target(%dma_start3A_18 : memref<625x32xf32, #tpu.memory_space<hbm>>) target_semaphore(%run_scoped3A : memref<!tpu.dma_semaphore, #tpu.memory_space<semaphore_mem>>)
      %dma_wait3A = arith.constant 0 : i32
      %dma_wait3A_21 = tpu.memref_slice %arg5[%arg0, %mul3A_16, %dma_wait3A] : memref<2x10000x32xf32, #tpu.memory_space<hbm>> -> memref<1x625x32xf32, #tpu.memory_space<hbm>>
      %dma_wait3A_22 = tpu.memref_squeeze %dma_wait3A_21 : memref<1x625x32xf32, #tpu.memory_space<hbm>> -> memref<625x32xf32, #tpu.memory_space<hbm>>
      %dma_wait3A_23 = arith.constant 0 : i32
      %dma_wait3A_24 = tpu.memref_slice %arg8[%mul3A_14, %dma_wait3A_23] : memref<10000x32xf32, #tpu.memory_space<vmem_shared>> -> memref<625x32xf32, #tpu.memory_space<vmem_shared>>
      tpu.wait_dma2 semaphore(%run_scoped3A : memref<!tpu.dma_semaphore, #tpu.memory_space<semaphore_mem>>) src(%dma_wait3A_24 : memref<625x32xf32, #tpu.memory_space<vmem_shared>>) dst(%dma_wait3A_22 : memref<625x32xf32, #tpu.memory_space<hbm>>)
      tpu.yield
    }) : () -> ()
    return
  }
}

module attributes {stable_mosaic.version = 14 : i64} {
  func.func @_lin0_body(%arg0: memref<10000x128xf32, #tpu.memory_space<vmem>>, %arg1: memref<128x32xf32, #tpu.memory_space<vmem>>, %arg2: memref<1x32xf32, #tpu.memory_space<vmem>>, %arg3: memref<10000x32xf32, #tpu.memory_space<vmem>>) attributes {dimension_semantics = [], scalar_prefetch = 0 : i64, scratch_operands = 0 : i64, tpu.core_type = #tpu.core_type<tc>} {
    %get3A = arith.constant 0 : index
    %get3A_0 = arith.constant 0 : index
    %get3A_1 = vector.load %arg0[%get3A, %get3A_0] : memref<10000x128xf32, #tpu.memory_space<vmem>>, vector<10000x128xf32>
    %get3A_2 = arith.constant 0 : index
    %get3A_3 = arith.constant 0 : index
    %get3A_4 = vector.load %arg1[%get3A_2, %get3A_3] : memref<128x32xf32, #tpu.memory_space<vmem>>, vector<128x32xf32>
    %dot_general3A = arith.constant dense<0.000000e+00> : vector<10000x32xf32>
    %dot_general3A_5 = tpu.matmul %get3A_1, %get3A_4, %dot_general3A {dimension_numbers = #tpu.dot_dimension_numbers<[1], [0], [0], [1], [0, 0, 1, 1], [], []>, transpose_lhs_hint = false} : vector<10000x128xf32>, vector<128x32xf32>, vector<10000x32xf32> -> vector<10000x32xf32>
    %get3A_6 = arith.constant 0 : index
    %get3A_7 = arith.constant 0 : index
    %get3A_8 = vector.load %arg2[%get3A_6, %get3A_7] : memref<1x32xf32, #tpu.memory_space<vmem>>, vector<1x32xf32>
    %add3A = vector.broadcast %get3A_8 : vector<1x32xf32> to vector<10000x32xf32>
    %add3A_9 = arith.addf %dot_general3A_5, %add3A : vector<10000x32xf32>
    %jit3A = arith.constant 0.00999999977 : f32
    %ge3A = arith.constant 0.000000e+00 : f32
    %ge3A_10 = vector.broadcast %ge3A : f32 to vector<10000x32xf32>
    %ge3A_11 = arith.cmpf oge, %add3A_9, %ge3A_10 : vector<10000x32xf32>
    %mul3A = vector.broadcast %jit3A : f32 to vector<10000x32xf32>
    %mul3A_12 = arith.mulf %mul3A, %add3A_9 : vector<10000x32xf32>
    %select_n3A = arith.select %ge3A_11, %add3A_9, %mul3A_12 : vector<10000x32xi1>, vector<10000x32xf32>
    %swap3A = arith.constant 0 : index
    %swap3A_13 = arith.constant 0 : index
    %swap3A_14 = vector.load %arg3[%swap3A, %swap3A_13] : memref<10000x32xf32, #tpu.memory_space<vmem>>, vector<10000x32xf32>
    tpu.vector_store %arg3[%swap3A, %swap3A_13], %select_n3A {strides = array<i32>} : memref<10000x32xf32, #tpu.memory_space<vmem>>, vector<10000x32xf32>,
    return
  }
}

module attributes {stable_mosaic.version = 14 : i64} {
  func.func @_msg_body(%arg0: i32, %arg1: memref<1280x16xf32, #tpu.memory_space<vmem>>, %arg2: memref<1280x32xf32, #tpu.memory_space<vmem>>, %arg3: memref<16x64xf32, #tpu.memory_space<vmem>>, %arg4: memref<1x64xf32, #tpu.memory_space<vmem>>, %arg5: memref<64x1024xf32, #tpu.memory_space<vmem>>, %arg6: memref<32x32xf32, #tpu.memory_space<vmem>>, %arg7: memref<1280x32xf32, #tpu.memory_space<vmem>>) attributes {dimension_semantics = [#tpu.dimension_semantics<arbitrary>], iteration_bounds = array<i64: 250>, scalar_prefetch = 0 : i64, scratch_operands = 0 : i64, tpu.core_type = #tpu.core_type<tc>, window_params = [{transform_indices = @transform_0, window_bounds = array<i64: 1280, 16>}, {transform_indices = @transform_1, window_bounds = array<i64: 1280, 32>}, {pipeline_mode = #tpu.pipeline_mode<synchronous>, transform_indices = @transform_2, window_bounds = array<i64: 16, 64>}, {pipeline_mode = #tpu.pipeline_mode<synchronous>, transform_indices = @transform_3, window_bounds = array<i64: 1, 64>}, {pipeline_mode = #tpu.pipeline_mode<synchronous>, transform_indices = @transform_4, window_bounds = array<i64: 64, 1024>}, {pipeline_mode = #tpu.pipeline_mode<synchronous>, transform_indices = @transform_5, window_bounds = array<i64: 32, 32>}, {transform_indices = @transform_6, window_bounds = array<i64: 1280, 32>}]} {
    %get3A = arith.constant 0 : index
    %get3A_0 = arith.constant 0 : index
    %get3A_1 = vector.load %arg1[%get3A, %get3A_0] : memref<1280x16xf32, #tpu.memory_space<vmem>>, vector<1280x16xf32>
    %get3A_2 = arith.constant 0 : index
    %get3A_3 = arith.constant 0 : index
    %get3A_4 = vector.load %arg3[%get3A_2, %get3A_3] : memref<16x64xf32, #tpu.memory_space<vmem>>, vector<16x64xf32>
    %dot_general3A = arith.constant dense<0.000000e+00> : vector<1280x64xf32>
    %dot_general3A_5 = tpu.matmul %get3A_1, %get3A_4, %dot_general3A {dimension_numbers = #tpu.dot_dimension_numbers<[1], [0], [0], [1], [0, 0, 1, 1], [], []>, transpose_lhs_hint = false} : vector<1280x16xf32>, vector<16x64xf32>, vector<1280x64xf32> -> vector<1280x64xf32>
    %get3A_6 = arith.constant 0 : index
    %get3A_7 = arith.constant 0 : index
    %get3A_8 = vector.load %arg4[%get3A_6, %get3A_7] : memref<1x64xf32, #tpu.memory_space<vmem>>, vector<1x64xf32>
    %add3A = vector.broadcast %get3A_8 : vector<1x64xf32> to vector<1280x64xf32>
    %add3A_9 = arith.addf %dot_general3A_5, %add3A : vector<1280x64xf32>
    %jit3A = arith.constant 0.00999999977 : f32
    %ge3A = arith.constant 0.000000e+00 : f32
    %ge3A_10 = vector.broadcast %ge3A : f32 to vector<1280x64xf32>
    %ge3A_11 = arith.cmpf oge, %add3A_9, %ge3A_10 : vector<1280x64xf32>
    %mul3A = vector.broadcast %jit3A : f32 to vector<1280x64xf32>
    %mul3A_12 = arith.mulf %mul3A, %add3A_9 : vector<1280x64xf32>
    %select_n3A = arith.select %ge3A_11, %add3A_9, %mul3A_12 : vector<1280x64xi1>, vector<1280x64xf32>
    %get3A_13 = arith.constant 0 : index
    %get3A_14 = arith.constant 0 : index
    %get3A_15 = vector.load %arg5[%get3A_13, %get3A_14] : memref<64x1024xf32, #tpu.memory_space<vmem>>, vector<64x1024xf32>
    %dot_general3A_16 = arith.constant dense<0.000000e+00> : vector<1280x1024xf32>
    %dot_general3A_17 = tpu.matmul %select_n3A, %get3A_15, %dot_general3A_16 {dimension_numbers = #tpu.dot_dimension_numbers<[1], [0], [0], [1], [0, 0, 1, 1], [], []>, transpose_lhs_hint = false} : vector<1280x64xf32>, vector<64x1024xf32>, vector<1280x1024xf32> -> vector<1280x1024xf32>
    %get3A_18 = arith.constant 0 : index
    %get3A_19 = arith.constant 0 : index
    %get3A_20 = vector.load %arg2[%get3A_18, %get3A_19] : memref<1280x32xf32, #tpu.memory_space<vmem>>, vector<1280x32xf32>
    %reshape3A = vector.shape_cast %dot_general3A_17 : vector<1280x1024xf32> to vector<1280x32x32xf32>
    %broadcast_in_dim3A = vector.shape_cast %get3A_20 : vector<1280x32xf32> to vector<1280x32x1xf32>
    %mul3A_21 = vector.broadcast %broadcast_in_dim3A : vector<1280x32x1xf32> to vector<1280x32x32xf32>
    %mul3A_22 = arith.mulf %reshape3A, %mul3A_21 : vector<1280x32x32xf32>
    %reduce_sum3A = arith.constant dense<0.000000e+00> : vector<1280x32xf32>
    %reduce_sum3A_23 = vector.multi_reduction <add>, %mul3A_22, %reduce_sum3A [1] : vector<1280x32x32xf32> to vector<1280x32xf32>
    %get3A_24 = arith.constant 0 : index
    %get3A_25 = arith.constant 0 : index
    %get3A_26 = vector.load %arg6[%get3A_24, %get3A_25] : memref<32x32xf32, #tpu.memory_space<vmem>>, vector<32x32xf32>
    %dot_general3A_27 = arith.constant dense<0.000000e+00> : vector<1280x32xf32>
    %dot_general3A_28 = tpu.matmul %get3A_20, %get3A_26, %dot_general3A_27 {dimension_numbers = #tpu.dot_dimension_numbers<[1], [0], [0], [1], [0, 0, 1, 1], [], []>, transpose_lhs_hint = false} : vector<1280x32xf32>, vector<32x32xf32>, vector<1280x32xf32> -> vector<1280x32xf32>
    %add3A_29 = arith.addf %reduce_sum3A_23, %dot_general3A_28 : vector<1280x32xf32>
    %swap3A = arith.constant 0 : index
    %swap3A_30 = arith.constant 0 : index
    %swap3A_31 = vector.load %arg7[%swap3A, %swap3A_30] : memref<1280x32xf32, #tpu.memory_space<vmem>>, vector<1280x32xf32>
    tpu.vector_store %arg7[%swap3A, %swap3A_30], %add3A_29 {strides = array<i32>} : memref<1280x32xf32, #tpu.memory_space<vmem>>, vector<1280x32xf32>,
    return
  }
  func.func @transform_0(%arg0: i32) -> (i32, i32) {
    %c0_i32 = arith.constant 0 : i32
    %c0_i32_0 = arith.constant 0 : i32
    return %arg0, %c0_i32 : i32, i32
  }
  func.func @transform_1(%arg0: i32) -> (i32, i32) {
    %c0_i32 = arith.constant 0 : i32
    %c0_i32_0 = arith.constant 0 : i32
    return %arg0, %c0_i32 : i32, i32
  }
  func.func @transform_2(%arg0: i32) -> (i32, i32) {
    %c0_i32 = arith.constant 0 : i32
    %c0_i32_0 = arith.constant 0 : i32
    %c0_i32_1 = arith.constant 0 : i32
    return %c0_i32, %c0_i32_0 : i32, i32
  }
  func.func @transform_3(%arg0: i32) -> (i32, i32) {
    %c0_i32 = arith.constant 0 : i32
    %c0_i32_0 = arith.constant 0 : i32
    %c0_i32_1 = arith.constant 0 : i32
    return %c0_i32, %c0_i32_0 : i32, i32
  }
  func.func @transform_4(%arg0: i32) -> (i32, i32) {
    %c0_i32 = arith.constant 0 : i32
    %c0_i32_0 = arith.constant 0 : i32
    %c0_i32_1 = arith.constant 0 : i32
    return %c0_i32, %c0_i32_0 : i32, i32
  }
  func.func @transform_5(%arg0: i32) -> (i32, i32) {
    %c0_i32 = arith.constant 0 : i32
    %c0_i32_0 = arith.constant 0 : i32
    %c0_i32_1 = arith.constant 0 : i32
    return %c0_i32, %c0_i32_0 : i32, i32
  }
  func.func @transform_6(%arg0: i32) -> (i32, i32) {
    %c0_i32 = arith.constant 0 : i32
    %c0_i32_0 = arith.constant 0 : i32
    return %arg0, %c0_i32 : i32, i32
  }
}

module attributes {stable_mosaic.version = 14 : i64} {
  func.func @_update_body(%arg0: memref<2x10000x32xf32, #tpu.memory_space<vmem>>, %arg1: memref<2x10000x32xf32, #tpu.memory_space<vmem>>, %arg2: memref<10000x32xf32, #tpu.memory_space<vmem>>, %arg3: memref<32x32xf32, #tpu.memory_space<vmem>>, %arg4: memref<32x96xf32, #tpu.memory_space<vmem>>, %arg5: memref<32x96xf32, #tpu.memory_space<vmem>>, %arg6: memref<1x32xf32, #tpu.memory_space<vmem>>, %arg7: memref<1x96xf32, #tpu.memory_space<vmem>>, %arg8: memref<1x96xf32, #tpu.memory_space<vmem>>, %arg9: memref<10000x32xf32, #tpu.memory_space<vmem>>) attributes {dimension_semantics = [], scalar_prefetch = 0 : i64, scratch_operands = 0 : i64, tpu.core_type = #tpu.core_type<tc>} {
    %get3A = arith.constant 0 : index
    %get3A_0 = arith.constant 0 : index
    %get3A_1 = arith.constant 0 : index
    %get3A_2 = vector.load %arg1[%get3A, %get3A_0, %get3A_1] : memref<2x10000x32xf32, #tpu.memory_space<vmem>>, vector<1x10000x32xf32>
    %get3A_3 = vector.shape_cast %get3A_2 : vector<1x10000x32xf32> to vector<10000x32xf32>
    %get3A_4 = arith.constant 1 : index
    %get3A_5 = arith.constant 0 : index
    %get3A_6 = arith.constant 0 : index
    %get3A_7 = vector.load %arg1[%get3A_4, %get3A_5, %get3A_6] : memref<2x10000x32xf32, #tpu.memory_space<vmem>>, vector<1x10000x32xf32>
    %get3A_8 = vector.shape_cast %get3A_7 : vector<1x10000x32xf32> to vector<10000x32xf32>
    %add3A = arith.addf %get3A_3, %get3A_8 : vector<10000x32xf32>
    %max3A = arith.constant 1.000000e+00 : f32
    %max3A_9 = vector.broadcast %max3A : f32 to vector<10000x32xf32>
    %max3A_10 = arith.maximumf %add3A, %max3A_9 : vector<10000x32xf32>
    %get3A_11 = arith.constant 0 : index
    %get3A_12 = arith.constant 0 : index
    %get3A_13 = arith.constant 0 : index
    %get3A_14 = vector.load %arg0[%get3A_11, %get3A_12, %get3A_13] : memref<2x10000x32xf32, #tpu.memory_space<vmem>>, vector<1x10000x32xf32>
    %get3A_15 = vector.shape_cast %get3A_14 : vector<1x10000x32xf32> to vector<10000x32xf32>
    %get3A_16 = arith.constant 1 : index
    %get3A_17 = arith.constant 0 : index
    %get3A_18 = arith.constant 0 : index
    %get3A_19 = vector.load %arg0[%get3A_16, %get3A_17, %get3A_18] : memref<2x10000x32xf32, #tpu.memory_space<vmem>>, vector<1x10000x32xf32>
    %get3A_20 = vector.shape_cast %get3A_19 : vector<1x10000x32xf32> to vector<10000x32xf32>
    %add3A_21 = arith.addf %get3A_15, %get3A_20 : vector<10000x32xf32>
    %div3A = arith.divf %add3A_21, %max3A_10 : vector<10000x32xf32>
    %get3A_22 = arith.constant 0 : index
    %get3A_23 = arith.constant 0 : index
    %get3A_24 = vector.load %arg2[%get3A_22, %get3A_23] : memref<10000x32xf32, #tpu.memory_space<vmem>>, vector<10000x32xf32>
    %get3A_25 = arith.constant 0 : index
    %get3A_26 = arith.constant 0 : index
    %get3A_27 = vector.load %arg3[%get3A_25, %get3A_26] : memref<32x32xf32, #tpu.memory_space<vmem>>, vector<32x32xf32>
    %dot_general3A = arith.constant dense<0.000000e+00> : vector<10000x32xf32>
    %dot_general3A_28 = tpu.matmul %get3A_24, %get3A_27, %dot_general3A {dimension_numbers = #tpu.dot_dimension_numbers<[1], [0], [0], [1], [0, 0, 1, 1], [], []>, transpose_lhs_hint = false} : vector<10000x32xf32>, vector<32x32xf32>, vector<10000x32xf32> -> vector<10000x32xf32>
    %add3A_29 = arith.addf %dot_general3A_28, %div3A : vector<10000x32xf32>
    %get3A_30 = arith.constant 0 : index
    %get3A_31 = arith.constant 0 : index
    %get3A_32 = vector.load %arg6[%get3A_30, %get3A_31] : memref<1x32xf32, #tpu.memory_space<vmem>>, vector<1x32xf32>
    %add3A_33 = vector.broadcast %get3A_32 : vector<1x32xf32> to vector<10000x32xf32>
    %add3A_34 = arith.addf %add3A_29, %add3A_33 : vector<10000x32xf32>
    %jit3A = arith.constant 0.00999999977 : f32
    %ge3A = arith.constant 0.000000e+00 : f32
    %ge3A_35 = vector.broadcast %ge3A : f32 to vector<10000x32xf32>
    %ge3A_36 = arith.cmpf oge, %add3A_34, %ge3A_35 : vector<10000x32xf32>
    %mul3A = vector.broadcast %jit3A : f32 to vector<10000x32xf32>
    %mul3A_37 = arith.mulf %mul3A, %add3A_34 : vector<10000x32xf32>
    %select_n3A = arith.select %ge3A_36, %add3A_34, %mul3A_37 : vector<10000x32xi1>, vector<10000x32xf32>
    %get3A_38 = arith.constant 0 : index
    %get3A_39 = arith.constant 0 : index
    %get3A_40 = vector.load %arg4[%get3A_38, %get3A_39] : memref<32x96xf32, #tpu.memory_space<vmem>>, vector<32x96xf32>
    %dot_general3A_41 = arith.constant dense<0.000000e+00> : vector<10000x96xf32>
    %dot_general3A_42 = tpu.matmul %select_n3A, %get3A_40, %dot_general3A_41 {dimension_numbers = #tpu.dot_dimension_numbers<[1], [0], [0], [1], [0, 0, 1, 1], [], []>, transpose_lhs_hint = false} : vector<10000x32xf32>, vector<32x96xf32>, vector<10000x96xf32> -> vector<10000x96xf32>
    %get3A_43 = arith.constant 0 : index
    %get3A_44 = arith.constant 0 : index
    %get3A_45 = vector.load %arg7[%get3A_43, %get3A_44] : memref<1x96xf32, #tpu.memory_space<vmem>>, vector<1x96xf32>
    %add3A_46 = vector.broadcast %get3A_45 : vector<1x96xf32> to vector<10000x96xf32>
    %add3A_47 = arith.addf %dot_general3A_42, %add3A_46 : vector<10000x96xf32>
    %get3A_48 = arith.constant 0 : index
    %get3A_49 = arith.constant 0 : index
    %get3A_50 = vector.load %arg5[%get3A_48, %get3A_49] : memref<32x96xf32, #tpu.memory_space<vmem>>, vector<32x96xf32>
    %dot_general3A_51 = arith.constant dense<0.000000e+00> : vector<10000x96xf32>
    %dot_general3A_52 = tpu.matmul %get3A_24, %get3A_50, %dot_general3A_51 {dimension_numbers = #tpu.dot_dimension_numbers<[1], [0], [0], [1], [0, 0, 1, 1], [], []>, transpose_lhs_hint = false} : vector<10000x32xf32>, vector<32x96xf32>, vector<10000x96xf32> -> vector<10000x96xf32>
    %get3A_53 = arith.constant 0 : index
    %get3A_54 = arith.constant 0 : index
    %get3A_55 = vector.load %arg8[%get3A_53, %get3A_54] : memref<1x96xf32, #tpu.memory_space<vmem>>, vector<1x96xf32>
    %add3A_56 = vector.broadcast %get3A_55 : vector<1x96xf32> to vector<10000x96xf32>
    %add3A_57 = arith.addf %dot_general3A_52, %add3A_56 : vector<10000x96xf32>
    %slice3A = vector.extract_strided_slice %add3A_47 {offsets = [0, 0], sizes = [10000, 32], strides = [1, 1]} : vector<10000x96xf32> to vector<10000x32xf32>
    %slice3A_58 = vector.extract_strided_slice %add3A_57 {offsets = [0, 0], sizes = [10000, 32], strides = [1, 1]} : vector<10000x96xf32> to vector<10000x32xf32>
    %add3A_59 = arith.addf %slice3A, %slice3A_58 : vector<10000x32xf32>
    %logistic3A = arith.negf %add3A_59 : vector<10000x32xf32>
    %logistic3A_60 = math.exp %logistic3A : vector<10000x32xf32>
    %logistic3A_61 = arith.constant 1.000000e+00 : f32
    %logistic3A_62 = vector.broadcast %logistic3A_61 : f32 to vector<10000x32xf32>
    %logistic3A_63 = arith.addf %logistic3A_62, %logistic3A_60 : vector<10000x32xf32>
    %logistic3A_64 = arith.divf %logistic3A_62, %logistic3A_63 : vector<10000x32xf32>
    %slice3A_65 = vector.extract_strided_slice %add3A_47 {offsets = [0, 32], sizes = [10000, 32], strides = [1, 1]} : vector<10000x96xf32> to vector<10000x32xf32>
    %slice3A_66 = vector.extract_strided_slice %add3A_57 {offsets = [0, 32], sizes = [10000, 32], strides = [1, 1]} : vector<10000x96xf32> to vector<10000x32xf32>
    %add3A_67 = arith.addf %slice3A_65, %slice3A_66 : vector<10000x32xf32>
    %logistic3A_68 = arith.negf %add3A_67 : vector<10000x32xf32>
    %logistic3A_69 = math.exp %logistic3A_68 : vector<10000x32xf32>
    %logistic3A_70 = arith.constant 1.000000e+00 : f32
    %logistic3A_71 = vector.broadcast %logistic3A_70 : f32 to vector<10000x32xf32>
    %logistic3A_72 = arith.addf %logistic3A_71, %logistic3A_69 : vector<10000x32xf32>
    %logistic3A_73 = arith.divf %logistic3A_71, %logistic3A_72 : vector<10000x32xf32>
    %slice3A_74 = vector.extract_strided_slice %add3A_47 {offsets = [0, 64], sizes = [10000, 32], strides = [1, 1]} : vector<10000x96xf32> to vector<10000x32xf32>
    %slice3A_75 = vector.extract_strided_slice %add3A_57 {offsets = [0, 64], sizes = [10000, 32], strides = [1, 1]} : vector<10000x96xf32> to vector<10000x32xf32>
    %mul3A_76 = arith.mulf %logistic3A_64, %slice3A_75 : vector<10000x32xf32>
    %add3A_77 = arith.addf %slice3A_74, %mul3A_76 : vector<10000x32xf32>
    %tanh3A = math.tanh %add3A_77 : vector<10000x32xf32>
    %sub3A = arith.constant 1.000000e+00 : f32
    %sub3A_78 = vector.broadcast %sub3A : f32 to vector<10000x32xf32>
    %sub3A_79 = arith.subf %sub3A_78, %logistic3A_73 : vector<10000x32xf32>
    %mul3A_80 = arith.mulf %sub3A_79, %tanh3A : vector<10000x32xf32>
    %mul3A_81 = arith.mulf %logistic3A_73, %get3A_24 : vector<10000x32xf32>
    %add3A_82 = arith.addf %mul3A_80, %mul3A_81 : vector<10000x32xf32>
    %swap3A = arith.constant 0 : index
    %swap3A_83 = arith.constant 0 : index
    %swap3A_84 = vector.load %arg9[%swap3A, %swap3A_83] : memref<10000x32xf32, #tpu.memory_space<vmem>>, vector<10000x32xf32>
    tpu.vector_store %arg9[%swap3A, %swap3A_83], %add3A_82 {strides = array<i32>} : memref<10000x32xf32, #tpu.memory_space<vmem>>, vector<10000x32xf32>,
    return
  }
}

module attributes {stable_mosaic.version = 14 : i64} {
  func.func @_s2s_body(%arg0: memref<10000x32xf32, #tpu.memory_space<vmem>>, %arg1: memref<10000x1xi32, #tpu.memory_space<vmem>>, %arg2: memref<64x128xf32, #tpu.memory_space<vmem>>, %arg3: memref<32x128xf32, #tpu.memory_space<vmem>>, %arg4: memref<1x128xf32, #tpu.memory_space<vmem>>, %arg5: memref<1x128xf32, #tpu.memory_space<vmem>>, %arg6: memref<64x32xf32, #tpu.memory_space<vmem>>, %arg7: memref<1x32xf32, #tpu.memory_space<vmem>>, %arg8: memref<32x16xf32, #tpu.memory_space<vmem>>, %arg9: memref<1x16xf32, #tpu.memory_space<vmem>>, %arg10: memref<16x1xf32, #tpu.memory_space<vmem>>, %arg11: memref<1x1xf32, #tpu.memory_space<vmem>>, %arg12: memref<64x1xf32, #tpu.memory_space<vmem>>) attributes {dimension_semantics = [], scalar_prefetch = 0 : i64, scratch_operands = 0 : i64, tpu.core_type = #tpu.core_type<tc>} {
    %get3A = arith.constant 0 : index
    %get3A_0 = arith.constant 0 : index
    %get3A_1 = vector.load %arg0[%get3A, %get3A_0] : memref<10000x32xf32, #tpu.memory_space<vmem>>, vector<10000x32xf32>
    %get3A_2 = arith.constant 0 : index
    %get3A_3 = arith.constant 0 : index
    %get3A_4 = vector.load %arg1[%get3A_2, %get3A_3] : memref<10000x1xi32, #tpu.memory_space<vmem>>, vector<10000x1xi32>
    %iota3A = tpu.iota {dimensions = array<i32: 1>} : vector<10000x64xi32>
    %eq3A = vector.broadcast %get3A_4 : vector<10000x1xi32> to vector<10000x64xi32>
    %eq3A_5 = arith.cmpi eq, %eq3A, %iota3A : vector<10000x64xi32>
    %convert_element_type3A = arith.extui %eq3A_5 : vector<10000x64xi1> to vector<10000x64xi32>
    %convert_element_type3A_6 = arith.sitofp %convert_element_type3A : vector<10000x64xi32> to vector<10000x64xf32>
    %broadcast_in_dim3A = arith.constant 0.000000e+00 : f32
    %broadcast_in_dim3A_7 = vector.broadcast %broadcast_in_dim3A : f32 to vector<64x64xf32>
    %broadcast_in_dim3A_8 = arith.constant 0.000000e+00 : f32
    %broadcast_in_dim3A_9 = vector.broadcast %broadcast_in_dim3A_8 : f32 to vector<64x32xf32>
    %broadcast_in_dim3A_10 = arith.constant 0.000000e+00 : f32
    %broadcast_in_dim3A_11 = vector.broadcast %broadcast_in_dim3A_10 : f32 to vector<64x32xf32>
    %get3A_12 = arith.constant 0 : index
    %get3A_13 = arith.constant 0 : index
    %get3A_14 = vector.load %arg2[%get3A_12, %get3A_13] : memref<64x128xf32, #tpu.memory_space<vmem>>, vector<64x128xf32>
    %dot_general3A = arith.constant dense<0.000000e+00> : vector<64x128xf32>
    %dot_general3A_15 = tpu.matmul %broadcast_in_dim3A_7, %get3A_14, %dot_general3A {dimension_numbers = #tpu.dot_dimension_numbers<[1], [0], [0], [1], [0, 0, 1, 1], [], []>, transpose_lhs_hint = false} : vector<64x64xf32>, vector<64x128xf32>, vector<64x128xf32> -> vector<64x128xf32>
    %get3A_16 = arith.constant 0 : index
    %get3A_17 = arith.constant 0 : index
    %get3A_18 = vector.load %arg4[%get3A_16, %get3A_17] : memref<1x128xf32, #tpu.memory_space<vmem>>, vector<1x128xf32>
    %add3A = vector.broadcast %get3A_18 : vector<1x128xf32> to vector<64x128xf32>
    %add3A_19 = arith.addf %dot_general3A_15, %add3A : vector<64x128xf32>
    %get3A_20 = arith.constant 0 : index
    %get3A_21 = arith.constant 0 : index
    %get3A_22 = vector.load %arg3[%get3A_20, %get3A_21] : memref<32x128xf32, #tpu.memory_space<vmem>>, vector<32x128xf32>
    %dot_general3A_23 = arith.constant dense<0.000000e+00> : vector<64x128xf32>
    %dot_general3A_24 = tpu.matmul %broadcast_in_dim3A_9, %get3A_22, %dot_general3A_23 {dimension_numbers = #tpu.dot_dimension_numbers<[1], [0], [0], [1], [0, 0, 1, 1], [], []>, transpose_lhs_hint = false} : vector<64x32xf32>, vector<32x128xf32>, vector<64x128xf32> -> vector<64x128xf32>
    %add3A_25 = arith.addf %add3A_19, %dot_general3A_24 : vector<64x128xf32>
    %get3A_26 = arith.constant 0 : index
    %get3A_27 = arith.constant 0 : index
    %get3A_28 = vector.load %arg5[%get3A_26, %get3A_27] : memref<1x128xf32, #tpu.memory_space<vmem>>, vector<1x128xf32>
    %add3A_29 = vector.broadcast %get3A_28 : vector<1x128xf32> to vector<64x128xf32>
    %add3A_30 = arith.addf %add3A_25, %add3A_29 : vector<64x128xf32>
    %slice3A = vector.extract_strided_slice %add3A_30 {offsets = [0, 0], sizes = [64, 32], strides = [1, 1]} : vector<64x128xf32> to vector<64x32xf32>
    %logistic3A = arith.negf %slice3A : vector<64x32xf32>
    %logistic3A_31 = math.exp %logistic3A : vector<64x32xf32>
    %logistic3A_32 = arith.constant 1.000000e+00 : f32
    %logistic3A_33 = vector.broadcast %logistic3A_32 : f32 to vector<64x32xf32>
    %logistic3A_34 = arith.addf %logistic3A_33, %logistic3A_31 : vector<64x32xf32>
    %logistic3A_35 = arith.divf %logistic3A_33, %logistic3A_34 : vector<64x32xf32>
    %slice3A_36 = vector.extract_strided_slice %add3A_30 {offsets = [0, 32], sizes = [64, 32], strides = [1, 1]} : vector<64x128xf32> to vector<64x32xf32>
    %logistic3A_37 = arith.negf %slice3A_36 : vector<64x32xf32>
    %logistic3A_38 = math.exp %logistic3A_37 : vector<64x32xf32>
    %logistic3A_39 = arith.constant 1.000000e+00 : f32
    %logistic3A_40 = vector.broadcast %logistic3A_39 : f32 to vector<64x32xf32>
    %logistic3A_41 = arith.addf %logistic3A_40, %logistic3A_38 : vector<64x32xf32>
    %logistic3A_42 = arith.divf %logistic3A_40, %logistic3A_41 : vector<64x32xf32>
    %slice3A_43 = vector.extract_strided_slice %add3A_30 {offsets = [0, 64], sizes = [64, 32], strides = [1, 1]} : vector<64x128xf32> to vector<64x32xf32>
    %tanh3A = math.tanh %slice3A_43 : vector<64x32xf32>
    %slice3A_44 = vector.extract_strided_slice %add3A_30 {offsets = [0, 96], sizes = [64, 32], strides = [1, 1]} : vector<64x128xf32> to vector<64x32xf32>
    %logistic3A_45 = arith.negf %slice3A_44 : vector<64x32xf32>
    %logistic3A_46 = math.exp %logistic3A_45 : vector<64x32xf32>
    %logistic3A_47 = arith.constant 1.000000e+00 : f32
    %logistic3A_48 = vector.broadcast %logistic3A_47 : f32 to vector<64x32xf32>
    %logistic3A_49 = arith.addf %logistic3A_48, %logistic3A_46 : vector<64x32xf32>
    %logistic3A_50 = arith.divf %logistic3A_48, %logistic3A_49 : vector<64x32xf32>
    %mul3A = arith.mulf %logistic3A_42, %broadcast_in_dim3A_11 : vector<64x32xf32>
    %mul3A_51 = arith.mulf %logistic3A_35, %tanh3A : vector<64x32xf32>
    %add3A_52 = arith.addf %mul3A, %mul3A_51 : vector<64x32xf32>
    %tanh3A_53 = math.tanh %add3A_52 : vector<64x32xf32>
    %mul3A_54 = arith.mulf %logistic3A_50, %tanh3A_53 : vector<64x32xf32>
    %dot_general3A_55 = arith.constant dense<0.000000e+00> : vector<10000x32xf32>
    %dot_general3A_56 = tpu.matmul %convert_element_type3A_6, %mul3A_54, %dot_general3A_55 {dimension_numbers = #tpu.dot_dimension_numbers<[1], [0], [0], [1], [0, 0, 1, 1], [], []>, transpose_lhs_hint = false} : vector<10000x64xf32>, vector<64x32xf32>, vector<10000x32xf32> -> vector<10000x32xf32>
    %mul3A_57 = arith.mulf %get3A_1, %dot_general3A_56 : vector<10000x32xf32>
    %reduce_sum3A = arith.constant dense<0.000000e+00> : vector<10000xf32>
    %reduce_sum3A_58 = vector.multi_reduction <add>, %mul3A_57, %reduce_sum3A [1] : vector<10000x32xf32> to vector<10000xf32>
    %broadcast_in_dim3A_59 = vector.shape_cast %reduce_sum3A_58 : vector<10000xf32> to vector<10000x1xf32>
    %gt3A = arith.constant 0.000000e+00 : f32
    %gt3A_60 = vector.broadcast %gt3A : f32 to vector<10000x64xf32>
    %gt3A_61 = arith.cmpf ogt, %convert_element_type3A_6, %gt3A_60 : vector<10000x64xf32>
    %jit3A = arith.constant -1.000000e+30 : f32
    %broadcast_in_dim3A_62 = vector.shape_cast %broadcast_in_dim3A_59 : vector<10000x1xf32> to vector<10000x1xf32>
    %broadcast_in_dim3A_63 = vector.broadcast %broadcast_in_dim3A_62 : vector<10000x1xf32> to vector<10000x64xf32>
    %broadcast_in_dim3A_64 = vector.broadcast %jit3A : f32 to vector<10000x64xf32>
    %select_n3A = arith.select %gt3A_61, %broadcast_in_dim3A_63, %broadcast_in_dim3A_64 : vector<10000x64xi1>, vector<10000x64xf32>
    %reduce_max3A = arith.constant dense<0xFF800000> : vector<64xf32>
    %reduce_max3A_65 = vector.multi_reduction <maximumf>, %select_n3A, %reduce_max3A [0] : vector<10000x64xf32> to vector<64xf32>
    %broadcast_in_dim3A_66 = vector.shape_cast %reduce_max3A_65 : vector<64xf32> to vector<1x64xf32>
    %mul3A_67 = vector.broadcast %broadcast_in_dim3A_66 : vector<1x64xf32> to vector<10000x64xf32>
    %mul3A_68 = arith.mulf %convert_element_type3A_6, %mul3A_67 : vector<10000x64xf32>
    %reduce_sum3A_69 = arith.constant dense<0.000000e+00> : vector<10000xf32>
    %reduce_sum3A_70 = vector.multi_reduction <add>, %mul3A_68, %reduce_sum3A_69 [1] : vector<10000x64xf32> to vector<10000xf32>
    %broadcast_in_dim3A_71 = vector.shape_cast %reduce_sum3A_70 : vector<10000xf32> to vector<10000x1xf32>
    %sub3A = arith.subf %broadcast_in_dim3A_59, %broadcast_in_dim3A_71 : vector<10000x1xf32>
    %exp3A = math.exp %sub3A : vector<10000x1xf32>
    %mul3A_72 = vector.broadcast %exp3A : vector<10000x1xf32> to vector<10000x64xf32>
    %mul3A_73 = arith.mulf %convert_element_type3A_6, %mul3A_72 : vector<10000x64xf32>
    %reduce_sum3A_74 = arith.constant dense<0.000000e+00> : vector<64xf32>
    %reduce_sum3A_75 = vector.multi_reduction <add>, %mul3A_73, %reduce_sum3A_74 [0] : vector<10000x64xf32> to vector<64xf32>
    %broadcast_in_dim3A_76 = vector.shape_cast %reduce_sum3A_75 : vector<64xf32> to vector<1x64xf32>
    %mul3A_77 = vector.broadcast %broadcast_in_dim3A_76 : vector<1x64xf32> to vector<10000x64xf32>
    %mul3A_78 = arith.mulf %convert_element_type3A_6, %mul3A_77 : vector<10000x64xf32>
    %reduce_sum3A_79 = arith.constant dense<0.000000e+00> : vector<10000xf32>
    %reduce_sum3A_80 = vector.multi_reduction <add>, %mul3A_78, %reduce_sum3A_79 [1] : vector<10000x64xf32> to vector<10000xf32>
    %broadcast_in_dim3A_81 = vector.shape_cast %reduce_sum3A_80 : vector<10000xf32> to vector<10000x1xf32>
    %div3A = arith.divf %exp3A, %broadcast_in_dim3A_81 : vector<10000x1xf32>
    %mul3A_82 = vector.broadcast %div3A : vector<10000x1xf32> to vector<10000x64xf32>
    %mul3A_83 = arith.mulf %convert_element_type3A_6, %mul3A_82 : vector<10000x64xf32>
    %dot_general3A_84 = arith.constant dense<0.000000e+00> : vector<64x32xf32>
    %dot_general3A_85 = tpu.matmul %mul3A_83, %get3A_1, %dot_general3A_84 {dimension_numbers = #tpu.dot_dimension_numbers<[0], [0], [1], [1], [0, 1, 1, 1], [], []>, transpose_lhs_hint = false} : vector<10000x64xf32>, vector<10000x32xf32>, vector<64x32xf32> -> vector<64x32xf32>
    %concatenate3A = tpu.concatenate %mul3A_54, %dot_general3A_85 in 1 : vector<64x32xf32>, vector<64x32xf32> -> vector<64x64xf32>
    %get3A_86 = arith.constant 0 : index
    %get3A_87 = arith.constant 0 : index
    %get3A_88 = vector.load %arg2[%get3A_86, %get3A_87] : memref<64x128xf32, #tpu.memory_space<vmem>>, vector<64x128xf32>
    %dot_general3A_89 = arith.constant dense<0.000000e+00> : vector<64x128xf32>
    %dot_general3A_90 = tpu.matmul %concatenate3A, %get3A_88, %dot_general3A_89 {dimension_numbers = #tpu.dot_dimension_numbers<[1], [0], [0], [1], [0, 0, 1, 1], [], []>, transpose_lhs_hint = false} : vector<64x64xf32>, vector<64x128xf32>, vector<64x128xf32> -> vector<64x128xf32>
    %get3A_91 = arith.constant 0 : index
    %get3A_92 = arith.constant 0 : index
    %get3A_93 = vector.load %arg4[%get3A_91, %get3A_92] : memref<1x128xf32, #tpu.memory_space<vmem>>, vector<1x128xf32>
    %add3A_94 = vector.broadcast %get3A_93 : vector<1x128xf32> to vector<64x128xf32>
    %add3A_95 = arith.addf %dot_general3A_90, %add3A_94 : vector<64x128xf32>
    %get3A_96 = arith.constant 0 : index
    %get3A_97 = arith.constant 0 : index
    %get3A_98 = vector.load %arg3[%get3A_96, %get3A_97] : memref<32x128xf32, #tpu.memory_space<vmem>>, vector<32x128xf32>
    %dot_general3A_99 = arith.constant dense<0.000000e+00> : vector<64x128xf32>
    %dot_general3A_100 = tpu.matmul %mul3A_54, %get3A_98, %dot_general3A_99 {dimension_numbers = #tpu.dot_dimension_numbers<[1], [0], [0], [1], [0, 0, 1, 1], [], []>, transpose_lhs_hint = false} : vector<64x32xf32>, vector<32x128xf32>, vector<64x128xf32> -> vector<64x128xf32>
    %add3A_101 = arith.addf %add3A_95, %dot_general3A_100 : vector<64x128xf32>
    %get3A_102 = arith.constant 0 : index
    %get3A_103 = arith.constant 0 : index
    %get3A_104 = vector.load %arg5[%get3A_102, %get3A_103] : memref<1x128xf32, #tpu.memory_space<vmem>>, vector<1x128xf32>
    %add3A_105 = vector.broadcast %get3A_104 : vector<1x128xf32> to vector<64x128xf32>
    %add3A_106 = arith.addf %add3A_101, %add3A_105 : vector<64x128xf32>
    %slice3A_107 = vector.extract_strided_slice %add3A_106 {offsets = [0, 0], sizes = [64, 32], strides = [1, 1]} : vector<64x128xf32> to vector<64x32xf32>
    %logistic3A_108 = arith.negf %slice3A_107 : vector<64x32xf32>
    %logistic3A_109 = math.exp %logistic3A_108 : vector<64x32xf32>
    %logistic3A_110 = arith.constant 1.000000e+00 : f32
    %logistic3A_111 = vector.broadcast %logistic3A_110 : f32 to vector<64x32xf32>
    %logistic3A_112 = arith.addf %logistic3A_111, %logistic3A_109 : vector<64x32xf32>
    %logistic3A_113 = arith.divf %logistic3A_111, %logistic3A_112 : vector<64x32xf32>
    %slice3A_114 = vector.extract_strided_slice %add3A_106 {offsets = [0, 32], sizes = [64, 32], strides = [1, 1]} : vector<64x128xf32> to vector<64x32xf32>
    %logistic3A_115 = arith.negf %slice3A_114 : vector<64x32xf32>
    %logistic3A_116 = math.exp %logistic3A_115 : vector<64x32xf32>
    %logistic3A_117 = arith.constant 1.000000e+00 : f32
    %logistic3A_118 = vector.broadcast %logistic3A_117 : f32 to vector<64x32xf32>
    %logistic3A_119 = arith.addf %logistic3A_118, %logistic3A_116 : vector<64x32xf32>
    %logistic3A_120 = arith.divf %logistic3A_118, %logistic3A_119 : vector<64x32xf32>
    %slice3A_121 = vector.extract_strided_slice %add3A_106 {offsets = [0, 64], sizes = [64, 32], strides = [1, 1]} : vector<64x128xf32> to vector<64x32xf32>
    %tanh3A_122 = math.tanh %slice3A_121 : vector<64x32xf32>
    %slice3A_123 = vector.extract_strided_slice %add3A_106 {offsets = [0, 96], sizes = [64, 32], strides = [1, 1]} : vector<64x128xf32> to vector<64x32xf32>
    %logistic3A_124 = arith.negf %slice3A_123 : vector<64x32xf32>
    %logistic3A_125 = math.exp %logistic3A_124 : vector<64x32xf32>
    %logistic3A_126 = arith.constant 1.000000e+00 : f32
    %logistic3A_127 = vector.broadcast %logistic3A_126 : f32 to vector<64x32xf32>
    %logistic3A_128 = arith.addf %logistic3A_127, %logistic3A_125 : vector<64x32xf32>
    %logistic3A_129 = arith.divf %logistic3A_127, %logistic3A_128 : vector<64x32xf32>
    %mul3A_130 = arith.mulf %logistic3A_120, %add3A_52 : vector<64x32xf32>
    %mul3A_131 = arith.mulf %logistic3A_113, %tanh3A_122 : vector<64x32xf32>
    %add3A_132 = arith.addf %mul3A_130, %mul3A_131 : vector<64x32xf32>
    %tanh3A_133 = math.tanh %add3A_132 : vector<64x32xf32>
    %mul3A_134 = arith.mulf %logistic3A_129, %tanh3A_133 : vector<64x32xf32>
    %dot_general3A_135 = arith.constant dense<0.000000e+00> : vector<10000x32xf32>
    %dot_general3A_136 = tpu.matmul %convert_element_type3A_6, %mul3A_134, %dot_general3A_135 {dimension_numbers = #tpu.dot_dimension_numbers<[1], [0], [0], [1], [0, 0, 1, 1], [], []>, transpose_lhs_hint = false} : vector<10000x64xf32>, vector<64x32xf32>, vector<10000x32xf32> -> vector<10000x32xf32>
    %mul3A_137 = arith.mulf %get3A_1, %dot_general3A_136 : vector<10000x32xf32>
    %reduce_sum3A_138 = arith.constant dense<0.000000e+00> : vector<10000xf32>
    %reduce_sum3A_139 = vector.multi_reduction <add>, %mul3A_137, %reduce_sum3A_138 [1] : vector<10000x32xf32> to vector<10000xf32>
    %broadcast_in_dim3A_140 = vector.shape_cast %reduce_sum3A_139 : vector<10000xf32> to vector<10000x1xf32>
    %gt3A_141 = arith.constant 0.000000e+00 : f32
    %gt3A_142 = vector.broadcast %gt3A_141 : f32 to vector<10000x64xf32>
    %gt3A_143 = arith.cmpf ogt, %convert_element_type3A_6, %gt3A_142 : vector<10000x64xf32>
    %jit3A_144 = arith.constant -1.000000e+30 : f32
    %broadcast_in_dim3A_145 = vector.shape_cast %broadcast_in_dim3A_140 : vector<10000x1xf32> to vector<10000x1xf32>
    %broadcast_in_dim3A_146 = vector.broadcast %broadcast_in_dim3A_145 : vector<10000x1xf32> to vector<10000x64xf32>
    %broadcast_in_dim3A_147 = vector.broadcast %jit3A_144 : f32 to vector<10000x64xf32>
    %select_n3A_148 = arith.select %gt3A_143, %broadcast_in_dim3A_146, %broadcast_in_dim3A_147 : vector<10000x64xi1>, vector<10000x64xf32>
    %reduce_max3A_149 = arith.constant dense<0xFF800000> : vector<64xf32>
    %reduce_max3A_150 = vector.multi_reduction <maximumf>, %select_n3A_148, %reduce_max3A_149 [0] : vector<10000x64xf32> to vector<64xf32>
    %broadcast_in_dim3A_151 = vector.shape_cast %reduce_max3A_150 : vector<64xf32> to vector<1x64xf32>
    %mul3A_152 = vector.broadcast %broadcast_in_dim3A_151 : vector<1x64xf32> to vector<10000x64xf32>
    %mul3A_153 = arith.mulf %convert_element_type3A_6, %mul3A_152 : vector<10000x64xf32>
    %reduce_sum3A_154 = arith.constant dense<0.000000e+00> : vector<10000xf32>
    %reduce_sum3A_155 = vector.multi_reduction <add>, %mul3A_153, %reduce_sum3A_154 [1] : vector<10000x64xf32> to vector<10000xf32>
    %broadcast_in_dim3A_156 = vector.shape_cast %reduce_sum3A_155 : vector<10000xf32> to vector<10000x1xf32>
    %sub3A_157 = arith.subf %broadcast_in_dim3A_140, %broadcast_in_dim3A_156 : vector<10000x1xf32>
    %exp3A_158 = math.exp %sub3A_157 : vector<10000x1xf32>
    %mul3A_159 = vector.broadcast %exp3A_158 : vector<10000x1xf32> to vector<10000x64xf32>
    %mul3A_160 = arith.mulf %convert_element_type3A_6, %mul3A_159 : vector<10000x64xf32>
    %reduce_sum3A_161 = arith.constant dense<0.000000e+00> : vector<64xf32>
    %reduce_sum3A_162 = vector.multi_reduction <add>, %mul3A_160, %reduce_sum3A_161 [0] : vector<10000x64xf32> to vector<64xf32>
    %broadcast_in_dim3A_163 = vector.shape_cast %reduce_sum3A_162 : vector<64xf32> to vector<1x64xf32>
    %mul3A_164 = vector.broadcast %broadcast_in_dim3A_163 : vector<1x64xf32> to vector<10000x64xf32>
    %mul3A_165 = arith.mulf %convert_element_type3A_6, %mul3A_164 : vector<10000x64xf32>
    %reduce_sum3A_166 = arith.constant dense<0.000000e+00> : vector<10000xf32>
    %reduce_sum3A_167 = vector.multi_reduction <add>, %mul3A_165, %reduce_sum3A_166 [1] : vector<10000x64xf32> to vector<10000xf32>
    %broadcast_in_dim3A_168 = vector.shape_cast %reduce_sum3A_167 : vector<10000xf32> to vector<10000x1xf32>
    %div3A_169 = arith.divf %exp3A_158, %broadcast_in_dim3A_168 : vector<10000x1xf32>
    %mul3A_170 = vector.broadcast %div3A_169 : vector<10000x1xf32> to vector<10000x64xf32>
    %mul3A_171 = arith.mulf %convert_element_type3A_6, %mul3A_170 : vector<10000x64xf32>
    %dot_general3A_172 = arith.constant dense<0.000000e+00> : vector<64x32xf32>
    %dot_general3A_173 = tpu.matmul %mul3A_171, %get3A_1, %dot_general3A_172 {dimension_numbers = #tpu.dot_dimension_numbers<[0], [0], [1], [1], [0, 1, 1, 1], [], []>, transpose_lhs_hint = false} : vector<10000x64xf32>, vector<10000x32xf32>, vector<64x32xf32> -> vector<64x32xf32>
    %concatenate3A_174 = tpu.concatenate %mul3A_134, %dot_general3A_173 in 1 : vector<64x32xf32>, vector<64x32xf32> -> vector<64x64xf32>
    %get3A_175 = arith.constant 0 : index
    %get3A_176 = arith.constant 0 : index
    %get3A_177 = vector.load %arg2[%get3A_175, %get3A_176] : memref<64x128xf32, #tpu.memory_space<vmem>>, vector<64x128xf32>
    %dot_general3A_178 = arith.constant dense<0.000000e+00> : vector<64x128xf32>
    %dot_general3A_179 = tpu.matmul %concatenate3A_174, %get3A_177, %dot_general3A_178 {dimension_numbers = #tpu.dot_dimension_numbers<[1], [0], [0], [1], [0, 0, 1, 1], [], []>, transpose_lhs_hint = false} : vector<64x64xf32>, vector<64x128xf32>, vector<64x128xf32> -> vector<64x128xf32>
    %get3A_180 = arith.constant 0 : index
    %get3A_181 = arith.constant 0 : index
    %get3A_182 = vector.load %arg4[%get3A_180, %get3A_181] : memref<1x128xf32, #tpu.memory_space<vmem>>, vector<1x128xf32>
    %add3A_183 = vector.broadcast %get3A_182 : vector<1x128xf32> to vector<64x128xf32>
    %add3A_184 = arith.addf %dot_general3A_179, %add3A_183 : vector<64x128xf32>
    %get3A_185 = arith.constant 0 : index
    %get3A_186 = arith.constant 0 : index
    %get3A_187 = vector.load %arg3[%get3A_185, %get3A_186] : memref<32x128xf32, #tpu.memory_space<vmem>>, vector<32x128xf32>
    %dot_general3A_188 = arith.constant dense<0.000000e+00> : vector<64x128xf32>
    %dot_general3A_189 = tpu.matmul %mul3A_134, %get3A_187, %dot_general3A_188 {dimension_numbers = #tpu.dot_dimension_numbers<[1], [0], [0], [1], [0, 0, 1, 1], [], []>, transpose_lhs_hint = false} : vector<64x32xf32>, vector<32x128xf32>, vector<64x128xf32> -> vector<64x128xf32>
    %add3A_190 = arith.addf %add3A_184, %dot_general3A_189 : vector<64x128xf32>
    %get3A_191 = arith.constant 0 : index
    %get3A_192 = arith.constant 0 : index
    %get3A_193 = vector.load %arg5[%get3A_191, %get3A_192] : memref<1x128xf32, #tpu.memory_space<vmem>>, vector<1x128xf32>
    %add3A_194 = vector.broadcast %get3A_193 : vector<1x128xf32> to vector<64x128xf32>
    %add3A_195 = arith.addf %add3A_190, %add3A_194 : vector<64x128xf32>
    %slice3A_196 = vector.extract_strided_slice %add3A_195 {offsets = [0, 0], sizes = [64, 32], strides = [1, 1]} : vector<64x128xf32> to vector<64x32xf32>
    %logistic3A_197 = arith.negf %slice3A_196 : vector<64x32xf32>
    %logistic3A_198 = math.exp %logistic3A_197 : vector<64x32xf32>
    %logistic3A_199 = arith.constant 1.000000e+00 : f32
    %logistic3A_200 = vector.broadcast %logistic3A_199 : f32 to vector<64x32xf32>
    %logistic3A_201 = arith.addf %logistic3A_200, %logistic3A_198 : vector<64x32xf32>
    %logistic3A_202 = arith.divf %logistic3A_200, %logistic3A_201 : vector<64x32xf32>
    %slice3A_203 = vector.extract_strided_slice %add3A_195 {offsets = [0, 32], sizes = [64, 32], strides = [1, 1]} : vector<64x128xf32> to vector<64x32xf32>
    %logistic3A_204 = arith.negf %slice3A_203 : vector<64x32xf32>
    %logistic3A_205 = math.exp %logistic3A_204 : vector<64x32xf32>
    %logistic3A_206 = arith.constant 1.000000e+00 : f32
    %logistic3A_207 = vector.broadcast %logistic3A_206 : f32 to vector<64x32xf32>
    %logistic3A_208 = arith.addf %logistic3A_207, %logistic3A_205 : vector<64x32xf32>
    %logistic3A_209 = arith.divf %logistic3A_207, %logistic3A_208 : vector<64x32xf32>
    %slice3A_210 = vector.extract_strided_slice %add3A_195 {offsets = [0, 64], sizes = [64, 32], strides = [1, 1]} : vector<64x128xf32> to vector<64x32xf32>
    %tanh3A_211 = math.tanh %slice3A_210 : vector<64x32xf32>
    %slice3A_212 = vector.extract_strided_slice %add3A_195 {offsets = [0, 96], sizes = [64, 32], strides = [1, 1]} : vector<64x128xf32> to vector<64x32xf32>
    %logistic3A_213 = arith.negf %slice3A_212 : vector<64x32xf32>
    %logistic3A_214 = math.exp %logistic3A_213 : vector<64x32xf32>
    %logistic3A_215 = arith.constant 1.000000e+00 : f32
    %logistic3A_216 = vector.broadcast %logistic3A_215 : f32 to vector<64x32xf32>
    %logistic3A_217 = arith.addf %logistic3A_216, %logistic3A_214 : vector<64x32xf32>
    %logistic3A_218 = arith.divf %logistic3A_216, %logistic3A_217 : vector<64x32xf32>
    %mul3A_219 = arith.mulf %logistic3A_209, %add3A_132 : vector<64x32xf32>
    %mul3A_220 = arith.mulf %logistic3A_202, %tanh3A_211 : vector<64x32xf32>
    %add3A_221 = arith.addf %mul3A_219, %mul3A_220 : vector<64x32xf32>
    %tanh3A_222 = math.tanh %add3A_221 : vector<64x32xf32>
    %mul3A_223 = arith.mulf %logistic3A_218, %tanh3A_222 : vector<64x32xf32>
    %dot_general3A_224 = arith.constant dense<0.000000e+00> : vector<10000x32xf32>
    %dot_general3A_225 = tpu.matmul %convert_element_type3A_6, %mul3A_223, %dot_general3A_224 {dimension_numbers = #tpu.dot_dimension_numbers<[1], [0], [0], [1], [0, 0, 1, 1], [], []>, transpose_lhs_hint = false} : vector<10000x64xf32>, vector<64x32xf32>, vector<10000x32xf32> -> vector<10000x32xf32>
    %mul3A_226 = arith.mulf %get3A_1, %dot_general3A_225 : vector<10000x32xf32>
    %reduce_sum3A_227 = arith.constant dense<0.000000e+00> : vector<10000xf32>
    %reduce_sum3A_228 = vector.multi_reduction <add>, %mul3A_226, %reduce_sum3A_227 [1] : vector<10000x32xf32> to vector<10000xf32>
    %broadcast_in_dim3A_229 = vector.shape_cast %reduce_sum3A_228 : vector<10000xf32> to vector<10000x1xf32>
    %gt3A_230 = arith.constant 0.000000e+00 : f32
    %gt3A_231 = vector.broadcast %gt3A_230 : f32 to vector<10000x64xf32>
    %gt3A_232 = arith.cmpf ogt, %convert_element_type3A_6, %gt3A_231 : vector<10000x64xf32>
    %jit3A_233 = arith.constant -1.000000e+30 : f32
    %broadcast_in_dim3A_234 = vector.shape_cast %broadcast_in_dim3A_229 : vector<10000x1xf32> to vector<10000x1xf32>
    %broadcast_in_dim3A_235 = vector.broadcast %broadcast_in_dim3A_234 : vector<10000x1xf32> to vector<10000x64xf32>
    %broadcast_in_dim3A_236 = vector.broadcast %jit3A_233 : f32 to vector<10000x64xf32>
    %select_n3A_237 = arith.select %gt3A_232, %broadcast_in_dim3A_235, %broadcast_in_dim3A_236 : vector<10000x64xi1>, vector<10000x64xf32>
    %reduce_max3A_238 = arith.constant dense<0xFF800000> : vector<64xf32>
    %reduce_max3A_239 = vector.multi_reduction <maximumf>, %select_n3A_237, %reduce_max3A_238 [0] : vector<10000x64xf32> to vector<64xf32>
    %broadcast_in_dim3A_240 = vector.shape_cast %reduce_max3A_239 : vector<64xf32> to vector<1x64xf32>
    %mul3A_241 = vector.broadcast %broadcast_in_dim3A_240 : vector<1x64xf32> to vector<10000x64xf32>
    %mul3A_242 = arith.mulf %convert_element_type3A_6, %mul3A_241 : vector<10000x64xf32>
    %reduce_sum3A_243 = arith.constant dense<0.000000e+00> : vector<10000xf32>
    %reduce_sum3A_244 = vector.multi_reduction <add>, %mul3A_242, %reduce_sum3A_243 [1] : vector<10000x64xf32> to vector<10000xf32>
    %broadcast_in_dim3A_245 = vector.shape_cast %reduce_sum3A_244 : vector<10000xf32> to vector<10000x1xf32>
    %sub3A_246 = arith.subf %broadcast_in_dim3A_229, %broadcast_in_dim3A_245 : vector<10000x1xf32>
    %exp3A_247 = math.exp %sub3A_246 : vector<10000x1xf32>
    %mul3A_248 = vector.broadcast %exp3A_247 : vector<10000x1xf32> to vector<10000x64xf32>
    %mul3A_249 = arith.mulf %convert_element_type3A_6, %mul3A_248 : vector<10000x64xf32>
    %reduce_sum3A_250 = arith.constant dense<0.000000e+00> : vector<64xf32>
    %reduce_sum3A_251 = vector.multi_reduction <add>, %mul3A_249, %reduce_sum3A_250 [0] : vector<10000x64xf32> to vector<64xf32>
    %broadcast_in_dim3A_252 = vector.shape_cast %reduce_sum3A_251 : vector<64xf32> to vector<1x64xf32>
    %mul3A_253 = vector.broadcast %broadcast_in_dim3A_252 : vector<1x64xf32> to vector<10000x64xf32>
    %mul3A_254 = arith.mulf %convert_element_type3A_6, %mul3A_253 : vector<10000x64xf32>
    %reduce_sum3A_255 = arith.constant dense<0.000000e+00> : vector<10000xf32>
    %reduce_sum3A_256 = vector.multi_reduction <add>, %mul3A_254, %reduce_sum3A_255 [1] : vector<10000x64xf32> to vector<10000xf32>
    %broadcast_in_dim3A_257 = vector.shape_cast %reduce_sum3A_256 : vector<10000xf32> to vector<10000x1xf32>
    %div3A_258 = arith.divf %exp3A_247, %broadcast_in_dim3A_257 : vector<10000x1xf32>
    %mul3A_259 = vector.broadcast %div3A_258 : vector<10000x1xf32> to vector<10000x64xf32>
    %mul3A_260 = arith.mulf %convert_element_type3A_6, %mul3A_259 : vector<10000x64xf32>
    %dot_general3A_261 = arith.constant dense<0.000000e+00> : vector<64x32xf32>
    %dot_general3A_262 = tpu.matmul %mul3A_260, %get3A_1, %dot_general3A_261 {dimension_numbers = #tpu.dot_dimension_numbers<[0], [0], [1], [1], [0, 1, 1, 1], [], []>, transpose_lhs_hint = false} : vector<10000x64xf32>, vector<10000x32xf32>, vector<64x32xf32> -> vector<64x32xf32>
    %concatenate3A_263 = tpu.concatenate %mul3A_223, %dot_general3A_262 in 1 : vector<64x32xf32>, vector<64x32xf32> -> vector<64x64xf32>
    %get3A_264 = arith.constant 0 : index
    %get3A_265 = arith.constant 0 : index
    %get3A_266 = vector.load %arg6[%get3A_264, %get3A_265] : memref<64x32xf32, #tpu.memory_space<vmem>>, vector<64x32xf32>
    %dot_general3A_267 = arith.constant dense<0.000000e+00> : vector<64x32xf32>
    %dot_general3A_268 = tpu.matmul %concatenate3A_263, %get3A_266, %dot_general3A_267 {dimension_numbers = #tpu.dot_dimension_numbers<[1], [0], [0], [1], [0, 0, 1, 1], [], []>, transpose_lhs_hint = false} : vector<64x64xf32>, vector<64x32xf32>, vector<64x32xf32> -> vector<64x32xf32>
    %get3A_269 = arith.constant 0 : index
    %get3A_270 = arith.constant 0 : index
    %get3A_271 = vector.load %arg7[%get3A_269, %get3A_270] : memref<1x32xf32, #tpu.memory_space<vmem>>, vector<1x32xf32>
    %add3A_272 = vector.broadcast %get3A_271 : vector<1x32xf32> to vector<64x32xf32>
    %add3A_273 = arith.addf %dot_general3A_268, %add3A_272 : vector<64x32xf32>
    %jit3A_274 = arith.constant 0.00999999977 : f32
    %ge3A = arith.constant 0.000000e+00 : f32
    %ge3A_275 = vector.broadcast %ge3A : f32 to vector<64x32xf32>
    %ge3A_276 = arith.cmpf oge, %add3A_273, %ge3A_275 : vector<64x32xf32>
    %mul3A_277 = vector.broadcast %jit3A_274 : f32 to vector<64x32xf32>
    %mul3A_278 = arith.mulf %mul3A_277, %add3A_273 : vector<64x32xf32>
    %select_n3A_279 = arith.select %ge3A_276, %add3A_273, %mul3A_278 : vector<64x32xi1>, vector<64x32xf32>
    %get3A_280 = arith.constant 0 : index
    %get3A_281 = arith.constant 0 : index
    %get3A_282 = vector.load %arg8[%get3A_280, %get3A_281] : memref<32x16xf32, #tpu.memory_space<vmem>>, vector<32x16xf32>
    %dot_general3A_283 = arith.constant dense<0.000000e+00> : vector<64x16xf32>
    %dot_general3A_284 = tpu.matmul %select_n3A_279, %get3A_282, %dot_general3A_283 {dimension_numbers = #tpu.dot_dimension_numbers<[1], [0], [0], [1], [0, 0, 1, 1], [], []>, transpose_lhs_hint = false} : vector<64x32xf32>, vector<32x16xf32>, vector<64x16xf32> -> vector<64x16xf32>
    %get3A_285 = arith.constant 0 : index
    %get3A_286 = arith.constant 0 : index
    %get3A_287 = vector.load %arg9[%get3A_285, %get3A_286] : memref<1x16xf32, #tpu.memory_space<vmem>>, vector<1x16xf32>
    %add3A_288 = vector.broadcast %get3A_287 : vector<1x16xf32> to vector<64x16xf32>
    %add3A_289 = arith.addf %dot_general3A_284, %add3A_288 : vector<64x16xf32>
    %jit3A_290 = arith.constant 0.00999999977 : f32
    %ge3A_291 = arith.constant 0.000000e+00 : f32
    %ge3A_292 = vector.broadcast %ge3A_291 : f32 to vector<64x16xf32>
    %ge3A_293 = arith.cmpf oge, %add3A_289, %ge3A_292 : vector<64x16xf32>
    %mul3A_294 = vector.broadcast %jit3A_290 : f32 to vector<64x16xf32>
    %mul3A_295 = arith.mulf %mul3A_294, %add3A_289 : vector<64x16xf32>
    %select_n3A_296 = arith.select %ge3A_293, %add3A_289, %mul3A_295 : vector<64x16xi1>, vector<64x16xf32>
    %get3A_297 = arith.constant 0 : index
    %get3A_298 = arith.constant 0 : index
    %get3A_299 = vector.load %arg10[%get3A_297, %get3A_298] : memref<16x1xf32, #tpu.memory_space<vmem>>, vector<16x1xf32>
    %dot_general3A_300 = arith.constant dense<0.000000e+00> : vector<64x1xf32>
    %dot_general3A_301 = tpu.matmul %select_n3A_296, %get3A_299, %dot_general3A_300 {dimension_numbers = #tpu.dot_dimension_numbers<[1], [0], [0], [1], [0, 0, 1, 1], [], []>, transpose_lhs_hint = false} : vector<64x16xf32>, vector<16x1xf32>, vector<64x1xf32> -> vector<64x1xf32>
    %get3A_302 = arith.constant 0 : index
    %get3A_303 = arith.constant 0 : index
    %get3A_304 = vector.load %arg11[%get3A_302, %get3A_303] : memref<1x1xf32, #tpu.memory_space<vmem>>, vector<1x1xf32>
    %add3A_305 = vector.broadcast %get3A_304 : vector<1x1xf32> to vector<64x1xf32>
    %add3A_306 = arith.addf %dot_general3A_301, %add3A_305 : vector<64x1xf32>
    %swap3A = arith.constant 0 : index
    %swap3A_307 = arith.constant 0 : index
    %swap3A_308 = vector.load %arg12[%swap3A, %swap3A_307] : memref<64x1xf32, #tpu.memory_space<vmem>>, vector<64x1xf32>
    tpu.vector_store %arg12[%swap3A, %swap3A_307], %add3A_306 {strides = array<i32>} : memref<64x1xf32, #tpu.memory_space<vmem>>, vector<64x1xf32>,
    return
  }
}

</mosaic_0001>

<sc_bundles>
// kernel: kernel.17.cloned.1.call-start
scs
__scs_entry_jumppad:
0x0: {  	(pc) =	sbr.rel $0x88, $3  }
0x1: {  	(tag) =	ssettag $0x0;
	lr =	simm.s32 $0x1  }
0x2: {  	[smem:$0x3F84] =	sst lr;
	_ =	strace $0xD0000000  }
0x3: {  	_ = 	snop  }
0x4: {  	_ = 	snop  }
0x5: {  	_ = 	snop  }
0x6: {  	_ = 	snop  }
0x7: {  	_ = 	snop  }
__scs_overlays_trampoline_lowered:
0x8: {  	[smem:$0x3F93] =	sst s0  }
0x9: {  	[smem:$0x3F94] =	sst s1  }
0xa: {  	[smem:$0x3F95] =	sst s2  }
0xb: {  	[smem:$0x3F96] =	sst s3  }
0xc: {  	[smem:$0x3F97] =	sst s4  }
0xd: {  	[smem:$0x3F98] =	sst s5  }
0xe: {  	[smem:$0x3F99] =	sst s6  }
0xf: {  	[smem:$0x3F9A] =	sst s7  }
0x10: {  	[smem:$0x3F9B] =	sst s8  }
0x11: {  	[smem:$0x3F9C] =	sst s9;
	s0 =	simm.s32 @!p0 $0x0  }
0x12: {  	s1 =	sld [smem:$0x3F82];
	s0 =	simm.s32 @p0 $0x1  }
0x13: {  	[smem:$0x3F9D] =	sst s0;
	s0 =	simm.s32 @!p1 $0x0  }
0x14: {  	s2 =	sld [smem:$0x3F81];
	s0 =	simm.s32 @p1 $0x1  }
0x15: {  	[smem:$0x3F9E] =	sst s0;
	s0 =	simm.s32 @!p2 $0x0  }
0x16: {  	s3 =	sld [smem:$0x3FDB];
	s0 =	simm.s32 @p2 $0x1  }
0x17: {  	s4 =	simm.s32 $0x1BF5;
	[smem:$0x3FA0] =	sst s0  }
0x18: {  	s0 =	sld [smem:$0x3F83];
	_ =	swait.ge [sflag:s4], $0x0  }
0x19: {  	s7 =	sld [smem:$0x3F84]  }
0x1a: {  	s8 =	sadd.s32 $0xFFFFE003, lr  }
0x1b: {  	s9 =	sadd.s32 $0xFFFFFEF7, lr;
	s5 =	simm.s32 $0xFFFFFFFF;
	p2 =	slt.u32 s8, $0xFFFFF086  }
0x1c: {  	p1 =	slt.u32 s9, $0xF7A;
	s5 =	simm.s32 @!p2 $0x0  }
0x1d: {  	s5 =	simm.s32 @p1 $0x1;
	p0 =	seq.s32 s7, s2  }
0x1e: {  	s7 =	smul.u32 @!p0 $0xF7A, s2;
	p2 =	seq.s32 @!p0 s5, $0x0  }
0x1f: {  	s9 =	smul.u32 $0xF7A, s1;
	s8 =	simm.s32 @!p0 $0x1BF5;
	p2 =	por !p2, p0  }
0x20: {  	[sflag:s8] =	ssyncset.s32 @!p0 $0xFFFFF086;
	s6 =	sadd.s32 @!p0 s3, s7;
	s7 =	simm.s32 @!p0 $0x108  }
0x21: {  	s3 =	sadd.s32 s3, s9;
	s6 =	sadd.s32 @!p0 $0x88, s6;
	s7 =	simm.s32 @p2 $0x1082  }
0x22: {  	[simem:s7], [sflag:s8] =	dma.local @!p0 [hbm:s6], $0xF7A  }
0x23: {  	s9 =	sor.u32 $0xD0000000, s2;
	s6 =	simm.s32 $0x108;
	_ =	swait.ge @!p0 [sflag:s8], $0x0  }
0x24: {  	s3 =	sadd.s32 $0x88, s3;
	s6 =	simm.s32 @!p1 $0x1082;
	[sflag:s4] =	ssyncset.s32 $0xFFFFF086  }
0x25: {  	[simem:s6], [sflag:s4] =	dma.local [hbm:s3], $0xF7A  }
0x26: {  	[smem:$0x3F84] =	sst s1;
	(tag) =	ssettag s2;
	_ =	strace s9  }
0x27: {  	s1 =	sld [smem:$0x3F94]  }
0x28: {  	s2 =	sld [smem:$0x3F95]  }
0x29: {  	s4 =	sld [smem:$0x3F97]  }
0x2a: {  	p0 =	seq.s32 s5, $0x0;
	s5 =	sld [smem:$0x3F98]  }
0x2b: {  	s6 =	sld [smem:$0x3F99]  }
0x2c: {  	s7 =	sld [smem:$0x3F9A]  }
0x2d: {  	s3 =	simm.s32 $0x108;
	s8 =	sld [smem:$0x3F9B]  }
0x2e: {  	s3 =	simm.s32 @!p0 $0x1082;
	s9 =	sld [smem:$0x3F9C]  }
0x2f: {  	lr =	sadd.s32 s0, s3;
	s0 =	sld [smem:$0x3F93]  }
0x30: {  	s3 =	sld [smem:$0x3F96]  }
0x31: {  	[smem:$0x3F9F] =	sst s10  }
0x32: {  	s10 =	sld [smem:$0x3F9D];
	_ =	sdelay $0x3  }
0x33: {  	p0 =	seq.s32 s10, $0x1;
	s10 =	sld [smem:$0x3F9F];
	_ =	sdelay $0x3  }
0x34: {  	[smem:$0x3F9F] =	sst s10  }
0x35: {  	s10 =	sld [smem:$0x3F9E];
	_ =	sdelay $0x3  }
0x36: {  	p1 =	seq.s32 s10, $0x1;
	s10 =	sld [smem:$0x3F9F];
	_ =	sdelay $0x3  }
0x37: {  	[smem:$0x3F9F] =	sst s10  }
0x38: {  	s10 =	sld [smem:$0x3FA0]  }
0x39: {  	_ = 	snop;
	(pc) =	sbr.ind lr, $3  }
0x3a: {  	_ = 	snop  }
0x3b: {  	_ = 	snop  }
0x3c: {  	p2 =	seq.s32 s10, $0x1;
	s10 =	sld [smem:$0x3F9F]  }
0x3d: {  	_ =	shalt  }
0x3e: {  	_ =	shalt  }
0x3f: {  	_ =	shalt  }
0x40: {  	_ =	shalt  }
0x41: {  	_ =	shalt  }
0x42: {  	_ =	shalt  }
0x43: {  	_ =	shalt  }
0x44: {  	_ =	shalt  }
0x45: {  	_ =	shalt  }
0x46: {  	_ =	shalt  }
0x47: {  	_ =	shalt  }
0x48: {  	_ =	shalt  }
0x49: {  	_ =	shalt  }
0x4a: {  	_ =	shalt  }
0x4b: {  	_ =	shalt  }
0x4c: {  	_ =	shalt  }
0x4d: {  	_ =	shalt  }
0x4e: {  	_ =	shalt  }
0x4f: {  	_ =	shalt  }
0x50: {  	_ =	shalt  }
0x51: {  	_ =	shalt  }
0x52: {  	_ =	shalt  }
0x53: {  	_ =	shalt  }
0x54: {  	_ =	shalt  }
0x55: {  	_ =	shalt  }
0x56: {  	_ =	shalt  }
0x57: {  	_ =	shalt  }
0x58: {  	_ =	shalt  }
0x59: {  	_ =	shalt  }
0x5a: {  	_ =	shalt  }
0x5b: {  	_ =	shalt  }
0x5c: {  	_ =	shalt  }
0x5d: {  	_ =	shalt  }
0x5e: {  	_ =	shalt  }
0x5f: {  	_ =	shalt  }
0x60: {  	_ =	shalt  }
0x61: {  	_ =	shalt  }
0x62: {  	_ =	shalt  }
0x63: {  	_ =	shalt  }
0x64: {  	_ =	shalt  }
0x65: {  	_ =	shalt  }
0x66: {  	_ =	shalt  }
0x67: {  	_ =	shalt  }
0x68: {  	_ =	shalt  }
0x69: {  	_ =	shalt  }
0x6a: {  	_ =	shalt  }
0x6b: {  	_ =	shalt  }
0x6c: {  	_ =	shalt  }
0x6d: {  	_ =	shalt  }
0x6e: {  	_ =	shalt  }
0x6f: {  	_ =	shalt  }
0x70: {  	_ =	shalt  }
0x71: {  	_ =	shalt  }
0x72: {  	_ =	shalt  }
0x73: {  	_ =	shalt  }
0x74: {  	_ =	shalt  }
0x75: {  	_ =	shalt  }
0x76: {  	_ =	shalt  }
0x77: {  	_ =	shalt  }
0x78: {  	_ =	shalt  }
0x79: {  	_ =	shalt  }
0x7a: {  	_ =	shalt  }
0x7b: {  	_ =	shalt  }
0x7c: {  	_ =	shalt  }
0x7d: {  	_ =	shalt  }
0x7e: {  	_ =	shalt  }
0x7f: {  	_ =	shalt  }
0x80: {  	_ =	shalt  }
0x81: {  	_ =	shalt  }
0x82: {  	_ =	shalt  }
0x83: {  	_ =	shalt  }
0x84: {  	_ =	shalt  }
0x85: {  	_ =	shalt  }
0x86: {  	_ =	shalt  }
0x87: {  	_ =	shalt  }
.Lfunc_end0:
.L_simem_size_0:
called_computation_lowered:
.L_overlay_start_0:
0x88: {  	s2 =	sld [smem:$0x3FD9]  }
0x89: {  	s3 =	sld [smem:$0x3FFE];
	_ =	sdelay $0x1  }
0x8a: {  	s1 =	srdreg.scid  }
0x8b: {  	s0 =	sand.u32 $0x1, s1  }
0x8c: {  	s17 =	sshll.u32 s0, $0xA;
	s2 =	sadd.s32 s3, s2  }
0x8d: {  	s2 =	sadd.s32 s2, s17  }
0x8e: {  	[smem:$0x3FAB] =	sst s2  }
0x8f: {  	_ = 	snop  }
0x90: {  	(tm) =	ssettm $0x1  }
0x91: {  	s18 =	sld [smem:$0x3FFB];
	_ =	sdelay $0x3  }
0x92: {  	_ =	strace s18  }
0x93: {  	s2 =	sld [smem:$0x3FFC];
	_ =	sdelay $0x3  }
0x94: {  	_ =	strace s2  }
0x95: {  	s2 =	sld [smem:$0x3FFD];
	_ =	sdelay $0x3  }
0x96: {  	_ =	strace s2  }
0x97: {  	_ =	strace $0x8FFFFFFF  }
0x98: {  	s19 =	sld [smem:$0x3FDB];
	_ =	sdelay $0x1  }
0x99: {  	s20 =	simm.s32 $_scs_section_size  }
0x9a: {  	s4 =	simm.s32 $_size__tile_overlayer_lowered;
	s5 =	simm.s32 $_tile_overlayer_lowered  }
0x9b: {  	s6 =	simm.s32 $0x1BFF;
	s21 =	sshll.u32 s5, $0x1;
	s3 =	sadd.s32 s20, s19  }
0x9c: {  	s22 =	simm.s32 $0x0;
	s4 =	sshll.u32 s4, $0x1;
	s5 =	sadd.s32 s21, s3  }
0x9d: {  	[timem:s22], [sflag:s6] =	dma.local [hbm:s5], s4  }
0x9e: {  	_ =	swait.ge [sflag:s6], s4  }
0x9f: {  	s4 =	ssub.s32 $0x0, s4;
	[sflag:s6] =	ssyncset.done $0x0  }
0xa0: {  	[sflag:s6] =	ssyncadd.s32 s4;
	_ =	sdelay $0x1  }
0xa1: {  	s23 =	simm.s32 $0x1B8B  }
0xa2: {  	_ =	swait.ge [sflag:s23], $0x1  }
0xa3: {  	[sflag:s23] =	ssyncset.done $0x0  }
0xa4: {  	[sflag:s23] =	ssyncadd.s32 $0xFFFFFFFF  }
0xa5: {  	s4 =	sld [smem:$0x0]  }
0xa6: {  	s5 =	sand.u32 $0xFFFFFFFE, s1  }
0xa7: {  	p0 =	sne.s32 s1, s5  }
0xa8: {  	s5 =	sshll.u32 @p0 s5, $0xE  }
0xa9: {  	s5 =	sadd.s32 @p0 $0x11B8D, s5;
	s6 =	sshll.u32 @p0 s4, $0x11  }
0xaa: {  	s5 =	sor.u32 @p0 s6, s5  }
0xab: {  	[sflag:s5] =	ssyncadd.remote.s32 @p0 $0x1;
	_ =	sdelay $0x1  }
0xac: {  	s5 =	simm.s32 @p0 $0x1B8D  }
0xad: {  	_ =	swait.eq @p0 [sflag:s5], $0x1  }
0xae: {  	[sflag:s5] =	ssyncadd.s32 @p0 $0xFFFFFFFF  }
0xaf: {  	s6 =	sshll.u32 @!p0 s1, $0xE  }
0xb0: {  	s6 =	sor.u32 @!p0 $0x4000, s6;
	s5 =	simm.s32 @!p0 $0x1B8D  }
0xb1: {  	s4 =	sshll.u32 @!p0 s4, $0x11;
	s6 =	sadd.s32 @!p0 $0x11B8D, s6;
	_ =	swait.eq @!p0 [sflag:s5], $0x1  }
0xb2: {  	s4 =	sor.u32 @!p0 s4, s6;
	[sflag:s5] =	ssyncadd.s32 @!p0 $0xFFFFFFFF  }
0xb3: {  	s25 =	simm.s32 $0x1B8E;
	s24 =	sld [smem:$0x3FFE];
	[sflag:s4] =	ssyncadd.remote.s32 @!p0 $0x1  }
0xb4: {  	s26 =	simm.s32 $execute0_lowered;
	[smem:$0x3FD2] =	sst s25  }
0xb5: {  	s5 =	sshll.u32 s26, $0x1;
	_ =	strace $0x80000049;
	[dreg:$0x1] =	wrdreg $0xFFFFFFFF  }
0xb6: {  	s28 =	simm.s32 $_size_execute0_lowered;
	s3 =	sadd.s32 s3, s5;
	[dreg:$0x0] =	wrdreg $0x0  }
0xb7: {  	s5 =	sshll.u32 s28, $0x1;
	[dreg:$0x2] =	wrdreg s3  }
0xb8: {  	[dreg:$0x3] =	wrdreg s5  }
0xb9: {  	[dreg:$0x4] =	wrdreg $0xC0  }
0xba: {  	_ =	task [dreg:s22], $0x5FFFF  }
0xbb: {  	[dreg:$0x1] =	wrdreg $0xFFFFFFFF  }
0xbc: {  	[dreg:$0x0] =	wrdreg $0x60  }
0xbd: {  	[dreg:$0x2] =	wrdreg s24  }
0xbe: {  	[dreg:$0x3] =	wrdreg $0xA5A00  }
0xbf: {  	[dreg:$0x4] =	wrdreg $0x9  }
0xc0: {  	_ =	task.clear_ibuf [dreg:s22], $0x5FFFF;
	_ =	strace $0x90000049  }
0xc1: {  	s29 =	simm.s32 $0x9;
	_ =	strace $0x8000004B  }
0xc2: {  	_ =	swait.ge [sflag:s29], $0x1  }
0xc3: {  	[sflag:s29] =	ssyncadd.s32 $0xFFFFFFFF  }
0xc4: {  	_ =	strace $0x9000004B  }
0xc5: {  	_ =	sfence  }
0xc6: {  	s30 =	sld [smem:$0x0];
	_ =	sdelay $0x2  }
0xc7: {  	s31 =	sshll.u32 s1, $0xD;
	s1 =	sshrl.u32 s1, $0x2  }
0xc8: {  	s4 =	sand.u32 $0x4000, s31;
	s1 =	sadd.s32 s1, s30  }
0xc9: {  	s0 =	sor.u32 s4, s0;
	s1 =	sshll.u32 s1, $0x11  }
0xca: {  	s0 =	sor.u32 s1, s0  }
0xcb: {  	s0 =	sadd.s32 $0x8F2B, s0  }
0xcc: {  	[sflag:s0] =	ssyncadd.remote.s32 $0x1  }
0xcd: {  	_ =	sfence.sel $0xFFFF  }
0xce: {  	[dreg:$0x0] =	wrdreg $0xFFFFFFFF;
	(pc) =	sbr.abs _section_cstart, $3  }
0xcf: {  	[dreg:$0x1] =	wrdreg $0xFFFFFFFF  }
0xd0: {  	_ =	task.clear_ibuf [dreg:s22], $0x2FFFF;
	_ =	strace $0x9FFFFFFF  }
0xd1: {  	(tm) =	ssettm $0x7FFFFFFF  }
tec
execute0_lowered:
.L_overlay_start_1:
0x0: {  	(tag) =	ssettag $0x1  }
0x1: {  	s1 =	srdreg.scid;
	s6 =	rddreg [dreg:$0x0]  }
0x2: {  	s0 =	stileid.u32;
	s2 =	rddreg [dreg:$0x1]  }
0x3: {  	s3 =	simm.s32 $0x0;
	s13 =	simm.s32 $0x64;
	s14 =	simm.s32 $0x3520  }
0x4: {  	s15 =	simm.s32 $0x41A0;
	s16 =	simm.s32 $0x4E20;
	s17 =	simm.s32 $0x5AA0  }
0x5: {  	s18 =	simm.s32 $0x6720;
	s19 =	simm.s32 $0x73A0;
	s20 =	simm.s32 $0x8020  }
0x6: {  	s21 =	simm.s32 $0x8CA0;
	s22 =	simm.s32 $0x9920;
	s23 =	simm.s32 $0x1  }
0x7: {  	s24 =	simm.s32 $0x0;
	s5 =	sand.u32 $0x1, s1;
	s30 =	sshll.u32 s0, $0x1  }
0x8: {  	s8 =	smul.u32 $0x4E20, s0;
	[smem:$0x7FF] =	sst s3;
	s4 =	sadd.s32 $0x192000, s6  }
0x9: {  	s31 =	sshll.u32 s0, $0x6;
	s1 =	sor.u32 s5, s30;
	s9 =	smul.u32 $0x4E200, s5  }
0xa: {  	s5 =	ssub.s32 $0x2, s5;
	s7 =	smul.u32 $0x514, s1;
	s1 =	rddreg [dreg:$0x2]  }
0xb: {  	_ =	strace $0x8000004A;
	s10 =	sshrl.u32 s8, $0x3;
	s11 =	sshrl.u32 s5, $0x1  }
0xc: {  	s12 =	sadd.s32 s8, s2;
	s9 =	sadd.s32 s8, s9;
	s10 =	sadd.s32 s10, s6  }
0xd: {  	s11 =	ssub.s32 s5, s11;
	s7 =	sadd.s32 s7, s6;
	s9 =	sshrl.u32 s9, $0x3  }
0xe: {  	s8 =	smax.u32 s11, $0x1;
	s11 =	sshrl.u32 s12, $0x3;
	s12 =	simm.s32 $0x28A0  }
0xf: {  	s9 =	sadd.s32 s9, s6;
	s5 =	sadd.s32 $0x17DE00, s7;
	s6 =	sadd.s32 $0x188200, s10  }
0x10: {  	s10 =	sor.u32 $0x1C02, s31;
	s7 =	sadd.s32 $0x193000, s9;
	s9 =	simm.s32 $0x2  }
.LBB2_1:
0x11: {  	[tilespmem:s3], [sflag:$0x2] =	stream.linear.gather [hbm4b:s5+s3], $0x28A0, $0x38;
	[tilespmem:$0xF3C0] =	vst v63  }
0x12: {  	_ =	swait.ge [sflag:s9], $0x28A0  }
0x13: {  	[sflag:s9] =	ssyncset.done $0x0  }
0x14: {  	[sflag:s9] =	ssyncadd.s32 $0xFFFFD760  }
0x15: {  	[spmem:s11], [sflag:s10] =	dma.local [hbm:s6], $0x9C4  }
0x16: {  	_ =	swait.ge [sflag:s9], $0x9C4  }
0x17: {  	[sflag:s9] =	ssyncset.done $0x0  }
0x18: {  	[sflag:s9] =	ssyncadd.s32 $0xFFFFF63C  }
0x19: {  	[tilespmem:s12], [sflag:$0x2] =	stream.linear.gather [hbm4b:s4+s3], $0x7D00, $0x38;
	[tilespmem:$0xF3C0] =	vst v63  }
0x1a: {  	_ =	swait.ge [sflag:s9], $0x7D00  }
0x1b: {  	[sflag:s9] =	ssyncset.done $0x0  }
0x1c: {  	[sflag:s9] =	ssyncadd.s32 $0xFFFF8300  }
0x1d: {  	s25 =	simm.s32 $0x0;
	[bflag:$0x0] =	sbarrier.arrive $0xFFFF  }
0x1e: {  	[spmem:s2] =	stream.indirect.scatter.add.f32 [tilespmem:s12], [sflag:$0x1], $0x20, s25, s13, $0xb8;
	[tilespmem:$0xF3C0] =	vst v63  }
0x1f: {  	s31 =	simm.s32 $0x68  }
0x20: {  	[spmem:s2] =	stream.indirect.scatter.add.f32 [tilespmem:s14], [sflag:$0x1], $0x20, s31, s13, $0xb8;
	[tilespmem:$0xF3C0] =	vst v63  }
0x21: {  	s26 =	simm.s32 $0xD0  }
0x22: {  	[spmem:s2] =	stream.indirect.scatter.add.f32 [tilespmem:s15], [sflag:$0x1], $0x20, s26, s13, $0xb8;
	[tilespmem:$0xF3C0] =	vst v63  }
0x23: {  	s29 =	simm.s32 $0x138  }
0x24: {  	[spmem:s2] =	stream.indirect.scatter.add.f32 [tilespmem:s16], [sflag:$0x1], $0x20, s29, s13, $0xb8;
	[tilespmem:$0xF3C0] =	vst v63  }
0x25: {  	s30 =	simm.s32 $0x1A0  }
0x26: {  	[spmem:s2] =	stream.indirect.scatter.add.f32 [tilespmem:s17], [sflag:$0x1], $0x20, s30, s13, $0xb8;
	[tilespmem:$0xF3C0] =	vst v63  }
0x27: {  	s31 =	simm.s32 $0x208  }
0x28: {  	[spmem:s2] =	stream.indirect.scatter.add.f32 [tilespmem:s18], [sflag:$0x1], $0x20, s31, s13, $0xb8;
	[tilespmem:$0xF3C0] =	vst v63  }
0x29: {  	s26 =	simm.s32 $0x270  }
0x2a: {  	[spmem:s2] =	stream.indirect.scatter.add.f32 [tilespmem:s19], [sflag:$0x1], $0x20, s26, s13, $0xb8;
	[tilespmem:$0xF3C0] =	vst v63  }
0x2b: {  	s29 =	simm.s32 $0x2D8  }
0x2c: {  	[spmem:s2] =	stream.indirect.scatter.add.f32 [tilespmem:s20], [sflag:$0x1], $0x20, s29, s13, $0xb8;
	[tilespmem:$0xF3C0] =	vst v63  }
0x2d: {  	s30 =	simm.s32 $0x340  }
0x2e: {  	[spmem:s2] =	stream.indirect.scatter.add.f32 [tilespmem:s21], [sflag:$0x1], $0x20, s30, s13, $0xb8;
	[tilespmem:$0xF3C0] =	vst v63  }
0x2f: {  	s31 =	simm.s32 $0x3A8  }
0x30: {  	[spmem:s2] =	stream.indirect.scatter.add.f32 [tilespmem:s22], [sflag:$0x1], $0x20, s31, s13, $0xb8;
	[tilespmem:$0xF3C0] =	vst v63  }
0x31: {  	_ =	swait.ge [sflag:s23], $0xC80  }
0x32: {  	[sflag:s23] =	ssyncset.done $0x0  }
0x33: {  	[sflag:s23] =	ssyncadd.s32 $0xFFFFF380  }
0x34: {  	_ =	swait.ge [sflag:s23], $0xC80  }
0x35: {  	[sflag:s23] =	ssyncset.done $0x0  }
0x36: {  	[sflag:s23] =	ssyncadd.s32 $0xFFFFF380  }
0x37: {  	_ =	swait.ge [sflag:s23], $0xC80  }
0x38: {  	[sflag:s23] =	ssyncset.done $0x0  }
0x39: {  	[sflag:s23] =	ssyncadd.s32 $0xFFFFF380  }
0x3a: {  	_ =	swait.ge [sflag:s23], $0xC80  }
0x3b: {  	[sflag:s23] =	ssyncset.done $0x0  }
0x3c: {  	[sflag:s23] =	ssyncadd.s32 $0xFFFFF380  }
0x3d: {  	_ =	swait.ge [sflag:s23], $0xC80  }
0x3e: {  	[sflag:s23] =	ssyncset.done $0x0  }
0x3f: {  	[sflag:s23] =	ssyncadd.s32 $0xFFFFF380  }
0x40: {  	_ =	swait.ge [sflag:s23], $0xC80  }
0x41: {  	[sflag:s23] =	ssyncset.done $0x0  }
0x42: {  	[sflag:s23] =	ssyncadd.s32 $0xFFFFF380  }
0x43: {  	_ =	swait.ge [sflag:s23], $0xC80  }
0x44: {  	[sflag:s23] =	ssyncset.done $0x0  }
0x45: {  	[sflag:s23] =	ssyncadd.s32 $0xFFFFF380  }
0x46: {  	_ =	swait.ge [sflag:s23], $0xC80  }
0x47: {  	[sflag:s23] =	ssyncset.done $0x0  }
0x48: {  	[sflag:s23] =	ssyncadd.s32 $0xFFFFF380  }
0x49: {  	_ =	swait.ge [sflag:s23], $0xC80  }
0x4a: {  	[sflag:s23] =	ssyncset.done $0x0  }
0x4b: {  	[sflag:s23] =	ssyncadd.s32 $0xFFFFF380  }
0x4c: {  	_ =	swait.ge [sflag:s23], $0xC80  }
0x4d: {  	s28 =	simm.s32 $0x2080;
	s25 =	simm.s32 $0x1040;
	[sflag:s23] =	ssyncset.done $0x0  }
.LBB2_2:
0x4e: {  	s29 =	sshra.s32 s25, $0x2  }
0x4f: {  	[sflag:s23] =	ssyncadd.s32 $0xFFFFF380;
	s25 =	smov.u32 s28;
	s26 =	sadd.s32 $0x1040, s28  }
0x50: {  	[spmem:s2] =	stream.indirect.scatter.add.f32 [tilespmem:s12], [sflag:$0x1], $0x20, s29, s13, $0xb8;
	[tilespmem:$0xF3C0] =	vst v63  }
0x51: {  	p0 =	sne.s32 s28, $0x9240;
	s28 =	sadd.s32 $0x68, s29  }
0x52: {  	[spmem:s2] =	stream.indirect.scatter.add.f32 [tilespmem:s14], [sflag:$0x1], $0x20, s28, s13, $0xb8;
	[tilespmem:$0xF3C0] =	vst v63  }
0x53: {  	s28 =	sadd.s32 $0xD0, s29  }
0x54: {  	[spmem:s2] =	stream.indirect.scatter.add.f32 [tilespmem:s15], [sflag:$0x1], $0x20, s28, s13, $0xb8;
	[tilespmem:$0xF3C0] =	vst v63  }
0x55: {  	s28 =	sadd.s32 $0x138, s29  }
0x56: {  	[spmem:s2] =	stream.indirect.scatter.add.f32 [tilespmem:s16], [sflag:$0x1], $0x20, s28, s13, $0xb8;
	[tilespmem:$0xF3C0] =	vst v63  }
0x57: {  	s28 =	sadd.s32 $0x1A0, s29  }
0x58: {  	[spmem:s2] =	stream.indirect.scatter.add.f32 [tilespmem:s17], [sflag:$0x1], $0x20, s28, s13, $0xb8;
	[tilespmem:$0xF3C0] =	vst v63  }
0x59: {  	s28 =	sadd.s32 $0x208, s29  }
0x5a: {  	[spmem:s2] =	stream.indirect.scatter.add.f32 [tilespmem:s18], [sflag:$0x1], $0x20, s28, s13, $0xb8;
	[tilespmem:$0xF3C0] =	vst v63  }
0x5b: {  	s28 =	sadd.s32 $0x270, s29  }
0x5c: {  	[spmem:s2] =	stream.indirect.scatter.add.f32 [tilespmem:s19], [sflag:$0x1], $0x20, s28, s13, $0xb8;
	[tilespmem:$0xF3C0] =	vst v63  }
0x5d: {  	s28 =	sadd.s32 $0x2D8, s29  }
0x5e: {  	[spmem:s2] =	stream.indirect.scatter.add.f32 [tilespmem:s20], [sflag:$0x1], $0x20, s28, s13, $0xb8;
	[tilespmem:$0xF3C0] =	vst v63  }
0x5f: {  	s28 =	sadd.s32 $0x340, s29  }
0x60: {  	[spmem:s2] =	stream.indirect.scatter.add.f32 [tilespmem:s21], [sflag:$0x1], $0x20, s28, s13, $0xb8;
	[tilespmem:$0xF3C0] =	vst v63  }
0x61: {  	s28 =	sadd.s32 $0x3A8, s29  }
0x62: {  	[spmem:s2] =	stream.indirect.scatter.add.f32 [tilespmem:s22], [sflag:$0x1], $0x20, s28, s13, $0xb8;
	[tilespmem:$0xF3C0] =	vst v63  }
0x63: {  	_ =	swait.ge [sflag:s23], $0xC80  }
0x64: {  	[sflag:s23] =	ssyncset.done $0x0  }
0x65: {  	[sflag:s23] =	ssyncadd.s32 $0xFFFFF380  }
0x66: {  	_ =	swait.ge [sflag:s23], $0xC80  }
0x67: {  	[sflag:s23] =	ssyncset.done $0x0  }
0x68: {  	[sflag:s23] =	ssyncadd.s32 $0xFFFFF380  }
0x69: {  	_ =	swait.ge [sflag:s23], $0xC80  }
0x6a: {  	[sflag:s23] =	ssyncset.done $0x0  }
0x6b: {  	[sflag:s23] =	ssyncadd.s32 $0xFFFFF380  }
0x6c: {  	_ =	swait.ge [sflag:s23], $0xC80  }
0x6d: {  	[sflag:s23] =	ssyncset.done $0x0  }
0x6e: {  	[sflag:s23] =	ssyncadd.s32 $0xFFFFF380  }
0x6f: {  	_ =	swait.ge [sflag:s23], $0xC80  }
0x70: {  	[sflag:s23] =	ssyncset.done $0x0  }
0x71: {  	[sflag:s23] =	ssyncadd.s32 $0xFFFFF380  }
0x72: {  	_ =	swait.ge [sflag:s23], $0xC80  }
0x73: {  	[sflag:s23] =	ssyncset.done $0x0  }
0x74: {  	[sflag:s23] =	ssyncadd.s32 $0xFFFFF380  }
0x75: {  	_ =	swait.ge [sflag:s23], $0xC80  }
0x76: {  	[sflag:s23] =	ssyncset.done $0x0  }
0x77: {  	[sflag:s23] =	ssyncadd.s32 $0xFFFFF380  }
0x78: {  	_ =	swait.ge [sflag:s23], $0xC80  }
0x79: {  	[sflag:s23] =	ssyncset.done $0x0  }
0x7a: {  	[sflag:s23] =	ssyncadd.s32 $0xFFFFF380  }
.Ltmp0:
0x7b: {  	_ =	swait.ge [sflag:s23], $0xC80;
	(pc) =	sbr.rel @p0 .LBB2_2-.Ltmp0, $4  }
0x7c: {  	[sflag:s23] =	ssyncset.done $0x0  }
0x7d: {  	[sflag:s23] =	ssyncadd.s32 $0xFFFFF380  }
0x7e: {  	_ =	swait.ge [sflag:s23], $0xC80  }
0x7f: {  	s28 =	smov.u32 s26;
	[sflag:s23] =	ssyncset.done $0x0  }
0x80: {  	s25 =	sshra.s32 s25, $0x2;
	[sflag:s23] =	ssyncadd.s32 $0xFFFFF380  }
0x81: {  	[spmem:s2] =	stream.indirect.scatter.add.f32 [tilespmem:s12], [sflag:$0x1], $0x20, s25, s13, $0xb8;
	[tilespmem:$0xF3C0] =	vst v63  }
0x82: {  	s26 =	sadd.s32 $0x68, s25  }
0x83: {  	[spmem:s2] =	stream.indirect.scatter.add.f32 [tilespmem:s14], [sflag:$0x1], $0x20, s26, s13, $0xb8;
	[tilespmem:$0xF3C0] =	vst v63  }
0x84: {  	s29 =	sadd.s32 $0xD0, s25  }
0x85: {  	[spmem:s2] =	stream.indirect.scatter.add.f32 [tilespmem:s15], [sflag:$0x1], $0x20, s29, s13, $0xb8;
	[tilespmem:$0xF3C0] =	vst v63  }
0x86: {  	s30 =	sadd.s32 $0x138, s25  }
0x87: {  	[spmem:s2] =	stream.indirect.scatter.add.f32 [tilespmem:s16], [sflag:$0x1], $0x20, s30, s13, $0xb8;
	[tilespmem:$0xF3C0] =	vst v63  }
0x88: {  	s31 =	sadd.s32 $0x1A0, s25  }
0x89: {  	[spmem:s2] =	stream.indirect.scatter.add.f32 [tilespmem:s17], [sflag:$0x1], $0x20, s31, s13, $0xb8;
	[tilespmem:$0xF3C0] =	vst v63  }
0x8a: {  	s28 =	sadd.s32 $0x208, s25  }
0x8b: {  	[spmem:s2] =	stream.indirect.scatter.add.f32 [tilespmem:s18], [sflag:$0x1], $0x20, s28, s13, $0xb8;
	[tilespmem:$0xF3C0] =	vst v63  }
0x8c: {  	s29 =	sadd.s32 $0x270, s25  }
0x8d: {  	[spmem:s2] =	stream.indirect.scatter.add.f32 [tilespmem:s19], [sflag:$0x1], $0x20, s29, s13, $0xb8;
	[tilespmem:$0xF3C0] =	vst v63  }
0x8e: {  	s30 =	sadd.s32 $0x2D8, s25  }
0x8f: {  	[spmem:s2] =	stream.indirect.scatter.add.f32 [tilespmem:s20], [sflag:$0x1], $0x20, s30, s13, $0xb8;
	[tilespmem:$0xF3C0] =	vst v63  }
0x90: {  	s31 =	sadd.s32 $0x340, s25  }
0x91: {  	[spmem:s2] =	stream.indirect.scatter.add.f32 [tilespmem:s21], [sflag:$0x1], $0x20, s31, s13, $0xb8;
	[tilespmem:$0xF3C0] =	vst v63  }
0x92: {  	s25 =	sadd.s32 $0x3A8, s25  }
0x93: {  	[spmem:s2] =	stream.indirect.scatter.add.f32 [tilespmem:s22], [sflag:$0x1], $0x20, s25, s13, $0xb8;
	[tilespmem:$0xF3C0] =	vst v63  }
0x94: {  	_ =	swait.ge [sflag:s23], $0xC80  }
0x95: {  	[sflag:s23] =	ssyncset.done $0x0  }
0x96: {  	[sflag:s23] =	ssyncadd.s32 $0xFFFFF380  }
0x97: {  	_ =	swait.ge [sflag:s23], $0xC80  }
0x98: {  	[sflag:s23] =	ssyncset.done $0x0  }
0x99: {  	[sflag:s23] =	ssyncadd.s32 $0xFFFFF380  }
0x9a: {  	_ =	swait.ge [sflag:s23], $0xC80  }
0x9b: {  	[sflag:s23] =	ssyncset.done $0x0  }
0x9c: {  	[sflag:s23] =	ssyncadd.s32 $0xFFFFF380  }
0x9d: {  	_ =	swait.ge [sflag:s23], $0xC80  }
0x9e: {  	[sflag:s23] =	ssyncset.done $0x0  }
0x9f: {  	[sflag:s23] =	ssyncadd.s32 $0xFFFFF380  }
0xa0: {  	_ =	swait.ge [sflag:s23], $0xC80  }
0xa1: {  	[sflag:s23] =	ssyncset.done $0x0  }
0xa2: {  	[sflag:s23] =	ssyncadd.s32 $0xFFFFF380  }
0xa3: {  	_ =	swait.ge [sflag:s23], $0xC80  }
0xa4: {  	[sflag:s23] =	ssyncset.done $0x0  }
0xa5: {  	[sflag:s23] =	ssyncadd.s32 $0xFFFFF380  }
0xa6: {  	_ =	swait.ge [sflag:s23], $0xC80  }
0xa7: {  	[sflag:s23] =	ssyncset.done $0x0  }
0xa8: {  	[sflag:s23] =	ssyncadd.s32 $0xFFFFF380  }
0xa9: {  	_ =	swait.ge [sflag:s23], $0xC80  }
0xaa: {  	[sflag:s23] =	ssyncset.done $0x0  }
0xab: {  	[sflag:s23] =	ssyncadd.s32 $0xFFFFF380  }
0xac: {  	_ =	swait.ge [sflag:s23], $0xC80  }
0xad: {  	[sflag:s23] =	ssyncset.done $0x0  }
0xae: {  	[sflag:s23] =	ssyncadd.s32 $0xFFFFF380  }
0xaf: {  	_ =	swait.ge [sflag:s23], $0xC80  }
0xb0: {  	s24 =	sadd.s32 $0x1, s24;
	[sflag:s23] =	ssyncset.done $0x0  }
0xb1: {  	p0 =	sne.s32 s24, s8;
	[sflag:s23] =	ssyncadd.s32 $0xFFFFF380  }
.Ltmp1:
0xb2: {  	[bflag:$0x0] =	sbarrier.arrive $0xFFFF;
	(pc) =	sbr.rel @p0 .LBB2_1-.Ltmp1, $4  }
0xb3: {  	[hbm:s7], [sflag:s10] =	dma.local [spmem:s11], $0x9C4  }
0xb4: {  	_ =	swait.ge [sflag:s9], $0x9C4  }
0xb5: {  	[sflag:s9] =	ssyncset.done $0x0  }
0xb6: {  	[sflag:s9] =	ssyncadd.s32 $0xFFFFF63C  }
0xb7: {  	_ =	sfence.sel $0x180000  }
0xb8: {  	[bflag:$0x0] =	sbarrier.arrive $0xFFFF  }
0xb9: {  	p0 =	sne.s32 s0, $0x0;
	_ =	strace $0x9000004A  }
0xba: {  	s0 =	sadd.s32 @!p0 $0x100000, s1;
	[bflag:$0x2] =	sbarrier.arrive $0xFFFF  }
0xbb: {  	[sflag:s0] =	ssyncadd.tile.s32 @!p0 $0x1;
	_ =	shalt  }
.Lfunc_end2:
_tile_overlayer_lowered:
.L_overlay_start_2:
0xbc: {  	(tag) =	ssettag $0x2  }
0xbd: {  	s0 =	rddreg [dreg:$0x0];
	s2 =	stileid.u32  }
0xbe: {  	s1 =	rddreg [dreg:$0x1];
	p0 =	sne.s32 s2, $0x0  }
0xbf: {  	s3 =	rddreg [dreg:$0x2];
	[bflag:$0x3] =	sbarrier.arrive $0xFFFF;
	s2 =	simm.s32 @!p0 $0x1C02  }
0xc0: {  	[timem:s3], [sflag:s2] =	dma.local @!p0 [hbm:s0], s1  }
0xc1: {  	s0 =	simm.s32 @!p0 $0x2  }
0xc2: {  	_ =	swait.ge @!p0 [sflag:s0], s1  }
0xc3: {  	s1 =	ssub.s32 @!p0 $0x0, s1;
	[sflag:s0] =	ssyncset.done @!p0 $0x0  }
0xc4: {  	[sflag:s0] =	ssyncadd.s32 @!p0 s1  }
0xc5: {  	[bflag:$0x3] =	sbarrier.arrive $0xFFFF  }
0xc6: {  	_ =	shalt  }

// kernel: kernel.20.cloned.1.call-start
scs
__scs_entry_jumppad:
0x0: {  	(pc) =	sbr.rel $0x88, $3  }
0x1: {  	(tag) =	ssettag $0x0;
	lr =	simm.s32 $0x1  }
0x2: {  	[smem:$0x3F84] =	sst lr;
	_ =	strace $0xD0000000  }
0x3: {  	_ = 	snop  }
0x4: {  	_ = 	snop  }
0x5: {  	_ = 	snop  }
0x6: {  	_ = 	snop  }
0x7: {  	_ = 	snop  }
__scs_overlays_trampoline_lowered:
0x8: {  	[smem:$0x3F93] =	sst s0  }
0x9: {  	[smem:$0x3F94] =	sst s1  }
0xa: {  	[smem:$0x3F95] =	sst s2  }
0xb: {  	[smem:$0x3F96] =	sst s3  }
0xc: {  	[smem:$0x3F97] =	sst s4  }
0xd: {  	[smem:$0x3F98] =	sst s5  }
0xe: {  	[smem:$0x3F99] =	sst s6  }
0xf: {  	[smem:$0x3F9A] =	sst s7  }
0x10: {  	[smem:$0x3F9B] =	sst s8  }
0x11: {  	[smem:$0x3F9C] =	sst s9;
	s0 =	simm.s32 @!p0 $0x0  }
0x12: {  	s1 =	sld [smem:$0x3F82];
	s0 =	simm.s32 @p0 $0x1  }
0x13: {  	[smem:$0x3F9D] =	sst s0;
	s0 =	simm.s32 @!p1 $0x0  }
0x14: {  	s2 =	sld [smem:$0x3F81];
	s0 =	simm.s32 @p1 $0x1  }
0x15: {  	[smem:$0x3F9E] =	sst s0;
	s0 =	simm.s32 @!p2 $0x0  }
0x16: {  	s3 =	sld [smem:$0x3FDB];
	s0 =	simm.s32 @p2 $0x1  }
0x17: {  	s4 =	simm.s32 $0x1BF5;
	[smem:$0x3FA0] =	sst s0  }
0x18: {  	s0 =	sld [smem:$0x3F83];
	_ =	swait.ge [sflag:s4], $0x0  }
0x19: {  	s7 =	sld [smem:$0x3F84]  }
0x1a: {  	s8 =	sadd.s32 $0xFFFFE003, lr  }
0x1b: {  	s9 =	sadd.s32 $0xFFFFFEF7, lr;
	s5 =	simm.s32 $0xFFFFFFFF;
	p2 =	slt.u32 s8, $0xFFFFF086  }
0x1c: {  	p1 =	slt.u32 s9, $0xF7A;
	s5 =	simm.s32 @!p2 $0x0  }
0x1d: {  	s5 =	simm.s32 @p1 $0x1;
	p0 =	seq.s32 s7, s2  }
0x1e: {  	s7 =	smul.u32 @!p0 $0xF7A, s2;
	p2 =	seq.s32 @!p0 s5, $0x0  }
0x1f: {  	s9 =	smul.u32 $0xF7A, s1;
	s8 =	simm.s32 @!p0 $0x1BF5;
	p2 =	por !p2, p0  }
0x20: {  	[sflag:s8] =	ssyncset.s32 @!p0 $0xFFFFF086;
	s6 =	sadd.s32 @!p0 s3, s7;
	s7 =	simm.s32 @!p0 $0x108  }
0x21: {  	s3 =	sadd.s32 s3, s9;
	s6 =	sadd.s32 @!p0 $0x88, s6;
	s7 =	simm.s32 @p2 $0x1082  }
0x22: {  	[simem:s7], [sflag:s8] =	dma.local @!p0 [hbm:s6], $0xF7A  }
0x23: {  	s9 =	sor.u32 $0xD0000000, s2;
	s6 =	simm.s32 $0x108;
	_ =	swait.ge @!p0 [sflag:s8], $0x0  }
0x24: {  	s3 =	sadd.s32 $0x88, s3;
	s6 =	simm.s32 @!p1 $0x1082;
	[sflag:s4] =	ssyncset.s32 $0xFFFFF086  }
0x25: {  	[simem:s6], [sflag:s4] =	dma.local [hbm:s3], $0xF7A  }
0x26: {  	[smem:$0x3F84] =	sst s1;
	(tag) =	ssettag s2;
	_ =	strace s9  }
0x27: {  	s1 =	sld [smem:$0x3F94]  }
0x28: {  	s2 =	sld [smem:$0x3F95]  }
0x29: {  	s4 =	sld [smem:$0x3F97]  }
0x2a: {  	p0 =	seq.s32 s5, $0x0;
	s5 =	sld [smem:$0x3F98]  }
0x2b: {  	s6 =	sld [smem:$0x3F99]  }
0x2c: {  	s7 =	sld [smem:$0x3F9A]  }
0x2d: {  	s3 =	simm.s32 $0x108;
	s8 =	sld [smem:$0x3F9B]  }
0x2e: {  	s3 =	simm.s32 @!p0 $0x1082;
	s9 =	sld [smem:$0x3F9C]  }
0x2f: {  	lr =	sadd.s32 s0, s3;
	s0 =	sld [smem:$0x3F93]  }
0x30: {  	s3 =	sld [smem:$0x3F96]  }
0x31: {  	[smem:$0x3F9F] =	sst s10  }
0x32: {  	s10 =	sld [smem:$0x3F9D];
	_ =	sdelay $0x3  }
0x33: {  	p0 =	seq.s32 s10, $0x1;
	s10 =	sld [smem:$0x3F9F];
	_ =	sdelay $0x3  }
0x34: {  	[smem:$0x3F9F] =	sst s10  }
0x35: {  	s10 =	sld [smem:$0x3F9E];
	_ =	sdelay $0x3  }
0x36: {  	p1 =	seq.s32 s10, $0x1;
	s10 =	sld [smem:$0x3F9F];
	_ =	sdelay $0x3  }
0x37: {  	[smem:$0x3F9F] =	sst s10  }
0x38: {  	s10 =	sld [smem:$0x3FA0]  }
0x39: {  	_ = 	snop;
	(pc) =	sbr.ind lr, $3  }
0x3a: {  	_ = 	snop  }
0x3b: {  	_ = 	snop  }
0x3c: {  	p2 =	seq.s32 s10, $0x1;
	s10 =	sld [smem:$0x3F9F]  }
0x3d: {  	_ =	shalt  }
0x3e: {  	_ =	shalt  }
0x3f: {  	_ =	shalt  }
0x40: {  	_ =	shalt  }
0x41: {  	_ =	shalt  }
0x42: {  	_ =	shalt  }
0x43: {  	_ =	shalt  }
0x44: {  	_ =	shalt  }
0x45: {  	_ =	shalt  }
0x46: {  	_ =	shalt  }
0x47: {  	_ =	shalt  }
0x48: {  	_ =	shalt  }
0x49: {  	_ =	shalt  }
0x4a: {  	_ =	shalt  }
0x4b: {  	_ =	shalt  }
0x4c: {  	_ =	shalt  }
0x4d: {  	_ =	shalt  }
0x4e: {  	_ =	shalt  }
0x4f: {  	_ =	shalt  }
0x50: {  	_ =	shalt  }
0x51: {  	_ =	shalt  }
0x52: {  	_ =	shalt  }
0x53: {  	_ =	shalt  }
0x54: {  	_ =	shalt  }
0x55: {  	_ =	shalt  }
0x56: {  	_ =	shalt  }
0x57: {  	_ =	shalt  }
0x58: {  	_ =	shalt  }
0x59: {  	_ =	shalt  }
0x5a: {  	_ =	shalt  }
0x5b: {  	_ =	shalt  }
0x5c: {  	_ =	shalt  }
0x5d: {  	_ =	shalt  }
0x5e: {  	_ =	shalt  }
0x5f: {  	_ =	shalt  }
0x60: {  	_ =	shalt  }
0x61: {  	_ =	shalt  }
0x62: {  	_ =	shalt  }
0x63: {  	_ =	shalt  }
0x64: {  	_ =	shalt  }
0x65: {  	_ =	shalt  }
0x66: {  	_ =	shalt  }
0x67: {  	_ =	shalt  }
0x68: {  	_ =	shalt  }
0x69: {  	_ =	shalt  }
0x6a: {  	_ =	shalt  }
0x6b: {  	_ =	shalt  }
0x6c: {  	_ =	shalt  }
0x6d: {  	_ =	shalt  }
0x6e: {  	_ =	shalt  }
0x6f: {  	_ =	shalt  }
0x70: {  	_ =	shalt  }
0x71: {  	_ =	shalt  }
0x72: {  	_ =	shalt  }
0x73: {  	_ =	shalt  }
0x74: {  	_ =	shalt  }
0x75: {  	_ =	shalt  }
0x76: {  	_ =	shalt  }
0x77: {  	_ =	shalt  }
0x78: {  	_ =	shalt  }
0x79: {  	_ =	shalt  }
0x7a: {  	_ =	shalt  }
0x7b: {  	_ =	shalt  }
0x7c: {  	_ =	shalt  }
0x7d: {  	_ =	shalt  }
0x7e: {  	_ =	shalt  }
0x7f: {  	_ =	shalt  }
0x80: {  	_ =	shalt  }
0x81: {  	_ =	shalt  }
0x82: {  	_ =	shalt  }
0x83: {  	_ =	shalt  }
0x84: {  	_ =	shalt  }
0x85: {  	_ =	shalt  }
0x86: {  	_ =	shalt  }
0x87: {  	_ =	shalt  }
.Lfunc_end0:
.L_simem_size_0:
called_computation.1_lowered:
.L_overlay_start_0:
0x88: {  	s2 =	sld [smem:$0x3FD9]  }
0x89: {  	s3 =	sld [smem:$0x3FFE];
	_ =	sdelay $0x1  }
0x8a: {  	s1 =	srdreg.scid  }
0x8b: {  	s0 =	sand.u32 $0x1, s1  }
0x8c: {  	s16 =	sshll.u32 s0, $0xA;
	s2 =	sadd.s32 s3, s2  }
0x8d: {  	s2 =	sadd.s32 s2, s16  }
0x8e: {  	[smem:$0x3FAB] =	sst s2  }
0x8f: {  	_ = 	snop  }
0x90: {  	(tm) =	ssettm $0x1  }
0x91: {  	s17 =	sld [smem:$0x3FFB];
	_ =	sdelay $0x3  }
0x92: {  	_ =	strace s17  }
0x93: {  	s2 =	sld [smem:$0x3FFC];
	_ =	sdelay $0x3  }
0x94: {  	_ =	strace s2  }
0x95: {  	s2 =	sld [smem:$0x3FFD];
	_ =	sdelay $0x3  }
0x96: {  	_ =	strace s2  }
0x97: {  	_ =	strace $0x8FFFFFFF  }
0x98: {  	s18 =	sld [smem:$0x3FDB];
	_ =	sdelay $0x1  }
0x99: {  	s19 =	simm.s32 $_scs_section_size  }
0x9a: {  	s4 =	simm.s32 $_size__tile_overlayer_lowered;
	s5 =	simm.s32 $_tile_overlayer_lowered  }
0x9b: {  	s22 =	simm.s32 $0x1BFF;
	s21 =	sshll.u32 s5, $0x1;
	s2 =	sadd.s32 s19, s18  }
0x9c: {  	s6 =	simm.s32 $0x0;
	s20 =	sshll.u32 s4, $0x1;
	s4 =	sadd.s32 s21, s2  }
0x9d: {  	[timem:s6], [sflag:s22] =	dma.local [hbm:s4], s20  }
0x9e: {  	_ =	swait.ge [sflag:s22], s20  }
0x9f: {  	s3 =	ssub.s32 $0x0, s20;
	[sflag:s22] =	ssyncset.done $0x0  }
0xa0: {  	[sflag:s22] =	ssyncadd.s32 s3;
	_ =	sdelay $0x1  }
0xa1: {  	s23 =	simm.s32 $0x1B8B  }
0xa2: {  	_ =	swait.ge [sflag:s23], $0x1  }
0xa3: {  	[sflag:s23] =	ssyncset.done $0x0  }
0xa4: {  	s25 =	simm.s32 $0x1B8E;
	s24 =	sld [smem:$0x3FFE];
	[sflag:s23] =	ssyncadd.s32 $0xFFFFFFFF  }
0xa5: {  	s26 =	simm.s32 $execute0_lowered;
	[smem:$0x3FD2] =	sst s25  }
0xa6: {  	s4 =	sshll.u32 s26, $0x1;
	_ =	strace $0x80000046;
	[dreg:$0x1] =	wrdreg $0xFFFFFFFF  }
0xa7: {  	s28 =	simm.s32 $_size_execute0_lowered;
	s2 =	sadd.s32 s2, s4;
	[dreg:$0x0] =	wrdreg $0x0  }
0xa8: {  	s4 =	sshll.u32 s28, $0x1;
	[dreg:$0x2] =	wrdreg s2  }
0xa9: {  	[dreg:$0x3] =	wrdreg s4  }
0xaa: {  	[dreg:$0x4] =	wrdreg $0xC0  }
0xab: {  	_ =	task [dreg:s6], $0x5FFFF  }
0xac: {  	[dreg:$0x1] =	wrdreg $0xFFFFFFFF  }
0xad: {  	[dreg:$0x0] =	wrdreg $0x60  }
0xae: {  	[dreg:$0x2] =	wrdreg s24  }
0xaf: {  	[dreg:$0x3] =	wrdreg $0xA  }
0xb0: {  	_ =	task.clear_ibuf [dreg:s6], $0x4FFFF;
	_ =	strace $0x90000046  }
0xb1: {  	s29 =	simm.s32 $0xA;
	_ =	strace $0x80000048  }
0xb2: {  	_ =	swait.ge [sflag:s29], $0x1  }
0xb3: {  	[sflag:s29] =	ssyncadd.s32 $0xFFFFFFFF  }
0xb4: {  	_ =	strace $0x90000048  }
0xb5: {  	_ =	sfence  }
0xb6: {  	s30 =	sld [smem:$0x0];
	_ =	sdelay $0x2  }
0xb7: {  	s31 =	sshll.u32 s1, $0xD;
	s1 =	sshrl.u32 s1, $0x2  }
0xb8: {  	s3 =	sand.u32 $0x4000, s31;
	s1 =	sadd.s32 s1, s30  }
0xb9: {  	s0 =	sor.u32 s3, s0;
	s1 =	sshll.u32 s1, $0x11  }
0xba: {  	s0 =	sor.u32 s1, s0  }
0xbb: {  	s0 =	sadd.s32 $0x8F2B, s0  }
0xbc: {  	[sflag:s0] =	ssyncadd.remote.s32 $0x1  }
0xbd: {  	_ =	sfence.sel $0xFFFF  }
0xbe: {  	[dreg:$0x0] =	wrdreg $0xFFFFFFFF;
	(pc) =	sbr.abs _section_cstart, $3  }
0xbf: {  	[dreg:$0x1] =	wrdreg $0xFFFFFFFF  }
0xc0: {  	_ =	task.clear_ibuf [dreg:s6], $0x2FFFF;
	_ =	strace $0x9FFFFFFF  }
0xc1: {  	(tm) =	ssettm $0x7FFFFFFF  }
tec
execute0_lowered:
.L_overlay_start_1:
0x0: {  	(tag) =	ssettag $0x1  }
0x1: {  	s1 =	srdreg.scid  }
0x2: {  	s0 =	stileid.u32;
	s4 =	rddreg [dreg:$0x0];
	s2 =	simm.s32 $0x0  }
0x3: {  	s11 =	simm.s32 $0x41A0;
	s12 =	simm.s32 $0x4E20;
	s13 =	simm.s32 $0x5AA0  }
0x4: {  	s14 =	simm.s32 $0x6720;
	s15 =	simm.s32 $0x73A0;
	s16 =	simm.s32 $0x8020  }
0x5: {  	s17 =	simm.s32 $0x8CA0;
	s18 =	simm.s32 $0x9920;
	s19 =	simm.s32 $0x1  }
0x6: {  	s20 =	simm.s32 $0x0;
	s5 =	sand.u32 $0x1, s1;
	s1 =	rddreg [dreg:$0x1]  }
0x7: {  	s3 =	sshll.u32 s0, $0x1;
	[smem:$0x7FF] =	sst s2;
	s7 =	smul.u32 $0x13880, s0  }
0x8: {  	s3 =	sor.u32 s5, s3;
	_ =	strace $0x80000047;
	s10 =	smul.u32 $0x9C40, s5  }
0x9: {  	s8 =	ssub.s32 $0x2, s5;
	s6 =	smul.u32 $0x514, s3;
	s3 =	sadd.s32 $0x3B800, s4  }
0xa: {  	s9 =	sshrl.u32 s8, $0x1;
	s30 =	sadd.s32 s7, s4;
	s7 =	simm.s32 $0x2  }
0xb: {  	s31 =	ssub.s32 s8, s9;
	s8 =	simm.s32 $0x64;
	s9 =	simm.s32 $0x28A0  }
0xc: {  	s29 =	sadd.s32 s6, s4;
	s5 =	smax.u32 s31, $0x1;
	s6 =	sadd.s32 s10, s30  }
0xd: {  	s10 =	simm.s32 $0x3520;
	s4 =	sadd.s32 $0xA200, s29;
	s6 =	sadd.s32 $0x45600, s6  }
.LBB2_1:
0xe: {  	[tilespmem:s2], [sflag:$0x2] =	stream.linear.gather [hbm4b:s4+s2], $0x28A0, $0x38;
	[tilespmem:$0xA5A0] =	vst v63  }
0xf: {  	_ =	swait.ge [sflag:s7], $0x28A0  }
0x10: {  	[sflag:s7] =	ssyncset.done $0x0  }
0x11: {  	s21 =	simm.s32 $0x0;
	[sflag:s7] =	ssyncadd.s32 $0xFFFFD760  }
0x12: {  	[tilespmem:s9], [sflag:$0x1] =	stream.indirect.gather [hbm4b:s3+s8], $0x20, s21, s8, $0xb8;
	[tilespmem:$0xA5A0] =	vst v63  }
0x13: {  	s22 =	simm.s32 $0x68  }
0x14: {  	[tilespmem:s10], [sflag:$0x1] =	stream.indirect.gather [hbm4b:s3+s8], $0x20, s22, s8, $0xb8;
	[tilespmem:$0xA5A0] =	vst v63  }
0x15: {  	s23 =	simm.s32 $0xD0  }
0x16: {  	[tilespmem:s11], [sflag:$0x1] =	stream.indirect.gather [hbm4b:s3+s8], $0x20, s23, s8, $0xb8;
	[tilespmem:$0xA5A0] =	vst v63  }
0x17: {  	s24 =	simm.s32 $0x138  }
0x18: {  	[tilespmem:s12], [sflag:$0x1] =	stream.indirect.gather [hbm4b:s3+s8], $0x20, s24, s8, $0xb8;
	[tilespmem:$0xA5A0] =	vst v63  }
0x19: {  	s25 =	simm.s32 $0x1A0  }
0x1a: {  	[tilespmem:s13], [sflag:$0x1] =	stream.indirect.gather [hbm4b:s3+s8], $0x20, s25, s8, $0xb8;
	[tilespmem:$0xA5A0] =	vst v63  }
0x1b: {  	s26 =	simm.s32 $0x208  }
0x1c: {  	[tilespmem:s14], [sflag:$0x1] =	stream.indirect.gather [hbm4b:s3+s8], $0x20, s26, s8, $0xb8;
	[tilespmem:$0xA5A0] =	vst v63  }
0x1d: {  	s28 =	simm.s32 $0x270  }
0x1e: {  	[tilespmem:s15], [sflag:$0x1] =	stream.indirect.gather [hbm4b:s3+s8], $0x20, s28, s8, $0xb8;
	[tilespmem:$0xA5A0] =	vst v63  }
0x1f: {  	s29 =	simm.s32 $0x2D8  }
0x20: {  	[tilespmem:s16], [sflag:$0x1] =	stream.indirect.gather [hbm4b:s3+s8], $0x20, s29, s8, $0xb8;
	[tilespmem:$0xA5A0] =	vst v63  }
0x21: {  	s30 =	simm.s32 $0x340  }
0x22: {  	[tilespmem:s17], [sflag:$0x1] =	stream.indirect.gather [hbm4b:s3+s8], $0x20, s30, s8, $0xb8;
	[tilespmem:$0xA5A0] =	vst v63  }
0x23: {  	s31 =	simm.s32 $0x3A8  }
0x24: {  	[tilespmem:s18], [sflag:$0x1] =	stream.indirect.gather [hbm4b:s3+s8], $0x20, s31, s8, $0xb8;
	[tilespmem:$0xA5A0] =	vst v63  }
0x25: {  	_ =	swait.ge [sflag:s19], $0xC80  }
0x26: {  	[sflag:s19] =	ssyncset.done $0x0  }
0x27: {  	[sflag:s19] =	ssyncadd.s32 $0xFFFFF380  }
0x28: {  	_ =	swait.ge [sflag:s19], $0xC80  }
0x29: {  	[sflag:s19] =	ssyncset.done $0x0  }
0x2a: {  	[sflag:s19] =	ssyncadd.s32 $0xFFFFF380  }
0x2b: {  	_ =	swait.ge [sflag:s19], $0xC80  }
0x2c: {  	[sflag:s19] =	ssyncset.done $0x0  }
0x2d: {  	[sflag:s19] =	ssyncadd.s32 $0xFFFFF380  }
0x2e: {  	_ =	swait.ge [sflag:s19], $0xC80  }
0x2f: {  	[sflag:s19] =	ssyncset.done $0x0  }
0x30: {  	[sflag:s19] =	ssyncadd.s32 $0xFFFFF380  }
0x31: {  	_ =	swait.ge [sflag:s19], $0xC80  }
0x32: {  	[sflag:s19] =	ssyncset.done $0x0  }
0x33: {  	[sflag:s19] =	ssyncadd.s32 $0xFFFFF380  }
0x34: {  	_ =	swait.ge [sflag:s19], $0xC80  }
0x35: {  	[sflag:s19] =	ssyncset.done $0x0  }
0x36: {  	[sflag:s19] =	ssyncadd.s32 $0xFFFFF380  }
0x37: {  	_ =	swait.ge [sflag:s19], $0xC80  }
0x38: {  	[sflag:s19] =	ssyncset.done $0x0  }
0x39: {  	[sflag:s19] =	ssyncadd.s32 $0xFFFFF380  }
0x3a: {  	_ =	swait.ge [sflag:s19], $0xC80  }
0x3b: {  	[sflag:s19] =	ssyncset.done $0x0  }
0x3c: {  	[sflag:s19] =	ssyncadd.s32 $0xFFFFF380  }
0x3d: {  	_ =	swait.ge [sflag:s19], $0xC80  }
0x3e: {  	[sflag:s19] =	ssyncset.done $0x0  }
0x3f: {  	[sflag:s19] =	ssyncadd.s32 $0xFFFFF380  }
0x40: {  	_ =	swait.ge [sflag:s19], $0xC80  }
0x41: {  	[sflag:s19] =	ssyncset.done $0x0  }
0x42: {  	[sflag:s19] =	ssyncadd.s32 $0xFFFFF380  }
0x43: {  	[hbm4b:s6+s2] =	stream.linear.scatter [tilespmem:s9], [sflag:$0x2], $0x7D00, $0x38;
	[tilespmem:$0xA5A0] =	vst v63  }
0x44: {  	s21 =	sadd.s32 $0xFA0, s6;
	_ =	swait.ge [sflag:s7], $0x7D00  }
0x45: {  	s22 =	simm.s32 $0x1040;
	s24 =	simm.s32 $0x2080;
	[sflag:s7] =	ssyncset.done $0x0  }
.LBB2_2:
0x46: {  	s25 =	sshra.s32 s22, $0x2  }
0x47: {  	[sflag:s7] =	ssyncadd.s32 $0xFFFF8300;
	s22 =	smov.u32 s24;
	s23 =	sadd.s32 $0x1040, s24  }
0x48: {  	[tilespmem:s9], [sflag:$0x1] =	stream.indirect.gather [hbm4b:s3+s8], $0x20, s25, s8, $0xb8;
	[tilespmem:$0xA5A0] =	vst v63  }
0x49: {  	p0 =	sne.s32 s24, $0x9240;
	s24 =	sadd.s32 $0x68, s25  }
0x4a: {  	[tilespmem:s10], [sflag:$0x1] =	stream.indirect.gather [hbm4b:s3+s8], $0x20, s24, s8, $0xb8;
	[tilespmem:$0xA5A0] =	vst v63  }
0x4b: {  	s24 =	sadd.s32 $0xD0, s25  }
0x4c: {  	[tilespmem:s11], [sflag:$0x1] =	stream.indirect.gather [hbm4b:s3+s8], $0x20, s24, s8, $0xb8;
	[tilespmem:$0xA5A0] =	vst v63  }
0x4d: {  	s24 =	sadd.s32 $0x138, s25  }
0x4e: {  	[tilespmem:s12], [sflag:$0x1] =	stream.indirect.gather [hbm4b:s3+s8], $0x20, s24, s8, $0xb8;
	[tilespmem:$0xA5A0] =	vst v63  }
0x4f: {  	s24 =	sadd.s32 $0x1A0, s25  }
0x50: {  	[tilespmem:s13], [sflag:$0x1] =	stream.indirect.gather [hbm4b:s3+s8], $0x20, s24, s8, $0xb8;
	[tilespmem:$0xA5A0] =	vst v63  }
0x51: {  	s24 =	sadd.s32 $0x208, s25  }
0x52: {  	[tilespmem:s14], [sflag:$0x1] =	stream.indirect.gather [hbm4b:s3+s8], $0x20, s24, s8, $0xb8;
	[tilespmem:$0xA5A0] =	vst v63  }
0x53: {  	s24 =	sadd.s32 $0x270, s25  }
0x54: {  	[tilespmem:s15], [sflag:$0x1] =	stream.indirect.gather [hbm4b:s3+s8], $0x20, s24, s8, $0xb8;
	[tilespmem:$0xA5A0] =	vst v63  }
0x55: {  	s24 =	sadd.s32 $0x2D8, s25  }
0x56: {  	[tilespmem:s16], [sflag:$0x1] =	stream.indirect.gather [hbm4b:s3+s8], $0x20, s24, s8, $0xb8;
	[tilespmem:$0xA5A0] =	vst v63  }
0x57: {  	s24 =	sadd.s32 $0x340, s25  }
0x58: {  	[tilespmem:s17], [sflag:$0x1] =	stream.indirect.gather [hbm4b:s3+s8], $0x20, s24, s8, $0xb8;
	[tilespmem:$0xA5A0] =	vst v63  }
0x59: {  	s24 =	sadd.s32 $0x3A8, s25  }
0x5a: {  	[tilespmem:s18], [sflag:$0x1] =	stream.indirect.gather [hbm4b:s3+s8], $0x20, s24, s8, $0xb8;
	[tilespmem:$0xA5A0] =	vst v63  }
0x5b: {  	_ =	swait.ge [sflag:s19], $0xC80  }
0x5c: {  	[sflag:s19] =	ssyncset.done $0x0  }
0x5d: {  	[sflag:s19] =	ssyncadd.s32 $0xFFFFF380  }
0x5e: {  	_ =	swait.ge [sflag:s19], $0xC80  }
0x5f: {  	[sflag:s19] =	ssyncset.done $0x0  }
0x60: {  	[sflag:s19] =	ssyncadd.s32 $0xFFFFF380  }
0x61: {  	_ =	swait.ge [sflag:s19], $0xC80  }
0x62: {  	[sflag:s19] =	ssyncset.done $0x0  }
0x63: {  	[sflag:s19] =	ssyncadd.s32 $0xFFFFF380  }
0x64: {  	_ =	swait.ge [sflag:s19], $0xC80  }
0x65: {  	[sflag:s19] =	ssyncset.done $0x0  }
0x66: {  	[sflag:s19] =	ssyncadd.s32 $0xFFFFF380  }
0x67: {  	_ =	swait.ge [sflag:s19], $0xC80  }
0x68: {  	[sflag:s19] =	ssyncset.done $0x0  }
0x69: {  	[sflag:s19] =	ssyncadd.s32 $0xFFFFF380  }
0x6a: {  	_ =	swait.ge [sflag:s19], $0xC80  }
0x6b: {  	[sflag:s19] =	ssyncset.done $0x0  }
0x6c: {  	[sflag:s19] =	ssyncadd.s32 $0xFFFFF380  }
0x6d: {  	_ =	swait.ge [sflag:s19], $0xC80  }
0x6e: {  	[sflag:s19] =	ssyncset.done $0x0  }
0x6f: {  	[sflag:s19] =	ssyncadd.s32 $0xFFFFF380  }
0x70: {  	_ =	swait.ge [sflag:s19], $0xC80  }
0x71: {  	[sflag:s19] =	ssyncset.done $0x0  }
0x72: {  	[sflag:s19] =	ssyncadd.s32 $0xFFFFF380  }
0x73: {  	_ =	swait.ge [sflag:s19], $0xC80  }
0x74: {  	[sflag:s19] =	ssyncset.done $0x0  }
0x75: {  	[sflag:s19] =	ssyncadd.s32 $0xFFFFF380  }
0x76: {  	_ =	swait.ge [sflag:s19], $0xC80  }
.Ltmp0:
0x77: {  	[sflag:s19] =	ssyncset.done $0x0;
	(pc) =	sbr.rel @p0 .LBB2_2-.Ltmp0, $4  }
0x78: {  	[sflag:s19] =	ssyncadd.s32 $0xFFFFF380  }
0x79: {  	[hbm4b:s21+s2] =	stream.linear.scatter [tilespmem:s9], [sflag:$0x2], $0x7D00, $0x38;
	[tilespmem:$0xA5A0] =	vst v63  }
0x7a: {  	_ =	swait.ge [sflag:s7], $0x7D00  }
0x7b: {  	s24 =	smov.u32 s23;
	s21 =	sadd.s32 $0xFA0, s21;
	[sflag:s7] =	ssyncset.done $0x0  }
0x7c: {  	s22 =	sshra.s32 s22, $0x2;
	[sflag:s7] =	ssyncadd.s32 $0xFFFF8300  }
0x7d: {  	[tilespmem:s9], [sflag:$0x1] =	stream.indirect.gather [hbm4b:s3+s8], $0x20, s22, s8, $0xb8;
	[tilespmem:$0xA5A0] =	vst v63  }
0x7e: {  	s23 =	sadd.s32 $0x68, s22  }
0x7f: {  	[tilespmem:s10], [sflag:$0x1] =	stream.indirect.gather [hbm4b:s3+s8], $0x20, s23, s8, $0xb8;
	[tilespmem:$0xA5A0] =	vst v63  }
0x80: {  	s24 =	sadd.s32 $0xD0, s22  }
0x81: {  	[tilespmem:s11], [sflag:$0x1] =	stream.indirect.gather [hbm4b:s3+s8], $0x20, s24, s8, $0xb8;
	[tilespmem:$0xA5A0] =	vst v63  }
0x82: {  	s25 =	sadd.s32 $0x138, s22  }
0x83: {  	[tilespmem:s12], [sflag:$0x1] =	stream.indirect.gather [hbm4b:s3+s8], $0x20, s25, s8, $0xb8;
	[tilespmem:$0xA5A0] =	vst v63  }
0x84: {  	s26 =	sadd.s32 $0x1A0, s22  }
0x85: {  	[tilespmem:s13], [sflag:$0x1] =	stream.indirect.gather [hbm4b:s3+s8], $0x20, s26, s8, $0xb8;
	[tilespmem:$0xA5A0] =	vst v63  }
0x86: {  	s28 =	sadd.s32 $0x208, s22  }
0x87: {  	[tilespmem:s14], [sflag:$0x1] =	stream.indirect.gather [hbm4b:s3+s8], $0x20, s28, s8, $0xb8;
	[tilespmem:$0xA5A0] =	vst v63  }
0x88: {  	s29 =	sadd.s32 $0x270, s22  }
0x89: {  	[tilespmem:s15], [sflag:$0x1] =	stream.indirect.gather [hbm4b:s3+s8], $0x20, s29, s8, $0xb8;
	[tilespmem:$0xA5A0] =	vst v63  }
0x8a: {  	s30 =	sadd.s32 $0x2D8, s22  }
0x8b: {  	[tilespmem:s16], [sflag:$0x1] =	stream.indirect.gather [hbm4b:s3+s8], $0x20, s30, s8, $0xb8;
	[tilespmem:$0xA5A0] =	vst v63  }
0x8c: {  	s31 =	sadd.s32 $0x340, s22  }
0x8d: {  	[tilespmem:s17], [sflag:$0x1] =	stream.indirect.gather [hbm4b:s3+s8], $0x20, s31, s8, $0xb8;
	[tilespmem:$0xA5A0] =	vst v63  }
0x8e: {  	s22 =	sadd.s32 $0x3A8, s22  }
0x8f: {  	[tilespmem:s18], [sflag:$0x1] =	stream.indirect.gather [hbm4b:s3+s8], $0x20, s22, s8, $0xb8;
	[tilespmem:$0xA5A0] =	vst v63  }
0x90: {  	_ =	swait.ge [sflag:s19], $0xC80  }
0x91: {  	[sflag:s19] =	ssyncset.done $0x0  }
0x92: {  	[sflag:s19] =	ssyncadd.s32 $0xFFFFF380  }
0x93: {  	_ =	swait.ge [sflag:s19], $0xC80  }
0x94: {  	[sflag:s19] =	ssyncset.done $0x0  }
0x95: {  	[sflag:s19] =	ssyncadd.s32 $0xFFFFF380  }
0x96: {  	_ =	swait.ge [sflag:s19], $0xC80  }
0x97: {  	[sflag:s19] =	ssyncset.done $0x0  }
0x98: {  	[sflag:s19] =	ssyncadd.s32 $0xFFFFF380  }
0x99: {  	_ =	swait.ge [sflag:s19], $0xC80  }
0x9a: {  	[sflag:s19] =	ssyncset.done $0x0  }
0x9b: {  	[sflag:s19] =	ssyncadd.s32 $0xFFFFF380  }
0x9c: {  	_ =	swait.ge [sflag:s19], $0xC80  }
0x9d: {  	[sflag:s19] =	ssyncset.done $0x0  }
0x9e: {  	[sflag:s19] =	ssyncadd.s32 $0xFFFFF380  }
0x9f: {  	_ =	swait.ge [sflag:s19], $0xC80  }
0xa0: {  	[sflag:s19] =	ssyncset.done $0x0  }
0xa1: {  	[sflag:s19] =	ssyncadd.s32 $0xFFFFF380  }
0xa2: {  	_ =	swait.ge [sflag:s19], $0xC80  }
0xa3: {  	[sflag:s19] =	ssyncset.done $0x0  }
0xa4: {  	[sflag:s19] =	ssyncadd.s32 $0xFFFFF380  }
0xa5: {  	_ =	swait.ge [sflag:s19], $0xC80  }
0xa6: {  	[sflag:s19] =	ssyncset.done $0x0  }
0xa7: {  	[sflag:s19] =	ssyncadd.s32 $0xFFFFF380  }
0xa8: {  	_ =	swait.ge [sflag:s19], $0xC80  }
0xa9: {  	[sflag:s19] =	ssyncset.done $0x0  }
0xaa: {  	[sflag:s19] =	ssyncadd.s32 $0xFFFFF380  }
0xab: {  	s20 =	sadd.s32 $0x1, s20;
	_ =	swait.ge [sflag:s19], $0xC80  }
0xac: {  	p0 =	sne.s32 s20, s5;
	[sflag:s19] =	ssyncset.done $0x0  }
.Ltmp1:
0xad: {  	[sflag:s19] =	ssyncadd.s32 $0xFFFFF380;
	(pc) =	sbr.rel @p0 .LBB2_1-.Ltmp1, $4  }
0xae: {  	[hbm4b:s21+s2] =	stream.linear.scatter [tilespmem:s9], [sflag:$0x2], $0x7D00, $0x38;
	[tilespmem:$0xA5A0] =	vst v63  }
0xaf: {  	_ =	swait.ge [sflag:s7], $0x7D00  }
0xb0: {  	[sflag:s7] =	ssyncset.done $0x0  }
0xb1: {  	[sflag:s7] =	ssyncadd.s32 $0xFFFF8300  }
0xb2: {  	_ =	sfence.sel $0x180000  }
0xb3: {  	[bflag:$0x0] =	sbarrier.arrive $0xFFFF  }
0xb4: {  	p0 =	sne.s32 s0, $0x0;
	_ =	strace $0x90000047  }
0xb5: {  	s0 =	sadd.s32 @!p0 $0x100000, s1;
	[bflag:$0x2] =	sbarrier.arrive $0xFFFF  }
0xb6: {  	[sflag:s0] =	ssyncadd.tile.s32 @!p0 $0x1;
	_ =	shalt  }
.Lfunc_end2:
_tile_overlayer_lowered:
.L_overlay_start_2:
0xb7: {  	(tag) =	ssettag $0x2  }
0xb8: {  	s0 =	rddreg [dreg:$0x0];
	s2 =	stileid.u32  }
0xb9: {  	s1 =	rddreg [dreg:$0x1];
	p0 =	sne.s32 s2, $0x0  }
0xba: {  	s3 =	rddreg [dreg:$0x2];
	[bflag:$0x3] =	sbarrier.arrive $0xFFFF;
	s2 =	simm.s32 @!p0 $0x1C02  }
0xbb: {  	[timem:s3], [sflag:s2] =	dma.local @!p0 [hbm:s0], s1  }
0xbc: {  	s0 =	simm.s32 @!p0 $0x2  }
0xbd: {  	_ =	swait.ge @!p0 [sflag:s0], s1  }
0xbe: {  	s1 =	ssub.s32 @!p0 $0x0, s1;
	[sflag:s0] =	ssyncset.done @!p0 $0x0  }
0xbf: {  	[sflag:s0] =	ssyncadd.s32 @!p0 s1  }
0xc0: {  	[bflag:$0x3] =	sbarrier.arrive $0xFFFF  }
0xc1: {  	_ =	shalt  }

// kernel: kernel.23.cloned.1.call-start
scs
__scs_entry_jumppad:
0x0: {  	(pc) =	sbr.rel $0x88, $3  }
0x1: {  	(tag) =	ssettag $0x0;
	lr =	simm.s32 $0x1  }
0x2: {  	[smem:$0x3F84] =	sst lr;
	_ =	strace $0xD0000000  }
0x3: {  	_ = 	snop  }
0x4: {  	_ = 	snop  }
0x5: {  	_ = 	snop  }
0x6: {  	_ = 	snop  }
0x7: {  	_ = 	snop  }
__scs_overlays_trampoline_lowered:
0x8: {  	[smem:$0x3F93] =	sst s0  }
0x9: {  	[smem:$0x3F94] =	sst s1  }
0xa: {  	[smem:$0x3F95] =	sst s2  }
0xb: {  	[smem:$0x3F96] =	sst s3  }
0xc: {  	[smem:$0x3F97] =	sst s4  }
0xd: {  	[smem:$0x3F98] =	sst s5  }
0xe: {  	[smem:$0x3F99] =	sst s6  }
0xf: {  	[smem:$0x3F9A] =	sst s7  }
0x10: {  	[smem:$0x3F9B] =	sst s8  }
0x11: {  	[smem:$0x3F9C] =	sst s9;
	s0 =	simm.s32 @!p0 $0x0  }
0x12: {  	s1 =	sld [smem:$0x3F82];
	s0 =	simm.s32 @p0 $0x1  }
0x13: {  	[smem:$0x3F9D] =	sst s0;
	s0 =	simm.s32 @!p1 $0x0  }
0x14: {  	s2 =	sld [smem:$0x3F81];
	s0 =	simm.s32 @p1 $0x1  }
0x15: {  	[smem:$0x3F9E] =	sst s0;
	s0 =	simm.s32 @!p2 $0x0  }
0x16: {  	s3 =	sld [smem:$0x3FDB];
	s0 =	simm.s32 @p2 $0x1  }
0x17: {  	s4 =	simm.s32 $0x1BF5;
	[smem:$0x3FA0] =	sst s0  }
0x18: {  	s0 =	sld [smem:$0x3F83];
	_ =	swait.ge [sflag:s4], $0x0  }
0x19: {  	s7 =	sld [smem:$0x3F84]  }
0x1a: {  	s8 =	sadd.s32 $0xFFFFE003, lr  }
0x1b: {  	s9 =	sadd.s32 $0xFFFFFEF7, lr;
	s5 =	simm.s32 $0xFFFFFFFF;
	p2 =	slt.u32 s8, $0xFFFFF086  }
0x1c: {  	p1 =	slt.u32 s9, $0xF7A;
	s5 =	simm.s32 @!p2 $0x0  }
0x1d: {  	s5 =	simm.s32 @p1 $0x1;
	p0 =	seq.s32 s7, s2  }
0x1e: {  	s7 =	smul.u32 @!p0 $0xF7A, s2;
	p2 =	seq.s32 @!p0 s5, $0x0  }
0x1f: {  	s9 =	smul.u32 $0xF7A, s1;
	s8 =	simm.s32 @!p0 $0x1BF5;
	p2 =	por !p2, p0  }
0x20: {  	[sflag:s8] =	ssyncset.s32 @!p0 $0xFFFFF086;
	s6 =	sadd.s32 @!p0 s3, s7;
	s7 =	simm.s32 @!p0 $0x108  }
0x21: {  	s3 =	sadd.s32 s3, s9;
	s6 =	sadd.s32 @!p0 $0x88, s6;
	s7 =	simm.s32 @p2 $0x1082  }
0x22: {  	[simem:s7], [sflag:s8] =	dma.local @!p0 [hbm:s6], $0xF7A  }
0x23: {  	s9 =	sor.u32 $0xD0000000, s2;
	s6 =	simm.s32 $0x108;
	_ =	swait.ge @!p0 [sflag:s8], $0x0  }
0x24: {  	s3 =	sadd.s32 $0x88, s3;
	s6 =	simm.s32 @!p1 $0x1082;
	[sflag:s4] =	ssyncset.s32 $0xFFFFF086  }
0x25: {  	[simem:s6], [sflag:s4] =	dma.local [hbm:s3], $0xF7A  }
0x26: {  	[smem:$0x3F84] =	sst s1;
	(tag) =	ssettag s2;
	_ =	strace s9  }
0x27: {  	s1 =	sld [smem:$0x3F94]  }
0x28: {  	s2 =	sld [smem:$0x3F95]  }
0x29: {  	s4 =	sld [smem:$0x3F97]  }
0x2a: {  	p0 =	seq.s32 s5, $0x0;
	s5 =	sld [smem:$0x3F98]  }
0x2b: {  	s6 =	sld [smem:$0x3F99]  }
0x2c: {  	s7 =	sld [smem:$0x3F9A]  }
0x2d: {  	s3 =	simm.s32 $0x108;
	s8 =	sld [smem:$0x3F9B]  }
0x2e: {  	s3 =	simm.s32 @!p0 $0x1082;
	s9 =	sld [smem:$0x3F9C]  }
0x2f: {  	lr =	sadd.s32 s0, s3;
	s0 =	sld [smem:$0x3F93]  }
0x30: {  	s3 =	sld [smem:$0x3F96]  }
0x31: {  	[smem:$0x3F9F] =	sst s10  }
0x32: {  	s10 =	sld [smem:$0x3F9D];
	_ =	sdelay $0x3  }
0x33: {  	p0 =	seq.s32 s10, $0x1;
	s10 =	sld [smem:$0x3F9F];
	_ =	sdelay $0x3  }
0x34: {  	[smem:$0x3F9F] =	sst s10  }
0x35: {  	s10 =	sld [smem:$0x3F9E];
	_ =	sdelay $0x3  }
0x36: {  	p1 =	seq.s32 s10, $0x1;
	s10 =	sld [smem:$0x3F9F];
	_ =	sdelay $0x3  }
0x37: {  	[smem:$0x3F9F] =	sst s10  }
0x38: {  	s10 =	sld [smem:$0x3FA0]  }
0x39: {  	_ = 	snop;
	(pc) =	sbr.ind lr, $3  }
0x3a: {  	_ = 	snop  }
0x3b: {  	_ = 	snop  }
0x3c: {  	p2 =	seq.s32 s10, $0x1;
	s10 =	sld [smem:$0x3F9F]  }
0x3d: {  	_ =	shalt  }
0x3e: {  	_ =	shalt  }
0x3f: {  	_ =	shalt  }
0x40: {  	_ =	shalt  }
0x41: {  	_ =	shalt  }
0x42: {  	_ =	shalt  }
0x43: {  	_ =	shalt  }
0x44: {  	_ =	shalt  }
0x45: {  	_ =	shalt  }
0x46: {  	_ =	shalt  }
0x47: {  	_ =	shalt  }
0x48: {  	_ =	shalt  }
0x49: {  	_ =	shalt  }
0x4a: {  	_ =	shalt  }
0x4b: {  	_ =	shalt  }
0x4c: {  	_ =	shalt  }
0x4d: {  	_ =	shalt  }
0x4e: {  	_ =	shalt  }
0x4f: {  	_ =	shalt  }
0x50: {  	_ =	shalt  }
0x51: {  	_ =	shalt  }
0x52: {  	_ =	shalt  }
0x53: {  	_ =	shalt  }
0x54: {  	_ =	shalt  }
0x55: {  	_ =	shalt  }
0x56: {  	_ =	shalt  }
0x57: {  	_ =	shalt  }
0x58: {  	_ =	shalt  }
0x59: {  	_ =	shalt  }
0x5a: {  	_ =	shalt  }
0x5b: {  	_ =	shalt  }
0x5c: {  	_ =	shalt  }
0x5d: {  	_ =	shalt  }
0x5e: {  	_ =	shalt  }
0x5f: {  	_ =	shalt  }
0x60: {  	_ =	shalt  }
0x61: {  	_ =	shalt  }
0x62: {  	_ =	shalt  }
0x63: {  	_ =	shalt  }
0x64: {  	_ =	shalt  }
0x65: {  	_ =	shalt  }
0x66: {  	_ =	shalt  }
0x67: {  	_ =	shalt  }
0x68: {  	_ =	shalt  }
0x69: {  	_ =	shalt  }
0x6a: {  	_ =	shalt  }
0x6b: {  	_ =	shalt  }
0x6c: {  	_ =	shalt  }
0x6d: {  	_ =	shalt  }
0x6e: {  	_ =	shalt  }
0x6f: {  	_ =	shalt  }
0x70: {  	_ =	shalt  }
0x71: {  	_ =	shalt  }
0x72: {  	_ =	shalt  }
0x73: {  	_ =	shalt  }
0x74: {  	_ =	shalt  }
0x75: {  	_ =	shalt  }
0x76: {  	_ =	shalt  }
0x77: {  	_ =	shalt  }
0x78: {  	_ =	shalt  }
0x79: {  	_ =	shalt  }
0x7a: {  	_ =	shalt  }
0x7b: {  	_ =	shalt  }
0x7c: {  	_ =	shalt  }
0x7d: {  	_ =	shalt  }
0x7e: {  	_ =	shalt  }
0x7f: {  	_ =	shalt  }
0x80: {  	_ =	shalt  }
0x81: {  	_ =	shalt  }
0x82: {  	_ =	shalt  }
0x83: {  	_ =	shalt  }
0x84: {  	_ =	shalt  }
0x85: {  	_ =	shalt  }
0x86: {  	_ =	shalt  }
0x87: {  	_ =	shalt  }
.Lfunc_end0:
.L_simem_size_0:
called_computation.2_lowered:
.L_overlay_start_0:
0x88: {  	s2 =	sld [smem:$0x3FD9]  }
0x89: {  	s3 =	sld [smem:$0x3FFE];
	_ =	sdelay $0x1  }
0x8a: {  	s1 =	srdreg.scid  }
0x8b: {  	s0 =	sand.u32 $0x1, s1  }
0x8c: {  	s17 =	sshll.u32 s0, $0xA;
	s2 =	sadd.s32 s3, s2  }
0x8d: {  	s2 =	sadd.s32 s2, s17  }
0x8e: {  	[smem:$0x3FAB] =	sst s2  }
0x8f: {  	_ = 	snop  }
0x90: {  	(tm) =	ssettm $0x1  }
0x91: {  	s18 =	sld [smem:$0x3FFB];
	_ =	sdelay $0x3  }
0x92: {  	_ =	strace s18  }
0x93: {  	s2 =	sld [smem:$0x3FFC];
	_ =	sdelay $0x3  }
0x94: {  	_ =	strace s2  }
0x95: {  	s2 =	sld [smem:$0x3FFD];
	_ =	sdelay $0x3  }
0x96: {  	_ =	strace s2  }
0x97: {  	_ =	strace $0x8FFFFFFF  }
0x98: {  	s19 =	sld [smem:$0x3FDB];
	_ =	sdelay $0x1  }
0x99: {  	s20 =	simm.s32 $_scs_section_size  }
0x9a: {  	s4 =	simm.s32 $_size__tile_overlayer_lowered;
	s5 =	simm.s32 $_tile_overlayer_lowered  }
0x9b: {  	s6 =	simm.s32 $0x1BFF;
	s21 =	sshll.u32 s5, $0x1;
	s3 =	sadd.s32 s20, s19  }
0x9c: {  	s22 =	simm.s32 $0x0;
	s4 =	sshll.u32 s4, $0x1;
	s5 =	sadd.s32 s21, s3  }
0x9d: {  	[timem:s22], [sflag:s6] =	dma.local [hbm:s5], s4  }
0x9e: {  	_ =	swait.ge [sflag:s6], s4  }
0x9f: {  	s4 =	ssub.s32 $0x0, s4;
	[sflag:s6] =	ssyncset.done $0x0  }
0xa0: {  	[sflag:s6] =	ssyncadd.s32 s4;
	_ =	sdelay $0x1  }
0xa1: {  	s23 =	simm.s32 $0x1B8B  }
0xa2: {  	_ =	swait.ge [sflag:s23], $0x1  }
0xa3: {  	[sflag:s23] =	ssyncset.done $0x0  }
0xa4: {  	[sflag:s23] =	ssyncadd.s32 $0xFFFFFFFF  }
0xa5: {  	s4 =	sld [smem:$0x0]  }
0xa6: {  	s5 =	sand.u32 $0xFFFFFFFE, s1  }
0xa7: {  	p0 =	sne.s32 s1, s5  }
0xa8: {  	s5 =	sshll.u32 @p0 s5, $0xE  }
0xa9: {  	s5 =	sadd.s32 @p0 $0x11B8D, s5;
	s6 =	sshll.u32 @p0 s4, $0x11  }
0xaa: {  	s5 =	sor.u32 @p0 s6, s5  }
0xab: {  	[sflag:s5] =	ssyncadd.remote.s32 @p0 $0x1;
	_ =	sdelay $0x1  }
0xac: {  	s5 =	simm.s32 @p0 $0x1B8D  }
0xad: {  	_ =	swait.eq @p0 [sflag:s5], $0x1  }
0xae: {  	[sflag:s5] =	ssyncadd.s32 @p0 $0xFFFFFFFF  }
0xaf: {  	s6 =	sshll.u32 @!p0 s1, $0xE  }
0xb0: {  	s6 =	sor.u32 @!p0 $0x4000, s6;
	s5 =	simm.s32 @!p0 $0x1B8D  }
0xb1: {  	s4 =	sshll.u32 @!p0 s4, $0x11;
	s6 =	sadd.s32 @!p0 $0x11B8D, s6;
	_ =	swait.eq @!p0 [sflag:s5], $0x1  }
0xb2: {  	s4 =	sor.u32 @!p0 s4, s6;
	[sflag:s5] =	ssyncadd.s32 @!p0 $0xFFFFFFFF  }
0xb3: {  	s25 =	simm.s32 $0x1B8E;
	s24 =	sld [smem:$0x3FFE];
	[sflag:s4] =	ssyncadd.remote.s32 @!p0 $0x1  }
0xb4: {  	s26 =	simm.s32 $execute0_lowered;
	[smem:$0x3FD2] =	sst s25  }
0xb5: {  	s5 =	sshll.u32 s26, $0x1;
	_ =	strace $0x8000004C;
	[dreg:$0x1] =	wrdreg $0xFFFFFFFF  }
0xb6: {  	s28 =	simm.s32 $_size_execute0_lowered;
	s3 =	sadd.s32 s3, s5;
	[dreg:$0x0] =	wrdreg $0x0  }
0xb7: {  	s5 =	sshll.u32 s28, $0x1;
	[dreg:$0x2] =	wrdreg s3  }
0xb8: {  	[dreg:$0x3] =	wrdreg s5  }
0xb9: {  	[dreg:$0x4] =	wrdreg $0xC0  }
0xba: {  	_ =	task [dreg:s22], $0x5FFFF  }
0xbb: {  	[dreg:$0x1] =	wrdreg $0xFFFFFFFF  }
0xbc: {  	[dreg:$0x0] =	wrdreg $0x60  }
0xbd: {  	[dreg:$0x2] =	wrdreg s24  }
0xbe: {  	[dreg:$0x3] =	wrdreg $0xA5A00  }
0xbf: {  	[dreg:$0x4] =	wrdreg $0xA  }
0xc0: {  	_ =	task.clear_ibuf [dreg:s22], $0x5FFFF;
	_ =	strace $0x9000004C  }
0xc1: {  	s29 =	simm.s32 $0xA;
	_ =	strace $0x8000004E  }
0xc2: {  	_ =	swait.ge [sflag:s29], $0x1  }
0xc3: {  	[sflag:s29] =	ssyncadd.s32 $0xFFFFFFFF  }
0xc4: {  	_ =	strace $0x9000004E  }
0xc5: {  	_ =	sfence  }
0xc6: {  	s30 =	sld [smem:$0x0];
	_ =	sdelay $0x2  }
0xc7: {  	s31 =	sshll.u32 s1, $0xD;
	s1 =	sshrl.u32 s1, $0x2  }
0xc8: {  	s4 =	sand.u32 $0x4000, s31;
	s1 =	sadd.s32 s1, s30  }
0xc9: {  	s0 =	sor.u32 s4, s0;
	s1 =	sshll.u32 s1, $0x11  }
0xca: {  	s0 =	sor.u32 s1, s0  }
0xcb: {  	s0 =	sadd.s32 $0x8F2B, s0  }
0xcc: {  	[sflag:s0] =	ssyncadd.remote.s32 $0x1  }
0xcd: {  	_ =	sfence.sel $0xFFFF  }
0xce: {  	[dreg:$0x0] =	wrdreg $0xFFFFFFFF;
	(pc) =	sbr.abs _section_cstart, $3  }
0xcf: {  	[dreg:$0x1] =	wrdreg $0xFFFFFFFF  }
0xd0: {  	_ =	task.clear_ibuf [dreg:s22], $0x2FFFF;
	_ =	strace $0x9FFFFFFF  }
0xd1: {  	(tm) =	ssettm $0x7FFFFFFF  }
tec
execute0_lowered:
.L_overlay_start_1:
0x0: {  	(tag) =	ssettag $0x1  }
0x1: {  	s0 =	stileid.u32;
	s5 =	rddreg [dreg:$0x0]  }
0x2: {  	s1 =	srdreg.scid;
	s2 =	rddreg [dreg:$0x1];
	s3 =	simm.s32 $0x0  }
0x3: {  	s14 =	simm.s32 $0x3520;
	s15 =	simm.s32 $0x41A0;
	s16 =	simm.s32 $0x4E20  }
0x4: {  	s17 =	simm.s32 $0x5AA0;
	s18 =	simm.s32 $0x6720;
	s19 =	simm.s32 $0x73A0  }
0x5: {  	s20 =	simm.s32 $0x8020;
	s21 =	simm.s32 $0x8CA0;
	s22 =	simm.s32 $0x9920  }
0x6: {  	s23 =	simm.s32 $0x1;
	s24 =	simm.s32 $0x0;
	s6 =	smul.u32 $0x13880, s0  }
0x7: {  	s4 =	sand.u32 $0x1, s1;
	s25 =	sshll.u32 s0, $0x1;
	s8 =	smul.u32 $0x4E20, s0  }
0x8: {  	[smem:$0x7FF] =	sst s3;
	s31 =	sshll.u32 s0, $0x6;
	s9 =	smul.u32 $0x4E200, s4  }
0x9: {  	s1 =	sor.u32 s4, s25;
	s11 =	ssub.s32 $0x2, s4;
	s29 =	smul.u32 $0x9C40, s4  }
0xa: {  	s7 =	smul.u32 $0x514, s1;
	s1 =	rddreg [dreg:$0x2];
	_ =	strace $0x8000004D  }
0xb: {  	s10 =	sadd.s32 s6, s5;
	s28 =	sshrl.u32 s8, $0x3;
	s12 =	sshrl.u32 s11, $0x1  }
0xc: {  	s13 =	sadd.s32 s8, s2;
	s9 =	sadd.s32 s8, s9;
	s11 =	ssub.s32 s11, s12  }
0xd: {  	s30 =	sadd.s32 s29, s10;
	s10 =	sor.u32 $0x1C02, s31;
	s12 =	simm.s32 $0x28A0  }
0xe: {  	s26 =	sadd.s32 s7, s5;
	s7 =	sadd.s32 s28, s5;
	s9 =	sshrl.u32 s9, $0x3  }
0xf: {  	s8 =	sadd.s32 $0x3B800, s30;
	s9 =	sadd.s32 s9, s5;
	s4 =	sadd.s32 $0x17DE00, s26  }
0x10: {  	s5 =	sadd.s32 $0x188200, s7;
	s7 =	smax.u32 s11, $0x1;
	s11 =	sshrl.u32 s13, $0x3  }
0x11: {  	s13 =	simm.s32 $0x64;
	s6 =	sadd.s32 $0x68AE00, s9;
	s9 =	simm.s32 $0x2  }
.LBB2_1:
0x12: {  	[tilespmem:s3], [sflag:$0x2] =	stream.linear.gather [hbm4b:s4+s3], $0x28A0, $0x38;
	[tilespmem:$0xF3C0] =	vst v63  }
0x13: {  	_ =	swait.ge [sflag:s9], $0x28A0  }
0x14: {  	[sflag:s9] =	ssyncset.done $0x0  }
0x15: {  	[sflag:s9] =	ssyncadd.s32 $0xFFFFD760  }
0x16: {  	[spmem:s11], [sflag:s10] =	dma.local [hbm:s5], $0x9C4  }
0x17: {  	_ =	swait.ge [sflag:s9], $0x9C4  }
0x18: {  	[sflag:s9] =	ssyncset.done $0x0  }
0x19: {  	[sflag:s9] =	ssyncadd.s32 $0xFFFFF63C  }
0x1a: {  	[bflag:$0x0] =	sbarrier.arrive $0xFFFF  }
0x1b: {  	[tilespmem:s12], [sflag:$0x2] =	stream.linear.gather [hbm4b:s8+s3], $0x7D00, $0x38;
	[tilespmem:$0xF3C0] =	vst v63  }
0x1c: {  	_ =	swait.ge [sflag:s9], $0x7D00  }
0x1d: {  	[sflag:s9] =	ssyncset.done $0x0  }
0x1e: {  	s25 =	simm.s32 $0x0;
	[sflag:s9] =	ssyncadd.s32 $0xFFFF8300  }
0x1f: {  	[spmem:s2] =	stream.indirect.scatter.add.f32 [tilespmem:s12], [sflag:$0x1], $0x20, s25, s13, $0xb8;
	[tilespmem:$0xF3C0] =	vst v63  }
0x20: {  	s28 =	simm.s32 $0x68  }
0x21: {  	[spmem:s2] =	stream.indirect.scatter.add.f32 [tilespmem:s14], [sflag:$0x1], $0x20, s28, s13, $0xb8;
	[tilespmem:$0xF3C0] =	vst v63  }
0x22: {  	s29 =	simm.s32 $0xD0  }
0x23: {  	[spmem:s2] =	stream.indirect.scatter.add.f32 [tilespmem:s15], [sflag:$0x1], $0x20, s29, s13, $0xb8;
	[tilespmem:$0xF3C0] =	vst v63  }
0x24: {  	s30 =	simm.s32 $0x138  }
0x25: {  	[spmem:s2] =	stream.indirect.scatter.add.f32 [tilespmem:s16], [sflag:$0x1], $0x20, s30, s13, $0xb8;
	[tilespmem:$0xF3C0] =	vst v63  }
0x26: {  	s31 =	simm.s32 $0x1A0  }
0x27: {  	[spmem:s2] =	stream.indirect.scatter.add.f32 [tilespmem:s17], [sflag:$0x1], $0x20, s31, s13, $0xb8;
	[tilespmem:$0xF3C0] =	vst v63  }
0x28: {  	s26 =	simm.s32 $0x208  }
0x29: {  	[spmem:s2] =	stream.indirect.scatter.add.f32 [tilespmem:s18], [sflag:$0x1], $0x20, s26, s13, $0xb8;
	[tilespmem:$0xF3C0] =	vst v63  }
0x2a: {  	s28 =	simm.s32 $0x270  }
0x2b: {  	[spmem:s2] =	stream.indirect.scatter.add.f32 [tilespmem:s19], [sflag:$0x1], $0x20, s28, s13, $0xb8;
	[tilespmem:$0xF3C0] =	vst v63  }
0x2c: {  	s29 =	simm.s32 $0x2D8  }
0x2d: {  	[spmem:s2] =	stream.indirect.scatter.add.f32 [tilespmem:s20], [sflag:$0x1], $0x20, s29, s13, $0xb8;
	[tilespmem:$0xF3C0] =	vst v63  }
0x2e: {  	s30 =	simm.s32 $0x340  }
0x2f: {  	[spmem:s2] =	stream.indirect.scatter.add.f32 [tilespmem:s21], [sflag:$0x1], $0x20, s30, s13, $0xb8;
	[tilespmem:$0xF3C0] =	vst v63  }
0x30: {  	s31 =	simm.s32 $0x3A8  }
0x31: {  	[spmem:s2] =	stream.indirect.scatter.add.f32 [tilespmem:s22], [sflag:$0x1], $0x20, s31, s13, $0xb8;
	[tilespmem:$0xF3C0] =	vst v63  }
0x32: {  	_ =	swait.ge [sflag:s23], $0xC80  }
0x33: {  	[sflag:s23] =	ssyncset.done $0x0  }
0x34: {  	[sflag:s23] =	ssyncadd.s32 $0xFFFFF380  }
0x35: {  	_ =	swait.ge [sflag:s23], $0xC80  }
0x36: {  	[sflag:s23] =	ssyncset.done $0x0  }
0x37: {  	[sflag:s23] =	ssyncadd.s32 $0xFFFFF380  }
0x38: {  	_ =	swait.ge [sflag:s23], $0xC80  }
0x39: {  	[sflag:s23] =	ssyncset.done $0x0  }
0x3a: {  	[sflag:s23] =	ssyncadd.s32 $0xFFFFF380  }
0x3b: {  	_ =	swait.ge [sflag:s23], $0xC80  }
0x3c: {  	[sflag:s23] =	ssyncset.done $0x0  }
0x3d: {  	[sflag:s23] =	ssyncadd.s32 $0xFFFFF380  }
0x3e: {  	_ =	swait.ge [sflag:s23], $0xC80  }
0x3f: {  	[sflag:s23] =	ssyncset.done $0x0  }
0x40: {  	[sflag:s23] =	ssyncadd.s32 $0xFFFFF380  }
0x41: {  	_ =	swait.ge [sflag:s23], $0xC80  }
0x42: {  	[sflag:s23] =	ssyncset.done $0x0  }
0x43: {  	[sflag:s23] =	ssyncadd.s32 $0xFFFFF380  }
0x44: {  	_ =	swait.ge [sflag:s23], $0xC80  }
0x45: {  	[sflag:s23] =	ssyncset.done $0x0  }
0x46: {  	[sflag:s23] =	ssyncadd.s32 $0xFFFFF380  }
0x47: {  	_ =	swait.ge [sflag:s23], $0xC80  }
0x48: {  	[sflag:s23] =	ssyncset.done $0x0  }
0x49: {  	[sflag:s23] =	ssyncadd.s32 $0xFFFFF380  }
0x4a: {  	_ =	swait.ge [sflag:s23], $0xC80  }
0x4b: {  	[sflag:s23] =	ssyncset.done $0x0  }
0x4c: {  	[sflag:s23] =	ssyncadd.s32 $0xFFFFF380  }
0x4d: {  	_ =	swait.ge [sflag:s23], $0xC80  }
0x4e: {  	s25 =	simm.s32 $0x1040;
	s26 =	smov.u32 s8;
	[sflag:s23] =	ssyncset.done $0x0  }
.LBB2_2:
0x4f: {  	p0 =	sne.s32 s25, $0x9240;
	[sflag:s23] =	ssyncadd.s32 $0xFFFFF380;
	s26 =	sadd.s32 $0xFA0, s26  }
0x50: {  	[tilespmem:s12], [sflag:$0x2] =	stream.linear.gather [hbm4b:s26+s3], $0x7D00, $0x38;
	[tilespmem:$0xF3C0] =	vst v63  }
0x51: {  	s28 =	smov.u32 s25;
	s25 =	sadd.s32 $0x1040, s25;
	_ =	swait.ge [sflag:s9], $0x7D00  }
0x52: {  	[sflag:s9] =	ssyncset.done $0x0  }
0x53: {  	s28 =	sshra.s32 s28, $0x2;
	[sflag:s9] =	ssyncadd.s32 $0xFFFF8300  }
0x54: {  	[spmem:s2] =	stream.indirect.scatter.add.f32 [tilespmem:s12], [sflag:$0x1], $0x20, s28, s13, $0xb8;
	[tilespmem:$0xF3C0] =	vst v63  }
0x55: {  	s29 =	sadd.s32 $0x68, s28  }
0x56: {  	[spmem:s2] =	stream.indirect.scatter.add.f32 [tilespmem:s14], [sflag:$0x1], $0x20, s29, s13, $0xb8;
	[tilespmem:$0xF3C0] =	vst v63  }
0x57: {  	s29 =	sadd.s32 $0xD0, s28  }
0x58: {  	[spmem:s2] =	stream.indirect.scatter.add.f32 [tilespmem:s15], [sflag:$0x1], $0x20, s29, s13, $0xb8;
	[tilespmem:$0xF3C0] =	vst v63  }
0x59: {  	s29 =	sadd.s32 $0x138, s28  }
0x5a: {  	[spmem:s2] =	stream.indirect.scatter.add.f32 [tilespmem:s16], [sflag:$0x1], $0x20, s29, s13, $0xb8;
	[tilespmem:$0xF3C0] =	vst v63  }
0x5b: {  	s29 =	sadd.s32 $0x1A0, s28  }
0x5c: {  	[spmem:s2] =	stream.indirect.scatter.add.f32 [tilespmem:s17], [sflag:$0x1], $0x20, s29, s13, $0xb8;
	[tilespmem:$0xF3C0] =	vst v63  }
0x5d: {  	s29 =	sadd.s32 $0x208, s28  }
0x5e: {  	[spmem:s2] =	stream.indirect.scatter.add.f32 [tilespmem:s18], [sflag:$0x1], $0x20, s29, s13, $0xb8;
	[tilespmem:$0xF3C0] =	vst v63  }
0x5f: {  	s29 =	sadd.s32 $0x270, s28  }
0x60: {  	[spmem:s2] =	stream.indirect.scatter.add.f32 [tilespmem:s19], [sflag:$0x1], $0x20, s29, s13, $0xb8;
	[tilespmem:$0xF3C0] =	vst v63  }
0x61: {  	s29 =	sadd.s32 $0x2D8, s28  }
0x62: {  	[spmem:s2] =	stream.indirect.scatter.add.f32 [tilespmem:s20], [sflag:$0x1], $0x20, s29, s13, $0xb8;
	[tilespmem:$0xF3C0] =	vst v63  }
0x63: {  	s29 =	sadd.s32 $0x340, s28  }
0x64: {  	[spmem:s2] =	stream.indirect.scatter.add.f32 [tilespmem:s21], [sflag:$0x1], $0x20, s29, s13, $0xb8;
	[tilespmem:$0xF3C0] =	vst v63  }
0x65: {  	s28 =	sadd.s32 $0x3A8, s28  }
0x66: {  	[spmem:s2] =	stream.indirect.scatter.add.f32 [tilespmem:s22], [sflag:$0x1], $0x20, s28, s13, $0xb8;
	[tilespmem:$0xF3C0] =	vst v63  }
0x67: {  	_ =	swait.ge [sflag:s23], $0xC80  }
0x68: {  	[sflag:s23] =	ssyncset.done $0x0  }
0x69: {  	[sflag:s23] =	ssyncadd.s32 $0xFFFFF380  }
0x6a: {  	_ =	swait.ge [sflag:s23], $0xC80  }
0x6b: {  	[sflag:s23] =	ssyncset.done $0x0  }
0x6c: {  	[sflag:s23] =	ssyncadd.s32 $0xFFFFF380  }
0x6d: {  	_ =	swait.ge [sflag:s23], $0xC80  }
0x6e: {  	[sflag:s23] =	ssyncset.done $0x0  }
0x6f: {  	[sflag:s23] =	ssyncadd.s32 $0xFFFFF380  }
0x70: {  	_ =	swait.ge [sflag:s23], $0xC80  }
0x71: {  	[sflag:s23] =	ssyncset.done $0x0  }
0x72: {  	[sflag:s23] =	ssyncadd.s32 $0xFFFFF380  }
0x73: {  	_ =	swait.ge [sflag:s23], $0xC80  }
0x74: {  	[sflag:s23] =	ssyncset.done $0x0  }
0x75: {  	[sflag:s23] =	ssyncadd.s32 $0xFFFFF380  }
0x76: {  	_ =	swait.ge [sflag:s23], $0xC80  }
0x77: {  	[sflag:s23] =	ssyncset.done $0x0  }
0x78: {  	[sflag:s23] =	ssyncadd.s32 $0xFFFFF380  }
0x79: {  	_ =	swait.ge [sflag:s23], $0xC80  }
0x7a: {  	[sflag:s23] =	ssyncset.done $0x0  }
0x7b: {  	[sflag:s23] =	ssyncadd.s32 $0xFFFFF380  }
0x7c: {  	_ =	swait.ge [sflag:s23], $0xC80  }
0x7d: {  	[sflag:s23] =	ssyncset.done $0x0  }
0x7e: {  	[sflag:s23] =	ssyncadd.s32 $0xFFFFF380  }
.Ltmp0:
0x7f: {  	_ =	swait.ge [sflag:s23], $0xC80;
	(pc) =	sbr.rel @p0 .LBB2_2-.Ltmp0, $4  }
0x80: {  	[sflag:s23] =	ssyncset.done $0x0  }
0x81: {  	[sflag:s23] =	ssyncadd.s32 $0xFFFFF380  }
0x82: {  	_ =	swait.ge [sflag:s23], $0xC80  }
0x83: {  	[sflag:s23] =	ssyncset.done $0x0  }
0x84: {  	s24 =	sadd.s32 $0x1, s24  }
0x85: {  	[sflag:s23] =	ssyncadd.s32 $0xFFFFF380;
	p0 =	sne.s32 s24, s7  }
.Ltmp1:
0x86: {  	[bflag:$0x0] =	sbarrier.arrive $0xFFFF;
	(pc) =	sbr.rel @p0 .LBB2_1-.Ltmp1, $4  }
0x87: {  	[hbm:s6], [sflag:s10] =	dma.local [spmem:s11], $0x9C4  }
0x88: {  	_ =	swait.ge [sflag:s9], $0x9C4  }
0x89: {  	[sflag:s9] =	ssyncset.done $0x0  }
0x8a: {  	[sflag:s9] =	ssyncadd.s32 $0xFFFFF63C  }
0x8b: {  	_ =	sfence.sel $0x180000  }
0x8c: {  	[bflag:$0x0] =	sbarrier.arrive $0xFFFF  }
0x8d: {  	p0 =	sne.s32 s0, $0x0;
	_ =	strace $0x9000004D  }
0x8e: {  	s0 =	sadd.s32 @!p0 $0x100000, s1;
	[bflag:$0x2] =	sbarrier.arrive $0xFFFF  }
0x8f: {  	[sflag:s0] =	ssyncadd.tile.s32 @!p0 $0x1;
	_ =	shalt  }
.Lfunc_end2:
_tile_overlayer_lowered:
.L_overlay_start_2:
0x90: {  	(tag) =	ssettag $0x2  }
0x91: {  	s0 =	rddreg [dreg:$0x0];
	s2 =	stileid.u32  }
0x92: {  	s1 =	rddreg [dreg:$0x1];
	p0 =	sne.s32 s2, $0x0  }
0x93: {  	s3 =	rddreg [dreg:$0x2];
	[bflag:$0x3] =	sbarrier.arrive $0xFFFF;
	s2 =	simm.s32 @!p0 $0x1C02  }
0x94: {  	[timem:s3], [sflag:s2] =	dma.local @!p0 [hbm:s0], s1  }
0x95: {  	s0 =	simm.s32 @!p0 $0x2  }
0x96: {  	_ =	swait.ge @!p0 [sflag:s0], s1  }
0x97: {  	s1 =	ssub.s32 @!p0 $0x0, s1;
	[sflag:s0] =	ssyncset.done @!p0 $0x0  }
0x98: {  	[sflag:s0] =	ssyncadd.s32 @!p0 s1  }
0x99: {  	[bflag:$0x3] =	sbarrier.arrive $0xFFFF  }
0x9a: {  	_ =	shalt  }

// kernel: kernel.26.cloned.1.call-start
scs
__scs_entry_jumppad:
0x0: {  	(pc) =	sbr.rel $0x88, $3  }
0x1: {  	(tag) =	ssettag $0x0;
	lr =	simm.s32 $0x1  }
0x2: {  	[smem:$0x3F84] =	sst lr;
	_ =	strace $0xD0000000  }
0x3: {  	_ = 	snop  }
0x4: {  	_ = 	snop  }
0x5: {  	_ = 	snop  }
0x6: {  	_ = 	snop  }
0x7: {  	_ = 	snop  }
__scs_overlays_trampoline_lowered:
0x8: {  	[smem:$0x3F93] =	sst s0  }
0x9: {  	[smem:$0x3F94] =	sst s1  }
0xa: {  	[smem:$0x3F95] =	sst s2  }
0xb: {  	[smem:$0x3F96] =	sst s3  }
0xc: {  	[smem:$0x3F97] =	sst s4  }
0xd: {  	[smem:$0x3F98] =	sst s5  }
0xe: {  	[smem:$0x3F99] =	sst s6  }
0xf: {  	[smem:$0x3F9A] =	sst s7  }
0x10: {  	[smem:$0x3F9B] =	sst s8  }
0x11: {  	[smem:$0x3F9C] =	sst s9;
	s0 =	simm.s32 @!p0 $0x0  }
0x12: {  	s1 =	sld [smem:$0x3F82];
	s0 =	simm.s32 @p0 $0x1  }
0x13: {  	[smem:$0x3F9D] =	sst s0;
	s0 =	simm.s32 @!p1 $0x0  }
0x14: {  	s2 =	sld [smem:$0x3F81];
	s0 =	simm.s32 @p1 $0x1  }
0x15: {  	[smem:$0x3F9E] =	sst s0;
	s0 =	simm.s32 @!p2 $0x0  }
0x16: {  	s3 =	sld [smem:$0x3FDB];
	s0 =	simm.s32 @p2 $0x1  }
0x17: {  	s4 =	simm.s32 $0x1BF5;
	[smem:$0x3FA0] =	sst s0  }
0x18: {  	s0 =	sld [smem:$0x3F83];
	_ =	swait.ge [sflag:s4], $0x0  }
0x19: {  	s7 =	sld [smem:$0x3F84]  }
0x1a: {  	s8 =	sadd.s32 $0xFFFFE003, lr  }
0x1b: {  	s9 =	sadd.s32 $0xFFFFFEF7, lr;
	s5 =	simm.s32 $0xFFFFFFFF;
	p2 =	slt.u32 s8, $0xFFFFF086  }
0x1c: {  	p1 =	slt.u32 s9, $0xF7A;
	s5 =	simm.s32 @!p2 $0x0  }
0x1d: {  	s5 =	simm.s32 @p1 $0x1;
	p0 =	seq.s32 s7, s2  }
0x1e: {  	s7 =	smul.u32 @!p0 $0xF7A, s2;
	p2 =	seq.s32 @!p0 s5, $0x0  }
0x1f: {  	s9 =	smul.u32 $0xF7A, s1;
	s8 =	simm.s32 @!p0 $0x1BF5;
	p2 =	por !p2, p0  }
0x20: {  	[sflag:s8] =	ssyncset.s32 @!p0 $0xFFFFF086;
	s6 =	sadd.s32 @!p0 s3, s7;
	s7 =	simm.s32 @!p0 $0x108  }
0x21: {  	s3 =	sadd.s32 s3, s9;
	s6 =	sadd.s32 @!p0 $0x88, s6;
	s7 =	simm.s32 @p2 $0x1082  }
0x22: {  	[simem:s7], [sflag:s8] =	dma.local @!p0 [hbm:s6], $0xF7A  }
0x23: {  	s9 =	sor.u32 $0xD0000000, s2;
	s6 =	simm.s32 $0x108;
	_ =	swait.ge @!p0 [sflag:s8], $0x0  }
0x24: {  	s3 =	sadd.s32 $0x88, s3;
	s6 =	simm.s32 @!p1 $0x1082;
	[sflag:s4] =	ssyncset.s32 $0xFFFFF086  }
0x25: {  	[simem:s6], [sflag:s4] =	dma.local [hbm:s3], $0xF7A  }
0x26: {  	[smem:$0x3F84] =	sst s1;
	(tag) =	ssettag s2;
	_ =	strace s9  }
0x27: {  	s1 =	sld [smem:$0x3F94]  }
0x28: {  	s2 =	sld [smem:$0x3F95]  }
0x29: {  	s4 =	sld [smem:$0x3F97]  }
0x2a: {  	p0 =	seq.s32 s5, $0x0;
	s5 =	sld [smem:$0x3F98]  }
0x2b: {  	s6 =	sld [smem:$0x3F99]  }
0x2c: {  	s7 =	sld [smem:$0x3F9A]  }
0x2d: {  	s3 =	simm.s32 $0x108;
	s8 =	sld [smem:$0x3F9B]  }
0x2e: {  	s3 =	simm.s32 @!p0 $0x1082;
	s9 =	sld [smem:$0x3F9C]  }
0x2f: {  	lr =	sadd.s32 s0, s3;
	s0 =	sld [smem:$0x3F93]  }
0x30: {  	s3 =	sld [smem:$0x3F96]  }
0x31: {  	[smem:$0x3F9F] =	sst s10  }
0x32: {  	s10 =	sld [smem:$0x3F9D];
	_ =	sdelay $0x3  }
0x33: {  	p0 =	seq.s32 s10, $0x1;
	s10 =	sld [smem:$0x3F9F];
	_ =	sdelay $0x3  }
0x34: {  	[smem:$0x3F9F] =	sst s10  }
0x35: {  	s10 =	sld [smem:$0x3F9E];
	_ =	sdelay $0x3  }
0x36: {  	p1 =	seq.s32 s10, $0x1;
	s10 =	sld [smem:$0x3F9F];
	_ =	sdelay $0x3  }
0x37: {  	[smem:$0x3F9F] =	sst s10  }
0x38: {  	s10 =	sld [smem:$0x3FA0]  }
0x39: {  	_ = 	snop;
	(pc) =	sbr.ind lr, $3  }
0x3a: {  	_ = 	snop  }
0x3b: {  	_ = 	snop  }
0x3c: {  	p2 =	seq.s32 s10, $0x1;
	s10 =	sld [smem:$0x3F9F]  }
0x3d: {  	_ =	shalt  }
0x3e: {  	_ =	shalt  }
0x3f: {  	_ =	shalt  }
0x40: {  	_ =	shalt  }
0x41: {  	_ =	shalt  }
0x42: {  	_ =	shalt  }
0x43: {  	_ =	shalt  }
0x44: {  	_ =	shalt  }
0x45: {  	_ =	shalt  }
0x46: {  	_ =	shalt  }
0x47: {  	_ =	shalt  }
0x48: {  	_ =	shalt  }
0x49: {  	_ =	shalt  }
0x4a: {  	_ =	shalt  }
0x4b: {  	_ =	shalt  }
0x4c: {  	_ =	shalt  }
0x4d: {  	_ =	shalt  }
0x4e: {  	_ =	shalt  }
0x4f: {  	_ =	shalt  }
0x50: {  	_ =	shalt  }
0x51: {  	_ =	shalt  }
0x52: {  	_ =	shalt  }
0x53: {  	_ =	shalt  }
0x54: {  	_ =	shalt  }
0x55: {  	_ =	shalt  }
0x56: {  	_ =	shalt  }
0x57: {  	_ =	shalt  }
0x58: {  	_ =	shalt  }
0x59: {  	_ =	shalt  }
0x5a: {  	_ =	shalt  }
0x5b: {  	_ =	shalt  }
0x5c: {  	_ =	shalt  }
0x5d: {  	_ =	shalt  }
0x5e: {  	_ =	shalt  }
0x5f: {  	_ =	shalt  }
0x60: {  	_ =	shalt  }
0x61: {  	_ =	shalt  }
0x62: {  	_ =	shalt  }
0x63: {  	_ =	shalt  }
0x64: {  	_ =	shalt  }
0x65: {  	_ =	shalt  }
0x66: {  	_ =	shalt  }
0x67: {  	_ =	shalt  }
0x68: {  	_ =	shalt  }
0x69: {  	_ =	shalt  }
0x6a: {  	_ =	shalt  }
0x6b: {  	_ =	shalt  }
0x6c: {  	_ =	shalt  }
0x6d: {  	_ =	shalt  }
0x6e: {  	_ =	shalt  }
0x6f: {  	_ =	shalt  }
0x70: {  	_ =	shalt  }
0x71: {  	_ =	shalt  }
0x72: {  	_ =	shalt  }
0x73: {  	_ =	shalt  }
0x74: {  	_ =	shalt  }
0x75: {  	_ =	shalt  }
0x76: {  	_ =	shalt  }
0x77: {  	_ =	shalt  }
0x78: {  	_ =	shalt  }
0x79: {  	_ =	shalt  }
0x7a: {  	_ =	shalt  }
0x7b: {  	_ =	shalt  }
0x7c: {  	_ =	shalt  }
0x7d: {  	_ =	shalt  }
0x7e: {  	_ =	shalt  }
0x7f: {  	_ =	shalt  }
0x80: {  	_ =	shalt  }
0x81: {  	_ =	shalt  }
0x82: {  	_ =	shalt  }
0x83: {  	_ =	shalt  }
0x84: {  	_ =	shalt  }
0x85: {  	_ =	shalt  }
0x86: {  	_ =	shalt  }
0x87: {  	_ =	shalt  }
.Lfunc_end0:
.L_simem_size_0:
called_computation.3_lowered:
.L_overlay_start_0:
0x88: {  	s2 =	sld [smem:$0x3FD9]  }
0x89: {  	s3 =	sld [smem:$0x3FFE];
	_ =	sdelay $0x1  }
0x8a: {  	s1 =	srdreg.scid  }
0x8b: {  	s0 =	sand.u32 $0x1, s1  }
0x8c: {  	s16 =	sshll.u32 s0, $0xA;
	s2 =	sadd.s32 s3, s2  }
0x8d: {  	s2 =	sadd.s32 s2, s16  }
0x8e: {  	[smem:$0x3FAB] =	sst s2  }
0x8f: {  	_ = 	snop  }
0x90: {  	(tm) =	ssettm $0x1  }
0x91: {  	s17 =	sld [smem:$0x3FFB];
	_ =	sdelay $0x3  }
0x92: {  	_ =	strace s17  }
0x93: {  	s2 =	sld [smem:$0x3FFC];
	_ =	sdelay $0x3  }
0x94: {  	_ =	strace s2  }
0x95: {  	s2 =	sld [smem:$0x3FFD];
	_ =	sdelay $0x3  }
0x96: {  	_ =	strace s2  }
0x97: {  	_ =	strace $0x8FFFFFFF  }
0x98: {  	s18 =	sld [smem:$0x3FDB];
	_ =	sdelay $0x1  }
0x99: {  	s19 =	simm.s32 $_scs_section_size  }
0x9a: {  	s4 =	simm.s32 $_size__tile_overlayer_lowered;
	s5 =	simm.s32 $_tile_overlayer_lowered  }
0x9b: {  	s22 =	simm.s32 $0x1BFF;
	s21 =	sshll.u32 s5, $0x1;
	s2 =	sadd.s32 s19, s18  }
0x9c: {  	s6 =	simm.s32 $0x0;
	s20 =	sshll.u32 s4, $0x1;
	s4 =	sadd.s32 s21, s2  }
0x9d: {  	[timem:s6], [sflag:s22] =	dma.local [hbm:s4], s20  }
0x9e: {  	_ =	swait.ge [sflag:s22], s20  }
0x9f: {  	s3 =	ssub.s32 $0x0, s20;
	[sflag:s22] =	ssyncset.done $0x0  }
0xa0: {  	[sflag:s22] =	ssyncadd.s32 s3;
	_ =	sdelay $0x1  }
0xa1: {  	s23 =	simm.s32 $0x1B8B  }
0xa2: {  	_ =	swait.ge [sflag:s23], $0x1  }
0xa3: {  	[sflag:s23] =	ssyncset.done $0x0  }
0xa4: {  	s25 =	simm.s32 $0x1B8E;
	s24 =	sld [smem:$0x3FFE];
	[sflag:s23] =	ssyncadd.s32 $0xFFFFFFFF  }
0xa5: {  	s26 =	simm.s32 $execute0_lowered;
	[smem:$0x3FD2] =	sst s25  }
0xa6: {  	s4 =	sshll.u32 s26, $0x1;
	_ =	strace $0x8000004F;
	[dreg:$0x1] =	wrdreg $0xFFFFFFFF  }
0xa7: {  	s28 =	simm.s32 $_size_execute0_lowered;
	s2 =	sadd.s32 s2, s4;
	[dreg:$0x0] =	wrdreg $0x0  }
0xa8: {  	s4 =	sshll.u32 s28, $0x1;
	[dreg:$0x2] =	wrdreg s2  }
0xa9: {  	[dreg:$0x3] =	wrdreg s4  }
0xaa: {  	[dreg:$0x4] =	wrdreg $0xC0  }
0xab: {  	_ =	task [dreg:s6], $0x5FFFF  }
0xac: {  	[dreg:$0x1] =	wrdreg $0xFFFFFFFF  }
0xad: {  	[dreg:$0x0] =	wrdreg $0x60  }
0xae: {  	[dreg:$0x2] =	wrdreg s24  }
0xaf: {  	[dreg:$0x3] =	wrdreg $0x9  }
0xb0: {  	_ =	task.clear_ibuf [dreg:s6], $0x4FFFF;
	_ =	strace $0x9000004F  }
0xb1: {  	s29 =	simm.s32 $0x9;
	_ =	strace $0x80000051  }
0xb2: {  	_ =	swait.ge [sflag:s29], $0x1  }
0xb3: {  	[sflag:s29] =	ssyncadd.s32 $0xFFFFFFFF  }
0xb4: {  	_ =	strace $0x90000051  }
0xb5: {  	_ =	sfence  }
0xb6: {  	s30 =	sld [smem:$0x0];
	_ =	sdelay $0x2  }
0xb7: {  	s31 =	sshll.u32 s1, $0xD;
	s1 =	sshrl.u32 s1, $0x2  }
0xb8: {  	s3 =	sand.u32 $0x4000, s31;
	s1 =	sadd.s32 s1, s30  }
0xb9: {  	s0 =	sor.u32 s3, s0;
	s1 =	sshll.u32 s1, $0x11  }
0xba: {  	s0 =	sor.u32 s1, s0  }
0xbb: {  	s0 =	sadd.s32 $0x8F2B, s0  }
0xbc: {  	[sflag:s0] =	ssyncadd.remote.s32 $0x1  }
0xbd: {  	_ =	sfence.sel $0xFFFF  }
0xbe: {  	[dreg:$0x0] =	wrdreg $0xFFFFFFFF;
	(pc) =	sbr.abs _section_cstart, $3  }
0xbf: {  	[dreg:$0x1] =	wrdreg $0xFFFFFFFF  }
0xc0: {  	_ =	task.clear_ibuf [dreg:s6], $0x2FFFF;
	_ =	strace $0x9FFFFFFF  }
0xc1: {  	(tm) =	ssettm $0x7FFFFFFF  }
tec
execute0_lowered:
.L_overlay_start_1:
0x0: {  	(tag) =	ssettag $0x1  }
0x1: {  	s1 =	srdreg.scid  }
0x2: {  	s0 =	stileid.u32;
	s4 =	rddreg [dreg:$0x0];
	s2 =	simm.s32 $0x0  }
0x3: {  	s11 =	simm.s32 $0x41A0;
	s12 =	simm.s32 $0x4E20;
	s13 =	simm.s32 $0x5AA0  }
0x4: {  	s14 =	simm.s32 $0x6720;
	s15 =	simm.s32 $0x73A0;
	s16 =	simm.s32 $0x8020  }
0x5: {  	s17 =	simm.s32 $0x8CA0;
	s18 =	simm.s32 $0x9920;
	s19 =	simm.s32 $0x1  }
0x6: {  	s20 =	simm.s32 $0x0;
	s5 =	sand.u32 $0x1, s1;
	s1 =	rddreg [dreg:$0x1]  }
0x7: {  	s3 =	sshll.u32 s0, $0x1;
	[smem:$0x7FF] =	sst s2;
	s7 =	smul.u32 $0x13880, s0  }
0x8: {  	s3 =	sor.u32 s5, s3;
	_ =	strace $0x80000050;
	s10 =	smul.u32 $0x9C40, s5  }
0x9: {  	s8 =	ssub.s32 $0x2, s5;
	s6 =	smul.u32 $0x514, s3;
	s3 =	sadd.s32 $0x68AE00, s4  }
0xa: {  	s9 =	sshrl.u32 s8, $0x1;
	s30 =	sadd.s32 s7, s4;
	s7 =	simm.s32 $0x2  }
0xb: {  	s31 =	ssub.s32 s8, s9;
	s8 =	simm.s32 $0x64;
	s9 =	simm.s32 $0x28A0  }
0xc: {  	s29 =	sadd.s32 s6, s4;
	s5 =	smax.u32 s31, $0x1;
	s6 =	sadd.s32 s10, s30  }
0xd: {  	s10 =	simm.s32 $0x3520;
	s4 =	sadd.s32 $0xA200, s29;
	s6 =	sadd.s32 $0x3B800, s6  }
.LBB2_1:
0xe: {  	[tilespmem:s2], [sflag:$0x2] =	stream.linear.gather [hbm4b:s4+s2], $0x28A0, $0x38;
	[tilespmem:$0xA5A0] =	vst v63  }
0xf: {  	_ =	swait.ge [sflag:s7], $0x28A0  }
0x10: {  	[sflag:s7] =	ssyncset.done $0x0  }
0x11: {  	s21 =	simm.s32 $0x0;
	[sflag:s7] =	ssyncadd.s32 $0xFFFFD760  }
0x12: {  	[tilespmem:s9], [sflag:$0x1] =	stream.indirect.gather [hbm4b:s3+s8], $0x20, s21, s8, $0xb8;
	[tilespmem:$0xA5A0] =	vst v63  }
0x13: {  	s22 =	simm.s32 $0x68  }
0x14: {  	[tilespmem:s10], [sflag:$0x1] =	stream.indirect.gather [hbm4b:s3+s8], $0x20, s22, s8, $0xb8;
	[tilespmem:$0xA5A0] =	vst v63  }
0x15: {  	s23 =	simm.s32 $0xD0  }
0x16: {  	[tilespmem:s11], [sflag:$0x1] =	stream.indirect.gather [hbm4b:s3+s8], $0x20, s23, s8, $0xb8;
	[tilespmem:$0xA5A0] =	vst v63  }
0x17: {  	s24 =	simm.s32 $0x138  }
0x18: {  	[tilespmem:s12], [sflag:$0x1] =	stream.indirect.gather [hbm4b:s3+s8], $0x20, s24, s8, $0xb8;
	[tilespmem:$0xA5A0] =	vst v63  }
0x19: {  	s25 =	simm.s32 $0x1A0  }
0x1a: {  	[tilespmem:s13], [sflag:$0x1] =	stream.indirect.gather [hbm4b:s3+s8], $0x20, s25, s8, $0xb8;
	[tilespmem:$0xA5A0] =	vst v63  }
0x1b: {  	s26 =	simm.s32 $0x208  }
0x1c: {  	[tilespmem:s14], [sflag:$0x1] =	stream.indirect.gather [hbm4b:s3+s8], $0x20, s26, s8, $0xb8;
	[tilespmem:$0xA5A0] =	vst v63  }
0x1d: {  	s28 =	simm.s32 $0x270  }
0x1e: {  	[tilespmem:s15], [sflag:$0x1] =	stream.indirect.gather [hbm4b:s3+s8], $0x20, s28, s8, $0xb8;
	[tilespmem:$0xA5A0] =	vst v63  }
0x1f: {  	s29 =	simm.s32 $0x2D8  }
0x20: {  	[tilespmem:s16], [sflag:$0x1] =	stream.indirect.gather [hbm4b:s3+s8], $0x20, s29, s8, $0xb8;
	[tilespmem:$0xA5A0] =	vst v63  }
0x21: {  	s30 =	simm.s32 $0x340  }
0x22: {  	[tilespmem:s17], [sflag:$0x1] =	stream.indirect.gather [hbm4b:s3+s8], $0x20, s30, s8, $0xb8;
	[tilespmem:$0xA5A0] =	vst v63  }
0x23: {  	s31 =	simm.s32 $0x3A8  }
0x24: {  	[tilespmem:s18], [sflag:$0x1] =	stream.indirect.gather [hbm4b:s3+s8], $0x20, s31, s8, $0xb8;
	[tilespmem:$0xA5A0] =	vst v63  }
0x25: {  	_ =	swait.ge [sflag:s19], $0xC80  }
0x26: {  	[sflag:s19] =	ssyncset.done $0x0  }
0x27: {  	[sflag:s19] =	ssyncadd.s32 $0xFFFFF380  }
0x28: {  	_ =	swait.ge [sflag:s19], $0xC80  }
0x29: {  	[sflag:s19] =	ssyncset.done $0x0  }
0x2a: {  	[sflag:s19] =	ssyncadd.s32 $0xFFFFF380  }
0x2b: {  	_ =	swait.ge [sflag:s19], $0xC80  }
0x2c: {  	[sflag:s19] =	ssyncset.done $0x0  }
0x2d: {  	[sflag:s19] =	ssyncadd.s32 $0xFFFFF380  }
0x2e: {  	_ =	swait.ge [sflag:s19], $0xC80  }
0x2f: {  	[sflag:s19] =	ssyncset.done $0x0  }
0x30: {  	[sflag:s19] =	ssyncadd.s32 $0xFFFFF380  }
0x31: {  	_ =	swait.ge [sflag:s19], $0xC80  }
0x32: {  	[sflag:s19] =	ssyncset.done $0x0  }
0x33: {  	[sflag:s19] =	ssyncadd.s32 $0xFFFFF380  }
0x34: {  	_ =	swait.ge [sflag:s19], $0xC80  }
0x35: {  	[sflag:s19] =	ssyncset.done $0x0  }
0x36: {  	[sflag:s19] =	ssyncadd.s32 $0xFFFFF380  }
0x37: {  	_ =	swait.ge [sflag:s19], $0xC80  }
0x38: {  	[sflag:s19] =	ssyncset.done $0x0  }
0x39: {  	[sflag:s19] =	ssyncadd.s32 $0xFFFFF380  }
0x3a: {  	_ =	swait.ge [sflag:s19], $0xC80  }
0x3b: {  	[sflag:s19] =	ssyncset.done $0x0  }
0x3c: {  	[sflag:s19] =	ssyncadd.s32 $0xFFFFF380  }
0x3d: {  	_ =	swait.ge [sflag:s19], $0xC80  }
0x3e: {  	[sflag:s19] =	ssyncset.done $0x0  }
0x3f: {  	[sflag:s19] =	ssyncadd.s32 $0xFFFFF380  }
0x40: {  	_ =	swait.ge [sflag:s19], $0xC80  }
0x41: {  	[sflag:s19] =	ssyncset.done $0x0  }
0x42: {  	[sflag:s19] =	ssyncadd.s32 $0xFFFFF380  }
0x43: {  	[hbm4b:s6+s2] =	stream.linear.scatter [tilespmem:s9], [sflag:$0x2], $0x7D00, $0x38;
	[tilespmem:$0xA5A0] =	vst v63  }
0x44: {  	s21 =	sadd.s32 $0xFA0, s6;
	_ =	swait.ge [sflag:s7], $0x7D00  }
0x45: {  	s22 =	simm.s32 $0x1040;
	s24 =	simm.s32 $0x2080;
	[sflag:s7] =	ssyncset.done $0x0  }
.LBB2_2:
0x46: {  	s25 =	sshra.s32 s22, $0x2  }
0x47: {  	[sflag:s7] =	ssyncadd.s32 $0xFFFF8300;
	s22 =	smov.u32 s24;
	s23 =	sadd.s32 $0x1040, s24  }
0x48: {  	[tilespmem:s9], [sflag:$0x1] =	stream.indirect.gather [hbm4b:s3+s8], $0x20, s25, s8, $0xb8;
	[tilespmem:$0xA5A0] =	vst v63  }
0x49: {  	p0 =	sne.s32 s24, $0x9240;
	s24 =	sadd.s32 $0x68, s25  }
0x4a: {  	[tilespmem:s10], [sflag:$0x1] =	stream.indirect.gather [hbm4b:s3+s8], $0x20, s24, s8, $0xb8;
	[tilespmem:$0xA5A0] =	vst v63  }
0x4b: {  	s24 =	sadd.s32 $0xD0, s25  }
0x4c: {  	[tilespmem:s11], [sflag:$0x1] =	stream.indirect.gather [hbm4b:s3+s8], $0x20, s24, s8, $0xb8;
	[tilespmem:$0xA5A0] =	vst v63  }
0x4d: {  	s24 =	sadd.s32 $0x138, s25  }
0x4e: {  	[tilespmem:s12], [sflag:$0x1] =	stream.indirect.gather [hbm4b:s3+s8], $0x20, s24, s8, $0xb8;
	[tilespmem:$0xA5A0] =	vst v63  }
0x4f: {  	s24 =	sadd.s32 $0x1A0, s25  }
0x50: {  	[tilespmem:s13], [sflag:$0x1] =	stream.indirect.gather [hbm4b:s3+s8], $0x20, s24, s8, $0xb8;
	[tilespmem:$0xA5A0] =	vst v63  }
0x51: {  	s24 =	sadd.s32 $0x208, s25  }
0x52: {  	[tilespmem:s14], [sflag:$0x1] =	stream.indirect.gather [hbm4b:s3+s8], $0x20, s24, s8, $0xb8;
	[tilespmem:$0xA5A0] =	vst v63  }
0x53: {  	s24 =	sadd.s32 $0x270, s25  }
0x54: {  	[tilespmem:s15], [sflag:$0x1] =	stream.indirect.gather [hbm4b:s3+s8], $0x20, s24, s8, $0xb8;
	[tilespmem:$0xA5A0] =	vst v63  }
0x55: {  	s24 =	sadd.s32 $0x2D8, s25  }
0x56: {  	[tilespmem:s16], [sflag:$0x1] =	stream.indirect.gather [hbm4b:s3+s8], $0x20, s24, s8, $0xb8;
	[tilespmem:$0xA5A0] =	vst v63  }
0x57: {  	s24 =	sadd.s32 $0x340, s25  }
0x58: {  	[tilespmem:s17], [sflag:$0x1] =	stream.indirect.gather [hbm4b:s3+s8], $0x20, s24, s8, $0xb8;
	[tilespmem:$0xA5A0] =	vst v63  }
0x59: {  	s24 =	sadd.s32 $0x3A8, s25  }
0x5a: {  	[tilespmem:s18], [sflag:$0x1] =	stream.indirect.gather [hbm4b:s3+s8], $0x20, s24, s8, $0xb8;
	[tilespmem:$0xA5A0] =	vst v63  }
0x5b: {  	_ =	swait.ge [sflag:s19], $0xC80  }
0x5c: {  	[sflag:s19] =	ssyncset.done $0x0  }
0x5d: {  	[sflag:s19] =	ssyncadd.s32 $0xFFFFF380  }
0x5e: {  	_ =	swait.ge [sflag:s19], $0xC80  }
0x5f: {  	[sflag:s19] =	ssyncset.done $0x0  }
0x60: {  	[sflag:s19] =	ssyncadd.s32 $0xFFFFF380  }
0x61: {  	_ =	swait.ge [sflag:s19], $0xC80  }
0x62: {  	[sflag:s19] =	ssyncset.done $0x0  }
0x63: {  	[sflag:s19] =	ssyncadd.s32 $0xFFFFF380  }
0x64: {  	_ =	swait.ge [sflag:s19], $0xC80  }
0x65: {  	[sflag:s19] =	ssyncset.done $0x0  }
0x66: {  	[sflag:s19] =	ssyncadd.s32 $0xFFFFF380  }
0x67: {  	_ =	swait.ge [sflag:s19], $0xC80  }
0x68: {  	[sflag:s19] =	ssyncset.done $0x0  }
0x69: {  	[sflag:s19] =	ssyncadd.s32 $0xFFFFF380  }
0x6a: {  	_ =	swait.ge [sflag:s19], $0xC80  }
0x6b: {  	[sflag:s19] =	ssyncset.done $0x0  }
0x6c: {  	[sflag:s19] =	ssyncadd.s32 $0xFFFFF380  }
0x6d: {  	_ =	swait.ge [sflag:s19], $0xC80  }
0x6e: {  	[sflag:s19] =	ssyncset.done $0x0  }
0x6f: {  	[sflag:s19] =	ssyncadd.s32 $0xFFFFF380  }
0x70: {  	_ =	swait.ge [sflag:s19], $0xC80  }
0x71: {  	[sflag:s19] =	ssyncset.done $0x0  }
0x72: {  	[sflag:s19] =	ssyncadd.s32 $0xFFFFF380  }
0x73: {  	_ =	swait.ge [sflag:s19], $0xC80  }
0x74: {  	[sflag:s19] =	ssyncset.done $0x0  }
0x75: {  	[sflag:s19] =	ssyncadd.s32 $0xFFFFF380  }
0x76: {  	_ =	swait.ge [sflag:s19], $0xC80  }
.Ltmp0:
0x77: {  	[sflag:s19] =	ssyncset.done $0x0;
	(pc) =	sbr.rel @p0 .LBB2_2-.Ltmp0, $4  }
0x78: {  	[sflag:s19] =	ssyncadd.s32 $0xFFFFF380  }
0x79: {  	[hbm4b:s21+s2] =	stream.linear.scatter [tilespmem:s9], [sflag:$0x2], $0x7D00, $0x38;
	[tilespmem:$0xA5A0] =	vst v63  }
0x7a: {  	_ =	swait.ge [sflag:s7], $0x7D00  }
0x7b: {  	s24 =	smov.u32 s23;
	s21 =	sadd.s32 $0xFA0, s21;
	[sflag:s7] =	ssyncset.done $0x0  }
0x7c: {  	s22 =	sshra.s32 s22, $0x2;
	[sflag:s7] =	ssyncadd.s32 $0xFFFF8300  }
0x7d: {  	[tilespmem:s9], [sflag:$0x1] =	stream.indirect.gather [hbm4b:s3+s8], $0x20, s22, s8, $0xb8;
	[tilespmem:$0xA5A0] =	vst v63  }
0x7e: {  	s23 =	sadd.s32 $0x68, s22  }
0x7f: {  	[tilespmem:s10], [sflag:$0x1] =	stream.indirect.gather [hbm4b:s3+s8], $0x20, s23, s8, $0xb8;
	[tilespmem:$0xA5A0] =	vst v63  }
0x80: {  	s24 =	sadd.s32 $0xD0, s22  }
0x81: {  	[tilespmem:s11], [sflag:$0x1] =	stream.indirect.gather [hbm4b:s3+s8], $0x20, s24, s8, $0xb8;
	[tilespmem:$0xA5A0] =	vst v63  }
0x82: {  	s25 =	sadd.s32 $0x138, s22  }
0x83: {  	[tilespmem:s12], [sflag:$0x1] =	stream.indirect.gather [hbm4b:s3+s8], $0x20, s25, s8, $0xb8;
	[tilespmem:$0xA5A0] =	vst v63  }
0x84: {  	s26 =	sadd.s32 $0x1A0, s22  }
0x85: {  	[tilespmem:s13], [sflag:$0x1] =	stream.indirect.gather [hbm4b:s3+s8], $0x20, s26, s8, $0xb8;
	[tilespmem:$0xA5A0] =	vst v63  }
0x86: {  	s28 =	sadd.s32 $0x208, s22  }
0x87: {  	[tilespmem:s14], [sflag:$0x1] =	stream.indirect.gather [hbm4b:s3+s8], $0x20, s28, s8, $0xb8;
	[tilespmem:$0xA5A0] =	vst v63  }
0x88: {  	s29 =	sadd.s32 $0x270, s22  }
0x89: {  	[tilespmem:s15], [sflag:$0x1] =	stream.indirect.gather [hbm4b:s3+s8], $0x20, s29, s8, $0xb8;
	[tilespmem:$0xA5A0] =	vst v63  }
0x8a: {  	s30 =	sadd.s32 $0x2D8, s22  }
0x8b: {  	[tilespmem:s16], [sflag:$0x1] =	stream.indirect.gather [hbm4b:s3+s8], $0x20, s30, s8, $0xb8;
	[tilespmem:$0xA5A0] =	vst v63  }
0x8c: {  	s31 =	sadd.s32 $0x340, s22  }
0x8d: {  	[tilespmem:s17], [sflag:$0x1] =	stream.indirect.gather [hbm4b:s3+s8], $0x20, s31, s8, $0xb8;
	[tilespmem:$0xA5A0] =	vst v63  }
0x8e: {  	s22 =	sadd.s32 $0x3A8, s22  }
0x8f: {  	[tilespmem:s18], [sflag:$0x1] =	stream.indirect.gather [hbm4b:s3+s8], $0x20, s22, s8, $0xb8;
	[tilespmem:$0xA5A0] =	vst v63  }
0x90: {  	_ =	swait.ge [sflag:s19], $0xC80  }
0x91: {  	[sflag:s19] =	ssyncset.done $0x0  }
0x92: {  	[sflag:s19] =	ssyncadd.s32 $0xFFFFF380  }
0x93: {  	_ =	swait.ge [sflag:s19], $0xC80  }
0x94: {  	[sflag:s19] =	ssyncset.done $0x0  }
0x95: {  	[sflag:s19] =	ssyncadd.s32 $0xFFFFF380  }
0x96: {  	_ =	swait.ge [sflag:s19], $0xC80  }
0x97: {  	[sflag:s19] =	ssyncset.done $0x0  }
0x98: {  	[sflag:s19] =	ssyncadd.s32 $0xFFFFF380  }
0x99: {  	_ =	swait.ge [sflag:s19], $0xC80  }
0x9a: {  	[sflag:s19] =	ssyncset.done $0x0  }
0x9b: {  	[sflag:s19] =	ssyncadd.s32 $0xFFFFF380  }
0x9c: {  	_ =	swait.ge [sflag:s19], $0xC80  }
0x9d: {  	[sflag:s19] =	ssyncset.done $0x0  }
0x9e: {  	[sflag:s19] =	ssyncadd.s32 $0xFFFFF380  }
0x9f: {  	_ =	swait.ge [sflag:s19], $0xC80  }
0xa0: {  	[sflag:s19] =	ssyncset.done $0x0  }
0xa1: {  	[sflag:s19] =	ssyncadd.s32 $0xFFFFF380  }
0xa2: {  	_ =	swait.ge [sflag:s19], $0xC80  }
0xa3: {  	[sflag:s19] =	ssyncset.done $0x0  }
0xa4: {  	[sflag:s19] =	ssyncadd.s32 $0xFFFFF380  }
0xa5: {  	_ =	swait.ge [sflag:s19], $0xC80  }
0xa6: {  	[sflag:s19] =	ssyncset.done $0x0  }
0xa7: {  	[sflag:s19] =	ssyncadd.s32 $0xFFFFF380  }
0xa8: {  	_ =	swait.ge [sflag:s19], $0xC80  }
0xa9: {  	[sflag:s19] =	ssyncset.done $0x0  }
0xaa: {  	[sflag:s19] =	ssyncadd.s32 $0xFFFFF380  }
0xab: {  	s20 =	sadd.s32 $0x1, s20;
	_ =	swait.ge [sflag:s19], $0xC80  }
0xac: {  	p0 =	sne.s32 s20, s5;
	[sflag:s19] =	ssyncset.done $0x0  }
.Ltmp1:
0xad: {  	[sflag:s19] =	ssyncadd.s32 $0xFFFFF380;
	(pc) =	sbr.rel @p0 .LBB2_1-.Ltmp1, $4  }
0xae: {  	[hbm4b:s21+s2] =	stream.linear.scatter [tilespmem:s9], [sflag:$0x2], $0x7D00, $0x38;
	[tilespmem:$0xA5A0] =	vst v63  }
0xaf: {  	_ =	swait.ge [sflag:s7], $0x7D00  }
0xb0: {  	[sflag:s7] =	ssyncset.done $0x0  }
0xb1: {  	[sflag:s7] =	ssyncadd.s32 $0xFFFF8300  }
0xb2: {  	_ =	sfence.sel $0x180000  }
0xb3: {  	[bflag:$0x0] =	sbarrier.arrive $0xFFFF  }
0xb4: {  	p0 =	sne.s32 s0, $0x0;
	_ =	strace $0x90000050  }
0xb5: {  	s0 =	sadd.s32 @!p0 $0x100000, s1;
	[bflag:$0x2] =	sbarrier.arrive $0xFFFF  }
0xb6: {  	[sflag:s0] =	ssyncadd.tile.s32 @!p0 $0x1;
	_ =	shalt  }
.Lfunc_end2:
_tile_overlayer_lowered:
.L_overlay_start_2:
0xb7: {  	(tag) =	ssettag $0x2  }
0xb8: {  	s0 =	rddreg [dreg:$0x0];
	s2 =	stileid.u32  }
0xb9: {  	s1 =	rddreg [dreg:$0x1];
	p0 =	sne.s32 s2, $0x0  }
0xba: {  	s3 =	rddreg [dreg:$0x2];
	[bflag:$0x3] =	sbarrier.arrive $0xFFFF;
	s2 =	simm.s32 @!p0 $0x1C02  }
0xbb: {  	[timem:s3], [sflag:s2] =	dma.local @!p0 [hbm:s0], s1  }
0xbc: {  	s0 =	simm.s32 @!p0 $0x2  }
0xbd: {  	_ =	swait.ge @!p0 [sflag:s0], s1  }
0xbe: {  	s1 =	ssub.s32 @!p0 $0x0, s1;
	[sflag:s0] =	ssyncset.done @!p0 $0x0  }
0xbf: {  	[sflag:s0] =	ssyncadd.s32 @!p0 s1  }
0xc0: {  	[bflag:$0x3] =	sbarrier.arrive $0xFFFF  }
0xc1: {  	_ =	shalt  }

// kernel: kernel.29.cloned.1.call-start
scs
__scs_entry_jumppad:
0x0: {  	(pc) =	sbr.rel $0x88, $3  }
0x1: {  	(tag) =	ssettag $0x0;
	lr =	simm.s32 $0x1  }
0x2: {  	[smem:$0x3F84] =	sst lr;
	_ =	strace $0xD0000000  }
0x3: {  	_ = 	snop  }
0x4: {  	_ = 	snop  }
0x5: {  	_ = 	snop  }
0x6: {  	_ = 	snop  }
0x7: {  	_ = 	snop  }
__scs_overlays_trampoline_lowered:
0x8: {  	[smem:$0x3F93] =	sst s0  }
0x9: {  	[smem:$0x3F94] =	sst s1  }
0xa: {  	[smem:$0x3F95] =	sst s2  }
0xb: {  	[smem:$0x3F96] =	sst s3  }
0xc: {  	[smem:$0x3F97] =	sst s4  }
0xd: {  	[smem:$0x3F98] =	sst s5  }
0xe: {  	[smem:$0x3F99] =	sst s6  }
0xf: {  	[smem:$0x3F9A] =	sst s7  }
0x10: {  	[smem:$0x3F9B] =	sst s8  }
0x11: {  	[smem:$0x3F9C] =	sst s9;
	s0 =	simm.s32 @!p0 $0x0  }
0x12: {  	s1 =	sld [smem:$0x3F82];
	s0 =	simm.s32 @p0 $0x1  }
0x13: {  	[smem:$0x3F9D] =	sst s0;
	s0 =	simm.s32 @!p1 $0x0  }
0x14: {  	s2 =	sld [smem:$0x3F81];
	s0 =	simm.s32 @p1 $0x1  }
0x15: {  	[smem:$0x3F9E] =	sst s0;
	s0 =	simm.s32 @!p2 $0x0  }
0x16: {  	s3 =	sld [smem:$0x3FDB];
	s0 =	simm.s32 @p2 $0x1  }
0x17: {  	s4 =	simm.s32 $0x1BF5;
	[smem:$0x3FA0] =	sst s0  }
0x18: {  	s0 =	sld [smem:$0x3F83];
	_ =	swait.ge [sflag:s4], $0x0  }
0x19: {  	s7 =	sld [smem:$0x3F84]  }
0x1a: {  	s8 =	sadd.s32 $0xFFFFE003, lr  }
0x1b: {  	s9 =	sadd.s32 $0xFFFFFEF7, lr;
	s5 =	simm.s32 $0xFFFFFFFF;
	p2 =	slt.u32 s8, $0xFFFFF086  }
0x1c: {  	p1 =	slt.u32 s9, $0xF7A;
	s5 =	simm.s32 @!p2 $0x0  }
0x1d: {  	s5 =	simm.s32 @p1 $0x1;
	p0 =	seq.s32 s7, s2  }
0x1e: {  	s7 =	smul.u32 @!p0 $0xF7A, s2;
	p2 =	seq.s32 @!p0 s5, $0x0  }
0x1f: {  	s9 =	smul.u32 $0xF7A, s1;
	s8 =	simm.s32 @!p0 $0x1BF5;
	p2 =	por !p2, p0  }
0x20: {  	[sflag:s8] =	ssyncset.s32 @!p0 $0xFFFFF086;
	s6 =	sadd.s32 @!p0 s3, s7;
	s7 =	simm.s32 @!p0 $0x108  }
0x21: {  	s3 =	sadd.s32 s3, s9;
	s6 =	sadd.s32 @!p0 $0x88, s6;
	s7 =	simm.s32 @p2 $0x1082  }
0x22: {  	[simem:s7], [sflag:s8] =	dma.local @!p0 [hbm:s6], $0xF7A  }
0x23: {  	s9 =	sor.u32 $0xD0000000, s2;
	s6 =	simm.s32 $0x108;
	_ =	swait.ge @!p0 [sflag:s8], $0x0  }
0x24: {  	s3 =	sadd.s32 $0x88, s3;
	s6 =	simm.s32 @!p1 $0x1082;
	[sflag:s4] =	ssyncset.s32 $0xFFFFF086  }
0x25: {  	[simem:s6], [sflag:s4] =	dma.local [hbm:s3], $0xF7A  }
0x26: {  	[smem:$0x3F84] =	sst s1;
	(tag) =	ssettag s2;
	_ =	strace s9  }
0x27: {  	s1 =	sld [smem:$0x3F94]  }
0x28: {  	s2 =	sld [smem:$0x3F95]  }
0x29: {  	s4 =	sld [smem:$0x3F97]  }
0x2a: {  	p0 =	seq.s32 s5, $0x0;
	s5 =	sld [smem:$0x3F98]  }
0x2b: {  	s6 =	sld [smem:$0x3F99]  }
0x2c: {  	s7 =	sld [smem:$0x3F9A]  }
0x2d: {  	s3 =	simm.s32 $0x108;
	s8 =	sld [smem:$0x3F9B]  }
0x2e: {  	s3 =	simm.s32 @!p0 $0x1082;
	s9 =	sld [smem:$0x3F9C]  }
0x2f: {  	lr =	sadd.s32 s0, s3;
	s0 =	sld [smem:$0x3F93]  }
0x30: {  	s3 =	sld [smem:$0x3F96]  }
0x31: {  	[smem:$0x3F9F] =	sst s10  }
0x32: {  	s10 =	sld [smem:$0x3F9D];
	_ =	sdelay $0x3  }
0x33: {  	p0 =	seq.s32 s10, $0x1;
	s10 =	sld [smem:$0x3F9F];
	_ =	sdelay $0x3  }
0x34: {  	[smem:$0x3F9F] =	sst s10  }
0x35: {  	s10 =	sld [smem:$0x3F9E];
	_ =	sdelay $0x3  }
0x36: {  	p1 =	seq.s32 s10, $0x1;
	s10 =	sld [smem:$0x3F9F];
	_ =	sdelay $0x3  }
0x37: {  	[smem:$0x3F9F] =	sst s10  }
0x38: {  	s10 =	sld [smem:$0x3FA0]  }
0x39: {  	_ = 	snop;
	(pc) =	sbr.ind lr, $3  }
0x3a: {  	_ = 	snop  }
0x3b: {  	_ = 	snop  }
0x3c: {  	p2 =	seq.s32 s10, $0x1;
	s10 =	sld [smem:$0x3F9F]  }
0x3d: {  	_ =	shalt  }
0x3e: {  	_ =	shalt  }
0x3f: {  	_ =	shalt  }
0x40: {  	_ =	shalt  }
0x41: {  	_ =	shalt  }
0x42: {  	_ =	shalt  }
0x43: {  	_ =	shalt  }
0x44: {  	_ =	shalt  }
0x45: {  	_ =	shalt  }
0x46: {  	_ =	shalt  }
0x47: {  	_ =	shalt  }
0x48: {  	_ =	shalt  }
0x49: {  	_ =	shalt  }
0x4a: {  	_ =	shalt  }
0x4b: {  	_ =	shalt  }
0x4c: {  	_ =	shalt  }
0x4d: {  	_ =	shalt  }
0x4e: {  	_ =	shalt  }
0x4f: {  	_ =	shalt  }
0x50: {  	_ =	shalt  }
0x51: {  	_ =	shalt  }
0x52: {  	_ =	shalt  }
0x53: {  	_ =	shalt  }
0x54: {  	_ =	shalt  }
0x55: {  	_ =	shalt  }
0x56: {  	_ =	shalt  }
0x57: {  	_ =	shalt  }
0x58: {  	_ =	shalt  }
0x59: {  	_ =	shalt  }
0x5a: {  	_ =	shalt  }
0x5b: {  	_ =	shalt  }
0x5c: {  	_ =	shalt  }
0x5d: {  	_ =	shalt  }
0x5e: {  	_ =	shalt  }
0x5f: {  	_ =	shalt  }
0x60: {  	_ =	shalt  }
0x61: {  	_ =	shalt  }
0x62: {  	_ =	shalt  }
0x63: {  	_ =	shalt  }
0x64: {  	_ =	shalt  }
0x65: {  	_ =	shalt  }
0x66: {  	_ =	shalt  }
0x67: {  	_ =	shalt  }
0x68: {  	_ =	shalt  }
0x69: {  	_ =	shalt  }
0x6a: {  	_ =	shalt  }
0x6b: {  	_ =	shalt  }
0x6c: {  	_ =	shalt  }
0x6d: {  	_ =	shalt  }
0x6e: {  	_ =	shalt  }
0x6f: {  	_ =	shalt  }
0x70: {  	_ =	shalt  }
0x71: {  	_ =	shalt  }
0x72: {  	_ =	shalt  }
0x73: {  	_ =	shalt  }
0x74: {  	_ =	shalt  }
0x75: {  	_ =	shalt  }
0x76: {  	_ =	shalt  }
0x77: {  	_ =	shalt  }
0x78: {  	_ =	shalt  }
0x79: {  	_ =	shalt  }
0x7a: {  	_ =	shalt  }
0x7b: {  	_ =	shalt  }
0x7c: {  	_ =	shalt  }
0x7d: {  	_ =	shalt  }
0x7e: {  	_ =	shalt  }
0x7f: {  	_ =	shalt  }
0x80: {  	_ =	shalt  }
0x81: {  	_ =	shalt  }
0x82: {  	_ =	shalt  }
0x83: {  	_ =	shalt  }
0x84: {  	_ =	shalt  }
0x85: {  	_ =	shalt  }
0x86: {  	_ =	shalt  }
0x87: {  	_ =	shalt  }
.Lfunc_end0:
.L_simem_size_0:
called_computation.4_lowered:
.L_overlay_start_0:
0x88: {  	s2 =	sld [smem:$0x3FD9]  }
0x89: {  	s3 =	sld [smem:$0x3FFE];
	_ =	sdelay $0x1  }
0x8a: {  	s1 =	srdreg.scid  }
0x8b: {  	s0 =	sand.u32 $0x1, s1  }
0x8c: {  	s16 =	sshll.u32 s0, $0xA;
	s2 =	sadd.s32 s3, s2  }
0x8d: {  	s2 =	sadd.s32 s2, s16  }
0x8e: {  	[smem:$0x3FAB] =	sst s2  }
0x8f: {  	_ = 	snop  }
0x90: {  	(tm) =	ssettm $0x1  }
0x91: {  	s17 =	sld [smem:$0x3FFB];
	_ =	sdelay $0x3  }
0x92: {  	_ =	strace s17  }
0x93: {  	s2 =	sld [smem:$0x3FFC];
	_ =	sdelay $0x3  }
0x94: {  	_ =	strace s2  }
0x95: {  	s2 =	sld [smem:$0x3FFD];
	_ =	sdelay $0x3  }
0x96: {  	_ =	strace s2  }
0x97: {  	_ =	strace $0x8FFFFFFF  }
0x98: {  	s18 =	sld [smem:$0x3FDB];
	_ =	sdelay $0x1  }
0x99: {  	s19 =	simm.s32 $_scs_section_size  }
0x9a: {  	s4 =	simm.s32 $_size__tile_overlayer_lowered;
	s5 =	simm.s32 $_tile_overlayer_lowered  }
0x9b: {  	s22 =	simm.s32 $0x1BFF;
	s21 =	sshll.u32 s5, $0x1;
	s2 =	sadd.s32 s19, s18  }
0x9c: {  	s6 =	simm.s32 $0x0;
	s20 =	sshll.u32 s4, $0x1;
	s4 =	sadd.s32 s21, s2  }
0x9d: {  	[timem:s6], [sflag:s22] =	dma.local [hbm:s4], s20  }
0x9e: {  	_ =	swait.ge [sflag:s22], s20  }
0x9f: {  	s3 =	ssub.s32 $0x0, s20;
	[sflag:s22] =	ssyncset.done $0x0  }
0xa0: {  	[sflag:s22] =	ssyncadd.s32 s3;
	_ =	sdelay $0x1  }
0xa1: {  	s23 =	simm.s32 $0x1B8B  }
0xa2: {  	_ =	swait.ge [sflag:s23], $0x1  }
0xa3: {  	[sflag:s23] =	ssyncset.done $0x0  }
0xa4: {  	s25 =	simm.s32 $0x1B8E;
	s24 =	sld [smem:$0x3FFE];
	[sflag:s23] =	ssyncadd.s32 $0xFFFFFFFF  }
0xa5: {  	s26 =	simm.s32 $execute0_lowered;
	[smem:$0x3FD2] =	sst s25  }
0xa6: {  	s4 =	sshll.u32 s26, $0x1;
	_ =	strace $0x80000052;
	[dreg:$0x1] =	wrdreg $0xFFFFFFFF  }
0xa7: {  	s28 =	simm.s32 $_size_execute0_lowered;
	s2 =	sadd.s32 s2, s4;
	[dreg:$0x0] =	wrdreg $0x0  }
0xa8: {  	s4 =	sshll.u32 s28, $0x1;
	[dreg:$0x2] =	wrdreg s2  }
0xa9: {  	[dreg:$0x3] =	wrdreg s4  }
0xaa: {  	[dreg:$0x4] =	wrdreg $0xC0  }
0xab: {  	_ =	task [dreg:s6], $0x5FFFF  }
0xac: {  	[dreg:$0x1] =	wrdreg $0xFFFFFFFF  }
0xad: {  	[dreg:$0x0] =	wrdreg $0x60  }
0xae: {  	[dreg:$0x2] =	wrdreg s24  }
0xaf: {  	[dreg:$0x3] =	wrdreg $0xA5A00  }
0xb0: {  	[dreg:$0x4] =	wrdreg $0x9  }
0xb1: {  	_ =	task.clear_ibuf [dreg:s6], $0x5FFFF;
	_ =	strace $0x90000052  }
0xb2: {  	s29 =	simm.s32 $0x9;
	_ =	strace $0x80000054  }
0xb3: {  	_ =	swait.ge [sflag:s29], $0x1  }
0xb4: {  	[sflag:s29] =	ssyncadd.s32 $0xFFFFFFFF  }
0xb5: {  	_ =	strace $0x90000054  }
0xb6: {  	_ =	sfence  }
0xb7: {  	s30 =	sld [smem:$0x0];
	_ =	sdelay $0x2  }
0xb8: {  	s31 =	sshll.u32 s1, $0xD;
	s1 =	sshrl.u32 s1, $0x2  }
0xb9: {  	s3 =	sand.u32 $0x4000, s31;
	s1 =	sadd.s32 s1, s30  }
0xba: {  	s0 =	sor.u32 s3, s0;
	s1 =	sshll.u32 s1, $0x11  }
0xbb: {  	s0 =	sor.u32 s1, s0  }
0xbc: {  	s0 =	sadd.s32 $0x8F2B, s0  }
0xbd: {  	[sflag:s0] =	ssyncadd.remote.s32 $0x1  }
0xbe: {  	_ =	sfence.sel $0xFFFF  }
0xbf: {  	[dreg:$0x0] =	wrdreg $0xFFFFFFFF;
	(pc) =	sbr.abs _section_cstart, $3  }
0xc0: {  	[dreg:$0x1] =	wrdreg $0xFFFFFFFF  }
0xc1: {  	_ =	task.clear_ibuf [dreg:s6], $0x2FFFF;
	_ =	strace $0x9FFFFFFF  }
0xc2: {  	(tm) =	ssettm $0x7FFFFFFF  }
0xc3: {  	_ =	shalt  }
tec
execute0_lowered:
.L_overlay_start_1:
0x0: {  	(tag) =	ssettag $0x1  }
0x1: {  	s0 =	stileid.u32;
	s5 =	rddreg [dreg:$0x0]  }
0x2: {  	s1 =	srdreg.scid;
	s2 =	rddreg [dreg:$0x1];
	s3 =	simm.s32 $0x0  }
0x3: {  	s14 =	simm.s32 $0x3520;
	s15 =	simm.s32 $0x41A0;
	s16 =	simm.s32 $0x4E20  }
0x4: {  	s17 =	simm.s32 $0x5AA0;
	s18 =	simm.s32 $0x6720;
	s19 =	simm.s32 $0x73A0  }
0x5: {  	s20 =	simm.s32 $0x8020;
	s21 =	simm.s32 $0x8CA0;
	s22 =	simm.s32 $0x9920  }
0x6: {  	s23 =	simm.s32 $0x1;
	s24 =	simm.s32 $0x0;
	s6 =	smul.u32 $0x13880, s0  }
0x7: {  	s4 =	sand.u32 $0x1, s1;
	s25 =	sshll.u32 s0, $0x1;
	s8 =	smul.u32 $0x4E20, s0  }
0x8: {  	[smem:$0x7FF] =	sst s3;
	s31 =	sshll.u32 s0, $0x6;
	s9 =	smul.u32 $0x4E200, s4  }
0x9: {  	s1 =	sor.u32 s4, s25;
	s11 =	ssub.s32 $0x2, s4;
	s29 =	smul.u32 $0x9C40, s4  }
0xa: {  	s7 =	smul.u32 $0x514, s1;
	s1 =	rddreg [dreg:$0x2];
	_ =	strace $0x80000053  }
0xb: {  	s10 =	sadd.s32 s6, s5;
	s28 =	sshrl.u32 s8, $0x3;
	s12 =	sshrl.u32 s11, $0x1  }
0xc: {  	s13 =	sadd.s32 s8, s2;
	s9 =	sadd.s32 s8, s9;
	s11 =	ssub.s32 s11, s12  }
0xd: {  	s30 =	sadd.s32 s29, s10;
	s10 =	sor.u32 $0x1C02, s31;
	s12 =	simm.s32 $0x28A0  }
0xe: {  	s26 =	sadd.s32 s7, s5;
	s7 =	sadd.s32 s28, s5;
	s9 =	sshrl.u32 s9, $0x3  }
0xf: {  	s8 =	sadd.s32 $0x3B800, s30;
	s9 =	sadd.s32 s9, s5;
	s4 =	sadd.s32 $0x17DE00, s26  }
0x10: {  	s5 =	sadd.s32 $0x188200, s7;
	s7 =	smax.u32 s11, $0x1;
	s11 =	sshrl.u32 s13, $0x3  }
0x11: {  	s13 =	simm.s32 $0x64;
	s6 =	sadd.s32 $0x68AE00, s9;
	s9 =	simm.s32 $0x2  }
.LBB2_1:
0x12: {  	[tilespmem:s3], [sflag:$0x2] =	stream.linear.gather [hbm4b:s4+s3], $0x28A0, $0x38;
	[tilespmem:$0xF3C0] =	vst v63  }
0x13: {  	_ =	swait.ge [sflag:s9], $0x28A0  }
0x14: {  	[sflag:s9] =	ssyncset.done $0x0  }
0x15: {  	[sflag:s9] =	ssyncadd.s32 $0xFFFFD760  }
0x16: {  	[spmem:s11], [sflag:s10] =	dma.local [hbm:s5], $0x9C4  }
0x17: {  	_ =	swait.ge [sflag:s9], $0x9C4  }
0x18: {  	[sflag:s9] =	ssyncset.done $0x0  }
0x19: {  	[sflag:s9] =	ssyncadd.s32 $0xFFFFF63C  }
0x1a: {  	[bflag:$0x0] =	sbarrier.arrive $0xFFFF  }
0x1b: {  	[tilespmem:s12], [sflag:$0x2] =	stream.linear.gather [hbm4b:s8+s3], $0x7D00, $0x38;
	[tilespmem:$0xF3C0] =	vst v63  }
0x1c: {  	_ =	swait.ge [sflag:s9], $0x7D00  }
0x1d: {  	[sflag:s9] =	ssyncset.done $0x0  }
0x1e: {  	s25 =	simm.s32 $0x0;
	[sflag:s9] =	ssyncadd.s32 $0xFFFF8300  }
0x1f: {  	[spmem:s2] =	stream.indirect.scatter.add.f32 [tilespmem:s12], [sflag:$0x1], $0x20, s25, s13, $0xb8;
	[tilespmem:$0xF3C0] =	vst v63  }
0x20: {  	s28 =	simm.s32 $0x68  }
0x21: {  	[spmem:s2] =	stream.indirect.scatter.add.f32 [tilespmem:s14], [sflag:$0x1], $0x20, s28, s13, $0xb8;
	[tilespmem:$0xF3C0] =	vst v63  }
0x22: {  	s29 =	simm.s32 $0xD0  }
0x23: {  	[spmem:s2] =	stream.indirect.scatter.add.f32 [tilespmem:s15], [sflag:$0x1], $0x20, s29, s13, $0xb8;
	[tilespmem:$0xF3C0] =	vst v63  }
0x24: {  	s30 =	simm.s32 $0x138  }
0x25: {  	[spmem:s2] =	stream.indirect.scatter.add.f32 [tilespmem:s16], [sflag:$0x1], $0x20, s30, s13, $0xb8;
	[tilespmem:$0xF3C0] =	vst v63  }
0x26: {  	s31 =	simm.s32 $0x1A0  }
0x27: {  	[spmem:s2] =	stream.indirect.scatter.add.f32 [tilespmem:s17], [sflag:$0x1], $0x20, s31, s13, $0xb8;
	[tilespmem:$0xF3C0] =	vst v63  }
0x28: {  	s26 =	simm.s32 $0x208  }
0x29: {  	[spmem:s2] =	stream.indirect.scatter.add.f32 [tilespmem:s18], [sflag:$0x1], $0x20, s26, s13, $0xb8;
	[tilespmem:$0xF3C0] =	vst v63  }
0x2a: {  	s28 =	simm.s32 $0x270  }
0x2b: {  	[spmem:s2] =	stream.indirect.scatter.add.f32 [tilespmem:s19], [sflag:$0x1], $0x20, s28, s13, $0xb8;
	[tilespmem:$0xF3C0] =	vst v63  }
0x2c: {  	s29 =	simm.s32 $0x2D8  }
0x2d: {  	[spmem:s2] =	stream.indirect.scatter.add.f32 [tilespmem:s20], [sflag:$0x1], $0x20, s29, s13, $0xb8;
	[tilespmem:$0xF3C0] =	vst v63  }
0x2e: {  	s30 =	simm.s32 $0x340  }
0x2f: {  	[spmem:s2] =	stream.indirect.scatter.add.f32 [tilespmem:s21], [sflag:$0x1], $0x20, s30, s13, $0xb8;
	[tilespmem:$0xF3C0] =	vst v63  }
0x30: {  	s31 =	simm.s32 $0x3A8  }
0x31: {  	[spmem:s2] =	stream.indirect.scatter.add.f32 [tilespmem:s22], [sflag:$0x1], $0x20, s31, s13, $0xb8;
	[tilespmem:$0xF3C0] =	vst v63  }
0x32: {  	_ =	swait.ge [sflag:s23], $0xC80  }
0x33: {  	[sflag:s23] =	ssyncset.done $0x0  }
0x34: {  	[sflag:s23] =	ssyncadd.s32 $0xFFFFF380  }
0x35: {  	_ =	swait.ge [sflag:s23], $0xC80  }
0x36: {  	[sflag:s23] =	ssyncset.done $0x0  }
0x37: {  	[sflag:s23] =	ssyncadd.s32 $0xFFFFF380  }
0x38: {  	_ =	swait.ge [sflag:s23], $0xC80  }
0x39: {  	[sflag:s23] =	ssyncset.done $0x0  }
0x3a: {  	[sflag:s23] =	ssyncadd.s32 $0xFFFFF380  }
0x3b: {  	_ =	swait.ge [sflag:s23], $0xC80  }
0x3c: {  	[sflag:s23] =	ssyncset.done $0x0  }
0x3d: {  	[sflag:s23] =	ssyncadd.s32 $0xFFFFF380  }
0x3e: {  	_ =	swait.ge [sflag:s23], $0xC80  }
0x3f: {  	[sflag:s23] =	ssyncset.done $0x0  }
0x40: {  	[sflag:s23] =	ssyncadd.s32 $0xFFFFF380  }
0x41: {  	_ =	swait.ge [sflag:s23], $0xC80  }
0x42: {  	[sflag:s23] =	ssyncset.done $0x0  }
0x43: {  	[sflag:s23] =	ssyncadd.s32 $0xFFFFF380  }
0x44: {  	_ =	swait.ge [sflag:s23], $0xC80  }
0x45: {  	[sflag:s23] =	ssyncset.done $0x0  }
0x46: {  	[sflag:s23] =	ssyncadd.s32 $0xFFFFF380  }
0x47: {  	_ =	swait.ge [sflag:s23], $0xC80  }
0x48: {  	[sflag:s23] =	ssyncset.done $0x0  }
0x49: {  	[sflag:s23] =	ssyncadd.s32 $0xFFFFF380  }
0x4a: {  	_ =	swait.ge [sflag:s23], $0xC80  }
0x4b: {  	[sflag:s23] =	ssyncset.done $0x0  }
0x4c: {  	[sflag:s23] =	ssyncadd.s32 $0xFFFFF380  }
0x4d: {  	_ =	swait.ge [sflag:s23], $0xC80  }
0x4e: {  	s25 =	simm.s32 $0x1040;
	s26 =	smov.u32 s8;
	[sflag:s23] =	ssyncset.done $0x0  }
.LBB2_2:
0x4f: {  	p0 =	sne.s32 s25, $0x9240;
	[sflag:s23] =	ssyncadd.s32 $0xFFFFF380;
	s26 =	sadd.s32 $0xFA0, s26  }
0x50: {  	[tilespmem:s12], [sflag:$0x2] =	stream.linear.gather [hbm4b:s26+s3], $0x7D00, $0x38;
	[tilespmem:$0xF3C0] =	vst v63  }
0x51: {  	s28 =	smov.u32 s25;
	s25 =	sadd.s32 $0x1040, s25;
	_ =	swait.ge [sflag:s9], $0x7D00  }
0x52: {  	[sflag:s9] =	ssyncset.done $0x0  }
0x53: {  	s28 =	sshra.s32 s28, $0x2;
	[sflag:s9] =	ssyncadd.s32 $0xFFFF8300  }
0x54: {  	[spmem:s2] =	stream.indirect.scatter.add.f32 [tilespmem:s12], [sflag:$0x1], $0x20, s28, s13, $0xb8;
	[tilespmem:$0xF3C0] =	vst v63  }
0x55: {  	s29 =	sadd.s32 $0x68, s28  }
0x56: {  	[spmem:s2] =	stream.indirect.scatter.add.f32 [tilespmem:s14], [sflag:$0x1], $0x20, s29, s13, $0xb8;
	[tilespmem:$0xF3C0] =	vst v63  }
0x57: {  	s29 =	sadd.s32 $0xD0, s28  }
0x58: {  	[spmem:s2] =	stream.indirect.scatter.add.f32 [tilespmem:s15], [sflag:$0x1], $0x20, s29, s13, $0xb8;
	[tilespmem:$0xF3C0] =	vst v63  }
0x59: {  	s29 =	sadd.s32 $0x138, s28  }
0x5a: {  	[spmem:s2] =	stream.indirect.scatter.add.f32 [tilespmem:s16], [sflag:$0x1], $0x20, s29, s13, $0xb8;
	[tilespmem:$0xF3C0] =	vst v63  }
0x5b: {  	s29 =	sadd.s32 $0x1A0, s28  }
0x5c: {  	[spmem:s2] =	stream.indirect.scatter.add.f32 [tilespmem:s17], [sflag:$0x1], $0x20, s29, s13, $0xb8;
	[tilespmem:$0xF3C0] =	vst v63  }
0x5d: {  	s29 =	sadd.s32 $0x208, s28  }
0x5e: {  	[spmem:s2] =	stream.indirect.scatter.add.f32 [tilespmem:s18], [sflag:$0x1], $0x20, s29, s13, $0xb8;
	[tilespmem:$0xF3C0] =	vst v63  }
0x5f: {  	s29 =	sadd.s32 $0x270, s28  }
0x60: {  	[spmem:s2] =	stream.indirect.scatter.add.f32 [tilespmem:s19], [sflag:$0x1], $0x20, s29, s13, $0xb8;
	[tilespmem:$0xF3C0] =	vst v63  }
0x61: {  	s29 =	sadd.s32 $0x2D8, s28  }
0x62: {  	[spmem:s2] =	stream.indirect.scatter.add.f32 [tilespmem:s20], [sflag:$0x1], $0x20, s29, s13, $0xb8;
	[tilespmem:$0xF3C0] =	vst v63  }
0x63: {  	s29 =	sadd.s32 $0x340, s28  }
0x64: {  	[spmem:s2] =	stream.indirect.scatter.add.f32 [tilespmem:s21], [sflag:$0x1], $0x20, s29, s13, $0xb8;
	[tilespmem:$0xF3C0] =	vst v63  }
0x65: {  	s28 =	sadd.s32 $0x3A8, s28  }
0x66: {  	[spmem:s2] =	stream.indirect.scatter.add.f32 [tilespmem:s22], [sflag:$0x1], $0x20, s28, s13, $0xb8;
	[tilespmem:$0xF3C0] =	vst v63  }
0x67: {  	_ =	swait.ge [sflag:s23], $0xC80  }
0x68: {  	[sflag:s23] =	ssyncset.done $0x0  }
0x69: {  	[sflag:s23] =	ssyncadd.s32 $0xFFFFF380  }
0x6a: {  	_ =	swait.ge [sflag:s23], $0xC80  }
0x6b: {  	[sflag:s23] =	ssyncset.done $0x0  }
0x6c: {  	[sflag:s23] =	ssyncadd.s32 $0xFFFFF380  }
0x6d: {  	_ =	swait.ge [sflag:s23], $0xC80  }
0x6e: {  	[sflag:s23] =	ssyncset.done $0x0  }
0x6f: {  	[sflag:s23] =	ssyncadd.s32 $0xFFFFF380  }
0x70: {  	_ =	swait.ge [sflag:s23], $0xC80  }
0x71: {  	[sflag:s23] =	ssyncset.done $0x0  }
0x72: {  	[sflag:s23] =	ssyncadd.s32 $0xFFFFF380  }
0x73: {  	_ =	swait.ge [sflag:s23], $0xC80  }
0x74: {  	[sflag:s23] =	ssyncset.done $0x0  }
0x75: {  	[sflag:s23] =	ssyncadd.s32 $0xFFFFF380  }
0x76: {  	_ =	swait.ge [sflag:s23], $0xC80  }
0x77: {  	[sflag:s23] =	ssyncset.done $0x0  }
0x78: {  	[sflag:s23] =	ssyncadd.s32 $0xFFFFF380  }
0x79: {  	_ =	swait.ge [sflag:s23], $0xC80  }
0x7a: {  	[sflag:s23] =	ssyncset.done $0x0  }
0x7b: {  	[sflag:s23] =	ssyncadd.s32 $0xFFFFF380  }
0x7c: {  	_ =	swait.ge [sflag:s23], $0xC80  }
0x7d: {  	[sflag:s23] =	ssyncset.done $0x0  }
0x7e: {  	[sflag:s23] =	ssyncadd.s32 $0xFFFFF380  }
.Ltmp0:
0x7f: {  	_ =	swait.ge [sflag:s23], $0xC80;
	(pc) =	sbr.rel @p0 .LBB2_2-.Ltmp0, $4  }
0x80: {  	[sflag:s23] =	ssyncset.done $0x0  }
0x81: {  	[sflag:s23] =	ssyncadd.s32 $0xFFFFF380  }
0x82: {  	_ =	swait.ge [sflag:s23], $0xC80  }
0x83: {  	[sflag:s23] =	ssyncset.done $0x0  }
0x84: {  	s24 =	sadd.s32 $0x1, s24  }
0x85: {  	[sflag:s23] =	ssyncadd.s32 $0xFFFFF380;
	p0 =	sne.s32 s24, s7  }
.Ltmp1:
0x86: {  	[bflag:$0x0] =	sbarrier.arrive $0xFFFF;
	(pc) =	sbr.rel @p0 .LBB2_1-.Ltmp1, $4  }
0x87: {  	[hbm:s6], [sflag:s10] =	dma.local [spmem:s11], $0x9C4  }
0x88: {  	_ =	swait.ge [sflag:s9], $0x9C4  }
0x89: {  	[sflag:s9] =	ssyncset.done $0x0  }
0x8a: {  	[sflag:s9] =	ssyncadd.s32 $0xFFFFF63C  }
0x8b: {  	_ =	sfence.sel $0x180000  }
0x8c: {  	[bflag:$0x0] =	sbarrier.arrive $0xFFFF  }
0x8d: {  	p0 =	sne.s32 s0, $0x0;
	_ =	strace $0x90000053  }
0x8e: {  	s0 =	sadd.s32 @!p0 $0x100000, s1;
	[bflag:$0x2] =	sbarrier.arrive $0xFFFF  }
0x8f: {  	[sflag:s0] =	ssyncadd.tile.s32 @!p0 $0x1;
	_ =	shalt  }
.Lfunc_end2:
_tile_overlayer_lowered:
.L_overlay_start_2:
0x90: {  	(tag) =	ssettag $0x2  }
0x91: {  	s0 =	rddreg [dreg:$0x0];
	s2 =	stileid.u32  }
0x92: {  	s1 =	rddreg [dreg:$0x1];
	p0 =	sne.s32 s2, $0x0  }
0x93: {  	s3 =	rddreg [dreg:$0x2];
	[bflag:$0x3] =	sbarrier.arrive $0xFFFF;
	s2 =	simm.s32 @!p0 $0x1C02  }
0x94: {  	[timem:s3], [sflag:s2] =	dma.local @!p0 [hbm:s0], s1  }
0x95: {  	s0 =	simm.s32 @!p0 $0x2  }
0x96: {  	_ =	swait.ge @!p0 [sflag:s0], s1  }
0x97: {  	s1 =	ssub.s32 @!p0 $0x0, s1;
	[sflag:s0] =	ssyncset.done @!p0 $0x0  }
0x98: {  	[sflag:s0] =	ssyncadd.s32 @!p0 s1  }
0x99: {  	[bflag:$0x3] =	sbarrier.arrive $0xFFFF  }
0x9a: {  	_ =	shalt  }

// kernel: kernel.32.cloned.1.call-start
scs
__scs_entry_jumppad:
0x0: {  	(pc) =	sbr.rel $0x88, $3  }
0x1: {  	(tag) =	ssettag $0x0;
	lr =	simm.s32 $0x1  }
0x2: {  	[smem:$0x3F84] =	sst lr;
	_ =	strace $0xD0000000  }
0x3: {  	_ = 	snop  }
0x4: {  	_ = 	snop  }
0x5: {  	_ = 	snop  }
0x6: {  	_ = 	snop  }
0x7: {  	_ = 	snop  }
__scs_overlays_trampoline_lowered:
0x8: {  	[smem:$0x3F93] =	sst s0  }
0x9: {  	[smem:$0x3F94] =	sst s1  }
0xa: {  	[smem:$0x3F95] =	sst s2  }
0xb: {  	[smem:$0x3F96] =	sst s3  }
0xc: {  	[smem:$0x3F97] =	sst s4  }
0xd: {  	[smem:$0x3F98] =	sst s5  }
0xe: {  	[smem:$0x3F99] =	sst s6  }
0xf: {  	[smem:$0x3F9A] =	sst s7  }
0x10: {  	[smem:$0x3F9B] =	sst s8  }
0x11: {  	[smem:$0x3F9C] =	sst s9;
	s0 =	simm.s32 @!p0 $0x0  }
0x12: {  	s1 =	sld [smem:$0x3F82];
	s0 =	simm.s32 @p0 $0x1  }
0x13: {  	[smem:$0x3F9D] =	sst s0;
	s0 =	simm.s32 @!p1 $0x0  }
0x14: {  	s2 =	sld [smem:$0x3F81];
	s0 =	simm.s32 @p1 $0x1  }
0x15: {  	[smem:$0x3F9E] =	sst s0;
	s0 =	simm.s32 @!p2 $0x0  }
0x16: {  	s3 =	sld [smem:$0x3FDB];
	s0 =	simm.s32 @p2 $0x1  }
0x17: {  	s4 =	simm.s32 $0x1BF5;
	[smem:$0x3FA0] =	sst s0  }
0x18: {  	s0 =	sld [smem:$0x3F83];
	_ =	swait.ge [sflag:s4], $0x0  }
0x19: {  	s7 =	sld [smem:$0x3F84]  }
0x1a: {  	s8 =	sadd.s32 $0xFFFFE003, lr  }
0x1b: {  	s9 =	sadd.s32 $0xFFFFFEF7, lr;
	s5 =	simm.s32 $0xFFFFFFFF;
	p2 =	slt.u32 s8, $0xFFFFF086  }
0x1c: {  	p1 =	slt.u32 s9, $0xF7A;
	s5 =	simm.s32 @!p2 $0x0  }
0x1d: {  	s5 =	simm.s32 @p1 $0x1;
	p0 =	seq.s32 s7, s2  }
0x1e: {  	s7 =	smul.u32 @!p0 $0xF7A, s2;
	p2 =	seq.s32 @!p0 s5, $0x0  }
0x1f: {  	s9 =	smul.u32 $0xF7A, s1;
	s8 =	simm.s32 @!p0 $0x1BF5;
	p2 =	por !p2, p0  }
0x20: {  	[sflag:s8] =	ssyncset.s32 @!p0 $0xFFFFF086;
	s6 =	sadd.s32 @!p0 s3, s7;
	s7 =	simm.s32 @!p0 $0x108  }
0x21: {  	s3 =	sadd.s32 s3, s9;
	s6 =	sadd.s32 @!p0 $0x88, s6;
	s7 =	simm.s32 @p2 $0x1082  }
0x22: {  	[simem:s7], [sflag:s8] =	dma.local @!p0 [hbm:s6], $0xF7A  }
0x23: {  	s9 =	sor.u32 $0xD0000000, s2;
	s6 =	simm.s32 $0x108;
	_ =	swait.ge @!p0 [sflag:s8], $0x0  }
0x24: {  	s3 =	sadd.s32 $0x88, s3;
	s6 =	simm.s32 @!p1 $0x1082;
	[sflag:s4] =	ssyncset.s32 $0xFFFFF086  }
0x25: {  	[simem:s6], [sflag:s4] =	dma.local [hbm:s3], $0xF7A  }
0x26: {  	[smem:$0x3F84] =	sst s1;
	(tag) =	ssettag s2;
	_ =	strace s9  }
0x27: {  	s1 =	sld [smem:$0x3F94]  }
0x28: {  	s2 =	sld [smem:$0x3F95]  }
0x29: {  	s4 =	sld [smem:$0x3F97]  }
0x2a: {  	p0 =	seq.s32 s5, $0x0;
	s5 =	sld [smem:$0x3F98]  }
0x2b: {  	s6 =	sld [smem:$0x3F99]  }
0x2c: {  	s7 =	sld [smem:$0x3F9A]  }
0x2d: {  	s3 =	simm.s32 $0x108;
	s8 =	sld [smem:$0x3F9B]  }
0x2e: {  	s3 =	simm.s32 @!p0 $0x1082;
	s9 =	sld [smem:$0x3F9C]  }
0x2f: {  	lr =	sadd.s32 s0, s3;
	s0 =	sld [smem:$0x3F93]  }
0x30: {  	s3 =	sld [smem:$0x3F96]  }
0x31: {  	[smem:$0x3F9F] =	sst s10  }
0x32: {  	s10 =	sld [smem:$0x3F9D];
	_ =	sdelay $0x3  }
0x33: {  	p0 =	seq.s32 s10, $0x1;
	s10 =	sld [smem:$0x3F9F];
	_ =	sdelay $0x3  }
0x34: {  	[smem:$0x3F9F] =	sst s10  }
0x35: {  	s10 =	sld [smem:$0x3F9E];
	_ =	sdelay $0x3  }
0x36: {  	p1 =	seq.s32 s10, $0x1;
	s10 =	sld [smem:$0x3F9F];
	_ =	sdelay $0x3  }
0x37: {  	[smem:$0x3F9F] =	sst s10  }
0x38: {  	s10 =	sld [smem:$0x3FA0]  }
0x39: {  	_ = 	snop;
	(pc) =	sbr.ind lr, $3  }
0x3a: {  	_ = 	snop  }
0x3b: {  	_ = 	snop  }
0x3c: {  	p2 =	seq.s32 s10, $0x1;
	s10 =	sld [smem:$0x3F9F]  }
0x3d: {  	_ =	shalt  }
0x3e: {  	_ =	shalt  }
0x3f: {  	_ =	shalt  }
0x40: {  	_ =	shalt  }
0x41: {  	_ =	shalt  }
0x42: {  	_ =	shalt  }
0x43: {  	_ =	shalt  }
0x44: {  	_ =	shalt  }
0x45: {  	_ =	shalt  }
0x46: {  	_ =	shalt  }
0x47: {  	_ =	shalt  }
0x48: {  	_ =	shalt  }
0x49: {  	_ =	shalt  }
0x4a: {  	_ =	shalt  }
0x4b: {  	_ =	shalt  }
0x4c: {  	_ =	shalt  }
0x4d: {  	_ =	shalt  }
0x4e: {  	_ =	shalt  }
0x4f: {  	_ =	shalt  }
0x50: {  	_ =	shalt  }
0x51: {  	_ =	shalt  }
0x52: {  	_ =	shalt  }
0x53: {  	_ =	shalt  }
0x54: {  	_ =	shalt  }
0x55: {  	_ =	shalt  }
0x56: {  	_ =	shalt  }
0x57: {  	_ =	shalt  }
0x58: {  	_ =	shalt  }
0x59: {  	_ =	shalt  }
0x5a: {  	_ =	shalt  }
0x5b: {  	_ =	shalt  }
0x5c: {  	_ =	shalt  }
0x5d: {  	_ =	shalt  }
0x5e: {  	_ =	shalt  }
0x5f: {  	_ =	shalt  }
0x60: {  	_ =	shalt  }
0x61: {  	_ =	shalt  }
0x62: {  	_ =	shalt  }
0x63: {  	_ =	shalt  }
0x64: {  	_ =	shalt  }
0x65: {  	_ =	shalt  }
0x66: {  	_ =	shalt  }
0x67: {  	_ =	shalt  }
0x68: {  	_ =	shalt  }
0x69: {  	_ =	shalt  }
0x6a: {  	_ =	shalt  }
0x6b: {  	_ =	shalt  }
0x6c: {  	_ =	shalt  }
0x6d: {  	_ =	shalt  }
0x6e: {  	_ =	shalt  }
0x6f: {  	_ =	shalt  }
0x70: {  	_ =	shalt  }
0x71: {  	_ =	shalt  }
0x72: {  	_ =	shalt  }
0x73: {  	_ =	shalt  }
0x74: {  	_ =	shalt  }
0x75: {  	_ =	shalt  }
0x76: {  	_ =	shalt  }
0x77: {  	_ =	shalt  }
0x78: {  	_ =	shalt  }
0x79: {  	_ =	shalt  }
0x7a: {  	_ =	shalt  }
0x7b: {  	_ =	shalt  }
0x7c: {  	_ =	shalt  }
0x7d: {  	_ =	shalt  }
0x7e: {  	_ =	shalt  }
0x7f: {  	_ =	shalt  }
0x80: {  	_ =	shalt  }
0x81: {  	_ =	shalt  }
0x82: {  	_ =	shalt  }
0x83: {  	_ =	shalt  }
0x84: {  	_ =	shalt  }
0x85: {  	_ =	shalt  }
0x86: {  	_ =	shalt  }
0x87: {  	_ =	shalt  }
.Lfunc_end0:
.L_simem_size_0:
called_computation.5_lowered:
.L_overlay_start_0:
0x88: {  	s2 =	sld [smem:$0x3FD9]  }
0x89: {  	s3 =	sld [smem:$0x3FFE];
	_ =	sdelay $0x1  }
0x8a: {  	s1 =	srdreg.scid  }
0x8b: {  	s0 =	sand.u32 $0x1, s1  }
0x8c: {  	s16 =	sshll.u32 s0, $0xA;
	s2 =	sadd.s32 s3, s2  }
0x8d: {  	s2 =	sadd.s32 s2, s16  }
0x8e: {  	[smem:$0x3FAB] =	sst s2  }
0x8f: {  	_ = 	snop  }
0x90: {  	(tm) =	ssettm $0x1  }
0x91: {  	s17 =	sld [smem:$0x3FFB];
	_ =	sdelay $0x3  }
0x92: {  	_ =	strace s17  }
0x93: {  	s2 =	sld [smem:$0x3FFC];
	_ =	sdelay $0x3  }
0x94: {  	_ =	strace s2  }
0x95: {  	s2 =	sld [smem:$0x3FFD];
	_ =	sdelay $0x3  }
0x96: {  	_ =	strace s2  }
0x97: {  	_ =	strace $0x8FFFFFFF  }
0x98: {  	s18 =	sld [smem:$0x3FDB];
	_ =	sdelay $0x1  }
0x99: {  	s19 =	simm.s32 $_scs_section_size  }
0x9a: {  	s4 =	simm.s32 $_size__tile_overlayer_lowered;
	s5 =	simm.s32 $_tile_overlayer_lowered  }
0x9b: {  	s22 =	simm.s32 $0x1BFF;
	s21 =	sshll.u32 s5, $0x1;
	s2 =	sadd.s32 s19, s18  }
0x9c: {  	s6 =	simm.s32 $0x0;
	s20 =	sshll.u32 s4, $0x1;
	s4 =	sadd.s32 s21, s2  }
0x9d: {  	[timem:s6], [sflag:s22] =	dma.local [hbm:s4], s20  }
0x9e: {  	_ =	swait.ge [sflag:s22], s20  }
0x9f: {  	s3 =	ssub.s32 $0x0, s20;
	[sflag:s22] =	ssyncset.done $0x0  }
0xa0: {  	[sflag:s22] =	ssyncadd.s32 s3;
	_ =	sdelay $0x1  }
0xa1: {  	s23 =	simm.s32 $0x1B8B  }
0xa2: {  	_ =	swait.ge [sflag:s23], $0x1  }
0xa3: {  	[sflag:s23] =	ssyncset.done $0x0  }
0xa4: {  	s25 =	simm.s32 $0x1B8E;
	s24 =	sld [smem:$0x3FFE];
	[sflag:s23] =	ssyncadd.s32 $0xFFFFFFFF  }
0xa5: {  	s26 =	simm.s32 $execute0_lowered;
	[smem:$0x3FD2] =	sst s25  }
0xa6: {  	s4 =	sshll.u32 s26, $0x1;
	_ =	strace $0x80000055;
	[dreg:$0x1] =	wrdreg $0xFFFFFFFF  }
0xa7: {  	s28 =	simm.s32 $_size_execute0_lowered;
	s2 =	sadd.s32 s2, s4;
	[dreg:$0x0] =	wrdreg $0x0  }
0xa8: {  	s4 =	sshll.u32 s28, $0x1;
	[dreg:$0x2] =	wrdreg s2  }
0xa9: {  	[dreg:$0x3] =	wrdreg s4  }
0xaa: {  	[dreg:$0x4] =	wrdreg $0xC0  }
0xab: {  	_ =	task [dreg:s6], $0x5FFFF  }
0xac: {  	[dreg:$0x1] =	wrdreg $0xFFFFFFFF  }
0xad: {  	[dreg:$0x0] =	wrdreg $0x60  }
0xae: {  	[dreg:$0x2] =	wrdreg s24  }
0xaf: {  	[dreg:$0x3] =	wrdreg $0x9  }
0xb0: {  	_ =	task.clear_ibuf [dreg:s6], $0x4FFFF;
	_ =	strace $0x90000055  }
0xb1: {  	s29 =	simm.s32 $0x9;
	_ =	strace $0x80000057  }
0xb2: {  	_ =	swait.ge [sflag:s29], $0x1  }
0xb3: {  	[sflag:s29] =	ssyncadd.s32 $0xFFFFFFFF  }
0xb4: {  	_ =	strace $0x90000057  }
0xb5: {  	_ =	sfence  }
0xb6: {  	s30 =	sld [smem:$0x0];
	_ =	sdelay $0x2  }
0xb7: {  	s31 =	sshll.u32 s1, $0xD;
	s1 =	sshrl.u32 s1, $0x2  }
0xb8: {  	s3 =	sand.u32 $0x4000, s31;
	s1 =	sadd.s32 s1, s30  }
0xb9: {  	s0 =	sor.u32 s3, s0;
	s1 =	sshll.u32 s1, $0x11  }
0xba: {  	s0 =	sor.u32 s1, s0  }
0xbb: {  	s0 =	sadd.s32 $0x8F2B, s0  }
0xbc: {  	[sflag:s0] =	ssyncadd.remote.s32 $0x1  }
0xbd: {  	_ =	sfence.sel $0xFFFF  }
0xbe: {  	[dreg:$0x0] =	wrdreg $0xFFFFFFFF;
	(pc) =	sbr.abs _section_cstart, $3  }
0xbf: {  	[dreg:$0x1] =	wrdreg $0xFFFFFFFF  }
0xc0: {  	_ =	task.clear_ibuf [dreg:s6], $0x2FFFF;
	_ =	strace $0x9FFFFFFF  }
0xc1: {  	(tm) =	ssettm $0x7FFFFFFF  }
tec
execute0_lowered:
.L_overlay_start_1:
0x0: {  	(tag) =	ssettag $0x1  }
0x1: {  	s1 =	srdreg.scid  }
0x2: {  	s0 =	stileid.u32;
	s4 =	rddreg [dreg:$0x0];
	s2 =	simm.s32 $0x0  }
0x3: {  	s11 =	simm.s32 $0x41A0;
	s12 =	simm.s32 $0x4E20;
	s13 =	simm.s32 $0x5AA0  }
0x4: {  	s14 =	simm.s32 $0x6720;
	s15 =	simm.s32 $0x73A0;
	s16 =	simm.s32 $0x8020  }
0x5: {  	s17 =	simm.s32 $0x8CA0;
	s18 =	simm.s32 $0x9920;
	s19 =	simm.s32 $0x1  }
0x6: {  	s20 =	simm.s32 $0x0;
	s5 =	sand.u32 $0x1, s1;
	s1 =	rddreg [dreg:$0x1]  }
0x7: {  	s3 =	sshll.u32 s0, $0x1;
	[smem:$0x7FF] =	sst s2;
	s7 =	smul.u32 $0x13880, s0  }
0x8: {  	s3 =	sor.u32 s5, s3;
	_ =	strace $0x80000056;
	s10 =	smul.u32 $0x9C40, s5  }
0x9: {  	s8 =	ssub.s32 $0x2, s5;
	s6 =	smul.u32 $0x514, s3;
	s3 =	sadd.s32 $0x68AE00, s4  }
0xa: {  	s9 =	sshrl.u32 s8, $0x1;
	s30 =	sadd.s32 s7, s4;
	s7 =	simm.s32 $0x2  }
0xb: {  	s31 =	ssub.s32 s8, s9;
	s8 =	simm.s32 $0x64;
	s9 =	simm.s32 $0x28A0  }
0xc: {  	s29 =	sadd.s32 s6, s4;
	s5 =	smax.u32 s31, $0x1;
	s6 =	sadd.s32 s10, s30  }
0xd: {  	s10 =	simm.s32 $0x3520;
	s4 =	sadd.s32 $0xA200, s29;
	s6 =	sadd.s32 $0x3B800, s6  }
.LBB2_1:
0xe: {  	[tilespmem:s2], [sflag:$0x2] =	stream.linear.gather [hbm4b:s4+s2], $0x28A0, $0x38;
	[tilespmem:$0xA5A0] =	vst v63  }
0xf: {  	_ =	swait.ge [sflag:s7], $0x28A0  }
0x10: {  	[sflag:s7] =	ssyncset.done $0x0  }
0x11: {  	s21 =	simm.s32 $0x0;
	[sflag:s7] =	ssyncadd.s32 $0xFFFFD760  }
0x12: {  	[tilespmem:s9], [sflag:$0x1] =	stream.indirect.gather [hbm4b:s3+s8], $0x20, s21, s8, $0xb8;
	[tilespmem:$0xA5A0] =	vst v63  }
0x13: {  	s22 =	simm.s32 $0x68  }
0x14: {  	[tilespmem:s10], [sflag:$0x1] =	stream.indirect.gather [hbm4b:s3+s8], $0x20, s22, s8, $0xb8;
	[tilespmem:$0xA5A0] =	vst v63  }
0x15: {  	s23 =	simm.s32 $0xD0  }
0x16: {  	[tilespmem:s11], [sflag:$0x1] =	stream.indirect.gather [hbm4b:s3+s8], $0x20, s23, s8, $0xb8;
	[tilespmem:$0xA5A0] =	vst v63  }
0x17: {  	s24 =	simm.s32 $0x138  }
0x18: {  	[tilespmem:s12], [sflag:$0x1] =	stream.indirect.gather [hbm4b:s3+s8], $0x20, s24, s8, $0xb8;
	[tilespmem:$0xA5A0] =	vst v63  }
0x19: {  	s25 =	simm.s32 $0x1A0  }
0x1a: {  	[tilespmem:s13], [sflag:$0x1] =	stream.indirect.gather [hbm4b:s3+s8], $0x20, s25, s8, $0xb8;
	[tilespmem:$0xA5A0] =	vst v63  }
0x1b: {  	s26 =	simm.s32 $0x208  }
0x1c: {  	[tilespmem:s14], [sflag:$0x1] =	stream.indirect.gather [hbm4b:s3+s8], $0x20, s26, s8, $0xb8;
	[tilespmem:$0xA5A0] =	vst v63  }
0x1d: {  	s28 =	simm.s32 $0x270  }
0x1e: {  	[tilespmem:s15], [sflag:$0x1] =	stream.indirect.gather [hbm4b:s3+s8], $0x20, s28, s8, $0xb8;
	[tilespmem:$0xA5A0] =	vst v63  }
0x1f: {  	s29 =	simm.s32 $0x2D8  }
0x20: {  	[tilespmem:s16], [sflag:$0x1] =	stream.indirect.gather [hbm4b:s3+s8], $0x20, s29, s8, $0xb8;
	[tilespmem:$0xA5A0] =	vst v63  }
0x21: {  	s30 =	simm.s32 $0x340  }
0x22: {  	[tilespmem:s17], [sflag:$0x1] =	stream.indirect.gather [hbm4b:s3+s8], $0x20, s30, s8, $0xb8;
	[tilespmem:$0xA5A0] =	vst v63  }
0x23: {  	s31 =	simm.s32 $0x3A8  }
0x24: {  	[tilespmem:s18], [sflag:$0x1] =	stream.indirect.gather [hbm4b:s3+s8], $0x20, s31, s8, $0xb8;
	[tilespmem:$0xA5A0] =	vst v63  }
0x25: {  	_ =	swait.ge [sflag:s19], $0xC80  }
0x26: {  	[sflag:s19] =	ssyncset.done $0x0  }
0x27: {  	[sflag:s19] =	ssyncadd.s32 $0xFFFFF380  }
0x28: {  	_ =	swait.ge [sflag:s19], $0xC80  }
0x29: {  	[sflag:s19] =	ssyncset.done $0x0  }
0x2a: {  	[sflag:s19] =	ssyncadd.s32 $0xFFFFF380  }
0x2b: {  	_ =	swait.ge [sflag:s19], $0xC80  }
0x2c: {  	[sflag:s19] =	ssyncset.done $0x0  }
0x2d: {  	[sflag:s19] =	ssyncadd.s32 $0xFFFFF380  }
0x2e: {  	_ =	swait.ge [sflag:s19], $0xC80  }
0x2f: {  	[sflag:s19] =	ssyncset.done $0x0  }
0x30: {  	[sflag:s19] =	ssyncadd.s32 $0xFFFFF380  }
0x31: {  	_ =	swait.ge [sflag:s19], $0xC80  }
0x32: {  	[sflag:s19] =	ssyncset.done $0x0  }
0x33: {  	[sflag:s19] =	ssyncadd.s32 $0xFFFFF380  }
0x34: {  	_ =	swait.ge [sflag:s19], $0xC80  }
0x35: {  	[sflag:s19] =	ssyncset.done $0x0  }
0x36: {  	[sflag:s19] =	ssyncadd.s32 $0xFFFFF380  }
0x37: {  	_ =	swait.ge [sflag:s19], $0xC80  }
0x38: {  	[sflag:s19] =	ssyncset.done $0x0  }
0x39: {  	[sflag:s19] =	ssyncadd.s32 $0xFFFFF380  }
0x3a: {  	_ =	swait.ge [sflag:s19], $0xC80  }
0x3b: {  	[sflag:s19] =	ssyncset.done $0x0  }
0x3c: {  	[sflag:s19] =	ssyncadd.s32 $0xFFFFF380  }
0x3d: {  	_ =	swait.ge [sflag:s19], $0xC80  }
0x3e: {  	[sflag:s19] =	ssyncset.done $0x0  }
0x3f: {  	[sflag:s19] =	ssyncadd.s32 $0xFFFFF380  }
0x40: {  	_ =	swait.ge [sflag:s19], $0xC80  }
0x41: {  	[sflag:s19] =	ssyncset.done $0x0  }
0x42: {  	[sflag:s19] =	ssyncadd.s32 $0xFFFFF380  }
0x43: {  	[hbm4b:s6+s2] =	stream.linear.scatter [tilespmem:s9], [sflag:$0x2], $0x7D00, $0x38;
	[tilespmem:$0xA5A0] =	vst v63  }
0x44: {  	s21 =	sadd.s32 $0xFA0, s6;
	_ =	swait.ge [sflag:s7], $0x7D00  }
0x45: {  	s22 =	simm.s32 $0x1040;
	s24 =	simm.s32 $0x2080;
	[sflag:s7] =	ssyncset.done $0x0  }
.LBB2_2:
0x46: {  	s25 =	sshra.s32 s22, $0x2  }
0x47: {  	[sflag:s7] =	ssyncadd.s32 $0xFFFF8300;
	s22 =	smov.u32 s24;
	s23 =	sadd.s32 $0x1040, s24  }
0x48: {  	[tilespmem:s9], [sflag:$0x1] =	stream.indirect.gather [hbm4b:s3+s8], $0x20, s25, s8, $0xb8;
	[tilespmem:$0xA5A0] =	vst v63  }
0x49: {  	p0 =	sne.s32 s24, $0x9240;
	s24 =	sadd.s32 $0x68, s25  }
0x4a: {  	[tilespmem:s10], [sflag:$0x1] =	stream.indirect.gather [hbm4b:s3+s8], $0x20, s24, s8, $0xb8;
	[tilespmem:$0xA5A0] =	vst v63  }
0x4b: {  	s24 =	sadd.s32 $0xD0, s25  }
0x4c: {  	[tilespmem:s11], [sflag:$0x1] =	stream.indirect.gather [hbm4b:s3+s8], $0x20, s24, s8, $0xb8;
	[tilespmem:$0xA5A0] =	vst v63  }
0x4d: {  	s24 =	sadd.s32 $0x138, s25  }
0x4e: {  	[tilespmem:s12], [sflag:$0x1] =	stream.indirect.gather [hbm4b:s3+s8], $0x20, s24, s8, $0xb8;
	[tilespmem:$0xA5A0] =	vst v63  }
0x4f: {  	s24 =	sadd.s32 $0x1A0, s25  }
0x50: {  	[tilespmem:s13], [sflag:$0x1] =	stream.indirect.gather [hbm4b:s3+s8], $0x20, s24, s8, $0xb8;
	[tilespmem:$0xA5A0] =	vst v63  }
0x51: {  	s24 =	sadd.s32 $0x208, s25  }
0x52: {  	[tilespmem:s14], [sflag:$0x1] =	stream.indirect.gather [hbm4b:s3+s8], $0x20, s24, s8, $0xb8;
	[tilespmem:$0xA5A0] =	vst v63  }
0x53: {  	s24 =	sadd.s32 $0x270, s25  }
0x54: {  	[tilespmem:s15], [sflag:$0x1] =	stream.indirect.gather [hbm4b:s3+s8], $0x20, s24, s8, $0xb8;
	[tilespmem:$0xA5A0] =	vst v63  }
0x55: {  	s24 =	sadd.s32 $0x2D8, s25  }
0x56: {  	[tilespmem:s16], [sflag:$0x1] =	stream.indirect.gather [hbm4b:s3+s8], $0x20, s24, s8, $0xb8;
	[tilespmem:$0xA5A0] =	vst v63  }
0x57: {  	s24 =	sadd.s32 $0x340, s25  }
0x58: {  	[tilespmem:s17], [sflag:$0x1] =	stream.indirect.gather [hbm4b:s3+s8], $0x20, s24, s8, $0xb8;
	[tilespmem:$0xA5A0] =	vst v63  }
0x59: {  	s24 =	sadd.s32 $0x3A8, s25  }
0x5a: {  	[tilespmem:s18], [sflag:$0x1] =	stream.indirect.gather [hbm4b:s3+s8], $0x20, s24, s8, $0xb8;
	[tilespmem:$0xA5A0] =	vst v63  }
0x5b: {  	_ =	swait.ge [sflag:s19], $0xC80  }
0x5c: {  	[sflag:s19] =	ssyncset.done $0x0  }
0x5d: {  	[sflag:s19] =	ssyncadd.s32 $0xFFFFF380  }
0x5e: {  	_ =	swait.ge [sflag:s19], $0xC80  }
0x5f: {  	[sflag:s19] =	ssyncset.done $0x0  }
0x60: {  	[sflag:s19] =	ssyncadd.s32 $0xFFFFF380  }
0x61: {  	_ =	swait.ge [sflag:s19], $0xC80  }
0x62: {  	[sflag:s19] =	ssyncset.done $0x0  }
0x63: {  	[sflag:s19] =	ssyncadd.s32 $0xFFFFF380  }
0x64: {  	_ =	swait.ge [sflag:s19], $0xC80  }
0x65: {  	[sflag:s19] =	ssyncset.done $0x0  }
0x66: {  	[sflag:s19] =	ssyncadd.s32 $0xFFFFF380  }
0x67: {  	_ =	swait.ge [sflag:s19], $0xC80  }
0x68: {  	[sflag:s19] =	ssyncset.done $0x0  }
0x69: {  	[sflag:s19] =	ssyncadd.s32 $0xFFFFF380  }
0x6a: {  	_ =	swait.ge [sflag:s19], $0xC80  }
0x6b: {  	[sflag:s19] =	ssyncset.done $0x0  }
0x6c: {  	[sflag:s19] =	ssyncadd.s32 $0xFFFFF380  }
0x6d: {  	_ =	swait.ge [sflag:s19], $0xC80  }
0x6e: {  	[sflag:s19] =	ssyncset.done $0x0  }
0x6f: {  	[sflag:s19] =	ssyncadd.s32 $0xFFFFF380  }
0x70: {  	_ =	swait.ge [sflag:s19], $0xC80  }
0x71: {  	[sflag:s19] =	ssyncset.done $0x0  }
0x72: {  	[sflag:s19] =	ssyncadd.s32 $0xFFFFF380  }
0x73: {  	_ =	swait.ge [sflag:s19], $0xC80  }
0x74: {  	[sflag:s19] =	ssyncset.done $0x0  }
0x75: {  	[sflag:s19] =	ssyncadd.s32 $0xFFFFF380  }
0x76: {  	_ =	swait.ge [sflag:s19], $0xC80  }
.Ltmp0:
0x77: {  	[sflag:s19] =	ssyncset.done $0x0;
	(pc) =	sbr.rel @p0 .LBB2_2-.Ltmp0, $4  }
0x78: {  	[sflag:s19] =	ssyncadd.s32 $0xFFFFF380  }
0x79: {  	[hbm4b:s21+s2] =	stream.linear.scatter [tilespmem:s9], [sflag:$0x2], $0x7D00, $0x38;
	[tilespmem:$0xA5A0] =	vst v63  }
0x7a: {  	_ =	swait.ge [sflag:s7], $0x7D00  }
0x7b: {  	s24 =	smov.u32 s23;
	s21 =	sadd.s32 $0xFA0, s21;
	[sflag:s7] =	ssyncset.done $0x0  }
0x7c: {  	s22 =	sshra.s32 s22, $0x2;
	[sflag:s7] =	ssyncadd.s32 $0xFFFF8300  }
0x7d: {  	[tilespmem:s9], [sflag:$0x1] =	stream.indirect.gather [hbm4b:s3+s8], $0x20, s22, s8, $0xb8;
	[tilespmem:$0xA5A0] =	vst v63  }
0x7e: {  	s23 =	sadd.s32 $0x68, s22  }
0x7f: {  	[tilespmem:s10], [sflag:$0x1] =	stream.indirect.gather [hbm4b:s3+s8], $0x20, s23, s8, $0xb8;
	[tilespmem:$0xA5A0] =	vst v63  }
0x80: {  	s24 =	sadd.s32 $0xD0, s22  }
0x81: {  	[tilespmem:s11], [sflag:$0x1] =	stream.indirect.gather [hbm4b:s3+s8], $0x20, s24, s8, $0xb8;
	[tilespmem:$0xA5A0] =	vst v63  }
0x82: {  	s25 =	sadd.s32 $0x138, s22  }
0x83: {  	[tilespmem:s12], [sflag:$0x1] =	stream.indirect.gather [hbm4b:s3+s8], $0x20, s25, s8, $0xb8;
	[tilespmem:$0xA5A0] =	vst v63  }
0x84: {  	s26 =	sadd.s32 $0x1A0, s22  }
0x85: {  	[tilespmem:s13], [sflag:$0x1] =	stream.indirect.gather [hbm4b:s3+s8], $0x20, s26, s8, $0xb8;
	[tilespmem:$0xA5A0] =	vst v63  }
0x86: {  	s28 =	sadd.s32 $0x208, s22  }
0x87: {  	[tilespmem:s14], [sflag:$0x1] =	stream.indirect.gather [hbm4b:s3+s8], $0x20, s28, s8, $0xb8;
	[tilespmem:$0xA5A0] =	vst v63  }
0x88: {  	s29 =	sadd.s32 $0x270, s22  }
0x89: {  	[tilespmem:s15], [sflag:$0x1] =	stream.indirect.gather [hbm4b:s3+s8], $0x20, s29, s8, $0xb8;
	[tilespmem:$0xA5A0] =	vst v63  }
0x8a: {  	s30 =	sadd.s32 $0x2D8, s22  }
0x8b: {  	[tilespmem:s16], [sflag:$0x1] =	stream.indirect.gather [hbm4b:s3+s8], $0x20, s30, s8, $0xb8;
	[tilespmem:$0xA5A0] =	vst v63  }
0x8c: {  	s31 =	sadd.s32 $0x340, s22  }
0x8d: {  	[tilespmem:s17], [sflag:$0x1] =	stream.indirect.gather [hbm4b:s3+s8], $0x20, s31, s8, $0xb8;
	[tilespmem:$0xA5A0] =	vst v63  }
0x8e: {  	s22 =	sadd.s32 $0x3A8, s22  }
0x8f: {  	[tilespmem:s18], [sflag:$0x1] =	stream.indirect.gather [hbm4b:s3+s8], $0x20, s22, s8, $0xb8;
	[tilespmem:$0xA5A0] =	vst v63  }
0x90: {  	_ =	swait.ge [sflag:s19], $0xC80  }
0x91: {  	[sflag:s19] =	ssyncset.done $0x0  }
0x92: {  	[sflag:s19] =	ssyncadd.s32 $0xFFFFF380  }
0x93: {  	_ =	swait.ge [sflag:s19], $0xC80  }
0x94: {  	[sflag:s19] =	ssyncset.done $0x0  }
0x95: {  	[sflag:s19] =	ssyncadd.s32 $0xFFFFF380  }
0x96: {  	_ =	swait.ge [sflag:s19], $0xC80  }
0x97: {  	[sflag:s19] =	ssyncset.done $0x0  }
0x98: {  	[sflag:s19] =	ssyncadd.s32 $0xFFFFF380  }
0x99: {  	_ =	swait.ge [sflag:s19], $0xC80  }
0x9a: {  	[sflag:s19] =	ssyncset.done $0x0  }
0x9b: {  	[sflag:s19] =	ssyncadd.s32 $0xFFFFF380  }
0x9c: {  	_ =	swait.ge [sflag:s19], $0xC80  }
0x9d: {  	[sflag:s19] =	ssyncset.done $0x0  }
0x9e: {  	[sflag:s19] =	ssyncadd.s32 $0xFFFFF380  }
0x9f: {  	_ =	swait.ge [sflag:s19], $0xC80  }
0xa0: {  	[sflag:s19] =	ssyncset.done $0x0  }
0xa1: {  	[sflag:s19] =	ssyncadd.s32 $0xFFFFF380  }
0xa2: {  	_ =	swait.ge [sflag:s19], $0xC80  }
0xa3: {  	[sflag:s19] =	ssyncset.done $0x0  }
0xa4: {  	[sflag:s19] =	ssyncadd.s32 $0xFFFFF380  }
0xa5: {  	_ =	swait.ge [sflag:s19], $0xC80  }
0xa6: {  	[sflag:s19] =	ssyncset.done $0x0  }
0xa7: {  	[sflag:s19] =	ssyncadd.s32 $0xFFFFF380  }
0xa8: {  	_ =	swait.ge [sflag:s19], $0xC80  }
0xa9: {  	[sflag:s19] =	ssyncset.done $0x0  }
0xaa: {  	[sflag:s19] =	ssyncadd.s32 $0xFFFFF380  }
0xab: {  	s20 =	sadd.s32 $0x1, s20;
	_ =	swait.ge [sflag:s19], $0xC80  }
0xac: {  	p0 =	sne.s32 s20, s5;
	[sflag:s19] =	ssyncset.done $0x0  }
.Ltmp1:
0xad: {  	[sflag:s19] =	ssyncadd.s32 $0xFFFFF380;
	(pc) =	sbr.rel @p0 .LBB2_1-.Ltmp1, $4  }
0xae: {  	[hbm4b:s21+s2] =	stream.linear.scatter [tilespmem:s9], [sflag:$0x2], $0x7D00, $0x38;
	[tilespmem:$0xA5A0] =	vst v63  }
0xaf: {  	_ =	swait.ge [sflag:s7], $0x7D00  }
0xb0: {  	[sflag:s7] =	ssyncset.done $0x0  }
0xb1: {  	[sflag:s7] =	ssyncadd.s32 $0xFFFF8300  }
0xb2: {  	_ =	sfence.sel $0x180000  }
0xb3: {  	[bflag:$0x0] =	sbarrier.arrive $0xFFFF  }
0xb4: {  	p0 =	sne.s32 s0, $0x0;
	_ =	strace $0x90000056  }
0xb5: {  	s0 =	sadd.s32 @!p0 $0x100000, s1;
	[bflag:$0x2] =	sbarrier.arrive $0xFFFF  }
0xb6: {  	[sflag:s0] =	ssyncadd.tile.s32 @!p0 $0x1;
	_ =	shalt  }
.Lfunc_end2:
_tile_overlayer_lowered:
.L_overlay_start_2:
0xb7: {  	(tag) =	ssettag $0x2  }
0xb8: {  	s0 =	rddreg [dreg:$0x0];
	s2 =	stileid.u32  }
0xb9: {  	s1 =	rddreg [dreg:$0x1];
	p0 =	sne.s32 s2, $0x0  }
0xba: {  	s3 =	rddreg [dreg:$0x2];
	[bflag:$0x3] =	sbarrier.arrive $0xFFFF;
	s2 =	simm.s32 @!p0 $0x1C02  }
0xbb: {  	[timem:s3], [sflag:s2] =	dma.local @!p0 [hbm:s0], s1  }
0xbc: {  	s0 =	simm.s32 @!p0 $0x2  }
0xbd: {  	_ =	swait.ge @!p0 [sflag:s0], s1  }
0xbe: {  	s1 =	ssub.s32 @!p0 $0x0, s1;
	[sflag:s0] =	ssyncset.done @!p0 $0x0  }
0xbf: {  	[sflag:s0] =	ssyncadd.s32 @!p0 s1  }
0xc0: {  	[bflag:$0x3] =	sbarrier.arrive $0xFFFF  }
0xc1: {  	_ =	shalt  }

// kernel: kernel.35.cloned.1.call-start
scs
__scs_entry_jumppad:
0x0: {  	(pc) =	sbr.rel $0x88, $3  }
0x1: {  	(tag) =	ssettag $0x0;
	lr =	simm.s32 $0x1  }
0x2: {  	[smem:$0x3F84] =	sst lr;
	_ =	strace $0xD0000000  }
0x3: {  	_ = 	snop  }
0x4: {  	_ = 	snop  }
0x5: {  	_ = 	snop  }
0x6: {  	_ = 	snop  }
0x7: {  	_ = 	snop  }
__scs_overlays_trampoline_lowered:
0x8: {  	[smem:$0x3F93] =	sst s0  }
0x9: {  	[smem:$0x3F94] =	sst s1  }
0xa: {  	[smem:$0x3F95] =	sst s2  }
0xb: {  	[smem:$0x3F96] =	sst s3  }
0xc: {  	[smem:$0x3F97] =	sst s4  }
0xd: {  	[smem:$0x3F98] =	sst s5  }
0xe: {  	[smem:$0x3F99] =	sst s6  }
0xf: {  	[smem:$0x3F9A] =	sst s7  }
0x10: {  	[smem:$0x3F9B] =	sst s8  }
0x11: {  	[smem:$0x3F9C] =	sst s9;
	s0 =	simm.s32 @!p0 $0x0  }
0x12: {  	s1 =	sld [smem:$0x3F82];
	s0 =	simm.s32 @p0 $0x1  }
0x13: {  	[smem:$0x3F9D] =	sst s0;
	s0 =	simm.s32 @!p1 $0x0  }
0x14: {  	s2 =	sld [smem:$0x3F81];
	s0 =	simm.s32 @p1 $0x1  }
0x15: {  	[smem:$0x3F9E] =	sst s0;
	s0 =	simm.s32 @!p2 $0x0  }
0x16: {  	s3 =	sld [smem:$0x3FDB];
	s0 =	simm.s32 @p2 $0x1  }
0x17: {  	s4 =	simm.s32 $0x1BF5;
	[smem:$0x3FA0] =	sst s0  }
0x18: {  	s0 =	sld [smem:$0x3F83];
	_ =	swait.ge [sflag:s4], $0x0  }
0x19: {  	s7 =	sld [smem:$0x3F84]  }
0x1a: {  	s8 =	sadd.s32 $0xFFFFE003, lr  }
0x1b: {  	s9 =	sadd.s32 $0xFFFFFEF7, lr;
	s5 =	simm.s32 $0xFFFFFFFF;
	p2 =	slt.u32 s8, $0xFFFFF086  }
0x1c: {  	p1 =	slt.u32 s9, $0xF7A;
	s5 =	simm.s32 @!p2 $0x0  }
0x1d: {  	s5 =	simm.s32 @p1 $0x1;
	p0 =	seq.s32 s7, s2  }
0x1e: {  	s7 =	smul.u32 @!p0 $0xF7A, s2;
	p2 =	seq.s32 @!p0 s5, $0x0  }
0x1f: {  	s9 =	smul.u32 $0xF7A, s1;
	s8 =	simm.s32 @!p0 $0x1BF5;
	p2 =	por !p2, p0  }
0x20: {  	[sflag:s8] =	ssyncset.s32 @!p0 $0xFFFFF086;
	s6 =	sadd.s32 @!p0 s3, s7;
	s7 =	simm.s32 @!p0 $0x108  }
0x21: {  	s3 =	sadd.s32 s3, s9;
	s6 =	sadd.s32 @!p0 $0x88, s6;
	s7 =	simm.s32 @p2 $0x1082  }
0x22: {  	[simem:s7], [sflag:s8] =	dma.local @!p0 [hbm:s6], $0xF7A  }
0x23: {  	s9 =	sor.u32 $0xD0000000, s2;
	s6 =	simm.s32 $0x108;
	_ =	swait.ge @!p0 [sflag:s8], $0x0  }
0x24: {  	s3 =	sadd.s32 $0x88, s3;
	s6 =	simm.s32 @!p1 $0x1082;
	[sflag:s4] =	ssyncset.s32 $0xFFFFF086  }
0x25: {  	[simem:s6], [sflag:s4] =	dma.local [hbm:s3], $0xF7A  }
0x26: {  	[smem:$0x3F84] =	sst s1;
	(tag) =	ssettag s2;
	_ =	strace s9  }
0x27: {  	s1 =	sld [smem:$0x3F94]  }
0x28: {  	s2 =	sld [smem:$0x3F95]  }
0x29: {  	s4 =	sld [smem:$0x3F97]  }
0x2a: {  	p0 =	seq.s32 s5, $0x0;
	s5 =	sld [smem:$0x3F98]  }
0x2b: {  	s6 =	sld [smem:$0x3F99]  }
0x2c: {  	s7 =	sld [smem:$0x3F9A]  }
0x2d: {  	s3 =	simm.s32 $0x108;
	s8 =	sld [smem:$0x3F9B]  }
0x2e: {  	s3 =	simm.s32 @!p0 $0x1082;
	s9 =	sld [smem:$0x3F9C]  }
0x2f: {  	lr =	sadd.s32 s0, s3;
	s0 =	sld [smem:$0x3F93]  }
0x30: {  	s3 =	sld [smem:$0x3F96]  }
0x31: {  	[smem:$0x3F9F] =	sst s10  }
0x32: {  	s10 =	sld [smem:$0x3F9D];
	_ =	sdelay $0x3  }
0x33: {  	p0 =	seq.s32 s10, $0x1;
	s10 =	sld [smem:$0x3F9F];
	_ =	sdelay $0x3  }
0x34: {  	[smem:$0x3F9F] =	sst s10  }
0x35: {  	s10 =	sld [smem:$0x3F9E];
	_ =	sdelay $0x3  }
0x36: {  	p1 =	seq.s32 s10, $0x1;
	s10 =	sld [smem:$0x3F9F];
	_ =	sdelay $0x3  }
0x37: {  	[smem:$0x3F9F] =	sst s10  }
0x38: {  	s10 =	sld [smem:$0x3FA0]  }
0x39: {  	_ = 	snop;
	(pc) =	sbr.ind lr, $3  }
0x3a: {  	_ = 	snop  }
0x3b: {  	_ = 	snop  }
0x3c: {  	p2 =	seq.s32 s10, $0x1;
	s10 =	sld [smem:$0x3F9F]  }
0x3d: {  	_ =	shalt  }
0x3e: {  	_ =	shalt  }
0x3f: {  	_ =	shalt  }
0x40: {  	_ =	shalt  }
0x41: {  	_ =	shalt  }
0x42: {  	_ =	shalt  }
0x43: {  	_ =	shalt  }
0x44: {  	_ =	shalt  }
0x45: {  	_ =	shalt  }
0x46: {  	_ =	shalt  }
0x47: {  	_ =	shalt  }
0x48: {  	_ =	shalt  }
0x49: {  	_ =	shalt  }
0x4a: {  	_ =	shalt  }
0x4b: {  	_ =	shalt  }
0x4c: {  	_ =	shalt  }
0x4d: {  	_ =	shalt  }
0x4e: {  	_ =	shalt  }
0x4f: {  	_ =	shalt  }
0x50: {  	_ =	shalt  }
0x51: {  	_ =	shalt  }
0x52: {  	_ =	shalt  }
0x53: {  	_ =	shalt  }
0x54: {  	_ =	shalt  }
0x55: {  	_ =	shalt  }
0x56: {  	_ =	shalt  }
0x57: {  	_ =	shalt  }
0x58: {  	_ =	shalt  }
0x59: {  	_ =	shalt  }
0x5a: {  	_ =	shalt  }
0x5b: {  	_ =	shalt  }
0x5c: {  	_ =	shalt  }
0x5d: {  	_ =	shalt  }
0x5e: {  	_ =	shalt  }
0x5f: {  	_ =	shalt  }
0x60: {  	_ =	shalt  }
0x61: {  	_ =	shalt  }
0x62: {  	_ =	shalt  }
0x63: {  	_ =	shalt  }
0x64: {  	_ =	shalt  }
0x65: {  	_ =	shalt  }
0x66: {  	_ =	shalt  }
0x67: {  	_ =	shalt  }
0x68: {  	_ =	shalt  }
0x69: {  	_ =	shalt  }
0x6a: {  	_ =	shalt  }
0x6b: {  	_ =	shalt  }
0x6c: {  	_ =	shalt  }
0x6d: {  	_ =	shalt  }
0x6e: {  	_ =	shalt  }
0x6f: {  	_ =	shalt  }
0x70: {  	_ =	shalt  }
0x71: {  	_ =	shalt  }
0x72: {  	_ =	shalt  }
0x73: {  	_ =	shalt  }
0x74: {  	_ =	shalt  }
0x75: {  	_ =	shalt  }
0x76: {  	_ =	shalt  }
0x77: {  	_ =	shalt  }
0x78: {  	_ =	shalt  }
0x79: {  	_ =	shalt  }
0x7a: {  	_ =	shalt  }
0x7b: {  	_ =	shalt  }
0x7c: {  	_ =	shalt  }
0x7d: {  	_ =	shalt  }
0x7e: {  	_ =	shalt  }
0x7f: {  	_ =	shalt  }
0x80: {  	_ =	shalt  }
0x81: {  	_ =	shalt  }
0x82: {  	_ =	shalt  }
0x83: {  	_ =	shalt  }
0x84: {  	_ =	shalt  }
0x85: {  	_ =	shalt  }
0x86: {  	_ =	shalt  }
0x87: {  	_ =	shalt  }
.Lfunc_end0:
.L_simem_size_0:
called_computation.6_lowered:
.L_overlay_start_0:
0x88: {  	s2 =	sld [smem:$0x3FD9]  }
0x89: {  	s3 =	sld [smem:$0x3FFE];
	_ =	sdelay $0x1  }
0x8a: {  	s1 =	srdreg.scid  }
0x8b: {  	s0 =	sand.u32 $0x1, s1  }
0x8c: {  	s16 =	sshll.u32 s0, $0xA;
	s2 =	sadd.s32 s3, s2  }
0x8d: {  	s2 =	sadd.s32 s2, s16  }
0x8e: {  	[smem:$0x3FAB] =	sst s2  }
0x8f: {  	_ = 	snop  }
0x90: {  	(tm) =	ssettm $0x1  }
0x91: {  	s17 =	sld [smem:$0x3FFB];
	_ =	sdelay $0x3  }
0x92: {  	_ =	strace s17  }
0x93: {  	s2 =	sld [smem:$0x3FFC];
	_ =	sdelay $0x3  }
0x94: {  	_ =	strace s2  }
0x95: {  	s2 =	sld [smem:$0x3FFD];
	_ =	sdelay $0x3  }
0x96: {  	_ =	strace s2  }
0x97: {  	_ =	strace $0x8FFFFFFF  }
0x98: {  	s18 =	sld [smem:$0x3FDB];
	_ =	sdelay $0x1  }
0x99: {  	s19 =	simm.s32 $_scs_section_size  }
0x9a: {  	s4 =	simm.s32 $_size__tile_overlayer_lowered;
	s5 =	simm.s32 $_tile_overlayer_lowered  }
0x9b: {  	s22 =	simm.s32 $0x1BFF;
	s21 =	sshll.u32 s5, $0x1;
	s2 =	sadd.s32 s19, s18  }
0x9c: {  	s6 =	simm.s32 $0x0;
	s20 =	sshll.u32 s4, $0x1;
	s4 =	sadd.s32 s21, s2  }
0x9d: {  	[timem:s6], [sflag:s22] =	dma.local [hbm:s4], s20  }
0x9e: {  	_ =	swait.ge [sflag:s22], s20  }
0x9f: {  	s3 =	ssub.s32 $0x0, s20;
	[sflag:s22] =	ssyncset.done $0x0  }
0xa0: {  	[sflag:s22] =	ssyncadd.s32 s3;
	_ =	sdelay $0x1  }
0xa1: {  	s23 =	simm.s32 $0x1B8B  }
0xa2: {  	_ =	swait.ge [sflag:s23], $0x1  }
0xa3: {  	[sflag:s23] =	ssyncset.done $0x0  }
0xa4: {  	s25 =	simm.s32 $0x1B8E;
	s24 =	sld [smem:$0x3FFE];
	[sflag:s23] =	ssyncadd.s32 $0xFFFFFFFF  }
0xa5: {  	s26 =	simm.s32 $execute0_lowered;
	[smem:$0x3FD2] =	sst s25  }
0xa6: {  	s4 =	sshll.u32 s26, $0x1;
	_ =	strace $0x80000058;
	[dreg:$0x1] =	wrdreg $0xFFFFFFFF  }
0xa7: {  	s28 =	simm.s32 $_size_execute0_lowered;
	s2 =	sadd.s32 s2, s4;
	[dreg:$0x0] =	wrdreg $0x0  }
0xa8: {  	s4 =	sshll.u32 s28, $0x1;
	[dreg:$0x2] =	wrdreg s2  }
0xa9: {  	[dreg:$0x3] =	wrdreg s4  }
0xaa: {  	[dreg:$0x4] =	wrdreg $0xC0  }
0xab: {  	_ =	task [dreg:s6], $0x5FFFF  }
0xac: {  	[dreg:$0x1] =	wrdreg $0xFFFFFFFF  }
0xad: {  	[dreg:$0x0] =	wrdreg $0x60  }
0xae: {  	[dreg:$0x2] =	wrdreg s24  }
0xaf: {  	[dreg:$0x3] =	wrdreg $0xA5A00  }
0xb0: {  	[dreg:$0x4] =	wrdreg $0x9  }
0xb1: {  	_ =	task.clear_ibuf [dreg:s6], $0x5FFFF;
	_ =	strace $0x90000058  }
0xb2: {  	s29 =	simm.s32 $0x9;
	_ =	strace $0x8000005A  }
0xb3: {  	_ =	swait.ge [sflag:s29], $0x1  }
0xb4: {  	[sflag:s29] =	ssyncadd.s32 $0xFFFFFFFF  }
0xb5: {  	_ =	strace $0x9000005A  }
0xb6: {  	_ =	sfence  }
0xb7: {  	s30 =	sld [smem:$0x0];
	_ =	sdelay $0x2  }
0xb8: {  	s31 =	sshll.u32 s1, $0xD;
	s1 =	sshrl.u32 s1, $0x2  }
0xb9: {  	s3 =	sand.u32 $0x4000, s31;
	s1 =	sadd.s32 s1, s30  }
0xba: {  	s0 =	sor.u32 s3, s0;
	s1 =	sshll.u32 s1, $0x11  }
0xbb: {  	s0 =	sor.u32 s1, s0  }
0xbc: {  	s0 =	sadd.s32 $0x8F2B, s0  }
0xbd: {  	[sflag:s0] =	ssyncadd.remote.s32 $0x1  }
0xbe: {  	_ =	sfence.sel $0xFFFF  }
0xbf: {  	[dreg:$0x0] =	wrdreg $0xFFFFFFFF;
	(pc) =	sbr.abs _section_cstart, $3  }
0xc0: {  	[dreg:$0x1] =	wrdreg $0xFFFFFFFF  }
0xc1: {  	_ =	task.clear_ibuf [dreg:s6], $0x2FFFF;
	_ =	strace $0x9FFFFFFF  }
0xc2: {  	(tm) =	ssettm $0x7FFFFFFF  }
0xc3: {  	_ =	shalt  }
tec
execute0_lowered:
.L_overlay_start_1:
0x0: {  	(tag) =	ssettag $0x1  }
0x1: {  	s0 =	stileid.u32;
	s5 =	rddreg [dreg:$0x0]  }
0x2: {  	s1 =	srdreg.scid;
	s2 =	rddreg [dreg:$0x1];
	s3 =	simm.s32 $0x0  }
0x3: {  	s14 =	simm.s32 $0x3520;
	s15 =	simm.s32 $0x41A0;
	s16 =	simm.s32 $0x4E20  }
0x4: {  	s17 =	simm.s32 $0x5AA0;
	s18 =	simm.s32 $0x6720;
	s19 =	simm.s32 $0x73A0  }
0x5: {  	s20 =	simm.s32 $0x8020;
	s21 =	simm.s32 $0x8CA0;
	s22 =	simm.s32 $0x9920  }
0x6: {  	s23 =	simm.s32 $0x1;
	s24 =	simm.s32 $0x0;
	s6 =	smul.u32 $0x13880, s0  }
0x7: {  	s4 =	sand.u32 $0x1, s1;
	s25 =	sshll.u32 s0, $0x1;
	s8 =	smul.u32 $0x4E20, s0  }
0x8: {  	[smem:$0x7FF] =	sst s3;
	s31 =	sshll.u32 s0, $0x6;
	s9 =	smul.u32 $0x4E200, s4  }
0x9: {  	s1 =	sor.u32 s4, s25;
	s11 =	ssub.s32 $0x2, s4;
	s29 =	smul.u32 $0x9C40, s4  }
0xa: {  	s7 =	smul.u32 $0x514, s1;
	s1 =	rddreg [dreg:$0x2];
	_ =	strace $0x80000059  }
0xb: {  	s10 =	sadd.s32 s6, s5;
	s28 =	sshrl.u32 s8, $0x3;
	s12 =	sshrl.u32 s11, $0x1  }
0xc: {  	s13 =	sadd.s32 s8, s2;
	s9 =	sadd.s32 s8, s9;
	s11 =	ssub.s32 s11, s12  }
0xd: {  	s30 =	sadd.s32 s29, s10;
	s10 =	sor.u32 $0x1C02, s31;
	s12 =	simm.s32 $0x28A0  }
0xe: {  	s26 =	sadd.s32 s7, s5;
	s7 =	sadd.s32 s28, s5;
	s9 =	sshrl.u32 s9, $0x3  }
0xf: {  	s8 =	sadd.s32 $0x3B800, s30;
	s9 =	sadd.s32 s9, s5;
	s4 =	sadd.s32 $0x17DE00, s26  }
0x10: {  	s5 =	sadd.s32 $0x188200, s7;
	s7 =	smax.u32 s11, $0x1;
	s11 =	sshrl.u32 s13, $0x3  }
0x11: {  	s13 =	simm.s32 $0x64;
	s6 =	sadd.s32 $0x192000, s9;
	s9 =	simm.s32 $0x2  }
.LBB2_1:
0x12: {  	[tilespmem:s3], [sflag:$0x2] =	stream.linear.gather [hbm4b:s4+s3], $0x28A0, $0x38;
	[tilespmem:$0xF3C0] =	vst v63  }
0x13: {  	_ =	swait.ge [sflag:s9], $0x28A0  }
0x14: {  	[sflag:s9] =	ssyncset.done $0x0  }
0x15: {  	[sflag:s9] =	ssyncadd.s32 $0xFFFFD760  }
0x16: {  	[spmem:s11], [sflag:s10] =	dma.local [hbm:s5], $0x9C4  }
0x17: {  	_ =	swait.ge [sflag:s9], $0x9C4  }
0x18: {  	[sflag:s9] =	ssyncset.done $0x0  }
0x19: {  	[sflag:s9] =	ssyncadd.s32 $0xFFFFF63C  }
0x1a: {  	[bflag:$0x0] =	sbarrier.arrive $0xFFFF  }
0x1b: {  	[tilespmem:s12], [sflag:$0x2] =	stream.linear.gather [hbm4b:s8+s3], $0x7D00, $0x38;
	[tilespmem:$0xF3C0] =	vst v63  }
0x1c: {  	_ =	swait.ge [sflag:s9], $0x7D00  }
0x1d: {  	[sflag:s9] =	ssyncset.done $0x0  }
0x1e: {  	s25 =	simm.s32 $0x0;
	[sflag:s9] =	ssyncadd.s32 $0xFFFF8300  }
0x1f: {  	[spmem:s2] =	stream.indirect.scatter.add.f32 [tilespmem:s12], [sflag:$0x1], $0x20, s25, s13, $0xb8;
	[tilespmem:$0xF3C0] =	vst v63  }
0x20: {  	s28 =	simm.s32 $0x68  }
0x21: {  	[spmem:s2] =	stream.indirect.scatter.add.f32 [tilespmem:s14], [sflag:$0x1], $0x20, s28, s13, $0xb8;
	[tilespmem:$0xF3C0] =	vst v63  }
0x22: {  	s29 =	simm.s32 $0xD0  }
0x23: {  	[spmem:s2] =	stream.indirect.scatter.add.f32 [tilespmem:s15], [sflag:$0x1], $0x20, s29, s13, $0xb8;
	[tilespmem:$0xF3C0] =	vst v63  }
0x24: {  	s30 =	simm.s32 $0x138  }
0x25: {  	[spmem:s2] =	stream.indirect.scatter.add.f32 [tilespmem:s16], [sflag:$0x1], $0x20, s30, s13, $0xb8;
	[tilespmem:$0xF3C0] =	vst v63  }
0x26: {  	s31 =	simm.s32 $0x1A0  }
0x27: {  	[spmem:s2] =	stream.indirect.scatter.add.f32 [tilespmem:s17], [sflag:$0x1], $0x20, s31, s13, $0xb8;
	[tilespmem:$0xF3C0] =	vst v63  }
0x28: {  	s26 =	simm.s32 $0x208  }
0x29: {  	[spmem:s2] =	stream.indirect.scatter.add.f32 [tilespmem:s18], [sflag:$0x1], $0x20, s26, s13, $0xb8;
	[tilespmem:$0xF3C0] =	vst v63  }
0x2a: {  	s28 =	simm.s32 $0x270  }
0x2b: {  	[spmem:s2] =	stream.indirect.scatter.add.f32 [tilespmem:s19], [sflag:$0x1], $0x20, s28, s13, $0xb8;
	[tilespmem:$0xF3C0] =	vst v63  }
0x2c: {  	s29 =	simm.s32 $0x2D8  }
0x2d: {  	[spmem:s2] =	stream.indirect.scatter.add.f32 [tilespmem:s20], [sflag:$0x1], $0x20, s29, s13, $0xb8;
	[tilespmem:$0xF3C0] =	vst v63  }
0x2e: {  	s30 =	simm.s32 $0x340  }
0x2f: {  	[spmem:s2] =	stream.indirect.scatter.add.f32 [tilespmem:s21], [sflag:$0x1], $0x20, s30, s13, $0xb8;
	[tilespmem:$0xF3C0] =	vst v63  }
0x30: {  	s31 =	simm.s32 $0x3A8  }
0x31: {  	[spmem:s2] =	stream.indirect.scatter.add.f32 [tilespmem:s22], [sflag:$0x1], $0x20, s31, s13, $0xb8;
	[tilespmem:$0xF3C0] =	vst v63  }
0x32: {  	_ =	swait.ge [sflag:s23], $0xC80  }
0x33: {  	[sflag:s23] =	ssyncset.done $0x0  }
0x34: {  	[sflag:s23] =	ssyncadd.s32 $0xFFFFF380  }
0x35: {  	_ =	swait.ge [sflag:s23], $0xC80  }
0x36: {  	[sflag:s23] =	ssyncset.done $0x0  }
0x37: {  	[sflag:s23] =	ssyncadd.s32 $0xFFFFF380  }
0x38: {  	_ =	swait.ge [sflag:s23], $0xC80  }
0x39: {  	[sflag:s23] =	ssyncset.done $0x0  }
0x3a: {  	[sflag:s23] =	ssyncadd.s32 $0xFFFFF380  }
0x3b: {  	_ =	swait.ge [sflag:s23], $0xC80  }
0x3c: {  	[sflag:s23] =	ssyncset.done $0x0  }
0x3d: {  	[sflag:s23] =	ssyncadd.s32 $0xFFFFF380  }
0x3e: {  	_ =	swait.ge [sflag:s23], $0xC80  }
0x3f: {  	[sflag:s23] =	ssyncset.done $0x0  }
0x40: {  	[sflag:s23] =	ssyncadd.s32 $0xFFFFF380  }
0x41: {  	_ =	swait.ge [sflag:s23], $0xC80  }
0x42: {  	[sflag:s23] =	ssyncset.done $0x0  }
0x43: {  	[sflag:s23] =	ssyncadd.s32 $0xFFFFF380  }
0x44: {  	_ =	swait.ge [sflag:s23], $0xC80  }
0x45: {  	[sflag:s23] =	ssyncset.done $0x0  }
0x46: {  	[sflag:s23] =	ssyncadd.s32 $0xFFFFF380  }
0x47: {  	_ =	swait.ge [sflag:s23], $0xC80  }
0x48: {  	[sflag:s23] =	ssyncset.done $0x0  }
0x49: {  	[sflag:s23] =	ssyncadd.s32 $0xFFFFF380  }
0x4a: {  	_ =	swait.ge [sflag:s23], $0xC80  }
0x4b: {  	[sflag:s23] =	ssyncset.done $0x0  }
0x4c: {  	[sflag:s23] =	ssyncadd.s32 $0xFFFFF380  }
0x4d: {  	_ =	swait.ge [sflag:s23], $0xC80  }
0x4e: {  	s25 =	simm.s32 $0x1040;
	s26 =	smov.u32 s8;
	[sflag:s23] =	ssyncset.done $0x0  }
.LBB2_2:
0x4f: {  	p0 =	sne.s32 s25, $0x9240;
	[sflag:s23] =	ssyncadd.s32 $0xFFFFF380;
	s26 =	sadd.s32 $0xFA0, s26  }
0x50: {  	[tilespmem:s12], [sflag:$0x2] =	stream.linear.gather [hbm4b:s26+s3], $0x7D00, $0x38;
	[tilespmem:$0xF3C0] =	vst v63  }
0x51: {  	s28 =	smov.u32 s25;
	s25 =	sadd.s32 $0x1040, s25;
	_ =	swait.ge [sflag:s9], $0x7D00  }
0x52: {  	[sflag:s9] =	ssyncset.done $0x0  }
0x53: {  	s28 =	sshra.s32 s28, $0x2;
	[sflag:s9] =	ssyncadd.s32 $0xFFFF8300  }
0x54: {  	[spmem:s2] =	stream.indirect.scatter.add.f32 [tilespmem:s12], [sflag:$0x1], $0x20, s28, s13, $0xb8;
	[tilespmem:$0xF3C0] =	vst v63  }
0x55: {  	s29 =	sadd.s32 $0x68, s28  }
0x56: {  	[spmem:s2] =	stream.indirect.scatter.add.f32 [tilespmem:s14], [sflag:$0x1], $0x20, s29, s13, $0xb8;
	[tilespmem:$0xF3C0] =	vst v63  }
0x57: {  	s29 =	sadd.s32 $0xD0, s28  }
0x58: {  	[spmem:s2] =	stream.indirect.scatter.add.f32 [tilespmem:s15], [sflag:$0x1], $0x20, s29, s13, $0xb8;
	[tilespmem:$0xF3C0] =	vst v63  }
0x59: {  	s29 =	sadd.s32 $0x138, s28  }
0x5a: {  	[spmem:s2] =	stream.indirect.scatter.add.f32 [tilespmem:s16], [sflag:$0x1], $0x20, s29, s13, $0xb8;
	[tilespmem:$0xF3C0] =	vst v63  }
0x5b: {  	s29 =	sadd.s32 $0x1A0, s28  }
0x5c: {  	[spmem:s2] =	stream.indirect.scatter.add.f32 [tilespmem:s17], [sflag:$0x1], $0x20, s29, s13, $0xb8;
	[tilespmem:$0xF3C0] =	vst v63  }
0x5d: {  	s29 =	sadd.s32 $0x208, s28  }
0x5e: {  	[spmem:s2] =	stream.indirect.scatter.add.f32 [tilespmem:s18], [sflag:$0x1], $0x20, s29, s13, $0xb8;
	[tilespmem:$0xF3C0] =	vst v63  }
0x5f: {  	s29 =	sadd.s32 $0x270, s28  }
0x60: {  	[spmem:s2] =	stream.indirect.scatter.add.f32 [tilespmem:s19], [sflag:$0x1], $0x20, s29, s13, $0xb8;
	[tilespmem:$0xF3C0] =	vst v63  }
0x61: {  	s29 =	sadd.s32 $0x2D8, s28  }
0x62: {  	[spmem:s2] =	stream.indirect.scatter.add.f32 [tilespmem:s20], [sflag:$0x1], $0x20, s29, s13, $0xb8;
	[tilespmem:$0xF3C0] =	vst v63  }
0x63: {  	s29 =	sadd.s32 $0x340, s28  }
0x64: {  	[spmem:s2] =	stream.indirect.scatter.add.f32 [tilespmem:s21], [sflag:$0x1], $0x20, s29, s13, $0xb8;
	[tilespmem:$0xF3C0] =	vst v63  }
0x65: {  	s28 =	sadd.s32 $0x3A8, s28  }
0x66: {  	[spmem:s2] =	stream.indirect.scatter.add.f32 [tilespmem:s22], [sflag:$0x1], $0x20, s28, s13, $0xb8;
	[tilespmem:$0xF3C0] =	vst v63  }
0x67: {  	_ =	swait.ge [sflag:s23], $0xC80  }
0x68: {  	[sflag:s23] =	ssyncset.done $0x0  }
0x69: {  	[sflag:s23] =	ssyncadd.s32 $0xFFFFF380  }
0x6a: {  	_ =	swait.ge [sflag:s23], $0xC80  }
0x6b: {  	[sflag:s23] =	ssyncset.done $0x0  }
0x6c: {  	[sflag:s23] =	ssyncadd.s32 $0xFFFFF380  }
0x6d: {  	_ =	swait.ge [sflag:s23], $0xC80  }
0x6e: {  	[sflag:s23] =	ssyncset.done $0x0  }
0x6f: {  	[sflag:s23] =	ssyncadd.s32 $0xFFFFF380  }
0x70: {  	_ =	swait.ge [sflag:s23], $0xC80  }
0x71: {  	[sflag:s23] =	ssyncset.done $0x0  }
0x72: {  	[sflag:s23] =	ssyncadd.s32 $0xFFFFF380  }
0x73: {  	_ =	swait.ge [sflag:s23], $0xC80  }
0x74: {  	[sflag:s23] =	ssyncset.done $0x0  }
0x75: {  	[sflag:s23] =	ssyncadd.s32 $0xFFFFF380  }
0x76: {  	_ =	swait.ge [sflag:s23], $0xC80  }
0x77: {  	[sflag:s23] =	ssyncset.done $0x0  }
0x78: {  	[sflag:s23] =	ssyncadd.s32 $0xFFFFF380  }
0x79: {  	_ =	swait.ge [sflag:s23], $0xC80  }
0x7a: {  	[sflag:s23] =	ssyncset.done $0x0  }
0x7b: {  	[sflag:s23] =	ssyncadd.s32 $0xFFFFF380  }
0x7c: {  	_ =	swait.ge [sflag:s23], $0xC80  }
0x7d: {  	[sflag:s23] =	ssyncset.done $0x0  }
0x7e: {  	[sflag:s23] =	ssyncadd.s32 $0xFFFFF380  }
.Ltmp0:
0x7f: {  	_ =	swait.ge [sflag:s23], $0xC80;
	(pc) =	sbr.rel @p0 .LBB2_2-.Ltmp0, $4  }
0x80: {  	[sflag:s23] =	ssyncset.done $0x0  }
0x81: {  	[sflag:s23] =	ssyncadd.s32 $0xFFFFF380  }
0x82: {  	_ =	swait.ge [sflag:s23], $0xC80  }
0x83: {  	[sflag:s23] =	ssyncset.done $0x0  }
0x84: {  	s24 =	sadd.s32 $0x1, s24  }
0x85: {  	[sflag:s23] =	ssyncadd.s32 $0xFFFFF380;
	p0 =	sne.s32 s24, s7  }
.Ltmp1:
0x86: {  	[bflag:$0x0] =	sbarrier.arrive $0xFFFF;
	(pc) =	sbr.rel @p0 .LBB2_1-.Ltmp1, $4  }
0x87: {  	[hbm:s6], [sflag:s10] =	dma.local [spmem:s11], $0x9C4  }
0x88: {  	_ =	swait.ge [sflag:s9], $0x9C4  }
0x89: {  	[sflag:s9] =	ssyncset.done $0x0  }
0x8a: {  	[sflag:s9] =	ssyncadd.s32 $0xFFFFF63C  }
0x8b: {  	_ =	sfence.sel $0x180000  }
0x8c: {  	[bflag:$0x0] =	sbarrier.arrive $0xFFFF  }
0x8d: {  	p0 =	sne.s32 s0, $0x0;
	_ =	strace $0x90000059  }
0x8e: {  	s0 =	sadd.s32 @!p0 $0x100000, s1;
	[bflag:$0x2] =	sbarrier.arrive $0xFFFF  }
0x8f: {  	[sflag:s0] =	ssyncadd.tile.s32 @!p0 $0x1;
	_ =	shalt  }
.Lfunc_end2:
_tile_overlayer_lowered:
.L_overlay_start_2:
0x90: {  	(tag) =	ssettag $0x2  }
0x91: {  	s0 =	rddreg [dreg:$0x0];
	s2 =	stileid.u32  }
0x92: {  	s1 =	rddreg [dreg:$0x1];
	p0 =	sne.s32 s2, $0x0  }
0x93: {  	s3 =	rddreg [dreg:$0x2];
	[bflag:$0x3] =	sbarrier.arrive $0xFFFF;
	s2 =	simm.s32 @!p0 $0x1C02  }
0x94: {  	[timem:s3], [sflag:s2] =	dma.local @!p0 [hbm:s0], s1  }
0x95: {  	s0 =	simm.s32 @!p0 $0x2  }
0x96: {  	_ =	swait.ge @!p0 [sflag:s0], s1  }
0x97: {  	s1 =	ssub.s32 @!p0 $0x0, s1;
	[sflag:s0] =	ssyncset.done @!p0 $0x0  }
0x98: {  	[sflag:s0] =	ssyncadd.s32 @!p0 s1  }
0x99: {  	[bflag:$0x3] =	sbarrier.arrive $0xFFFF  }
0x9a: {  	_ =	shalt  }

</sc_bundles>
